<compile_context>
chip_gen: v7x
topology: tpu7x:2x2x1
jax: 0.10.2.dev20260603
libtpu: 0.0.44.dev20260713+nightly
codegen_flags: <defaults>
</compile_context>

<pallas_src>
import functools

import jax
import jax.numpy as jnp
from jax import lax
from jax.experimental import pallas as pl
from jax.experimental.pallas import tpu as pltpu
from jax.experimental.pallas import tpu_sc as plsc

N = 100000
G = 256
K = 16
D = 128
SEG = G * K
SLOPE = 0.45

NC = 2
NS = 16
NW = NC * NS

BLK = 400
NBLK = N // BLK
SUB = 80
NSUB = BLK // SUB
KMAX = -(-NBLK // NW)
ACC_ROWS = SEG + 16

_mesh = plsc.VectorSubcoreMesh(core_axis_name="c", subcore_axis_name="s")

_f32 = jnp.float32
_i32 = jnp.int32


@functools.partial(
    pl.kernel,
    out_type=(
        jax.ShapeDtypeStruct((NC, SEG, D), _f32),
        jax.ShapeDtypeStruct((NC, SEG, K), _f32),
    ),
    mesh=_mesh,
    scratch_types=[
        pltpu.VMEM((BLK, D), _f32),
        pltpu.VMEM((BLK,), _i32),
        pltpu.VMEM((BLK,), _i32),
        pltpu.VMEM((NSUB, SUB), _i32),
        pltpu.VMEM((SUB, K), _f32),
        pltpu.VMEM((64, D), _f32),
        pltpu.VMEM((256, K), _f32),
        pltpu.VMEM((4, 64), _i32),
        pltpu.VMEM_SHARED((ACC_ROWS, D), _f32),
        pltpu.VMEM_SHARED((ACC_ROWS, K), _f32),
    ],
)
def _scatter_phase(x_hbm, cls_hbm, bat_hbm, outx_hbm, outc_hbm,
                   xbuf, clsbuf, batbuf, idx2d, ones, za, zc, idz,
                   accx, accc):
    cid = lax.axis_index("c")
    sid = lax.axis_index("s")
    w = sid * NC + cid

    zero16 = jnp.zeros((16,), _f32)
    one16 = jnp.ones((16,), _f32)
    iota16 = lax.broadcasted_iota(_i32, (16,), 0)

    def _za_row(i, carry):
        for j in range(D // 16):
            za[i, pl.ds(j * 16, 16)] = zero16
        return carry

    lax.fori_loop(0, 64, _za_row, 0)

    def _zc_row(i, carry):
        zc[i, :] = zero16
        return carry

    lax.fori_loop(0, 256, _zc_row, 0)

    def _ones_row(i, carry):
        ones[i, :] = one16
        return carry

    lax.fori_loop(0, SUB, _ones_row, 0)

    for t in range(4):
        for j in range(4):
            idz[t, pl.ds(j * 16, 16)] = sid * 256 + t * 64 + j * 16 + iota16

    for t in range(4):
        pltpu.sync_copy(za, accx.at[idz.at[t]])
        pltpu.sync_copy(zc.at[pl.ds(t * 64, 64), :], accc.at[idz.at[t]])
    plsc.subcore_barrier()

    for k in range(KMAX):
        b_raw = w + NW * k
        wrap = b_raw >= NBLK
        b = jnp.where(wrap, b_raw - NBLK, b_raw)
        base = b * BLK
        pltpu.sync_copy(cls_hbm.at[pl.ds(base, BLK)], clsbuf)
        pltpu.sync_copy(bat_hbm.at[pl.ds(base, BLK)], batbuf)
        pltpu.sync_copy(x_hbm.at[pl.ds(base, BLK), :], xbuf)
        for i in range(BLK // 16):
            c16 = clsbuf[pl.ds(i * 16, 16)]
            g16 = batbuf[pl.ds(i * 16, 16)]
            seg16 = jnp.where(wrap, _i32(SEG), g16 * K + c16)
            idx2d[i // (SUB // 16), pl.ds((i % (SUB // 16)) * 16, 16)] = seg16
        for j in range(NSUB):
            pltpu.sync_copy(xbuf.at[pl.ds(j * SUB, SUB), :],
                            accx.at[idx2d.at[j]], add=True)
            pltpu.sync_copy(ones, accc.at[idx2d.at[j]], add=True)

    plsc.subcore_barrier()
    for t in range(2):
        pltpu.sync_copy(accx.at[pl.ds(sid * 256 + t * 128, 128), :],
                        xbuf.at[pl.ds(0, 128), :])
        pltpu.sync_copy(xbuf.at[pl.ds(0, 128), :],
                        outx_hbm.at[cid, pl.ds(sid * 256 + t * 128, 128), :])
    pltpu.sync_copy(accc.at[pl.ds(sid * 256, 256), :], zc)
    pltpu.sync_copy(zc, outc_hbm.at[cid, pl.ds(sid * 256, 256), :])


def _dense_body(ox_ref, oc_ref, w1_ref, b1_ref, wa_ref, p_ref):
    xacc = ox_ref[...]
    cnt16 = oc_ref[...]

    rows_g = lax.broadcasted_iota(_i32, (G, SEG), 0)
    cols_s = lax.broadcasted_iota(_i32, (G, SEG), 1)
    gmat = (cols_s // K == rows_g).astype(_f32)
    rows_s = lax.broadcasted_iota(_i32, (SEG, G), 0)
    cols_g = lax.broadcasted_iota(_i32, (SEG, G), 1)
    gmat_t = (rows_s // K == cols_g).astype(_f32)
    pick_t = (lax.broadcasted_iota(_i32, (K, SEG), 1) % K
              == lax.broadcasted_iota(_i32, (K, SEG), 0)).astype(_f32)

    dot = functools.partial(lax.dot_general,
                            precision=lax.Precision.HIGHEST,
                            preferred_element_type=_f32)
    mm = lambda a, b: dot(a, b, (((1,), (0,)), ((), ())))
    mm_t = lambda a, b: dot(a, b, (((1,), (1,)), ((), ())))

    gc = mm(gmat, cnt16)
    rsum = mm(gmat, cnt16 * cnt16) / jnp.maximum(gc, 1.0)
    gc16 = mm(gmat_t, gc)
    rsum16 = mm(gmat_t, rsum)
    scale16 = cnt16 / jnp.maximum(gc16, 1.0) / jnp.maximum(rsum16, 1e-30)
    scale = mm(scale16, jnp.full((K, D), 1.0 / K, _f32))

    v = xacc * scale
    h = mm_t(v, w1_ref[...]) + b1_ref[...]
    h = jnp.where(h >= 0, h, SLOPE * h)
    r16 = mm_t(h, wa_ref[...])

    r256 = mm(r16, jnp.full((K, G), 1.0 / K, _f32))
    cnt256 = mm(cnt16, jnp.full((K, G), 1.0 / K, _f32))
    r_cg = mm(pick_t, gmat_t * r256)
    cnt_cg = mm(pick_t, gmat_t * cnt256)

    present = cnt_cg > 0
    rmax = jnp.max(jnp.where(present, r_cg, -1e30), axis=0, keepdims=True)
    e = jnp.where(present, jnp.exp(r_cg - rmax), 0.0)
    denom = jnp.sum(cnt_cg * e, axis=0, keepdims=True)
    p_ref[...] = e / jnp.maximum(denom, 1e-30)


_dense_phase = pl.pallas_call(
    _dense_body,
    out_shape=jax.ShapeDtypeStruct((K, G), _f32),
)


@functools.partial(
    pl.kernel,
    out_type=jax.ShapeDtypeStruct((N,), _f32),
    mesh=_mesh,
    compiler_params=pltpu.CompilerParams(needs_layout_passes=False),
    scratch_types=[
        pltpu.VMEM((K, G), _f32),
        pltpu.VMEM((BLK,), _i32),
        pltpu.VMEM((BLK,), _i32),
        pltpu.VMEM((BLK,), _f32),
    ],
)
def _gather_phase(p_hbm, cls_hbm, bat_hbm, out_hbm, pbuf, clsbuf, batbuf, obuf):
    cid = lax.axis_index("c")
    sid = lax.axis_index("s")
    w = sid * NC + cid

    pltpu.sync_copy(p_hbm, pbuf)

    for k in range(KMAX):
        b_raw = w + NW * k
        b = jnp.where(b_raw >= NBLK, b_raw - NBLK, b_raw)
        base = b * BLK
        pltpu.sync_copy(cls_hbm.at[pl.ds(base, BLK)], clsbuf)
        pltpu.sync_copy(bat_hbm.at[pl.ds(base, BLK)], batbuf)
        for i in range(BLK // 16):
            g16 = batbuf[pl.ds(i * 16, 16)]
            c16 = clsbuf[pl.ds(i * 16, 16)]
            obuf[pl.ds(i * 16, 16)] = plsc.load_gather(pbuf, [c16, g16])
        pltpu.sync_copy(obuf, out_hbm.at[pl.ds(base, BLK)])


def kernel(x, cls, batch, W1, b1, Wa, ba):
    cls = cls.astype(_i32)
    batch = batch.astype(_i32)
    seg0 = batch * K + cls
    cluster_sum = jax.ops.segment_sum(x, seg0, num_segments=SEG)
    cnt = jax.ops.segment_sum(jnp.ones((N,), _f32), seg0, num_segments=SEG)
    C = cnt.reshape(G, K)
    gc = C.sum(1)
    rsum = (C ** 2).sum(1) / jnp.maximum(gc, 1.0)
    scale = (C / jnp.maximum(gc, 1.0)[:, None]
             / jnp.maximum(rsum, 1e-30)[:, None]).reshape(-1)
    v = cluster_sum * scale[:, None]
    h = v @ W1.T + b1
    h = jnp.where(h >= 0, h, SLOPE * h)
    r = (h @ Wa.T).reshape(G, K)
    present = C > 0
    rmax = jnp.max(jnp.where(present, r, -1e30), axis=1, keepdims=True)
    e = jnp.where(present, jnp.exp(r - rmax), 0.0)
    denom = jnp.sum(C * e, axis=1, keepdims=True)
    p = (e / jnp.maximum(denom, 1e-30)).T
    out = _gather_phase(p, cls, batch)
    return out.reshape(N, 1)

# --- scband reference (transcript-rebuilt; emitter-appended) ---
"""Pipeline reference for scband-cluster-attention-67448166416734 (READ-ONLY COPY).

The authoritative reference and input builder live on the scoring server;
editing this copy changes nothing except your own understanding.
"""

import jax, jax.numpy as jnp
import numpy as np

N_NODES = 100000
NUM_GRAPHS = 256
NUM_CLUSTERS = 16
D1 = 128
D2 = 128
NEG_SLOPE = 0.45


def setup_inputs(seed: int = 0) -> dict:
    key = jax.random.key(seed)
    k1, k2, k3, k4, k5, k6, k7 = jax.random.split(key, 7)
    x = jax.random.normal(k1, (N_NODES, D1), dtype=jnp.float32)
    cls = jax.random.randint(k2, (N_NODES,), 0, NUM_CLUSTERS)
    batch = jnp.sort(jax.random.randint(k3, (N_NODES,), 0, NUM_GRAPHS))
    lim1 = 1.0 / np.sqrt(D1)
    W1 = jax.random.uniform(k4, (D2, D1), minval=-lim1, maxval=lim1, dtype=jnp.float32)
    b1 = jax.random.uniform(k5, (D2,), minval=-lim1, maxval=lim1, dtype=jnp.float32)
    lim2 = 1.0 / np.sqrt(D2)
    Wa = jax.random.uniform(k6, (1, D2), minval=-lim2, maxval=lim2, dtype=jnp.float32)
    ba = jax.random.uniform(k7, (1,), minval=-lim2, maxval=lim2, dtype=jnp.float32)
    return {"x": x, "cls": cls, "batch": batch, "W1": W1, "b1": b1, "Wa": Wa, "ba": ba}


def _unpool(x, cls, batch):
    # cluster_method='fixed' (GI-M2): random_sets == cluster ids themselves.
    # Per-graph scatter_add over clusters, implemented with global (graph, cluster) segment ids.
    seg = batch * NUM_CLUSTERS + cls
    n_seg = NUM_GRAPHS * NUM_CLUSTERS
    cluster_sum = jax.ops.segment_sum(x, seg, num_segments=n_seg)
    ones = jnp.ones((x.shape[0],), dtype=jnp.float32)
    clu_counts = jax.ops.segment_sum(ones, seg, num_segments=n_seg)
    graph_counts = jax.ops.segment_sum(ones, batch, num_segments=NUM_GRAPHS)
    # per-node ratio = count(cluster of node)/n_graph, renormalized per graph
    ratio = clu_counts[seg] / graph_counts[batch]
    ratio_sum = jax.ops.segment_sum(ratio, batch, num_segments=NUM_GRAPHS)
    ratio = ratio / ratio_sum[batch]
    return cluster_sum[seg] * ratio[:, None]


def _segment_softmax(r, batch):
    r = r.squeeze(-1)
    seg_max = jax.ops.segment_max(r, batch, num_segments=NUM_GRAPHS)
    e = jnp.exp(r - seg_max[batch])
    denom = jax.ops.segment_sum(e, batch, num_segments=NUM_GRAPHS)
    return (e / denom[batch])[:, None]


def reference(x, cls, batch, W1, b1, Wa, ba):
    r_x = _unpool(x, cls, batch)
    r_x = jnp.dot(r_x, W1.T) + b1
    r_x = jnp.where(r_x >= 0, r_x, NEG_SLOPE * r_x)  # leaky_relu(0.45)
    r_x = jnp.dot(r_x, Wa.T) + ba
    return _segment_softmax(r_x, batch)

if __name__ == "__main__":
    import jax
    _d = setup_inputs()
    print(jax.jit(kernel)(*tuple(_d.values())))

</pallas_src>

<mosaic_0001>
#map = affine_map<(d0, d1) -> (0, 0)>
#map1 = affine_map<(d0, d1) -> (0)>
module attributes {stable_mosaic.version = 14 : i64} {
  func.func @_gather_phase(%arg0: i32, %arg1: i32, %arg2: memref<16x256xf32, #tpu.memory_space<hbm>>, %arg3: memref<100000xi32, #tpu.memory_space<hbm>>, %arg4: memref<100000xi32, #tpu.memory_space<hbm>>, %arg5: memref<100000xf32, #tpu.memory_space<hbm>>, %arg6: memref<16x256xf32, #tpu.memory_space<vmem>>, %arg7: memref<400xi32, #tpu.memory_space<vmem>>, %arg8: memref<400xi32, #tpu.memory_space<vmem>>, %arg9: memref<400xf32, #tpu.memory_space<vmem>>) attributes {dimension_semantics = [#tpu.dimension_semantics<core_parallel>, #tpu.dimension_semantics<subcore_parallel>], iteration_bounds = array<i64: 2, 16>, scalar_prefetch = 0 : i64, scratch_operands = 4 : i64, tpu.core_type = #tpu.core_type<sc_vector_subcore>, window_params = [{transform_indices = #map}, {transform_indices = #map1}, {transform_indices = #map1}, {transform_indices = #map1}]} {
    %mul3A = arith.constant 2 : i32
    %mul3A_0 = arith.muli %arg1, %mul3A : i32
    %add3A = arith.addi %mul3A_0, %arg0 : i32
    "tpu.region"() ({
      %run_scoped3A = tpu.sem_alloc : memref<!tpu.dma_semaphore, #tpu.memory_space<semaphore_mem>>
      tpu.enqueue_dma source(%arg2 : memref<16x256xf32, #tpu.memory_space<hbm>>) target(%arg6 : memref<16x256xf32, #tpu.memory_space<vmem>>) target_semaphore(%run_scoped3A : memref<!tpu.dma_semaphore, #tpu.memory_space<semaphore_mem>>)
      tpu.wait_dma2 semaphore(%run_scoped3A : memref<!tpu.dma_semaphore, #tpu.memory_space<semaphore_mem>>) src(%arg2 : memref<16x256xf32, #tpu.memory_space<hbm>>) dst(%arg6 : memref<16x256xf32, #tpu.memory_space<vmem>>)
      tpu.yield
    }) : () -> ()
    %add3A_1 = arith.constant 0 : i32
    %add3A_2 = arith.addi %add3A, %add3A_1 : i32
    %ge3A = arith.constant 250 : i32
    %ge3A_3 = arith.cmpi sge, %add3A_2, %ge3A : i32
    %sub3A = arith.constant 250 : i32
    %sub3A_4 = arith.subi %add3A_2, %sub3A : i32
    %select_n3A = arith.select %ge3A_3, %sub3A_4, %add3A_2 : i32
    %mul3A_5 = arith.constant 400 : i32
    %mul3A_6 = arith.muli %select_n3A, %mul3A_5 : i32
    "tpu.region"() ({
      %run_scoped3A = tpu.sem_alloc : memref<!tpu.dma_semaphore, #tpu.memory_space<semaphore_mem>>
      %dma_start3A = tpu.memref_slice %arg3[%mul3A_6] : memref<100000xi32, #tpu.memory_space<hbm>> -> memref<400xi32, #tpu.memory_space<hbm>>
      %dma_start3A_1467 = tpu.memref_slice %arg3[%mul3A_6] : memref<100000xi32, #tpu.memory_space<hbm>> -> memref<400xi32, #tpu.memory_space<hbm>>
      tpu.enqueue_dma source(%dma_start3A_1467 : memref<400xi32, #tpu.memory_space<hbm>>) target(%arg7 : memref<400xi32, #tpu.memory_space<vmem>>) target_semaphore(%run_scoped3A : memref<!tpu.dma_semaphore, #tpu.memory_space<semaphore_mem>>)
      %dma_wait3A = tpu.memref_slice %arg3[%mul3A_6] : memref<100000xi32, #tpu.memory_space<hbm>> -> memref<400xi32, #tpu.memory_space<hbm>>
      %dma_wait3A_1468 = tpu.memref_slice %arg3[%mul3A_6] : memref<100000xi32, #tpu.memory_space<hbm>> -> memref<400xi32, #tpu.memory_space<hbm>>
      tpu.wait_dma2 semaphore(%run_scoped3A : memref<!tpu.dma_semaphore, #tpu.memory_space<semaphore_mem>>) src(%dma_wait3A_1468 : memref<400xi32, #tpu.memory_space<hbm>>) dst(%arg7 : memref<400xi32, #tpu.memory_space<vmem>>)
      tpu.yield
    }) : () -> ()
    "tpu.region"() ({
      %run_scoped3A = tpu.sem_alloc : memref<!tpu.dma_semaphore, #tpu.memory_space<semaphore_mem>>
      %dma_start3A = tpu.memref_slice %arg4[%mul3A_6] : memref<100000xi32, #tpu.memory_space<hbm>> -> memref<400xi32, #tpu.memory_space<hbm>>
      %dma_start3A_1467 = tpu.memref_slice %arg4[%mul3A_6] : memref<100000xi32, #tpu.memory_space<hbm>> -> memref<400xi32, #tpu.memory_space<hbm>>
      tpu.enqueue_dma source(%dma_start3A_1467 : memref<400xi32, #tpu.memory_space<hbm>>) target(%arg8 : memref<400xi32, #tpu.memory_space<vmem>>) target_semaphore(%run_scoped3A : memref<!tpu.dma_semaphore, #tpu.memory_space<semaphore_mem>>)
      %dma_wait3A = tpu.memref_slice %arg4[%mul3A_6] : memref<100000xi32, #tpu.memory_space<hbm>> -> memref<400xi32, #tpu.memory_space<hbm>>
      %dma_wait3A_1468 = tpu.memref_slice %arg4[%mul3A_6] : memref<100000xi32, #tpu.memory_space<hbm>> -> memref<400xi32, #tpu.memory_space<hbm>>
      tpu.wait_dma2 semaphore(%run_scoped3A : memref<!tpu.dma_semaphore, #tpu.memory_space<semaphore_mem>>) src(%dma_wait3A_1468 : memref<400xi32, #tpu.memory_space<hbm>>) dst(%arg8 : memref<400xi32, #tpu.memory_space<vmem>>)
      tpu.yield
    }) : () -> ()
    %get3A = arith.constant 0 : index
    %get3A_7 = tpu.vector_load %arg8[%get3A] {strides = array<i32>} : memref<400xi32, #tpu.memory_space<vmem>>, vector<16xi32>,
    %get3A_8 = arith.constant 0 : index
    %get3A_9 = tpu.vector_load %arg7[%get3A_8] {strides = array<i32>} : memref<400xi32, #tpu.memory_space<vmem>>, vector<16xi32>,
    %gather3A = tpu.vector_load_idx %arg6[%get3A_9, %get3A_7] : memref<16x256xf32, #tpu.memory_space<vmem>>[vector<16xi32>, vector<16xi32>], vector<16xf32>,
    %swap3A = arith.constant 0 : index
    %swap3A_10 = tpu.vector_load %arg9[%swap3A] {strides = array<i32>} : memref<400xf32, #tpu.memory_space<vmem>>, vector<16xf32>,
    tpu.vector_store %arg9[%swap3A], %gather3A {strides = array<i32>} : memref<400xf32, #tpu.memory_space<vmem>>, vector<16xf32>,
    %get3A_11 = arith.constant 16 : index
    %get3A_12 = tpu.vector_load %arg8[%get3A_11] {strides = array<i32>} : memref<400xi32, #tpu.memory_space<vmem>>, vector<16xi32>,
    %get3A_13 = arith.constant 16 : index
    %get3A_14 = tpu.vector_load %arg7[%get3A_13] {strides = array<i32>} : memref<400xi32, #tpu.memory_space<vmem>>, vector<16xi32>,
    %gather3A_15 = tpu.vector_load_idx %arg6[%get3A_14, %get3A_12] : memref<16x256xf32, #tpu.memory_space<vmem>>[vector<16xi32>, vector<16xi32>], vector<16xf32>,
    %swap3A_16 = arith.constant 16 : index
    %swap3A_17 = tpu.vector_load %arg9[%swap3A_16] {strides = array<i32>} : memref<400xf32, #tpu.memory_space<vmem>>, vector<16xf32>,
    tpu.vector_store %arg9[%swap3A_16], %gather3A_15 {strides = array<i32>} : memref<400xf32, #tpu.memory_space<vmem>>, vector<16xf32>,
    %get3A_18 = arith.constant 32 : index
    %get3A_19 = tpu.vector_load %arg8[%get3A_18] {strides = array<i32>} : memref<400xi32, #tpu.memory_space<vmem>>, vector<16xi32>,
    %get3A_20 = arith.constant 32 : index
    %get3A_21 = tpu.vector_load %arg7[%get3A_20] {strides = array<i32>} : memref<400xi32, #tpu.memory_space<vmem>>, vector<16xi32>,
    %gather3A_22 = tpu.vector_load_idx %arg6[%get3A_21, %get3A_19] : memref<16x256xf32, #tpu.memory_space<vmem>>[vector<16xi32>, vector<16xi32>], vector<16xf32>,
    %swap3A_23 = arith.constant 32 : index
    %swap3A_24 = tpu.vector_load %arg9[%swap3A_23] {strides = array<i32>} : memref<400xf32, #tpu.memory_space<vmem>>, vector<16xf32>,
    tpu.vector_store %arg9[%swap3A_23], %gather3A_22 {strides = array<i32>} : memref<400xf32, #tpu.memory_space<vmem>>, vector<16xf32>,
    %get3A_25 = arith.constant 48 : index
    %get3A_26 = tpu.vector_load %arg8[%get3A_25] {strides = array<i32>} : memref<400xi32, #tpu.memory_space<vmem>>, vector<16xi32>,
    %get3A_27 = arith.constant 48 : index
    %get3A_28 = tpu.vector_load %arg7[%get3A_27] {strides = array<i32>} : memref<400xi32, #tpu.memory_space<vmem>>, vector<16xi32>,
    %gather3A_29 = tpu.vector_load_idx %arg6[%get3A_28, %get3A_26] : memref<16x256xf32, #tpu.memory_space<vmem>>[vector<16xi32>, vector<16xi32>], vector<16xf32>,
    %swap3A_30 = arith.constant 48 : index
    %swap3A_31 = tpu.vector_load %arg9[%swap3A_30] {strides = array<i32>} : memref<400xf32, #tpu.memory_space<vmem>>, vector<16xf32>,
    tpu.vector_store %arg9[%swap3A_30], %gather3A_29 {strides = array<i32>} : memref<400xf32, #tpu.memory_space<vmem>>, vector<16xf32>,
    %get3A_32 = arith.constant 64 : index
    %get3A_33 = tpu.vector_load %arg8[%get3A_32] {strides = array<i32>} : memref<400xi32, #tpu.memory_space<vmem>>, vector<16xi32>,
    %get3A_34 = arith.constant 64 : index
    %get3A_35 = tpu.vector_load %arg7[%get3A_34] {strides = array<i32>} : memref<400xi32, #tpu.memory_space<vmem>>, vector<16xi32>,
    %gather3A_36 = tpu.vector_load_idx %arg6[%get3A_35, %get3A_33] : memref<16x256xf32, #tpu.memory_space<vmem>>[vector<16xi32>, vector<16xi32>], vector<16xf32>,
    %swap3A_37 = arith.constant 64 : index
    %swap3A_38 = tpu.vector_load %arg9[%swap3A_37] {strides = array<i32>} : memref<400xf32, #tpu.memory_space<vmem>>, vector<16xf32>,
    tpu.vector_store %arg9[%swap3A_37], %gather3A_36 {strides = array<i32>} : memref<400xf32, #tpu.memory_space<vmem>>, vector<16xf32>,
    %get3A_39 = arith.constant 80 : index
    %get3A_40 = tpu.vector_load %arg8[%get3A_39] {strides = array<i32>} : memref<400xi32, #tpu.memory_space<vmem>>, vector<16xi32>,
    %get3A_41 = arith.constant 80 : index
    %get3A_42 = tpu.vector_load %arg7[%get3A_41] {strides = array<i32>} : memref<400xi32, #tpu.memory_space<vmem>>, vector<16xi32>,
    %gather3A_43 = tpu.vector_load_idx %arg6[%get3A_42, %get3A_40] : memref<16x256xf32, #tpu.memory_space<vmem>>[vector<16xi32>, vector<16xi32>], vector<16xf32>,
    %swap3A_44 = arith.constant 80 : index
    %swap3A_45 = tpu.vector_load %arg9[%swap3A_44] {strides = array<i32>} : memref<400xf32, #tpu.memory_space<vmem>>, vector<16xf32>,
    tpu.vector_store %arg9[%swap3A_44], %gather3A_43 {strides = array<i32>} : memref<400xf32, #tpu.memory_space<vmem>>, vector<16xf32>,
    %get3A_46 = arith.constant 96 : index
    %get3A_47 = tpu.vector_load %arg8[%get3A_46] {strides = array<i32>} : memref<400xi32, #tpu.memory_space<vmem>>, vector<16xi32>,
    %get3A_48 = arith.constant 96 : index
    %get3A_49 = tpu.vector_load %arg7[%get3A_48] {strides = array<i32>} : memref<400xi32, #tpu.memory_space<vmem>>, vector<16xi32>,
    %gather3A_50 = tpu.vector_load_idx %arg6[%get3A_49, %get3A_47] : memref<16x256xf32, #tpu.memory_space<vmem>>[vector<16xi32>, vector<16xi32>], vector<16xf32>,
    %swap3A_51 = arith.constant 96 : index
    %swap3A_52 = tpu.vector_load %arg9[%swap3A_51] {strides = array<i32>} : memref<400xf32, #tpu.memory_space<vmem>>, vector<16xf32>,
    tpu.vector_store %arg9[%swap3A_51], %gather3A_50 {strides = array<i32>} : memref<400xf32, #tpu.memory_space<vmem>>, vector<16xf32>,
    %get3A_53 = arith.constant 112 : index
    %get3A_54 = tpu.vector_load %arg8[%get3A_53] {strides = array<i32>} : memref<400xi32, #tpu.memory_space<vmem>>, vector<16xi32>,
    %get3A_55 = arith.constant 112 : index
    %get3A_56 = tpu.vector_load %arg7[%get3A_55] {strides = array<i32>} : memref<400xi32, #tpu.memory_space<vmem>>, vector<16xi32>,
    %gather3A_57 = tpu.vector_load_idx %arg6[%get3A_56, %get3A_54] : memref<16x256xf32, #tpu.memory_space<vmem>>[vector<16xi32>, vector<16xi32>], vector<16xf32>,
    %swap3A_58 = arith.constant 112 : index
    %swap3A_59 = tpu.vector_load %arg9[%swap3A_58] {strides = array<i32>} : memref<400xf32, #tpu.memory_space<vmem>>, vector<16xf32>,
    tpu.vector_store %arg9[%swap3A_58], %gather3A_57 {strides = array<i32>} : memref<400xf32, #tpu.memory_space<vmem>>, vector<16xf32>,
    %get3A_60 = arith.constant 128 : index
    %get3A_61 = tpu.vector_load %arg8[%get3A_60] {strides = array<i32>} : memref<400xi32, #tpu.memory_space<vmem>>, vector<16xi32>,
    %get3A_62 = arith.constant 128 : index
    %get3A_63 = tpu.vector_load %arg7[%get3A_62] {strides = array<i32>} : memref<400xi32, #tpu.memory_space<vmem>>, vector<16xi32>,
    %gather3A_64 = tpu.vector_load_idx %arg6[%get3A_63, %get3A_61] : memref<16x256xf32, #tpu.memory_space<vmem>>[vector<16xi32>, vector<16xi32>], vector<16xf32>,
    %swap3A_65 = arith.constant 128 : index
    %swap3A_66 = tpu.vector_load %arg9[%swap3A_65] {strides = array<i32>} : memref<400xf32, #tpu.memory_space<vmem>>, vector<16xf32>,
    tpu.vector_store %arg9[%swap3A_65], %gather3A_64 {strides = array<i32>} : memref<400xf32, #tpu.memory_space<vmem>>, vector<16xf32>,
    %get3A_67 = arith.constant 144 : index
    %get3A_68 = tpu.vector_load %arg8[%get3A_67] {strides = array<i32>} : memref<400xi32, #tpu.memory_space<vmem>>, vector<16xi32>,
    %get3A_69 = arith.constant 144 : index
    %get3A_70 = tpu.vector_load %arg7[%get3A_69] {strides = array<i32>} : memref<400xi32, #tpu.memory_space<vmem>>, vector<16xi32>,
    %gather3A_71 = tpu.vector_load_idx %arg6[%get3A_70, %get3A_68] : memref<16x256xf32, #tpu.memory_space<vmem>>[vector<16xi32>, vector<16xi32>], vector<16xf32>,
    %swap3A_72 = arith.constant 144 : index
    %swap3A_73 = tpu.vector_load %arg9[%swap3A_72] {strides = array<i32>} : memref<400xf32, #tpu.memory_space<vmem>>, vector<16xf32>,
    tpu.vector_store %arg9[%swap3A_72], %gather3A_71 {strides = array<i32>} : memref<400xf32, #tpu.memory_space<vmem>>, vector<16xf32>,
    %get3A_74 = arith.constant 160 : index
    %get3A_75 = tpu.vector_load %arg8[%get3A_74] {strides = array<i32>} : memref<400xi32, #tpu.memory_space<vmem>>, vector<16xi32>,
    %get3A_76 = arith.constant 160 : index
    %get3A_77 = tpu.vector_load %arg7[%get3A_76] {strides = array<i32>} : memref<400xi32, #tpu.memory_space<vmem>>, vector<16xi32>,
    %gather3A_78 = tpu.vector_load_idx %arg6[%get3A_77, %get3A_75] : memref<16x256xf32, #tpu.memory_space<vmem>>[vector<16xi32>, vector<16xi32>], vector<16xf32>,
    %swap3A_79 = arith.constant 160 : index
    %swap3A_80 = tpu.vector_load %arg9[%swap3A_79] {strides = array<i32>} : memref<400xf32, #tpu.memory_space<vmem>>, vector<16xf32>,
    tpu.vector_store %arg9[%swap3A_79], %gather3A_78 {strides = array<i32>} : memref<400xf32, #tpu.memory_space<vmem>>, vector<16xf32>,
    %get3A_81 = arith.constant 176 : index
    %get3A_82 = tpu.vector_load %arg8[%get3A_81] {strides = array<i32>} : memref<400xi32, #tpu.memory_space<vmem>>, vector<16xi32>,
    %get3A_83 = arith.constant 176 : index
    %get3A_84 = tpu.vector_load %arg7[%get3A_83] {strides = array<i32>} : memref<400xi32, #tpu.memory_space<vmem>>, vector<16xi32>,
    %gather3A_85 = tpu.vector_load_idx %arg6[%get3A_84, %get3A_82] : memref<16x256xf32, #tpu.memory_space<vmem>>[vector<16xi32>, vector<16xi32>], vector<16xf32>,
    %swap3A_86 = arith.constant 176 : index
    %swap3A_87 = tpu.vector_load %arg9[%swap3A_86] {strides = array<i32>} : memref<400xf32, #tpu.memory_space<vmem>>, vector<16xf32>,
    tpu.vector_store %arg9[%swap3A_86], %gather3A_85 {strides = array<i32>} : memref<400xf32, #tpu.memory_space<vmem>>, vector<16xf32>,
    %get3A_88 = arith.constant 192 : index
    %get3A_89 = tpu.vector_load %arg8[%get3A_88] {strides = array<i32>} : memref<400xi32, #tpu.memory_space<vmem>>, vector<16xi32>,
    %get3A_90 = arith.constant 192 : index
    %get3A_91 = tpu.vector_load %arg7[%get3A_90] {strides = array<i32>} : memref<400xi32, #tpu.memory_space<vmem>>, vector<16xi32>,
    %gather3A_92 = tpu.vector_load_idx %arg6[%get3A_91, %get3A_89] : memref<16x256xf32, #tpu.memory_space<vmem>>[vector<16xi32>, vector<16xi32>], vector<16xf32>,
    %swap3A_93 = arith.constant 192 : index
    %swap3A_94 = tpu.vector_load %arg9[%swap3A_93] {strides = array<i32>} : memref<400xf32, #tpu.memory_space<vmem>>, vector<16xf32>,
    tpu.vector_store %arg9[%swap3A_93], %gather3A_92 {strides = array<i32>} : memref<400xf32, #tpu.memory_space<vmem>>, vector<16xf32>,
    %get3A_95 = arith.constant 208 : index
    %get3A_96 = tpu.vector_load %arg8[%get3A_95] {strides = array<i32>} : memref<400xi32, #tpu.memory_space<vmem>>, vector<16xi32>,
    %get3A_97 = arith.constant 208 : index
    %get3A_98 = tpu.vector_load %arg7[%get3A_97] {strides = array<i32>} : memref<400xi32, #tpu.memory_space<vmem>>, vector<16xi32>,
    %gather3A_99 = tpu.vector_load_idx %arg6[%get3A_98, %get3A_96] : memref<16x256xf32, #tpu.memory_space<vmem>>[vector<16xi32>, vector<16xi32>], vector<16xf32>,
    %swap3A_100 = arith.constant 208 : index
    %swap3A_101 = tpu.vector_load %arg9[%swap3A_100] {strides = array<i32>} : memref<400xf32, #tpu.memory_space<vmem>>, vector<16xf32>,
    tpu.vector_store %arg9[%swap3A_100], %gather3A_99 {strides = array<i32>} : memref<400xf32, #tpu.memory_space<vmem>>, vector<16xf32>,
    %get3A_102 = arith.constant 224 : index
    %get3A_103 = tpu.vector_load %arg8[%get3A_102] {strides = array<i32>} : memref<400xi32, #tpu.memory_space<vmem>>, vector<16xi32>,
    %get3A_104 = arith.constant 224 : index
    %get3A_105 = tpu.vector_load %arg7[%get3A_104] {strides = array<i32>} : memref<400xi32, #tpu.memory_space<vmem>>, vector<16xi32>,
    %gather3A_106 = tpu.vector_load_idx %arg6[%get3A_105, %get3A_103] : memref<16x256xf32, #tpu.memory_space<vmem>>[vector<16xi32>, vector<16xi32>], vector<16xf32>,
    %swap3A_107 = arith.constant 224 : index
    %swap3A_108 = tpu.vector_load %arg9[%swap3A_107] {strides = array<i32>} : memref<400xf32, #tpu.memory_space<vmem>>, vector<16xf32>,
    tpu.vector_store %arg9[%swap3A_107], %gather3A_106 {strides = array<i32>} : memref<400xf32, #tpu.memory_space<vmem>>, vector<16xf32>,
    %get3A_109 = arith.constant 240 : index
    %get3A_110 = tpu.vector_load %arg8[%get3A_109] {strides = array<i32>} : memref<400xi32, #tpu.memory_space<vmem>>, vector<16xi32>,
    %get3A_111 = arith.constant 240 : index
    %get3A_112 = tpu.vector_load %arg7[%get3A_111] {strides = array<i32>} : memref<400xi32, #tpu.memory_space<vmem>>, vector<16xi32>,
    %gather3A_113 = tpu.vector_load_idx %arg6[%get3A_112, %get3A_110] : memref<16x256xf32, #tpu.memory_space<vmem>>[vector<16xi32>, vector<16xi32>], vector<16xf32>,
    %swap3A_114 = arith.constant 240 : index
    %swap3A_115 = tpu.vector_load %arg9[%swap3A_114] {strides = array<i32>} : memref<400xf32, #tpu.memory_space<vmem>>, vector<16xf32>,
    tpu.vector_store %arg9[%swap3A_114], %gather3A_113 {strides = array<i32>} : memref<400xf32, #tpu.memory_space<vmem>>, vector<16xf32>,
    %get3A_116 = arith.constant 256 : index
    %get3A_117 = tpu.vector_load %arg8[%get3A_116] {strides = array<i32>} : memref<400xi32, #tpu.memory_space<vmem>>, vector<16xi32>,
    %get3A_118 = arith.constant 256 : index
    %get3A_119 = tpu.vector_load %arg7[%get3A_118] {strides = array<i32>} : memref<400xi32, #tpu.memory_space<vmem>>, vector<16xi32>,
    %gather3A_120 = tpu.vector_load_idx %arg6[%get3A_119, %get3A_117] : memref<16x256xf32, #tpu.memory_space<vmem>>[vector<16xi32>, vector<16xi32>], vector<16xf32>,
    %swap3A_121 = arith.constant 256 : index
    %swap3A_122 = tpu.vector_load %arg9[%swap3A_121] {strides = array<i32>} : memref<400xf32, #tpu.memory_space<vmem>>, vector<16xf32>,
    tpu.vector_store %arg9[%swap3A_121], %gather3A_120 {strides = array<i32>} : memref<400xf32, #tpu.memory_space<vmem>>, vector<16xf32>,
    %get3A_123 = arith.constant 272 : index
    %get3A_124 = tpu.vector_load %arg8[%get3A_123] {strides = array<i32>} : memref<400xi32, #tpu.memory_space<vmem>>, vector<16xi32>,
    %get3A_125 = arith.constant 272 : index
    %get3A_126 = tpu.vector_load %arg7[%get3A_125] {strides = array<i32>} : memref<400xi32, #tpu.memory_space<vmem>>, vector<16xi32>,
    %gather3A_127 = tpu.vector_load_idx %arg6[%get3A_126, %get3A_124] : memref<16x256xf32, #tpu.memory_space<vmem>>[vector<16xi32>, vector<16xi32>], vector<16xf32>,
    %swap3A_128 = arith.constant 272 : index
    %swap3A_129 = tpu.vector_load %arg9[%swap3A_128] {strides = array<i32>} : memref<400xf32, #tpu.memory_space<vmem>>, vector<16xf32>,
    tpu.vector_store %arg9[%swap3A_128], %gather3A_127 {strides = array<i32>} : memref<400xf32, #tpu.memory_space<vmem>>, vector<16xf32>,
    %get3A_130 = arith.constant 288 : index
    %get3A_131 = tpu.vector_load %arg8[%get3A_130] {strides = array<i32>} : memref<400xi32, #tpu.memory_space<vmem>>, vector<16xi32>,
    %get3A_132 = arith.constant 288 : index
    %get3A_133 = tpu.vector_load %arg7[%get3A_132] {strides = array<i32>} : memref<400xi32, #tpu.memory_space<vmem>>, vector<16xi32>,
    %gather3A_134 = tpu.vector_load_idx %arg6[%get3A_133, %get3A_131] : memref<16x256xf32, #tpu.memory_space<vmem>>[vector<16xi32>, vector<16xi32>], vector<16xf32>,
    %swap3A_135 = arith.constant 288 : index
    %swap3A_136 = tpu.vector_load %arg9[%swap3A_135] {strides = array<i32>} : memref<400xf32, #tpu.memory_space<vmem>>, vector<16xf32>,
    tpu.vector_store %arg9[%swap3A_135], %gather3A_134 {strides = array<i32>} : memref<400xf32, #tpu.memory_space<vmem>>, vector<16xf32>,
    %get3A_137 = arith.constant 304 : index
    %get3A_138 = tpu.vector_load %arg8[%get3A_137] {strides = array<i32>} : memref<400xi32, #tpu.memory_space<vmem>>, vector<16xi32>,
    %get3A_139 = arith.constant 304 : index
    %get3A_140 = tpu.vector_load %arg7[%get3A_139] {strides = array<i32>} : memref<400xi32, #tpu.memory_space<vmem>>, vector<16xi32>,
    %gather3A_141 = tpu.vector_load_idx %arg6[%get3A_140, %get3A_138] : memref<16x256xf32, #tpu.memory_space<vmem>>[vector<16xi32>, vector<16xi32>], vector<16xf32>,
    %swap3A_142 = arith.constant 304 : index
    %swap3A_143 = tpu.vector_load %arg9[%swap3A_142] {strides = array<i32>} : memref<400xf32, #tpu.memory_space<vmem>>, vector<16xf32>,
    tpu.vector_store %arg9[%swap3A_142], %gather3A_141 {strides = array<i32>} : memref<400xf32, #tpu.memory_space<vmem>>, vector<16xf32>,
    %get3A_144 = arith.constant 320 : index
    %get3A_145 = tpu.vector_load %arg8[%get3A_144] {strides = array<i32>} : memref<400xi32, #tpu.memory_space<vmem>>, vector<16xi32>,
    %get3A_146 = arith.constant 320 : index
    %get3A_147 = tpu.vector_load %arg7[%get3A_146] {strides = array<i32>} : memref<400xi32, #tpu.memory_space<vmem>>, vector<16xi32>,
    %gather3A_148 = tpu.vector_load_idx %arg6[%get3A_147, %get3A_145] : memref<16x256xf32, #tpu.memory_space<vmem>>[vector<16xi32>, vector<16xi32>], vector<16xf32>,
    %swap3A_149 = arith.constant 320 : index
    %swap3A_150 = tpu.vector_load %arg9[%swap3A_149] {strides = array<i32>} : memref<400xf32, #tpu.memory_space<vmem>>, vector<16xf32>,
    tpu.vector_store %arg9[%swap3A_149], %gather3A_148 {strides = array<i32>} : memref<400xf32, #tpu.memory_space<vmem>>, vector<16xf32>,
    %get3A_151 = arith.constant 336 : index
    %get3A_152 = tpu.vector_load %arg8[%get3A_151] {strides = array<i32>} : memref<400xi32, #tpu.memory_space<vmem>>, vector<16xi32>,
    %get3A_153 = arith.constant 336 : index
    %get3A_154 = tpu.vector_load %arg7[%get3A_153] {strides = array<i32>} : memref<400xi32, #tpu.memory_space<vmem>>, vector<16xi32>,
    %gather3A_155 = tpu.vector_load_idx %arg6[%get3A_154, %get3A_152] : memref<16x256xf32, #tpu.memory_space<vmem>>[vector<16xi32>, vector<16xi32>], vector<16xf32>,
    %swap3A_156 = arith.constant 336 : index
    %swap3A_157 = tpu.vector_load %arg9[%swap3A_156] {strides = array<i32>} : memref<400xf32, #tpu.memory_space<vmem>>, vector<16xf32>,
    tpu.vector_store %arg9[%swap3A_156], %gather3A_155 {strides = array<i32>} : memref<400xf32, #tpu.memory_space<vmem>>, vector<16xf32>,
    %get3A_158 = arith.constant 352 : index
    %get3A_159 = tpu.vector_load %arg8[%get3A_158] {strides = array<i32>} : memref<400xi32, #tpu.memory_space<vmem>>, vector<16xi32>,
    %get3A_160 = arith.constant 352 : index
    %get3A_161 = tpu.vector_load %arg7[%get3A_160] {strides = array<i32>} : memref<400xi32, #tpu.memory_space<vmem>>, vector<16xi32>,
    %gather3A_162 = tpu.vector_load_idx %arg6[%get3A_161, %get3A_159] : memref<16x256xf32, #tpu.memory_space<vmem>>[vector<16xi32>, vector<16xi32>], vector<16xf32>,
    %swap3A_163 = arith.constant 352 : index
    %swap3A_164 = tpu.vector_load %arg9[%swap3A_163] {strides = array<i32>} : memref<400xf32, #tpu.memory_space<vmem>>, vector<16xf32>,
    tpu.vector_store %arg9[%swap3A_163], %gather3A_162 {strides = array<i32>} : memref<400xf32, #tpu.memory_space<vmem>>, vector<16xf32>,
    %get3A_165 = arith.constant 368 : index
    %get3A_166 = tpu.vector_load %arg8[%get3A_165] {strides = array<i32>} : memref<400xi32, #tpu.memory_space<vmem>>, vector<16xi32>,
    %get3A_167 = arith.constant 368 : index
    %get3A_168 = tpu.vector_load %arg7[%get3A_167] {strides = array<i32>} : memref<400xi32, #tpu.memory_space<vmem>>, vector<16xi32>,
    %gather3A_169 = tpu.vector_load_idx %arg6[%get3A_168, %get3A_166] : memref<16x256xf32, #tpu.memory_space<vmem>>[vector<16xi32>, vector<16xi32>], vector<16xf32>,
    %swap3A_170 = arith.constant 368 : index
    %swap3A_171 = tpu.vector_load %arg9[%swap3A_170] {strides = array<i32>} : memref<400xf32, #tpu.memory_space<vmem>>, vector<16xf32>,
    tpu.vector_store %arg9[%swap3A_170], %gather3A_169 {strides = array<i32>} : memref<400xf32, #tpu.memory_space<vmem>>, vector<16xf32>,
    %get3A_172 = arith.constant 384 : index
    %get3A_173 = tpu.vector_load %arg8[%get3A_172] {strides = array<i32>} : memref<400xi32, #tpu.memory_space<vmem>>, vector<16xi32>,
    %get3A_174 = arith.constant 384 : index
    %get3A_175 = tpu.vector_load %arg7[%get3A_174] {strides = array<i32>} : memref<400xi32, #tpu.memory_space<vmem>>, vector<16xi32>,
    %gather3A_176 = tpu.vector_load_idx %arg6[%get3A_175, %get3A_173] : memref<16x256xf32, #tpu.memory_space<vmem>>[vector<16xi32>, vector<16xi32>], vector<16xf32>,
    %swap3A_177 = arith.constant 384 : index
    %swap3A_178 = tpu.vector_load %arg9[%swap3A_177] {strides = array<i32>} : memref<400xf32, #tpu.memory_space<vmem>>, vector<16xf32>,
    tpu.vector_store %arg9[%swap3A_177], %gather3A_176 {strides = array<i32>} : memref<400xf32, #tpu.memory_space<vmem>>, vector<16xf32>,
    "tpu.region"() ({
      %run_scoped3A = tpu.sem_alloc : memref<!tpu.dma_semaphore, #tpu.memory_space<semaphore_mem>>
      %dma_start3A = tpu.memref_slice %arg5[%mul3A_6] : memref<100000xf32, #tpu.memory_space<hbm>> -> memref<400xf32, #tpu.memory_space<hbm>>
      %dma_start3A_1467 = tpu.memref_slice %arg5[%mul3A_6] : memref<100000xf32, #tpu.memory_space<hbm>> -> memref<400xf32, #tpu.memory_space<hbm>>
      tpu.enqueue_dma source(%arg9 : memref<400xf32, #tpu.memory_space<vmem>>) target(%dma_start3A_1467 : memref<400xf32, #tpu.memory_space<hbm>>) target_semaphore(%run_scoped3A : memref<!tpu.dma_semaphore, #tpu.memory_space<semaphore_mem>>)
      %dma_wait3A = tpu.memref_slice %arg5[%mul3A_6] : memref<100000xf32, #tpu.memory_space<hbm>> -> memref<400xf32, #tpu.memory_space<hbm>>
      %dma_wait3A_1468 = tpu.memref_slice %arg5[%mul3A_6] : memref<100000xf32, #tpu.memory_space<hbm>> -> memref<400xf32, #tpu.memory_space<hbm>>
      tpu.wait_dma2 semaphore(%run_scoped3A : memref<!tpu.dma_semaphore, #tpu.memory_space<semaphore_mem>>) src(%arg9 : memref<400xf32, #tpu.memory_space<vmem>>) dst(%dma_wait3A_1468 : memref<400xf32, #tpu.memory_space<hbm>>)
      tpu.yield
    }) : () -> ()
    %add3A_179 = arith.constant 32 : i32
    %add3A_180 = arith.addi %add3A, %add3A_179 : i32
    %ge3A_181 = arith.constant 250 : i32
    %ge3A_182 = arith.cmpi sge, %add3A_180, %ge3A_181 : i32
    %sub3A_183 = arith.constant 250 : i32
    %sub3A_184 = arith.subi %add3A_180, %sub3A_183 : i32
    %select_n3A_185 = arith.select %ge3A_182, %sub3A_184, %add3A_180 : i32
    %mul3A_186 = arith.constant 400 : i32
    %mul3A_187 = arith.muli %select_n3A_185, %mul3A_186 : i32
    "tpu.region"() ({
      %run_scoped3A = tpu.sem_alloc : memref<!tpu.dma_semaphore, #tpu.memory_space<semaphore_mem>>
      %dma_start3A = tpu.memref_slice %arg3[%mul3A_187] : memref<100000xi32, #tpu.memory_space<hbm>> -> memref<400xi32, #tpu.memory_space<hbm>>
      %dma_start3A_1467 = tpu.memref_slice %arg3[%mul3A_187] : memref<100000xi32, #tpu.memory_space<hbm>> -> memref<400xi32, #tpu.memory_space<hbm>>
      tpu.enqueue_dma source(%dma_start3A_1467 : memref<400xi32, #tpu.memory_space<hbm>>) target(%arg7 : memref<400xi32, #tpu.memory_space<vmem>>) target_semaphore(%run_scoped3A : memref<!tpu.dma_semaphore, #tpu.memory_space<semaphore_mem>>)
      %dma_wait3A = tpu.memref_slice %arg3[%mul3A_187] : memref<100000xi32, #tpu.memory_space<hbm>> -> memref<400xi32, #tpu.memory_space<hbm>>
      %dma_wait3A_1468 = tpu.memref_slice %arg3[%mul3A_187] : memref<100000xi32, #tpu.memory_space<hbm>> -> memref<400xi32, #tpu.memory_space<hbm>>
      tpu.wait_dma2 semaphore(%run_scoped3A : memref<!tpu.dma_semaphore, #tpu.memory_space<semaphore_mem>>) src(%dma_wait3A_1468 : memref<400xi32, #tpu.memory_space<hbm>>) dst(%arg7 : memref<400xi32, #tpu.memory_space<vmem>>)
      tpu.yield
    }) : () -> ()
    "tpu.region"() ({
      %run_scoped3A = tpu.sem_alloc : memref<!tpu.dma_semaphore, #tpu.memory_space<semaphore_mem>>
      %dma_start3A = tpu.memref_slice %arg4[%mul3A_187] : memref<100000xi32, #tpu.memory_space<hbm>> -> memref<400xi32, #tpu.memory_space<hbm>>
      %dma_start3A_1467 = tpu.memref_slice %arg4[%mul3A_187] : memref<100000xi32, #tpu.memory_space<hbm>> -> memref<400xi32, #tpu.memory_space<hbm>>
      tpu.enqueue_dma source(%dma_start3A_1467 : memref<400xi32, #tpu.memory_space<hbm>>) target(%arg8 : memref<400xi32, #tpu.memory_space<vmem>>) target_semaphore(%run_scoped3A : memref<!tpu.dma_semaphore, #tpu.memory_space<semaphore_mem>>)
      %dma_wait3A = tpu.memref_slice %arg4[%mul3A_187] : memref<100000xi32, #tpu.memory_space<hbm>> -> memref<400xi32, #tpu.memory_space<hbm>>
      %dma_wait3A_1468 = tpu.memref_slice %arg4[%mul3A_187] : memref<100000xi32, #tpu.memory_space<hbm>> -> memref<400xi32, #tpu.memory_space<hbm>>
      tpu.wait_dma2 semaphore(%run_scoped3A : memref<!tpu.dma_semaphore, #tpu.memory_space<semaphore_mem>>) src(%dma_wait3A_1468 : memref<400xi32, #tpu.memory_space<hbm>>) dst(%arg8 : memref<400xi32, #tpu.memory_space<vmem>>)
      tpu.yield
    }) : () -> ()
    %get3A_188 = arith.constant 0 : index
    %get3A_189 = tpu.vector_load %arg8[%get3A_188] {strides = array<i32>} : memref<400xi32, #tpu.memory_space<vmem>>, vector<16xi32>,
    %get3A_190 = arith.constant 0 : index
    %get3A_191 = tpu.vector_load %arg7[%get3A_190] {strides = array<i32>} : memref<400xi32, #tpu.memory_space<vmem>>, vector<16xi32>,
    %gather3A_192 = tpu.vector_load_idx %arg6[%get3A_191, %get3A_189] : memref<16x256xf32, #tpu.memory_space<vmem>>[vector<16xi32>, vector<16xi32>], vector<16xf32>,
    %swap3A_193 = arith.constant 0 : index
    %swap3A_194 = tpu.vector_load %arg9[%swap3A_193] {strides = array<i32>} : memref<400xf32, #tpu.memory_space<vmem>>, vector<16xf32>,
    tpu.vector_store %arg9[%swap3A_193], %gather3A_192 {strides = array<i32>} : memref<400xf32, #tpu.memory_space<vmem>>, vector<16xf32>,
    %get3A_195 = arith.constant 16 : index
    %get3A_196 = tpu.vector_load %arg8[%get3A_195] {strides = array<i32>} : memref<400xi32, #tpu.memory_space<vmem>>, vector<16xi32>,
    %get3A_197 = arith.constant 16 : index
    %get3A_198 = tpu.vector_load %arg7[%get3A_197] {strides = array<i32>} : memref<400xi32, #tpu.memory_space<vmem>>, vector<16xi32>,
    %gather3A_199 = tpu.vector_load_idx %arg6[%get3A_198, %get3A_196] : memref<16x256xf32, #tpu.memory_space<vmem>>[vector<16xi32>, vector<16xi32>], vector<16xf32>,
    %swap3A_200 = arith.constant 16 : index
    %swap3A_201 = tpu.vector_load %arg9[%swap3A_200] {strides = array<i32>} : memref<400xf32, #tpu.memory_space<vmem>>, vector<16xf32>,
    tpu.vector_store %arg9[%swap3A_200], %gather3A_199 {strides = array<i32>} : memref<400xf32, #tpu.memory_space<vmem>>, vector<16xf32>,
    %get3A_202 = arith.constant 32 : index
    %get3A_203 = tpu.vector_load %arg8[%get3A_202] {strides = array<i32>} : memref<400xi32, #tpu.memory_space<vmem>>, vector<16xi32>,
    %get3A_204 = arith.constant 32 : index
    %get3A_205 = tpu.vector_load %arg7[%get3A_204] {strides = array<i32>} : memref<400xi32, #tpu.memory_space<vmem>>, vector<16xi32>,
    %gather3A_206 = tpu.vector_load_idx %arg6[%get3A_205, %get3A_203] : memref<16x256xf32, #tpu.memory_space<vmem>>[vector<16xi32>, vector<16xi32>], vector<16xf32>,
    %swap3A_207 = arith.constant 32 : index
    %swap3A_208 = tpu.vector_load %arg9[%swap3A_207] {strides = array<i32>} : memref<400xf32, #tpu.memory_space<vmem>>, vector<16xf32>,
    tpu.vector_store %arg9[%swap3A_207], %gather3A_206 {strides = array<i32>} : memref<400xf32, #tpu.memory_space<vmem>>, vector<16xf32>,
    %get3A_209 = arith.constant 48 : index
    %get3A_210 = tpu.vector_load %arg8[%get3A_209] {strides = array<i32>} : memref<400xi32, #tpu.memory_space<vmem>>, vector<16xi32>,
    %get3A_211 = arith.constant 48 : index
    %get3A_212 = tpu.vector_load %arg7[%get3A_211] {strides = array<i32>} : memref<400xi32, #tpu.memory_space<vmem>>, vector<16xi32>,
    %gather3A_213 = tpu.vector_load_idx %arg6[%get3A_212, %get3A_210] : memref<16x256xf32, #tpu.memory_space<vmem>>[vector<16xi32>, vector<16xi32>], vector<16xf32>,
    %swap3A_214 = arith.constant 48 : index
    %swap3A_215 = tpu.vector_load %arg9[%swap3A_214] {strides = array<i32>} : memref<400xf32, #tpu.memory_space<vmem>>, vector<16xf32>,
    tpu.vector_store %arg9[%swap3A_214], %gather3A_213 {strides = array<i32>} : memref<400xf32, #tpu.memory_space<vmem>>, vector<16xf32>,
    %get3A_216 = arith.constant 64 : index
    %get3A_217 = tpu.vector_load %arg8[%get3A_216] {strides = array<i32>} : memref<400xi32, #tpu.memory_space<vmem>>, vector<16xi32>,
    %get3A_218 = arith.constant 64 : index
    %get3A_219 = tpu.vector_load %arg7[%get3A_218] {strides = array<i32>} : memref<400xi32, #tpu.memory_space<vmem>>, vector<16xi32>,
    %gather3A_220 = tpu.vector_load_idx %arg6[%get3A_219, %get3A_217] : memref<16x256xf32, #tpu.memory_space<vmem>>[vector<16xi32>, vector<16xi32>], vector<16xf32>,
    %swap3A_221 = arith.constant 64 : index
    %swap3A_222 = tpu.vector_load %arg9[%swap3A_221] {strides = array<i32>} : memref<400xf32, #tpu.memory_space<vmem>>, vector<16xf32>,
    tpu.vector_store %arg9[%swap3A_221], %gather3A_220 {strides = array<i32>} : memref<400xf32, #tpu.memory_space<vmem>>, vector<16xf32>,
    %get3A_223 = arith.constant 80 : index
    %get3A_224 = tpu.vector_load %arg8[%get3A_223] {strides = array<i32>} : memref<400xi32, #tpu.memory_space<vmem>>, vector<16xi32>,
    %get3A_225 = arith.constant 80 : index
    %get3A_226 = tpu.vector_load %arg7[%get3A_225] {strides = array<i32>} : memref<400xi32, #tpu.memory_space<vmem>>, vector<16xi32>,
    %gather3A_227 = tpu.vector_load_idx %arg6[%get3A_226, %get3A_224] : memref<16x256xf32, #tpu.memory_space<vmem>>[vector<16xi32>, vector<16xi32>], vector<16xf32>,
    %swap3A_228 = arith.constant 80 : index
    %swap3A_229 = tpu.vector_load %arg9[%swap3A_228] {strides = array<i32>} : memref<400xf32, #tpu.memory_space<vmem>>, vector<16xf32>,
    tpu.vector_store %arg9[%swap3A_228], %gather3A_227 {strides = array<i32>} : memref<400xf32, #tpu.memory_space<vmem>>, vector<16xf32>,
    %get3A_230 = arith.constant 96 : index
    %get3A_231 = tpu.vector_load %arg8[%get3A_230] {strides = array<i32>} : memref<400xi32, #tpu.memory_space<vmem>>, vector<16xi32>,
    %get3A_232 = arith.constant 96 : index
    %get3A_233 = tpu.vector_load %arg7[%get3A_232] {strides = array<i32>} : memref<400xi32, #tpu.memory_space<vmem>>, vector<16xi32>,
    %gather3A_234 = tpu.vector_load_idx %arg6[%get3A_233, %get3A_231] : memref<16x256xf32, #tpu.memory_space<vmem>>[vector<16xi32>, vector<16xi32>], vector<16xf32>,
    %swap3A_235 = arith.constant 96 : index
    %swap3A_236 = tpu.vector_load %arg9[%swap3A_235] {strides = array<i32>} : memref<400xf32, #tpu.memory_space<vmem>>, vector<16xf32>,
    tpu.vector_store %arg9[%swap3A_235], %gather3A_234 {strides = array<i32>} : memref<400xf32, #tpu.memory_space<vmem>>, vector<16xf32>,
    %get3A_237 = arith.constant 112 : index
    %get3A_238 = tpu.vector_load %arg8[%get3A_237] {strides = array<i32>} : memref<400xi32, #tpu.memory_space<vmem>>, vector<16xi32>,
    %get3A_239 = arith.constant 112 : index
    %get3A_240 = tpu.vector_load %arg7[%get3A_239] {strides = array<i32>} : memref<400xi32, #tpu.memory_space<vmem>>, vector<16xi32>,
    %gather3A_241 = tpu.vector_load_idx %arg6[%get3A_240, %get3A_238] : memref<16x256xf32, #tpu.memory_space<vmem>>[vector<16xi32>, vector<16xi32>], vector<16xf32>,
    %swap3A_242 = arith.constant 112 : index
    %swap3A_243 = tpu.vector_load %arg9[%swap3A_242] {strides = array<i32>} : memref<400xf32, #tpu.memory_space<vmem>>, vector<16xf32>,
    tpu.vector_store %arg9[%swap3A_242], %gather3A_241 {strides = array<i32>} : memref<400xf32, #tpu.memory_space<vmem>>, vector<16xf32>,
    %get3A_244 = arith.constant 128 : index
    %get3A_245 = tpu.vector_load %arg8[%get3A_244] {strides = array<i32>} : memref<400xi32, #tpu.memory_space<vmem>>, vector<16xi32>,
    %get3A_246 = arith.constant 128 : index
    %get3A_247 = tpu.vector_load %arg7[%get3A_246] {strides = array<i32>} : memref<400xi32, #tpu.memory_space<vmem>>, vector<16xi32>,
    %gather3A_248 = tpu.vector_load_idx %arg6[%get3A_247, %get3A_245] : memref<16x256xf32, #tpu.memory_space<vmem>>[vector<16xi32>, vector<16xi32>], vector<16xf32>,
    %swap3A_249 = arith.constant 128 : index
    %swap3A_250 = tpu.vector_load %arg9[%swap3A_249] {strides = array<i32>} : memref<400xf32, #tpu.memory_space<vmem>>, vector<16xf32>,
    tpu.vector_store %arg9[%swap3A_249], %gather3A_248 {strides = array<i32>} : memref<400xf32, #tpu.memory_space<vmem>>, vector<16xf32>,
    %get3A_251 = arith.constant 144 : index
    %get3A_252 = tpu.vector_load %arg8[%get3A_251] {strides = array<i32>} : memref<400xi32, #tpu.memory_space<vmem>>, vector<16xi32>,
    %get3A_253 = arith.constant 144 : index
    %get3A_254 = tpu.vector_load %arg7[%get3A_253] {strides = array<i32>} : memref<400xi32, #tpu.memory_space<vmem>>, vector<16xi32>,
    %gather3A_255 = tpu.vector_load_idx %arg6[%get3A_254, %get3A_252] : memref<16x256xf32, #tpu.memory_space<vmem>>[vector<16xi32>, vector<16xi32>], vector<16xf32>,
    %swap3A_256 = arith.constant 144 : index
    %swap3A_257 = tpu.vector_load %arg9[%swap3A_256] {strides = array<i32>} : memref<400xf32, #tpu.memory_space<vmem>>, vector<16xf32>,
    tpu.vector_store %arg9[%swap3A_256], %gather3A_255 {strides = array<i32>} : memref<400xf32, #tpu.memory_space<vmem>>, vector<16xf32>,
    %get3A_258 = arith.constant 160 : index
    %get3A_259 = tpu.vector_load %arg8[%get3A_258] {strides = array<i32>} : memref<400xi32, #tpu.memory_space<vmem>>, vector<16xi32>,
    %get3A_260 = arith.constant 160 : index
    %get3A_261 = tpu.vector_load %arg7[%get3A_260] {strides = array<i32>} : memref<400xi32, #tpu.memory_space<vmem>>, vector<16xi32>,
    %gather3A_262 = tpu.vector_load_idx %arg6[%get3A_261, %get3A_259] : memref<16x256xf32, #tpu.memory_space<vmem>>[vector<16xi32>, vector<16xi32>], vector<16xf32>,
    %swap3A_263 = arith.constant 160 : index
    %swap3A_264 = tpu.vector_load %arg9[%swap3A_263] {strides = array<i32>} : memref<400xf32, #tpu.memory_space<vmem>>, vector<16xf32>,
    tpu.vector_store %arg9[%swap3A_263], %gather3A_262 {strides = array<i32>} : memref<400xf32, #tpu.memory_space<vmem>>, vector<16xf32>,
    %get3A_265 = arith.constant 176 : index
    %get3A_266 = tpu.vector_load %arg8[%get3A_265] {strides = array<i32>} : memref<400xi32, #tpu.memory_space<vmem>>, vector<16xi32>,
    %get3A_267 = arith.constant 176 : index
    %get3A_268 = tpu.vector_load %arg7[%get3A_267] {strides = array<i32>} : memref<400xi32, #tpu.memory_space<vmem>>, vector<16xi32>,
    %gather3A_269 = tpu.vector_load_idx %arg6[%get3A_268, %get3A_266] : memref<16x256xf32, #tpu.memory_space<vmem>>[vector<16xi32>, vector<16xi32>], vector<16xf32>,
    %swap3A_270 = arith.constant 176 : index
    %swap3A_271 = tpu.vector_load %arg9[%swap3A_270] {strides = array<i32>} : memref<400xf32, #tpu.memory_space<vmem>>, vector<16xf32>,
    tpu.vector_store %arg9[%swap3A_270], %gather3A_269 {strides = array<i32>} : memref<400xf32, #tpu.memory_space<vmem>>, vector<16xf32>,
    %get3A_272 = arith.constant 192 : index
    %get3A_273 = tpu.vector_load %arg8[%get3A_272] {strides = array<i32>} : memref<400xi32, #tpu.memory_space<vmem>>, vector<16xi32>,
    %get3A_274 = arith.constant 192 : index
    %get3A_275 = tpu.vector_load %arg7[%get3A_274] {strides = array<i32>} : memref<400xi32, #tpu.memory_space<vmem>>, vector<16xi32>,
    %gather3A_276 = tpu.vector_load_idx %arg6[%get3A_275, %get3A_273] : memref<16x256xf32, #tpu.memory_space<vmem>>[vector<16xi32>, vector<16xi32>], vector<16xf32>,
    %swap3A_277 = arith.constant 192 : index
    %swap3A_278 = tpu.vector_load %arg9[%swap3A_277] {strides = array<i32>} : memref<400xf32, #tpu.memory_space<vmem>>, vector<16xf32>,
    tpu.vector_store %arg9[%swap3A_277], %gather3A_276 {strides = array<i32>} : memref<400xf32, #tpu.memory_space<vmem>>, vector<16xf32>,
    %get3A_279 = arith.constant 208 : index
    %get3A_280 = tpu.vector_load %arg8[%get3A_279] {strides = array<i32>} : memref<400xi32, #tpu.memory_space<vmem>>, vector<16xi32>,
    %get3A_281 = arith.constant 208 : index
    %get3A_282 = tpu.vector_load %arg7[%get3A_281] {strides = array<i32>} : memref<400xi32, #tpu.memory_space<vmem>>, vector<16xi32>,
    %gather3A_283 = tpu.vector_load_idx %arg6[%get3A_282, %get3A_280] : memref<16x256xf32, #tpu.memory_space<vmem>>[vector<16xi32>, vector<16xi32>], vector<16xf32>,
    %swap3A_284 = arith.constant 208 : index
    %swap3A_285 = tpu.vector_load %arg9[%swap3A_284] {strides = array<i32>} : memref<400xf32, #tpu.memory_space<vmem>>, vector<16xf32>,
    tpu.vector_store %arg9[%swap3A_284], %gather3A_283 {strides = array<i32>} : memref<400xf32, #tpu.memory_space<vmem>>, vector<16xf32>,
    %get3A_286 = arith.constant 224 : index
    %get3A_287 = tpu.vector_load %arg8[%get3A_286] {strides = array<i32>} : memref<400xi32, #tpu.memory_space<vmem>>, vector<16xi32>,
    %get3A_288 = arith.constant 224 : index
    %get3A_289 = tpu.vector_load %arg7[%get3A_288] {strides = array<i32>} : memref<400xi32, #tpu.memory_space<vmem>>, vector<16xi32>,
    %gather3A_290 = tpu.vector_load_idx %arg6[%get3A_289, %get3A_287] : memref<16x256xf32, #tpu.memory_space<vmem>>[vector<16xi32>, vector<16xi32>], vector<16xf32>,
    %swap3A_291 = arith.constant 224 : index
    %swap3A_292 = tpu.vector_load %arg9[%swap3A_291] {strides = array<i32>} : memref<400xf32, #tpu.memory_space<vmem>>, vector<16xf32>,
    tpu.vector_store %arg9[%swap3A_291], %gather3A_290 {strides = array<i32>} : memref<400xf32, #tpu.memory_space<vmem>>, vector<16xf32>,
    %get3A_293 = arith.constant 240 : index
    %get3A_294 = tpu.vector_load %arg8[%get3A_293] {strides = array<i32>} : memref<400xi32, #tpu.memory_space<vmem>>, vector<16xi32>,
    %get3A_295 = arith.constant 240 : index
    %get3A_296 = tpu.vector_load %arg7[%get3A_295] {strides = array<i32>} : memref<400xi32, #tpu.memory_space<vmem>>, vector<16xi32>,
    %gather3A_297 = tpu.vector_load_idx %arg6[%get3A_296, %get3A_294] : memref<16x256xf32, #tpu.memory_space<vmem>>[vector<16xi32>, vector<16xi32>], vector<16xf32>,
    %swap3A_298 = arith.constant 240 : index
    %swap3A_299 = tpu.vector_load %arg9[%swap3A_298] {strides = array<i32>} : memref<400xf32, #tpu.memory_space<vmem>>, vector<16xf32>,
    tpu.vector_store %arg9[%swap3A_298], %gather3A_297 {strides = array<i32>} : memref<400xf32, #tpu.memory_space<vmem>>, vector<16xf32>,
    %get3A_300 = arith.constant 256 : index
    %get3A_301 = tpu.vector_load %arg8[%get3A_300] {strides = array<i32>} : memref<400xi32, #tpu.memory_space<vmem>>, vector<16xi32>,
    %get3A_302 = arith.constant 256 : index
    %get3A_303 = tpu.vector_load %arg7[%get3A_302] {strides = array<i32>} : memref<400xi32, #tpu.memory_space<vmem>>, vector<16xi32>,
    %gather3A_304 = tpu.vector_load_idx %arg6[%get3A_303, %get3A_301] : memref<16x256xf32, #tpu.memory_space<vmem>>[vector<16xi32>, vector<16xi32>], vector<16xf32>,
    %swap3A_305 = arith.constant 256 : index
    %swap3A_306 = tpu.vector_load %arg9[%swap3A_305] {strides = array<i32>} : memref<400xf32, #tpu.memory_space<vmem>>, vector<16xf32>,
    tpu.vector_store %arg9[%swap3A_305], %gather3A_304 {strides = array<i32>} : memref<400xf32, #tpu.memory_space<vmem>>, vector<16xf32>,
    %get3A_307 = arith.constant 272 : index
    %get3A_308 = tpu.vector_load %arg8[%get3A_307] {strides = array<i32>} : memref<400xi32, #tpu.memory_space<vmem>>, vector<16xi32>,
    %get3A_309 = arith.constant 272 : index
    %get3A_310 = tpu.vector_load %arg7[%get3A_309] {strides = array<i32>} : memref<400xi32, #tpu.memory_space<vmem>>, vector<16xi32>,
    %gather3A_311 = tpu.vector_load_idx %arg6[%get3A_310, %get3A_308] : memref<16x256xf32, #tpu.memory_space<vmem>>[vector<16xi32>, vector<16xi32>], vector<16xf32>,
    %swap3A_312 = arith.constant 272 : index
    %swap3A_313 = tpu.vector_load %arg9[%swap3A_312] {strides = array<i32>} : memref<400xf32, #tpu.memory_space<vmem>>, vector<16xf32>,
    tpu.vector_store %arg9[%swap3A_312], %gather3A_311 {strides = array<i32>} : memref<400xf32, #tpu.memory_space<vmem>>, vector<16xf32>,
    %get3A_314 = arith.constant 288 : index
    %get3A_315 = tpu.vector_load %arg8[%get3A_314] {strides = array<i32>} : memref<400xi32, #tpu.memory_space<vmem>>, vector<16xi32>,
    %get3A_316 = arith.constant 288 : index
    %get3A_317 = tpu.vector_load %arg7[%get3A_316] {strides = array<i32>} : memref<400xi32, #tpu.memory_space<vmem>>, vector<16xi32>,
    %gather3A_318 = tpu.vector_load_idx %arg6[%get3A_317, %get3A_315] : memref<16x256xf32, #tpu.memory_space<vmem>>[vector<16xi32>, vector<16xi32>], vector<16xf32>,
    %swap3A_319 = arith.constant 288 : index
    %swap3A_320 = tpu.vector_load %arg9[%swap3A_319] {strides = array<i32>} : memref<400xf32, #tpu.memory_space<vmem>>, vector<16xf32>,
    tpu.vector_store %arg9[%swap3A_319], %gather3A_318 {strides = array<i32>} : memref<400xf32, #tpu.memory_space<vmem>>, vector<16xf32>,
    %get3A_321 = arith.constant 304 : index
    %get3A_322 = tpu.vector_load %arg8[%get3A_321] {strides = array<i32>} : memref<400xi32, #tpu.memory_space<vmem>>, vector<16xi32>,
    %get3A_323 = arith.constant 304 : index
    %get3A_324 = tpu.vector_load %arg7[%get3A_323] {strides = array<i32>} : memref<400xi32, #tpu.memory_space<vmem>>, vector<16xi32>,
    %gather3A_325 = tpu.vector_load_idx %arg6[%get3A_324, %get3A_322] : memref<16x256xf32, #tpu.memory_space<vmem>>[vector<16xi32>, vector<16xi32>], vector<16xf32>,
    %swap3A_326 = arith.constant 304 : index
    %swap3A_327 = tpu.vector_load %arg9[%swap3A_326] {strides = array<i32>} : memref<400xf32, #tpu.memory_space<vmem>>, vector<16xf32>,
    tpu.vector_store %arg9[%swap3A_326], %gather3A_325 {strides = array<i32>} : memref<400xf32, #tpu.memory_space<vmem>>, vector<16xf32>,
    %get3A_328 = arith.constant 320 : index
    %get3A_329 = tpu.vector_load %arg8[%get3A_328] {strides = array<i32>} : memref<400xi32, #tpu.memory_space<vmem>>, vector<16xi32>,
    %get3A_330 = arith.constant 320 : index
    %get3A_331 = tpu.vector_load %arg7[%get3A_330] {strides = array<i32>} : memref<400xi32, #tpu.memory_space<vmem>>, vector<16xi32>,
    %gather3A_332 = tpu.vector_load_idx %arg6[%get3A_331, %get3A_329] : memref<16x256xf32, #tpu.memory_space<vmem>>[vector<16xi32>, vector<16xi32>], vector<16xf32>,
    %swap3A_333 = arith.constant 320 : index
    %swap3A_334 = tpu.vector_load %arg9[%swap3A_333] {strides = array<i32>} : memref<400xf32, #tpu.memory_space<vmem>>, vector<16xf32>,
    tpu.vector_store %arg9[%swap3A_333], %gather3A_332 {strides = array<i32>} : memref<400xf32, #tpu.memory_space<vmem>>, vector<16xf32>,
    %get3A_335 = arith.constant 336 : index
    %get3A_336 = tpu.vector_load %arg8[%get3A_335] {strides = array<i32>} : memref<400xi32, #tpu.memory_space<vmem>>, vector<16xi32>,
    %get3A_337 = arith.constant 336 : index
    %get3A_338 = tpu.vector_load %arg7[%get3A_337] {strides = array<i32>} : memref<400xi32, #tpu.memory_space<vmem>>, vector<16xi32>,
    %gather3A_339 = tpu.vector_load_idx %arg6[%get3A_338, %get3A_336] : memref<16x256xf32, #tpu.memory_space<vmem>>[vector<16xi32>, vector<16xi32>], vector<16xf32>,
    %swap3A_340 = arith.constant 336 : index
    %swap3A_341 = tpu.vector_load %arg9[%swap3A_340] {strides = array<i32>} : memref<400xf32, #tpu.memory_space<vmem>>, vector<16xf32>,
    tpu.vector_store %arg9[%swap3A_340], %gather3A_339 {strides = array<i32>} : memref<400xf32, #tpu.memory_space<vmem>>, vector<16xf32>,
    %get3A_342 = arith.constant 352 : index
    %get3A_343 = tpu.vector_load %arg8[%get3A_342] {strides = array<i32>} : memref<400xi32, #tpu.memory_space<vmem>>, vector<16xi32>,
    %get3A_344 = arith.constant 352 : index
    %get3A_345 = tpu.vector_load %arg7[%get3A_344] {strides = array<i32>} : memref<400xi32, #tpu.memory_space<vmem>>, vector<16xi32>,
    %gather3A_346 = tpu.vector_load_idx %arg6[%get3A_345, %get3A_343] : memref<16x256xf32, #tpu.memory_space<vmem>>[vector<16xi32>, vector<16xi32>], vector<16xf32>,
    %swap3A_347 = arith.constant 352 : index
    %swap3A_348 = tpu.vector_load %arg9[%swap3A_347] {strides = array<i32>} : memref<400xf32, #tpu.memory_space<vmem>>, vector<16xf32>,
    tpu.vector_store %arg9[%swap3A_347], %gather3A_346 {strides = array<i32>} : memref<400xf32, #tpu.memory_space<vmem>>, vector<16xf32>,
    %get3A_349 = arith.constant 368 : index
    %get3A_350 = tpu.vector_load %arg8[%get3A_349] {strides = array<i32>} : memref<400xi32, #tpu.memory_space<vmem>>, vector<16xi32>,
    %get3A_351 = arith.constant 368 : index
    %get3A_352 = tpu.vector_load %arg7[%get3A_351] {strides = array<i32>} : memref<400xi32, #tpu.memory_space<vmem>>, vector<16xi32>,
    %gather3A_353 = tpu.vector_load_idx %arg6[%get3A_352, %get3A_350] : memref<16x256xf32, #tpu.memory_space<vmem>>[vector<16xi32>, vector<16xi32>], vector<16xf32>,
    %swap3A_354 = arith.constant 368 : index
    %swap3A_355 = tpu.vector_load %arg9[%swap3A_354] {strides = array<i32>} : memref<400xf32, #tpu.memory_space<vmem>>, vector<16xf32>,
    tpu.vector_store %arg9[%swap3A_354], %gather3A_353 {strides = array<i32>} : memref<400xf32, #tpu.memory_space<vmem>>, vector<16xf32>,
    %get3A_356 = arith.constant 384 : index
    %get3A_357 = tpu.vector_load %arg8[%get3A_356] {strides = array<i32>} : memref<400xi32, #tpu.memory_space<vmem>>, vector<16xi32>,
    %get3A_358 = arith.constant 384 : index
    %get3A_359 = tpu.vector_load %arg7[%get3A_358] {strides = array<i32>} : memref<400xi32, #tpu.memory_space<vmem>>, vector<16xi32>,
    %gather3A_360 = tpu.vector_load_idx %arg6[%get3A_359, %get3A_357] : memref<16x256xf32, #tpu.memory_space<vmem>>[vector<16xi32>, vector<16xi32>], vector<16xf32>,
    %swap3A_361 = arith.constant 384 : index
    %swap3A_362 = tpu.vector_load %arg9[%swap3A_361] {strides = array<i32>} : memref<400xf32, #tpu.memory_space<vmem>>, vector<16xf32>,
    tpu.vector_store %arg9[%swap3A_361], %gather3A_360 {strides = array<i32>} : memref<400xf32, #tpu.memory_space<vmem>>, vector<16xf32>,
    "tpu.region"() ({
      %run_scoped3A = tpu.sem_alloc : memref<!tpu.dma_semaphore, #tpu.memory_space<semaphore_mem>>
      %dma_start3A = tpu.memref_slice %arg5[%mul3A_187] : memref<100000xf32, #tpu.memory_space<hbm>> -> memref<400xf32, #tpu.memory_space<hbm>>
      %dma_start3A_1467 = tpu.memref_slice %arg5[%mul3A_187] : memref<100000xf32, #tpu.memory_space<hbm>> -> memref<400xf32, #tpu.memory_space<hbm>>
      tpu.enqueue_dma source(%arg9 : memref<400xf32, #tpu.memory_space<vmem>>) target(%dma_start3A_1467 : memref<400xf32, #tpu.memory_space<hbm>>) target_semaphore(%run_scoped3A : memref<!tpu.dma_semaphore, #tpu.memory_space<semaphore_mem>>)
      %dma_wait3A = tpu.memref_slice %arg5[%mul3A_187] : memref<100000xf32, #tpu.memory_space<hbm>> -> memref<400xf32, #tpu.memory_space<hbm>>
      %dma_wait3A_1468 = tpu.memref_slice %arg5[%mul3A_187] : memref<100000xf32, #tpu.memory_space<hbm>> -> memref<400xf32, #tpu.memory_space<hbm>>
      tpu.wait_dma2 semaphore(%run_scoped3A : memref<!tpu.dma_semaphore, #tpu.memory_space<semaphore_mem>>) src(%arg9 : memref<400xf32, #tpu.memory_space<vmem>>) dst(%dma_wait3A_1468 : memref<400xf32, #tpu.memory_space<hbm>>)
      tpu.yield
    }) : () -> ()
    %add3A_363 = arith.constant 64 : i32
    %add3A_364 = arith.addi %add3A, %add3A_363 : i32
    %ge3A_365 = arith.constant 250 : i32
    %ge3A_366 = arith.cmpi sge, %add3A_364, %ge3A_365 : i32
    %sub3A_367 = arith.constant 250 : i32
    %sub3A_368 = arith.subi %add3A_364, %sub3A_367 : i32
    %select_n3A_369 = arith.select %ge3A_366, %sub3A_368, %add3A_364 : i32
    %mul3A_370 = arith.constant 400 : i32
    %mul3A_371 = arith.muli %select_n3A_369, %mul3A_370 : i32
    "tpu.region"() ({
      %run_scoped3A = tpu.sem_alloc : memref<!tpu.dma_semaphore, #tpu.memory_space<semaphore_mem>>
      %dma_start3A = tpu.memref_slice %arg3[%mul3A_371] : memref<100000xi32, #tpu.memory_space<hbm>> -> memref<400xi32, #tpu.memory_space<hbm>>
      %dma_start3A_1467 = tpu.memref_slice %arg3[%mul3A_371] : memref<100000xi32, #tpu.memory_space<hbm>> -> memref<400xi32, #tpu.memory_space<hbm>>
      tpu.enqueue_dma source(%dma_start3A_1467 : memref<400xi32, #tpu.memory_space<hbm>>) target(%arg7 : memref<400xi32, #tpu.memory_space<vmem>>) target_semaphore(%run_scoped3A : memref<!tpu.dma_semaphore, #tpu.memory_space<semaphore_mem>>)
      %dma_wait3A = tpu.memref_slice %arg3[%mul3A_371] : memref<100000xi32, #tpu.memory_space<hbm>> -> memref<400xi32, #tpu.memory_space<hbm>>
      %dma_wait3A_1468 = tpu.memref_slice %arg3[%mul3A_371] : memref<100000xi32, #tpu.memory_space<hbm>> -> memref<400xi32, #tpu.memory_space<hbm>>
      tpu.wait_dma2 semaphore(%run_scoped3A : memref<!tpu.dma_semaphore, #tpu.memory_space<semaphore_mem>>) src(%dma_wait3A_1468 : memref<400xi32, #tpu.memory_space<hbm>>) dst(%arg7 : memref<400xi32, #tpu.memory_space<vmem>>)
      tpu.yield
    }) : () -> ()
    "tpu.region"() ({
      %run_scoped3A = tpu.sem_alloc : memref<!tpu.dma_semaphore, #tpu.memory_space<semaphore_mem>>
      %dma_start3A = tpu.memref_slice %arg4[%mul3A_371] : memref<100000xi32, #tpu.memory_space<hbm>> -> memref<400xi32, #tpu.memory_space<hbm>>
      %dma_start3A_1467 = tpu.memref_slice %arg4[%mul3A_371] : memref<100000xi32, #tpu.memory_space<hbm>> -> memref<400xi32, #tpu.memory_space<hbm>>
      tpu.enqueue_dma source(%dma_start3A_1467 : memref<400xi32, #tpu.memory_space<hbm>>) target(%arg8 : memref<400xi32, #tpu.memory_space<vmem>>) target_semaphore(%run_scoped3A : memref<!tpu.dma_semaphore, #tpu.memory_space<semaphore_mem>>)
      %dma_wait3A = tpu.memref_slice %arg4[%mul3A_371] : memref<100000xi32, #tpu.memory_space<hbm>> -> memref<400xi32, #tpu.memory_space<hbm>>
      %dma_wait3A_1468 = tpu.memref_slice %arg4[%mul3A_371] : memref<100000xi32, #tpu.memory_space<hbm>> -> memref<400xi32, #tpu.memory_space<hbm>>
      tpu.wait_dma2 semaphore(%run_scoped3A : memref<!tpu.dma_semaphore, #tpu.memory_space<semaphore_mem>>) src(%dma_wait3A_1468 : memref<400xi32, #tpu.memory_space<hbm>>) dst(%arg8 : memref<400xi32, #tpu.memory_space<vmem>>)
      tpu.yield
    }) : () -> ()
    %get3A_372 = arith.constant 0 : index
    %get3A_373 = tpu.vector_load %arg8[%get3A_372] {strides = array<i32>} : memref<400xi32, #tpu.memory_space<vmem>>, vector<16xi32>,
    %get3A_374 = arith.constant 0 : index
    %get3A_375 = tpu.vector_load %arg7[%get3A_374] {strides = array<i32>} : memref<400xi32, #tpu.memory_space<vmem>>, vector<16xi32>,
    %gather3A_376 = tpu.vector_load_idx %arg6[%get3A_375, %get3A_373] : memref<16x256xf32, #tpu.memory_space<vmem>>[vector<16xi32>, vector<16xi32>], vector<16xf32>,
    %swap3A_377 = arith.constant 0 : index
    %swap3A_378 = tpu.vector_load %arg9[%swap3A_377] {strides = array<i32>} : memref<400xf32, #tpu.memory_space<vmem>>, vector<16xf32>,
    tpu.vector_store %arg9[%swap3A_377], %gather3A_376 {strides = array<i32>} : memref<400xf32, #tpu.memory_space<vmem>>, vector<16xf32>,
    %get3A_379 = arith.constant 16 : index
    %get3A_380 = tpu.vector_load %arg8[%get3A_379] {strides = array<i32>} : memref<400xi32, #tpu.memory_space<vmem>>, vector<16xi32>,
    %get3A_381 = arith.constant 16 : index
    %get3A_382 = tpu.vector_load %arg7[%get3A_381] {strides = array<i32>} : memref<400xi32, #tpu.memory_space<vmem>>, vector<16xi32>,
    %gather3A_383 = tpu.vector_load_idx %arg6[%get3A_382, %get3A_380] : memref<16x256xf32, #tpu.memory_space<vmem>>[vector<16xi32>, vector<16xi32>], vector<16xf32>,
    %swap3A_384 = arith.constant 16 : index
    %swap3A_385 = tpu.vector_load %arg9[%swap3A_384] {strides = array<i32>} : memref<400xf32, #tpu.memory_space<vmem>>, vector<16xf32>,
    tpu.vector_store %arg9[%swap3A_384], %gather3A_383 {strides = array<i32>} : memref<400xf32, #tpu.memory_space<vmem>>, vector<16xf32>,
    %get3A_386 = arith.constant 32 : index
    %get3A_387 = tpu.vector_load %arg8[%get3A_386] {strides = array<i32>} : memref<400xi32, #tpu.memory_space<vmem>>, vector<16xi32>,
    %get3A_388 = arith.constant 32 : index
    %get3A_389 = tpu.vector_load %arg7[%get3A_388] {strides = array<i32>} : memref<400xi32, #tpu.memory_space<vmem>>, vector<16xi32>,
    %gather3A_390 = tpu.vector_load_idx %arg6[%get3A_389, %get3A_387] : memref<16x256xf32, #tpu.memory_space<vmem>>[vector<16xi32>, vector<16xi32>], vector<16xf32>,
    %swap3A_391 = arith.constant 32 : index
    %swap3A_392 = tpu.vector_load %arg9[%swap3A_391] {strides = array<i32>} : memref<400xf32, #tpu.memory_space<vmem>>, vector<16xf32>,
    tpu.vector_store %arg9[%swap3A_391], %gather3A_390 {strides = array<i32>} : memref<400xf32, #tpu.memory_space<vmem>>, vector<16xf32>,
    %get3A_393 = arith.constant 48 : index
    %get3A_394 = tpu.vector_load %arg8[%get3A_393] {strides = array<i32>} : memref<400xi32, #tpu.memory_space<vmem>>, vector<16xi32>,
    %get3A_395 = arith.constant 48 : index
    %get3A_396 = tpu.vector_load %arg7[%get3A_395] {strides = array<i32>} : memref<400xi32, #tpu.memory_space<vmem>>, vector<16xi32>,
    %gather3A_397 = tpu.vector_load_idx %arg6[%get3A_396, %get3A_394] : memref<16x256xf32, #tpu.memory_space<vmem>>[vector<16xi32>, vector<16xi32>], vector<16xf32>,
    %swap3A_398 = arith.constant 48 : index
    %swap3A_399 = tpu.vector_load %arg9[%swap3A_398] {strides = array<i32>} : memref<400xf32, #tpu.memory_space<vmem>>, vector<16xf32>,
    tpu.vector_store %arg9[%swap3A_398], %gather3A_397 {strides = array<i32>} : memref<400xf32, #tpu.memory_space<vmem>>, vector<16xf32>,
    %get3A_400 = arith.constant 64 : index
    %get3A_401 = tpu.vector_load %arg8[%get3A_400] {strides = array<i32>} : memref<400xi32, #tpu.memory_space<vmem>>, vector<16xi32>,
    %get3A_402 = arith.constant 64 : index
    %get3A_403 = tpu.vector_load %arg7[%get3A_402] {strides = array<i32>} : memref<400xi32, #tpu.memory_space<vmem>>, vector<16xi32>,
    %gather3A_404 = tpu.vector_load_idx %arg6[%get3A_403, %get3A_401] : memref<16x256xf32, #tpu.memory_space<vmem>>[vector<16xi32>, vector<16xi32>], vector<16xf32>,
    %swap3A_405 = arith.constant 64 : index
    %swap3A_406 = tpu.vector_load %arg9[%swap3A_405] {strides = array<i32>} : memref<400xf32, #tpu.memory_space<vmem>>, vector<16xf32>,
    tpu.vector_store %arg9[%swap3A_405], %gather3A_404 {strides = array<i32>} : memref<400xf32, #tpu.memory_space<vmem>>, vector<16xf32>,
    %get3A_407 = arith.constant 80 : index
    %get3A_408 = tpu.vector_load %arg8[%get3A_407] {strides = array<i32>} : memref<400xi32, #tpu.memory_space<vmem>>, vector<16xi32>,
    %get3A_409 = arith.constant 80 : index
    %get3A_410 = tpu.vector_load %arg7[%get3A_409] {strides = array<i32>} : memref<400xi32, #tpu.memory_space<vmem>>, vector<16xi32>,
    %gather3A_411 = tpu.vector_load_idx %arg6[%get3A_410, %get3A_408] : memref<16x256xf32, #tpu.memory_space<vmem>>[vector<16xi32>, vector<16xi32>], vector<16xf32>,
    %swap3A_412 = arith.constant 80 : index
    %swap3A_413 = tpu.vector_load %arg9[%swap3A_412] {strides = array<i32>} : memref<400xf32, #tpu.memory_space<vmem>>, vector<16xf32>,
    tpu.vector_store %arg9[%swap3A_412], %gather3A_411 {strides = array<i32>} : memref<400xf32, #tpu.memory_space<vmem>>, vector<16xf32>,
    %get3A_414 = arith.constant 96 : index
    %get3A_415 = tpu.vector_load %arg8[%get3A_414] {strides = array<i32>} : memref<400xi32, #tpu.memory_space<vmem>>, vector<16xi32>,
    %get3A_416 = arith.constant 96 : index
    %get3A_417 = tpu.vector_load %arg7[%get3A_416] {strides = array<i32>} : memref<400xi32, #tpu.memory_space<vmem>>, vector<16xi32>,
    %gather3A_418 = tpu.vector_load_idx %arg6[%get3A_417, %get3A_415] : memref<16x256xf32, #tpu.memory_space<vmem>>[vector<16xi32>, vector<16xi32>], vector<16xf32>,
    %swap3A_419 = arith.constant 96 : index
    %swap3A_420 = tpu.vector_load %arg9[%swap3A_419] {strides = array<i32>} : memref<400xf32, #tpu.memory_space<vmem>>, vector<16xf32>,
    tpu.vector_store %arg9[%swap3A_419], %gather3A_418 {strides = array<i32>} : memref<400xf32, #tpu.memory_space<vmem>>, vector<16xf32>,
    %get3A_421 = arith.constant 112 : index
    %get3A_422 = tpu.vector_load %arg8[%get3A_421] {strides = array<i32>} : memref<400xi32, #tpu.memory_space<vmem>>, vector<16xi32>,
    %get3A_423 = arith.constant 112 : index
    %get3A_424 = tpu.vector_load %arg7[%get3A_423] {strides = array<i32>} : memref<400xi32, #tpu.memory_space<vmem>>, vector<16xi32>,
    %gather3A_425 = tpu.vector_load_idx %arg6[%get3A_424, %get3A_422] : memref<16x256xf32, #tpu.memory_space<vmem>>[vector<16xi32>, vector<16xi32>], vector<16xf32>,
    %swap3A_426 = arith.constant 112 : index
    %swap3A_427 = tpu.vector_load %arg9[%swap3A_426] {strides = array<i32>} : memref<400xf32, #tpu.memory_space<vmem>>, vector<16xf32>,
    tpu.vector_store %arg9[%swap3A_426], %gather3A_425 {strides = array<i32>} : memref<400xf32, #tpu.memory_space<vmem>>, vector<16xf32>,
    %get3A_428 = arith.constant 128 : index
    %get3A_429 = tpu.vector_load %arg8[%get3A_428] {strides = array<i32>} : memref<400xi32, #tpu.memory_space<vmem>>, vector<16xi32>,
    %get3A_430 = arith.constant 128 : index
    %get3A_431 = tpu.vector_load %arg7[%get3A_430] {strides = array<i32>} : memref<400xi32, #tpu.memory_space<vmem>>, vector<16xi32>,
    %gather3A_432 = tpu.vector_load_idx %arg6[%get3A_431, %get3A_429] : memref<16x256xf32, #tpu.memory_space<vmem>>[vector<16xi32>, vector<16xi32>], vector<16xf32>,
    %swap3A_433 = arith.constant 128 : index
    %swap3A_434 = tpu.vector_load %arg9[%swap3A_433] {strides = array<i32>} : memref<400xf32, #tpu.memory_space<vmem>>, vector<16xf32>,
    tpu.vector_store %arg9[%swap3A_433], %gather3A_432 {strides = array<i32>} : memref<400xf32, #tpu.memory_space<vmem>>, vector<16xf32>,
    %get3A_435 = arith.constant 144 : index
    %get3A_436 = tpu.vector_load %arg8[%get3A_435] {strides = array<i32>} : memref<400xi32, #tpu.memory_space<vmem>>, vector<16xi32>,
    %get3A_437 = arith.constant 144 : index
    %get3A_438 = tpu.vector_load %arg7[%get3A_437] {strides = array<i32>} : memref<400xi32, #tpu.memory_space<vmem>>, vector<16xi32>,
    %gather3A_439 = tpu.vector_load_idx %arg6[%get3A_438, %get3A_436] : memref<16x256xf32, #tpu.memory_space<vmem>>[vector<16xi32>, vector<16xi32>], vector<16xf32>,
    %swap3A_440 = arith.constant 144 : index
    %swap3A_441 = tpu.vector_load %arg9[%swap3A_440] {strides = array<i32>} : memref<400xf32, #tpu.memory_space<vmem>>, vector<16xf32>,
    tpu.vector_store %arg9[%swap3A_440], %gather3A_439 {strides = array<i32>} : memref<400xf32, #tpu.memory_space<vmem>>, vector<16xf32>,
    %get3A_442 = arith.constant 160 : index
    %get3A_443 = tpu.vector_load %arg8[%get3A_442] {strides = array<i32>} : memref<400xi32, #tpu.memory_space<vmem>>, vector<16xi32>,
    %get3A_444 = arith.constant 160 : index
    %get3A_445 = tpu.vector_load %arg7[%get3A_444] {strides = array<i32>} : memref<400xi32, #tpu.memory_space<vmem>>, vector<16xi32>,
    %gather3A_446 = tpu.vector_load_idx %arg6[%get3A_445, %get3A_443] : memref<16x256xf32, #tpu.memory_space<vmem>>[vector<16xi32>, vector<16xi32>], vector<16xf32>,
    %swap3A_447 = arith.constant 160 : index
    %swap3A_448 = tpu.vector_load %arg9[%swap3A_447] {strides = array<i32>} : memref<400xf32, #tpu.memory_space<vmem>>, vector<16xf32>,
    tpu.vector_store %arg9[%swap3A_447], %gather3A_446 {strides = array<i32>} : memref<400xf32, #tpu.memory_space<vmem>>, vector<16xf32>,
    %get3A_449 = arith.constant 176 : index
    %get3A_450 = tpu.vector_load %arg8[%get3A_449] {strides = array<i32>} : memref<400xi32, #tpu.memory_space<vmem>>, vector<16xi32>,
    %get3A_451 = arith.constant 176 : index
    %get3A_452 = tpu.vector_load %arg7[%get3A_451] {strides = array<i32>} : memref<400xi32, #tpu.memory_space<vmem>>, vector<16xi32>,
    %gather3A_453 = tpu.vector_load_idx %arg6[%get3A_452, %get3A_450] : memref<16x256xf32, #tpu.memory_space<vmem>>[vector<16xi32>, vector<16xi32>], vector<16xf32>,
    %swap3A_454 = arith.constant 176 : index
    %swap3A_455 = tpu.vector_load %arg9[%swap3A_454] {strides = array<i32>} : memref<400xf32, #tpu.memory_space<vmem>>, vector<16xf32>,
    tpu.vector_store %arg9[%swap3A_454], %gather3A_453 {strides = array<i32>} : memref<400xf32, #tpu.memory_space<vmem>>, vector<16xf32>,
    %get3A_456 = arith.constant 192 : index
    %get3A_457 = tpu.vector_load %arg8[%get3A_456] {strides = array<i32>} : memref<400xi32, #tpu.memory_space<vmem>>, vector<16xi32>,
    %get3A_458 = arith.constant 192 : index
    %get3A_459 = tpu.vector_load %arg7[%get3A_458] {strides = array<i32>} : memref<400xi32, #tpu.memory_space<vmem>>, vector<16xi32>,
    %gather3A_460 = tpu.vector_load_idx %arg6[%get3A_459, %get3A_457] : memref<16x256xf32, #tpu.memory_space<vmem>>[vector<16xi32>, vector<16xi32>], vector<16xf32>,
    %swap3A_461 = arith.constant 192 : index
    %swap3A_462 = tpu.vector_load %arg9[%swap3A_461] {strides = array<i32>} : memref<400xf32, #tpu.memory_space<vmem>>, vector<16xf32>,
    tpu.vector_store %arg9[%swap3A_461], %gather3A_460 {strides = array<i32>} : memref<400xf32, #tpu.memory_space<vmem>>, vector<16xf32>,
    %get3A_463 = arith.constant 208 : index
    %get3A_464 = tpu.vector_load %arg8[%get3A_463] {strides = array<i32>} : memref<400xi32, #tpu.memory_space<vmem>>, vector<16xi32>,
    %get3A_465 = arith.constant 208 : index
    %get3A_466 = tpu.vector_load %arg7[%get3A_465] {strides = array<i32>} : memref<400xi32, #tpu.memory_space<vmem>>, vector<16xi32>,
    %gather3A_467 = tpu.vector_load_idx %arg6[%get3A_466, %get3A_464] : memref<16x256xf32, #tpu.memory_space<vmem>>[vector<16xi32>, vector<16xi32>], vector<16xf32>,
    %swap3A_468 = arith.constant 208 : index
    %swap3A_469 = tpu.vector_load %arg9[%swap3A_468] {strides = array<i32>} : memref<400xf32, #tpu.memory_space<vmem>>, vector<16xf32>,
    tpu.vector_store %arg9[%swap3A_468], %gather3A_467 {strides = array<i32>} : memref<400xf32, #tpu.memory_space<vmem>>, vector<16xf32>,
    %get3A_470 = arith.constant 224 : index
    %get3A_471 = tpu.vector_load %arg8[%get3A_470] {strides = array<i32>} : memref<400xi32, #tpu.memory_space<vmem>>, vector<16xi32>,
    %get3A_472 = arith.constant 224 : index
    %get3A_473 = tpu.vector_load %arg7[%get3A_472] {strides = array<i32>} : memref<400xi32, #tpu.memory_space<vmem>>, vector<16xi32>,
    %gather3A_474 = tpu.vector_load_idx %arg6[%get3A_473, %get3A_471] : memref<16x256xf32, #tpu.memory_space<vmem>>[vector<16xi32>, vector<16xi32>], vector<16xf32>,
    %swap3A_475 = arith.constant 224 : index
    %swap3A_476 = tpu.vector_load %arg9[%swap3A_475] {strides = array<i32>} : memref<400xf32, #tpu.memory_space<vmem>>, vector<16xf32>,
    tpu.vector_store %arg9[%swap3A_475], %gather3A_474 {strides = array<i32>} : memref<400xf32, #tpu.memory_space<vmem>>, vector<16xf32>,
    %get3A_477 = arith.constant 240 : index
    %get3A_478 = tpu.vector_load %arg8[%get3A_477] {strides = array<i32>} : memref<400xi32, #tpu.memory_space<vmem>>, vector<16xi32>,
    %get3A_479 = arith.constant 240 : index
    %get3A_480 = tpu.vector_load %arg7[%get3A_479] {strides = array<i32>} : memref<400xi32, #tpu.memory_space<vmem>>, vector<16xi32>,
    %gather3A_481 = tpu.vector_load_idx %arg6[%get3A_480, %get3A_478] : memref<16x256xf32, #tpu.memory_space<vmem>>[vector<16xi32>, vector<16xi32>], vector<16xf32>,
    %swap3A_482 = arith.constant 240 : index
    %swap3A_483 = tpu.vector_load %arg9[%swap3A_482] {strides = array<i32>} : memref<400xf32, #tpu.memory_space<vmem>>, vector<16xf32>,
    tpu.vector_store %arg9[%swap3A_482], %gather3A_481 {strides = array<i32>} : memref<400xf32, #tpu.memory_space<vmem>>, vector<16xf32>,
    %get3A_484 = arith.constant 256 : index
    %get3A_485 = tpu.vector_load %arg8[%get3A_484] {strides = array<i32>} : memref<400xi32, #tpu.memory_space<vmem>>, vector<16xi32>,
    %get3A_486 = arith.constant 256 : index
    %get3A_487 = tpu.vector_load %arg7[%get3A_486] {strides = array<i32>} : memref<400xi32, #tpu.memory_space<vmem>>, vector<16xi32>,
    %gather3A_488 = tpu.vector_load_idx %arg6[%get3A_487, %get3A_485] : memref<16x256xf32, #tpu.memory_space<vmem>>[vector<16xi32>, vector<16xi32>], vector<16xf32>,
    %swap3A_489 = arith.constant 256 : index
    %swap3A_490 = tpu.vector_load %arg9[%swap3A_489] {strides = array<i32>} : memref<400xf32, #tpu.memory_space<vmem>>, vector<16xf32>,
    tpu.vector_store %arg9[%swap3A_489], %gather3A_488 {strides = array<i32>} : memref<400xf32, #tpu.memory_space<vmem>>, vector<16xf32>,
    %get3A_491 = arith.constant 272 : index
    %get3A_492 = tpu.vector_load %arg8[%get3A_491] {strides = array<i32>} : memref<400xi32, #tpu.memory_space<vmem>>, vector<16xi32>,
    %get3A_493 = arith.constant 272 : index
    %get3A_494 = tpu.vector_load %arg7[%get3A_493] {strides = array<i32>} : memref<400xi32, #tpu.memory_space<vmem>>, vector<16xi32>,
    %gather3A_495 = tpu.vector_load_idx %arg6[%get3A_494, %get3A_492] : memref<16x256xf32, #tpu.memory_space<vmem>>[vector<16xi32>, vector<16xi32>], vector<16xf32>,
    %swap3A_496 = arith.constant 272 : index
    %swap3A_497 = tpu.vector_load %arg9[%swap3A_496] {strides = array<i32>} : memref<400xf32, #tpu.memory_space<vmem>>, vector<16xf32>,
    tpu.vector_store %arg9[%swap3A_496], %gather3A_495 {strides = array<i32>} : memref<400xf32, #tpu.memory_space<vmem>>, vector<16xf32>,
    %get3A_498 = arith.constant 288 : index
    %get3A_499 = tpu.vector_load %arg8[%get3A_498] {strides = array<i32>} : memref<400xi32, #tpu.memory_space<vmem>>, vector<16xi32>,
    %get3A_500 = arith.constant 288 : index
    %get3A_501 = tpu.vector_load %arg7[%get3A_500] {strides = array<i32>} : memref<400xi32, #tpu.memory_space<vmem>>, vector<16xi32>,
    %gather3A_502 = tpu.vector_load_idx %arg6[%get3A_501, %get3A_499] : memref<16x256xf32, #tpu.memory_space<vmem>>[vector<16xi32>, vector<16xi32>], vector<16xf32>,
    %swap3A_503 = arith.constant 288 : index
    %swap3A_504 = tpu.vector_load %arg9[%swap3A_503] {strides = array<i32>} : memref<400xf32, #tpu.memory_space<vmem>>, vector<16xf32>,
    tpu.vector_store %arg9[%swap3A_503], %gather3A_502 {strides = array<i32>} : memref<400xf32, #tpu.memory_space<vmem>>, vector<16xf32>,
    %get3A_505 = arith.constant 304 : index
    %get3A_506 = tpu.vector_load %arg8[%get3A_505] {strides = array<i32>} : memref<400xi32, #tpu.memory_space<vmem>>, vector<16xi32>,
    %get3A_507 = arith.constant 304 : index
    %get3A_508 = tpu.vector_load %arg7[%get3A_507] {strides = array<i32>} : memref<400xi32, #tpu.memory_space<vmem>>, vector<16xi32>,
    %gather3A_509 = tpu.vector_load_idx %arg6[%get3A_508, %get3A_506] : memref<16x256xf32, #tpu.memory_space<vmem>>[vector<16xi32>, vector<16xi32>], vector<16xf32>,
    %swap3A_510 = arith.constant 304 : index
    %swap3A_511 = tpu.vector_load %arg9[%swap3A_510] {strides = array<i32>} : memref<400xf32, #tpu.memory_space<vmem>>, vector<16xf32>,
    tpu.vector_store %arg9[%swap3A_510], %gather3A_509 {strides = array<i32>} : memref<400xf32, #tpu.memory_space<vmem>>, vector<16xf32>,
    %get3A_512 = arith.constant 320 : index
    %get3A_513 = tpu.vector_load %arg8[%get3A_512] {strides = array<i32>} : memref<400xi32, #tpu.memory_space<vmem>>, vector<16xi32>,
    %get3A_514 = arith.constant 320 : index
    %get3A_515 = tpu.vector_load %arg7[%get3A_514] {strides = array<i32>} : memref<400xi32, #tpu.memory_space<vmem>>, vector<16xi32>,
    %gather3A_516 = tpu.vector_load_idx %arg6[%get3A_515, %get3A_513] : memref<16x256xf32, #tpu.memory_space<vmem>>[vector<16xi32>, vector<16xi32>], vector<16xf32>,
    %swap3A_517 = arith.constant 320 : index
    %swap3A_518 = tpu.vector_load %arg9[%swap3A_517] {strides = array<i32>} : memref<400xf32, #tpu.memory_space<vmem>>, vector<16xf32>,
    tpu.vector_store %arg9[%swap3A_517], %gather3A_516 {strides = array<i32>} : memref<400xf32, #tpu.memory_space<vmem>>, vector<16xf32>,
    %get3A_519 = arith.constant 336 : index
    %get3A_520 = tpu.vector_load %arg8[%get3A_519] {strides = array<i32>} : memref<400xi32, #tpu.memory_space<vmem>>, vector<16xi32>,
    %get3A_521 = arith.constant 336 : index
    %get3A_522 = tpu.vector_load %arg7[%get3A_521] {strides = array<i32>} : memref<400xi32, #tpu.memory_space<vmem>>, vector<16xi32>,
    %gather3A_523 = tpu.vector_load_idx %arg6[%get3A_522, %get3A_520] : memref<16x256xf32, #tpu.memory_space<vmem>>[vector<16xi32>, vector<16xi32>], vector<16xf32>,
    %swap3A_524 = arith.constant 336 : index
    %swap3A_525 = tpu.vector_load %arg9[%swap3A_524] {strides = array<i32>} : memref<400xf32, #tpu.memory_space<vmem>>, vector<16xf32>,
    tpu.vector_store %arg9[%swap3A_524], %gather3A_523 {strides = array<i32>} : memref<400xf32, #tpu.memory_space<vmem>>, vector<16xf32>,
    %get3A_526 = arith.constant 352 : index
    %get3A_527 = tpu.vector_load %arg8[%get3A_526] {strides = array<i32>} : memref<400xi32, #tpu.memory_space<vmem>>, vector<16xi32>,
    %get3A_528 = arith.constant 352 : index
    %get3A_529 = tpu.vector_load %arg7[%get3A_528] {strides = array<i32>} : memref<400xi32, #tpu.memory_space<vmem>>, vector<16xi32>,
    %gather3A_530 = tpu.vector_load_idx %arg6[%get3A_529, %get3A_527] : memref<16x256xf32, #tpu.memory_space<vmem>>[vector<16xi32>, vector<16xi32>], vector<16xf32>,
    %swap3A_531 = arith.constant 352 : index
    %swap3A_532 = tpu.vector_load %arg9[%swap3A_531] {strides = array<i32>} : memref<400xf32, #tpu.memory_space<vmem>>, vector<16xf32>,
    tpu.vector_store %arg9[%swap3A_531], %gather3A_530 {strides = array<i32>} : memref<400xf32, #tpu.memory_space<vmem>>, vector<16xf32>,
    %get3A_533 = arith.constant 368 : index
    %get3A_534 = tpu.vector_load %arg8[%get3A_533] {strides = array<i32>} : memref<400xi32, #tpu.memory_space<vmem>>, vector<16xi32>,
    %get3A_535 = arith.constant 368 : index
    %get3A_536 = tpu.vector_load %arg7[%get3A_535] {strides = array<i32>} : memref<400xi32, #tpu.memory_space<vmem>>, vector<16xi32>,
    %gather3A_537 = tpu.vector_load_idx %arg6[%get3A_536, %get3A_534] : memref<16x256xf32, #tpu.memory_space<vmem>>[vector<16xi32>, vector<16xi32>], vector<16xf32>,
    %swap3A_538 = arith.constant 368 : index
    %swap3A_539 = tpu.vector_load %arg9[%swap3A_538] {strides = array<i32>} : memref<400xf32, #tpu.memory_space<vmem>>, vector<16xf32>,
    tpu.vector_store %arg9[%swap3A_538], %gather3A_537 {strides = array<i32>} : memref<400xf32, #tpu.memory_space<vmem>>, vector<16xf32>,
    %get3A_540 = arith.constant 384 : index
    %get3A_541 = tpu.vector_load %arg8[%get3A_540] {strides = array<i32>} : memref<400xi32, #tpu.memory_space<vmem>>, vector<16xi32>,
    %get3A_542 = arith.constant 384 : index
    %get3A_543 = tpu.vector_load %arg7[%get3A_542] {strides = array<i32>} : memref<400xi32, #tpu.memory_space<vmem>>, vector<16xi32>,
    %gather3A_544 = tpu.vector_load_idx %arg6[%get3A_543, %get3A_541] : memref<16x256xf32, #tpu.memory_space<vmem>>[vector<16xi32>, vector<16xi32>], vector<16xf32>,
    %swap3A_545 = arith.constant 384 : index
    %swap3A_546 = tpu.vector_load %arg9[%swap3A_545] {strides = array<i32>} : memref<400xf32, #tpu.memory_space<vmem>>, vector<16xf32>,
    tpu.vector_store %arg9[%swap3A_545], %gather3A_544 {strides = array<i32>} : memref<400xf32, #tpu.memory_space<vmem>>, vector<16xf32>,
    "tpu.region"() ({
      %run_scoped3A = tpu.sem_alloc : memref<!tpu.dma_semaphore, #tpu.memory_space<semaphore_mem>>
      %dma_start3A = tpu.memref_slice %arg5[%mul3A_371] : memref<100000xf32, #tpu.memory_space<hbm>> -> memref<400xf32, #tpu.memory_space<hbm>>
      %dma_start3A_1467 = tpu.memref_slice %arg5[%mul3A_371] : memref<100000xf32, #tpu.memory_space<hbm>> -> memref<400xf32, #tpu.memory_space<hbm>>
      tpu.enqueue_dma source(%arg9 : memref<400xf32, #tpu.memory_space<vmem>>) target(%dma_start3A_1467 : memref<400xf32, #tpu.memory_space<hbm>>) target_semaphore(%run_scoped3A : memref<!tpu.dma_semaphore, #tpu.memory_space<semaphore_mem>>)
      %dma_wait3A = tpu.memref_slice %arg5[%mul3A_371] : memref<100000xf32, #tpu.memory_space<hbm>> -> memref<400xf32, #tpu.memory_space<hbm>>
      %dma_wait3A_1468 = tpu.memref_slice %arg5[%mul3A_371] : memref<100000xf32, #tpu.memory_space<hbm>> -> memref<400xf32, #tpu.memory_space<hbm>>
      tpu.wait_dma2 semaphore(%run_scoped3A : memref<!tpu.dma_semaphore, #tpu.memory_space<semaphore_mem>>) src(%arg9 : memref<400xf32, #tpu.memory_space<vmem>>) dst(%dma_wait3A_1468 : memref<400xf32, #tpu.memory_space<hbm>>)
      tpu.yield
    }) : () -> ()
    %add3A_547 = arith.constant 96 : i32
    %add3A_548 = arith.addi %add3A, %add3A_547 : i32
    %ge3A_549 = arith.constant 250 : i32
    %ge3A_550 = arith.cmpi sge, %add3A_548, %ge3A_549 : i32
    %sub3A_551 = arith.constant 250 : i32
    %sub3A_552 = arith.subi %add3A_548, %sub3A_551 : i32
    %select_n3A_553 = arith.select %ge3A_550, %sub3A_552, %add3A_548 : i32
    %mul3A_554 = arith.constant 400 : i32
    %mul3A_555 = arith.muli %select_n3A_553, %mul3A_554 : i32
    "tpu.region"() ({
      %run_scoped3A = tpu.sem_alloc : memref<!tpu.dma_semaphore, #tpu.memory_space<semaphore_mem>>
      %dma_start3A = tpu.memref_slice %arg3[%mul3A_555] : memref<100000xi32, #tpu.memory_space<hbm>> -> memref<400xi32, #tpu.memory_space<hbm>>
      %dma_start3A_1467 = tpu.memref_slice %arg3[%mul3A_555] : memref<100000xi32, #tpu.memory_space<hbm>> -> memref<400xi32, #tpu.memory_space<hbm>>
      tpu.enqueue_dma source(%dma_start3A_1467 : memref<400xi32, #tpu.memory_space<hbm>>) target(%arg7 : memref<400xi32, #tpu.memory_space<vmem>>) target_semaphore(%run_scoped3A : memref<!tpu.dma_semaphore, #tpu.memory_space<semaphore_mem>>)
      %dma_wait3A = tpu.memref_slice %arg3[%mul3A_555] : memref<100000xi32, #tpu.memory_space<hbm>> -> memref<400xi32, #tpu.memory_space<hbm>>
      %dma_wait3A_1468 = tpu.memref_slice %arg3[%mul3A_555] : memref<100000xi32, #tpu.memory_space<hbm>> -> memref<400xi32, #tpu.memory_space<hbm>>
      tpu.wait_dma2 semaphore(%run_scoped3A : memref<!tpu.dma_semaphore, #tpu.memory_space<semaphore_mem>>) src(%dma_wait3A_1468 : memref<400xi32, #tpu.memory_space<hbm>>) dst(%arg7 : memref<400xi32, #tpu.memory_space<vmem>>)
      tpu.yield
    }) : () -> ()
    "tpu.region"() ({
      %run_scoped3A = tpu.sem_alloc : memref<!tpu.dma_semaphore, #tpu.memory_space<semaphore_mem>>
      %dma_start3A = tpu.memref_slice %arg4[%mul3A_555] : memref<100000xi32, #tpu.memory_space<hbm>> -> memref<400xi32, #tpu.memory_space<hbm>>
      %dma_start3A_1467 = tpu.memref_slice %arg4[%mul3A_555] : memref<100000xi32, #tpu.memory_space<hbm>> -> memref<400xi32, #tpu.memory_space<hbm>>
      tpu.enqueue_dma source(%dma_start3A_1467 : memref<400xi32, #tpu.memory_space<hbm>>) target(%arg8 : memref<400xi32, #tpu.memory_space<vmem>>) target_semaphore(%run_scoped3A : memref<!tpu.dma_semaphore, #tpu.memory_space<semaphore_mem>>)
      %dma_wait3A = tpu.memref_slice %arg4[%mul3A_555] : memref<100000xi32, #tpu.memory_space<hbm>> -> memref<400xi32, #tpu.memory_space<hbm>>
      %dma_wait3A_1468 = tpu.memref_slice %arg4[%mul3A_555] : memref<100000xi32, #tpu.memory_space<hbm>> -> memref<400xi32, #tpu.memory_space<hbm>>
      tpu.wait_dma2 semaphore(%run_scoped3A : memref<!tpu.dma_semaphore, #tpu.memory_space<semaphore_mem>>) src(%dma_wait3A_1468 : memref<400xi32, #tpu.memory_space<hbm>>) dst(%arg8 : memref<400xi32, #tpu.memory_space<vmem>>)
      tpu.yield
    }) : () -> ()
    %get3A_556 = arith.constant 0 : index
    %get3A_557 = tpu.vector_load %arg8[%get3A_556] {strides = array<i32>} : memref<400xi32, #tpu.memory_space<vmem>>, vector<16xi32>,
    %get3A_558 = arith.constant 0 : index
    %get3A_559 = tpu.vector_load %arg7[%get3A_558] {strides = array<i32>} : memref<400xi32, #tpu.memory_space<vmem>>, vector<16xi32>,
    %gather3A_560 = tpu.vector_load_idx %arg6[%get3A_559, %get3A_557] : memref<16x256xf32, #tpu.memory_space<vmem>>[vector<16xi32>, vector<16xi32>], vector<16xf32>,
    %swap3A_561 = arith.constant 0 : index
    %swap3A_562 = tpu.vector_load %arg9[%swap3A_561] {strides = array<i32>} : memref<400xf32, #tpu.memory_space<vmem>>, vector<16xf32>,
    tpu.vector_store %arg9[%swap3A_561], %gather3A_560 {strides = array<i32>} : memref<400xf32, #tpu.memory_space<vmem>>, vector<16xf32>,
    %get3A_563 = arith.constant 16 : index
    %get3A_564 = tpu.vector_load %arg8[%get3A_563] {strides = array<i32>} : memref<400xi32, #tpu.memory_space<vmem>>, vector<16xi32>,
    %get3A_565 = arith.constant 16 : index
    %get3A_566 = tpu.vector_load %arg7[%get3A_565] {strides = array<i32>} : memref<400xi32, #tpu.memory_space<vmem>>, vector<16xi32>,
    %gather3A_567 = tpu.vector_load_idx %arg6[%get3A_566, %get3A_564] : memref<16x256xf32, #tpu.memory_space<vmem>>[vector<16xi32>, vector<16xi32>], vector<16xf32>,
    %swap3A_568 = arith.constant 16 : index
    %swap3A_569 = tpu.vector_load %arg9[%swap3A_568] {strides = array<i32>} : memref<400xf32, #tpu.memory_space<vmem>>, vector<16xf32>,
    tpu.vector_store %arg9[%swap3A_568], %gather3A_567 {strides = array<i32>} : memref<400xf32, #tpu.memory_space<vmem>>, vector<16xf32>,
    %get3A_570 = arith.constant 32 : index
    %get3A_571 = tpu.vector_load %arg8[%get3A_570] {strides = array<i32>} : memref<400xi32, #tpu.memory_space<vmem>>, vector<16xi32>,
    %get3A_572 = arith.constant 32 : index
    %get3A_573 = tpu.vector_load %arg7[%get3A_572] {strides = array<i32>} : memref<400xi32, #tpu.memory_space<vmem>>, vector<16xi32>,
    %gather3A_574 = tpu.vector_load_idx %arg6[%get3A_573, %get3A_571] : memref<16x256xf32, #tpu.memory_space<vmem>>[vector<16xi32>, vector<16xi32>], vector<16xf32>,
    %swap3A_575 = arith.constant 32 : index
    %swap3A_576 = tpu.vector_load %arg9[%swap3A_575] {strides = array<i32>} : memref<400xf32, #tpu.memory_space<vmem>>, vector<16xf32>,
    tpu.vector_store %arg9[%swap3A_575], %gather3A_574 {strides = array<i32>} : memref<400xf32, #tpu.memory_space<vmem>>, vector<16xf32>,
    %get3A_577 = arith.constant 48 : index
    %get3A_578 = tpu.vector_load %arg8[%get3A_577] {strides = array<i32>} : memref<400xi32, #tpu.memory_space<vmem>>, vector<16xi32>,
    %get3A_579 = arith.constant 48 : index
    %get3A_580 = tpu.vector_load %arg7[%get3A_579] {strides = array<i32>} : memref<400xi32, #tpu.memory_space<vmem>>, vector<16xi32>,
    %gather3A_581 = tpu.vector_load_idx %arg6[%get3A_580, %get3A_578] : memref<16x256xf32, #tpu.memory_space<vmem>>[vector<16xi32>, vector<16xi32>], vector<16xf32>,
    %swap3A_582 = arith.constant 48 : index
    %swap3A_583 = tpu.vector_load %arg9[%swap3A_582] {strides = array<i32>} : memref<400xf32, #tpu.memory_space<vmem>>, vector<16xf32>,
    tpu.vector_store %arg9[%swap3A_582], %gather3A_581 {strides = array<i32>} : memref<400xf32, #tpu.memory_space<vmem>>, vector<16xf32>,
    %get3A_584 = arith.constant 64 : index
    %get3A_585 = tpu.vector_load %arg8[%get3A_584] {strides = array<i32>} : memref<400xi32, #tpu.memory_space<vmem>>, vector<16xi32>,
    %get3A_586 = arith.constant 64 : index
    %get3A_587 = tpu.vector_load %arg7[%get3A_586] {strides = array<i32>} : memref<400xi32, #tpu.memory_space<vmem>>, vector<16xi32>,
    %gather3A_588 = tpu.vector_load_idx %arg6[%get3A_587, %get3A_585] : memref<16x256xf32, #tpu.memory_space<vmem>>[vector<16xi32>, vector<16xi32>], vector<16xf32>,
    %swap3A_589 = arith.constant 64 : index
    %swap3A_590 = tpu.vector_load %arg9[%swap3A_589] {strides = array<i32>} : memref<400xf32, #tpu.memory_space<vmem>>, vector<16xf32>,
    tpu.vector_store %arg9[%swap3A_589], %gather3A_588 {strides = array<i32>} : memref<400xf32, #tpu.memory_space<vmem>>, vector<16xf32>,
    %get3A_591 = arith.constant 80 : index
    %get3A_592 = tpu.vector_load %arg8[%get3A_591] {strides = array<i32>} : memref<400xi32, #tpu.memory_space<vmem>>, vector<16xi32>,
    %get3A_593 = arith.constant 80 : index
    %get3A_594 = tpu.vector_load %arg7[%get3A_593] {strides = array<i32>} : memref<400xi32, #tpu.memory_space<vmem>>, vector<16xi32>,
    %gather3A_595 = tpu.vector_load_idx %arg6[%get3A_594, %get3A_592] : memref<16x256xf32, #tpu.memory_space<vmem>>[vector<16xi32>, vector<16xi32>], vector<16xf32>,
    %swap3A_596 = arith.constant 80 : index
    %swap3A_597 = tpu.vector_load %arg9[%swap3A_596] {strides = array<i32>} : memref<400xf32, #tpu.memory_space<vmem>>, vector<16xf32>,
    tpu.vector_store %arg9[%swap3A_596], %gather3A_595 {strides = array<i32>} : memref<400xf32, #tpu.memory_space<vmem>>, vector<16xf32>,
    %get3A_598 = arith.constant 96 : index
    %get3A_599 = tpu.vector_load %arg8[%get3A_598] {strides = array<i32>} : memref<400xi32, #tpu.memory_space<vmem>>, vector<16xi32>,
    %get3A_600 = arith.constant 96 : index
    %get3A_601 = tpu.vector_load %arg7[%get3A_600] {strides = array<i32>} : memref<400xi32, #tpu.memory_space<vmem>>, vector<16xi32>,
    %gather3A_602 = tpu.vector_load_idx %arg6[%get3A_601, %get3A_599] : memref<16x256xf32, #tpu.memory_space<vmem>>[vector<16xi32>, vector<16xi32>], vector<16xf32>,
    %swap3A_603 = arith.constant 96 : index
    %swap3A_604 = tpu.vector_load %arg9[%swap3A_603] {strides = array<i32>} : memref<400xf32, #tpu.memory_space<vmem>>, vector<16xf32>,
    tpu.vector_store %arg9[%swap3A_603], %gather3A_602 {strides = array<i32>} : memref<400xf32, #tpu.memory_space<vmem>>, vector<16xf32>,
    %get3A_605 = arith.constant 112 : index
    %get3A_606 = tpu.vector_load %arg8[%get3A_605] {strides = array<i32>} : memref<400xi32, #tpu.memory_space<vmem>>, vector<16xi32>,
    %get3A_607 = arith.constant 112 : index
    %get3A_608 = tpu.vector_load %arg7[%get3A_607] {strides = array<i32>} : memref<400xi32, #tpu.memory_space<vmem>>, vector<16xi32>,
    %gather3A_609 = tpu.vector_load_idx %arg6[%get3A_608, %get3A_606] : memref<16x256xf32, #tpu.memory_space<vmem>>[vector<16xi32>, vector<16xi32>], vector<16xf32>,
    %swap3A_610 = arith.constant 112 : index
    %swap3A_611 = tpu.vector_load %arg9[%swap3A_610] {strides = array<i32>} : memref<400xf32, #tpu.memory_space<vmem>>, vector<16xf32>,
    tpu.vector_store %arg9[%swap3A_610], %gather3A_609 {strides = array<i32>} : memref<400xf32, #tpu.memory_space<vmem>>, vector<16xf32>,
    %get3A_612 = arith.constant 128 : index
    %get3A_613 = tpu.vector_load %arg8[%get3A_612] {strides = array<i32>} : memref<400xi32, #tpu.memory_space<vmem>>, vector<16xi32>,
    %get3A_614 = arith.constant 128 : index
    %get3A_615 = tpu.vector_load %arg7[%get3A_614] {strides = array<i32>} : memref<400xi32, #tpu.memory_space<vmem>>, vector<16xi32>,
    %gather3A_616 = tpu.vector_load_idx %arg6[%get3A_615, %get3A_613] : memref<16x256xf32, #tpu.memory_space<vmem>>[vector<16xi32>, vector<16xi32>], vector<16xf32>,
    %swap3A_617 = arith.constant 128 : index
    %swap3A_618 = tpu.vector_load %arg9[%swap3A_617] {strides = array<i32>} : memref<400xf32, #tpu.memory_space<vmem>>, vector<16xf32>,
    tpu.vector_store %arg9[%swap3A_617], %gather3A_616 {strides = array<i32>} : memref<400xf32, #tpu.memory_space<vmem>>, vector<16xf32>,
    %get3A_619 = arith.constant 144 : index
    %get3A_620 = tpu.vector_load %arg8[%get3A_619] {strides = array<i32>} : memref<400xi32, #tpu.memory_space<vmem>>, vector<16xi32>,
    %get3A_621 = arith.constant 144 : index
    %get3A_622 = tpu.vector_load %arg7[%get3A_621] {strides = array<i32>} : memref<400xi32, #tpu.memory_space<vmem>>, vector<16xi32>,
    %gather3A_623 = tpu.vector_load_idx %arg6[%get3A_622, %get3A_620] : memref<16x256xf32, #tpu.memory_space<vmem>>[vector<16xi32>, vector<16xi32>], vector<16xf32>,
    %swap3A_624 = arith.constant 144 : index
    %swap3A_625 = tpu.vector_load %arg9[%swap3A_624] {strides = array<i32>} : memref<400xf32, #tpu.memory_space<vmem>>, vector<16xf32>,
    tpu.vector_store %arg9[%swap3A_624], %gather3A_623 {strides = array<i32>} : memref<400xf32, #tpu.memory_space<vmem>>, vector<16xf32>,
    %get3A_626 = arith.constant 160 : index
    %get3A_627 = tpu.vector_load %arg8[%get3A_626] {strides = array<i32>} : memref<400xi32, #tpu.memory_space<vmem>>, vector<16xi32>,
    %get3A_628 = arith.constant 160 : index
    %get3A_629 = tpu.vector_load %arg7[%get3A_628] {strides = array<i32>} : memref<400xi32, #tpu.memory_space<vmem>>, vector<16xi32>,
    %gather3A_630 = tpu.vector_load_idx %arg6[%get3A_629, %get3A_627] : memref<16x256xf32, #tpu.memory_space<vmem>>[vector<16xi32>, vector<16xi32>], vector<16xf32>,
    %swap3A_631 = arith.constant 160 : index
    %swap3A_632 = tpu.vector_load %arg9[%swap3A_631] {strides = array<i32>} : memref<400xf32, #tpu.memory_space<vmem>>, vector<16xf32>,
    tpu.vector_store %arg9[%swap3A_631], %gather3A_630 {strides = array<i32>} : memref<400xf32, #tpu.memory_space<vmem>>, vector<16xf32>,
    %get3A_633 = arith.constant 176 : index
    %get3A_634 = tpu.vector_load %arg8[%get3A_633] {strides = array<i32>} : memref<400xi32, #tpu.memory_space<vmem>>, vector<16xi32>,
    %get3A_635 = arith.constant 176 : index
    %get3A_636 = tpu.vector_load %arg7[%get3A_635] {strides = array<i32>} : memref<400xi32, #tpu.memory_space<vmem>>, vector<16xi32>,
    %gather3A_637 = tpu.vector_load_idx %arg6[%get3A_636, %get3A_634] : memref<16x256xf32, #tpu.memory_space<vmem>>[vector<16xi32>, vector<16xi32>], vector<16xf32>,
    %swap3A_638 = arith.constant 176 : index
    %swap3A_639 = tpu.vector_load %arg9[%swap3A_638] {strides = array<i32>} : memref<400xf32, #tpu.memory_space<vmem>>, vector<16xf32>,
    tpu.vector_store %arg9[%swap3A_638], %gather3A_637 {strides = array<i32>} : memref<400xf32, #tpu.memory_space<vmem>>, vector<16xf32>,
    %get3A_640 = arith.constant 192 : index
    %get3A_641 = tpu.vector_load %arg8[%get3A_640] {strides = array<i32>} : memref<400xi32, #tpu.memory_space<vmem>>, vector<16xi32>,
    %get3A_642 = arith.constant 192 : index
    %get3A_643 = tpu.vector_load %arg7[%get3A_642] {strides = array<i32>} : memref<400xi32, #tpu.memory_space<vmem>>, vector<16xi32>,
    %gather3A_644 = tpu.vector_load_idx %arg6[%get3A_643, %get3A_641] : memref<16x256xf32, #tpu.memory_space<vmem>>[vector<16xi32>, vector<16xi32>], vector<16xf32>,
    %swap3A_645 = arith.constant 192 : index
    %swap3A_646 = tpu.vector_load %arg9[%swap3A_645] {strides = array<i32>} : memref<400xf32, #tpu.memory_space<vmem>>, vector<16xf32>,
    tpu.vector_store %arg9[%swap3A_645], %gather3A_644 {strides = array<i32>} : memref<400xf32, #tpu.memory_space<vmem>>, vector<16xf32>,
    %get3A_647 = arith.constant 208 : index
    %get3A_648 = tpu.vector_load %arg8[%get3A_647] {strides = array<i32>} : memref<400xi32, #tpu.memory_space<vmem>>, vector<16xi32>,
    %get3A_649 = arith.constant 208 : index
    %get3A_650 = tpu.vector_load %arg7[%get3A_649] {strides = array<i32>} : memref<400xi32, #tpu.memory_space<vmem>>, vector<16xi32>,
    %gather3A_651 = tpu.vector_load_idx %arg6[%get3A_650, %get3A_648] : memref<16x256xf32, #tpu.memory_space<vmem>>[vector<16xi32>, vector<16xi32>], vector<16xf32>,
    %swap3A_652 = arith.constant 208 : index
    %swap3A_653 = tpu.vector_load %arg9[%swap3A_652] {strides = array<i32>} : memref<400xf32, #tpu.memory_space<vmem>>, vector<16xf32>,
    tpu.vector_store %arg9[%swap3A_652], %gather3A_651 {strides = array<i32>} : memref<400xf32, #tpu.memory_space<vmem>>, vector<16xf32>,
    %get3A_654 = arith.constant 224 : index
    %get3A_655 = tpu.vector_load %arg8[%get3A_654] {strides = array<i32>} : memref<400xi32, #tpu.memory_space<vmem>>, vector<16xi32>,
    %get3A_656 = arith.constant 224 : index
    %get3A_657 = tpu.vector_load %arg7[%get3A_656] {strides = array<i32>} : memref<400xi32, #tpu.memory_space<vmem>>, vector<16xi32>,
    %gather3A_658 = tpu.vector_load_idx %arg6[%get3A_657, %get3A_655] : memref<16x256xf32, #tpu.memory_space<vmem>>[vector<16xi32>, vector<16xi32>], vector<16xf32>,
    %swap3A_659 = arith.constant 224 : index
    %swap3A_660 = tpu.vector_load %arg9[%swap3A_659] {strides = array<i32>} : memref<400xf32, #tpu.memory_space<vmem>>, vector<16xf32>,
    tpu.vector_store %arg9[%swap3A_659], %gather3A_658 {strides = array<i32>} : memref<400xf32, #tpu.memory_space<vmem>>, vector<16xf32>,
    %get3A_661 = arith.constant 240 : index
    %get3A_662 = tpu.vector_load %arg8[%get3A_661] {strides = array<i32>} : memref<400xi32, #tpu.memory_space<vmem>>, vector<16xi32>,
    %get3A_663 = arith.constant 240 : index
    %get3A_664 = tpu.vector_load %arg7[%get3A_663] {strides = array<i32>} : memref<400xi32, #tpu.memory_space<vmem>>, vector<16xi32>,
    %gather3A_665 = tpu.vector_load_idx %arg6[%get3A_664, %get3A_662] : memref<16x256xf32, #tpu.memory_space<vmem>>[vector<16xi32>, vector<16xi32>], vector<16xf32>,
    %swap3A_666 = arith.constant 240 : index
    %swap3A_667 = tpu.vector_load %arg9[%swap3A_666] {strides = array<i32>} : memref<400xf32, #tpu.memory_space<vmem>>, vector<16xf32>,
    tpu.vector_store %arg9[%swap3A_666], %gather3A_665 {strides = array<i32>} : memref<400xf32, #tpu.memory_space<vmem>>, vector<16xf32>,
    %get3A_668 = arith.constant 256 : index
    %get3A_669 = tpu.vector_load %arg8[%get3A_668] {strides = array<i32>} : memref<400xi32, #tpu.memory_space<vmem>>, vector<16xi32>,
    %get3A_670 = arith.constant 256 : index
    %get3A_671 = tpu.vector_load %arg7[%get3A_670] {strides = array<i32>} : memref<400xi32, #tpu.memory_space<vmem>>, vector<16xi32>,
    %gather3A_672 = tpu.vector_load_idx %arg6[%get3A_671, %get3A_669] : memref<16x256xf32, #tpu.memory_space<vmem>>[vector<16xi32>, vector<16xi32>], vector<16xf32>,
    %swap3A_673 = arith.constant 256 : index
    %swap3A_674 = tpu.vector_load %arg9[%swap3A_673] {strides = array<i32>} : memref<400xf32, #tpu.memory_space<vmem>>, vector<16xf32>,
    tpu.vector_store %arg9[%swap3A_673], %gather3A_672 {strides = array<i32>} : memref<400xf32, #tpu.memory_space<vmem>>, vector<16xf32>,
    %get3A_675 = arith.constant 272 : index
    %get3A_676 = tpu.vector_load %arg8[%get3A_675] {strides = array<i32>} : memref<400xi32, #tpu.memory_space<vmem>>, vector<16xi32>,
    %get3A_677 = arith.constant 272 : index
    %get3A_678 = tpu.vector_load %arg7[%get3A_677] {strides = array<i32>} : memref<400xi32, #tpu.memory_space<vmem>>, vector<16xi32>,
    %gather3A_679 = tpu.vector_load_idx %arg6[%get3A_678, %get3A_676] : memref<16x256xf32, #tpu.memory_space<vmem>>[vector<16xi32>, vector<16xi32>], vector<16xf32>,
    %swap3A_680 = arith.constant 272 : index
    %swap3A_681 = tpu.vector_load %arg9[%swap3A_680] {strides = array<i32>} : memref<400xf32, #tpu.memory_space<vmem>>, vector<16xf32>,
    tpu.vector_store %arg9[%swap3A_680], %gather3A_679 {strides = array<i32>} : memref<400xf32, #tpu.memory_space<vmem>>, vector<16xf32>,
    %get3A_682 = arith.constant 288 : index
    %get3A_683 = tpu.vector_load %arg8[%get3A_682] {strides = array<i32>} : memref<400xi32, #tpu.memory_space<vmem>>, vector<16xi32>,
    %get3A_684 = arith.constant 288 : index
    %get3A_685 = tpu.vector_load %arg7[%get3A_684] {strides = array<i32>} : memref<400xi32, #tpu.memory_space<vmem>>, vector<16xi32>,
    %gather3A_686 = tpu.vector_load_idx %arg6[%get3A_685, %get3A_683] : memref<16x256xf32, #tpu.memory_space<vmem>>[vector<16xi32>, vector<16xi32>], vector<16xf32>,
    %swap3A_687 = arith.constant 288 : index
    %swap3A_688 = tpu.vector_load %arg9[%swap3A_687] {strides = array<i32>} : memref<400xf32, #tpu.memory_space<vmem>>, vector<16xf32>,
    tpu.vector_store %arg9[%swap3A_687], %gather3A_686 {strides = array<i32>} : memref<400xf32, #tpu.memory_space<vmem>>, vector<16xf32>,
    %get3A_689 = arith.constant 304 : index
    %get3A_690 = tpu.vector_load %arg8[%get3A_689] {strides = array<i32>} : memref<400xi32, #tpu.memory_space<vmem>>, vector<16xi32>,
    %get3A_691 = arith.constant 304 : index
    %get3A_692 = tpu.vector_load %arg7[%get3A_691] {strides = array<i32>} : memref<400xi32, #tpu.memory_space<vmem>>, vector<16xi32>,
    %gather3A_693 = tpu.vector_load_idx %arg6[%get3A_692, %get3A_690] : memref<16x256xf32, #tpu.memory_space<vmem>>[vector<16xi32>, vector<16xi32>], vector<16xf32>,
    %swap3A_694 = arith.constant 304 : index
    %swap3A_695 = tpu.vector_load %arg9[%swap3A_694] {strides = array<i32>} : memref<400xf32, #tpu.memory_space<vmem>>, vector<16xf32>,
    tpu.vector_store %arg9[%swap3A_694], %gather3A_693 {strides = array<i32>} : memref<400xf32, #tpu.memory_space<vmem>>, vector<16xf32>,
    %get3A_696 = arith.constant 320 : index
    %get3A_697 = tpu.vector_load %arg8[%get3A_696] {strides = array<i32>} : memref<400xi32, #tpu.memory_space<vmem>>, vector<16xi32>,
    %get3A_698 = arith.constant 320 : index
    %get3A_699 = tpu.vector_load %arg7[%get3A_698] {strides = array<i32>} : memref<400xi32, #tpu.memory_space<vmem>>, vector<16xi32>,
    %gather3A_700 = tpu.vector_load_idx %arg6[%get3A_699, %get3A_697] : memref<16x256xf32, #tpu.memory_space<vmem>>[vector<16xi32>, vector<16xi32>], vector<16xf32>,
    %swap3A_701 = arith.constant 320 : index
    %swap3A_702 = tpu.vector_load %arg9[%swap3A_701] {strides = array<i32>} : memref<400xf32, #tpu.memory_space<vmem>>, vector<16xf32>,
    tpu.vector_store %arg9[%swap3A_701], %gather3A_700 {strides = array<i32>} : memref<400xf32, #tpu.memory_space<vmem>>, vector<16xf32>,
    %get3A_703 = arith.constant 336 : index
    %get3A_704 = tpu.vector_load %arg8[%get3A_703] {strides = array<i32>} : memref<400xi32, #tpu.memory_space<vmem>>, vector<16xi32>,
    %get3A_705 = arith.constant 336 : index
    %get3A_706 = tpu.vector_load %arg7[%get3A_705] {strides = array<i32>} : memref<400xi32, #tpu.memory_space<vmem>>, vector<16xi32>,
    %gather3A_707 = tpu.vector_load_idx %arg6[%get3A_706, %get3A_704] : memref<16x256xf32, #tpu.memory_space<vmem>>[vector<16xi32>, vector<16xi32>], vector<16xf32>,
    %swap3A_708 = arith.constant 336 : index
    %swap3A_709 = tpu.vector_load %arg9[%swap3A_708] {strides = array<i32>} : memref<400xf32, #tpu.memory_space<vmem>>, vector<16xf32>,
    tpu.vector_store %arg9[%swap3A_708], %gather3A_707 {strides = array<i32>} : memref<400xf32, #tpu.memory_space<vmem>>, vector<16xf32>,
    %get3A_710 = arith.constant 352 : index
    %get3A_711 = tpu.vector_load %arg8[%get3A_710] {strides = array<i32>} : memref<400xi32, #tpu.memory_space<vmem>>, vector<16xi32>,
    %get3A_712 = arith.constant 352 : index
    %get3A_713 = tpu.vector_load %arg7[%get3A_712] {strides = array<i32>} : memref<400xi32, #tpu.memory_space<vmem>>, vector<16xi32>,
    %gather3A_714 = tpu.vector_load_idx %arg6[%get3A_713, %get3A_711] : memref<16x256xf32, #tpu.memory_space<vmem>>[vector<16xi32>, vector<16xi32>], vector<16xf32>,
    %swap3A_715 = arith.constant 352 : index
    %swap3A_716 = tpu.vector_load %arg9[%swap3A_715] {strides = array<i32>} : memref<400xf32, #tpu.memory_space<vmem>>, vector<16xf32>,
    tpu.vector_store %arg9[%swap3A_715], %gather3A_714 {strides = array<i32>} : memref<400xf32, #tpu.memory_space<vmem>>, vector<16xf32>,
    %get3A_717 = arith.constant 368 : index
    %get3A_718 = tpu.vector_load %arg8[%get3A_717] {strides = array<i32>} : memref<400xi32, #tpu.memory_space<vmem>>, vector<16xi32>,
    %get3A_719 = arith.constant 368 : index
    %get3A_720 = tpu.vector_load %arg7[%get3A_719] {strides = array<i32>} : memref<400xi32, #tpu.memory_space<vmem>>, vector<16xi32>,
    %gather3A_721 = tpu.vector_load_idx %arg6[%get3A_720, %get3A_718] : memref<16x256xf32, #tpu.memory_space<vmem>>[vector<16xi32>, vector<16xi32>], vector<16xf32>,
    %swap3A_722 = arith.constant 368 : index
    %swap3A_723 = tpu.vector_load %arg9[%swap3A_722] {strides = array<i32>} : memref<400xf32, #tpu.memory_space<vmem>>, vector<16xf32>,
    tpu.vector_store %arg9[%swap3A_722], %gather3A_721 {strides = array<i32>} : memref<400xf32, #tpu.memory_space<vmem>>, vector<16xf32>,
    %get3A_724 = arith.constant 384 : index
    %get3A_725 = tpu.vector_load %arg8[%get3A_724] {strides = array<i32>} : memref<400xi32, #tpu.memory_space<vmem>>, vector<16xi32>,
    %get3A_726 = arith.constant 384 : index
    %get3A_727 = tpu.vector_load %arg7[%get3A_726] {strides = array<i32>} : memref<400xi32, #tpu.memory_space<vmem>>, vector<16xi32>,
    %gather3A_728 = tpu.vector_load_idx %arg6[%get3A_727, %get3A_725] : memref<16x256xf32, #tpu.memory_space<vmem>>[vector<16xi32>, vector<16xi32>], vector<16xf32>,
    %swap3A_729 = arith.constant 384 : index
    %swap3A_730 = tpu.vector_load %arg9[%swap3A_729] {strides = array<i32>} : memref<400xf32, #tpu.memory_space<vmem>>, vector<16xf32>,
    tpu.vector_store %arg9[%swap3A_729], %gather3A_728 {strides = array<i32>} : memref<400xf32, #tpu.memory_space<vmem>>, vector<16xf32>,
    "tpu.region"() ({
      %run_scoped3A = tpu.sem_alloc : memref<!tpu.dma_semaphore, #tpu.memory_space<semaphore_mem>>
      %dma_start3A = tpu.memref_slice %arg5[%mul3A_555] : memref<100000xf32, #tpu.memory_space<hbm>> -> memref<400xf32, #tpu.memory_space<hbm>>
      %dma_start3A_1467 = tpu.memref_slice %arg5[%mul3A_555] : memref<100000xf32, #tpu.memory_space<hbm>> -> memref<400xf32, #tpu.memory_space<hbm>>
      tpu.enqueue_dma source(%arg9 : memref<400xf32, #tpu.memory_space<vmem>>) target(%dma_start3A_1467 : memref<400xf32, #tpu.memory_space<hbm>>) target_semaphore(%run_scoped3A : memref<!tpu.dma_semaphore, #tpu.memory_space<semaphore_mem>>)
      %dma_wait3A = tpu.memref_slice %arg5[%mul3A_555] : memref<100000xf32, #tpu.memory_space<hbm>> -> memref<400xf32, #tpu.memory_space<hbm>>
      %dma_wait3A_1468 = tpu.memref_slice %arg5[%mul3A_555] : memref<100000xf32, #tpu.memory_space<hbm>> -> memref<400xf32, #tpu.memory_space<hbm>>
      tpu.wait_dma2 semaphore(%run_scoped3A : memref<!tpu.dma_semaphore, #tpu.memory_space<semaphore_mem>>) src(%arg9 : memref<400xf32, #tpu.memory_space<vmem>>) dst(%dma_wait3A_1468 : memref<400xf32, #tpu.memory_space<hbm>>)
      tpu.yield
    }) : () -> ()
    %add3A_731 = arith.constant 128 : i32
    %add3A_732 = arith.addi %add3A, %add3A_731 : i32
    %ge3A_733 = arith.constant 250 : i32
    %ge3A_734 = arith.cmpi sge, %add3A_732, %ge3A_733 : i32
    %sub3A_735 = arith.constant 250 : i32
    %sub3A_736 = arith.subi %add3A_732, %sub3A_735 : i32
    %select_n3A_737 = arith.select %ge3A_734, %sub3A_736, %add3A_732 : i32
    %mul3A_738 = arith.constant 400 : i32
    %mul3A_739 = arith.muli %select_n3A_737, %mul3A_738 : i32
    "tpu.region"() ({
      %run_scoped3A = tpu.sem_alloc : memref<!tpu.dma_semaphore, #tpu.memory_space<semaphore_mem>>
      %dma_start3A = tpu.memref_slice %arg3[%mul3A_739] : memref<100000xi32, #tpu.memory_space<hbm>> -> memref<400xi32, #tpu.memory_space<hbm>>
      %dma_start3A_1467 = tpu.memref_slice %arg3[%mul3A_739] : memref<100000xi32, #tpu.memory_space<hbm>> -> memref<400xi32, #tpu.memory_space<hbm>>
      tpu.enqueue_dma source(%dma_start3A_1467 : memref<400xi32, #tpu.memory_space<hbm>>) target(%arg7 : memref<400xi32, #tpu.memory_space<vmem>>) target_semaphore(%run_scoped3A : memref<!tpu.dma_semaphore, #tpu.memory_space<semaphore_mem>>)
      %dma_wait3A = tpu.memref_slice %arg3[%mul3A_739] : memref<100000xi32, #tpu.memory_space<hbm>> -> memref<400xi32, #tpu.memory_space<hbm>>
      %dma_wait3A_1468 = tpu.memref_slice %arg3[%mul3A_739] : memref<100000xi32, #tpu.memory_space<hbm>> -> memref<400xi32, #tpu.memory_space<hbm>>
      tpu.wait_dma2 semaphore(%run_scoped3A : memref<!tpu.dma_semaphore, #tpu.memory_space<semaphore_mem>>) src(%dma_wait3A_1468 : memref<400xi32, #tpu.memory_space<hbm>>) dst(%arg7 : memref<400xi32, #tpu.memory_space<vmem>>)
      tpu.yield
    }) : () -> ()
    "tpu.region"() ({
      %run_scoped3A = tpu.sem_alloc : memref<!tpu.dma_semaphore, #tpu.memory_space<semaphore_mem>>
      %dma_start3A = tpu.memref_slice %arg4[%mul3A_739] : memref<100000xi32, #tpu.memory_space<hbm>> -> memref<400xi32, #tpu.memory_space<hbm>>
      %dma_start3A_1467 = tpu.memref_slice %arg4[%mul3A_739] : memref<100000xi32, #tpu.memory_space<hbm>> -> memref<400xi32, #tpu.memory_space<hbm>>
      tpu.enqueue_dma source(%dma_start3A_1467 : memref<400xi32, #tpu.memory_space<hbm>>) target(%arg8 : memref<400xi32, #tpu.memory_space<vmem>>) target_semaphore(%run_scoped3A : memref<!tpu.dma_semaphore, #tpu.memory_space<semaphore_mem>>)
      %dma_wait3A = tpu.memref_slice %arg4[%mul3A_739] : memref<100000xi32, #tpu.memory_space<hbm>> -> memref<400xi32, #tpu.memory_space<hbm>>
      %dma_wait3A_1468 = tpu.memref_slice %arg4[%mul3A_739] : memref<100000xi32, #tpu.memory_space<hbm>> -> memref<400xi32, #tpu.memory_space<hbm>>
      tpu.wait_dma2 semaphore(%run_scoped3A : memref<!tpu.dma_semaphore, #tpu.memory_space<semaphore_mem>>) src(%dma_wait3A_1468 : memref<400xi32, #tpu.memory_space<hbm>>) dst(%arg8 : memref<400xi32, #tpu.memory_space<vmem>>)
      tpu.yield
    }) : () -> ()
    %get3A_740 = arith.constant 0 : index
    %get3A_741 = tpu.vector_load %arg8[%get3A_740] {strides = array<i32>} : memref<400xi32, #tpu.memory_space<vmem>>, vector<16xi32>,
    %get3A_742 = arith.constant 0 : index
    %get3A_743 = tpu.vector_load %arg7[%get3A_742] {strides = array<i32>} : memref<400xi32, #tpu.memory_space<vmem>>, vector<16xi32>,
    %gather3A_744 = tpu.vector_load_idx %arg6[%get3A_743, %get3A_741] : memref<16x256xf32, #tpu.memory_space<vmem>>[vector<16xi32>, vector<16xi32>], vector<16xf32>,
    %swap3A_745 = arith.constant 0 : index
    %swap3A_746 = tpu.vector_load %arg9[%swap3A_745] {strides = array<i32>} : memref<400xf32, #tpu.memory_space<vmem>>, vector<16xf32>,
    tpu.vector_store %arg9[%swap3A_745], %gather3A_744 {strides = array<i32>} : memref<400xf32, #tpu.memory_space<vmem>>, vector<16xf32>,
    %get3A_747 = arith.constant 16 : index
    %get3A_748 = tpu.vector_load %arg8[%get3A_747] {strides = array<i32>} : memref<400xi32, #tpu.memory_space<vmem>>, vector<16xi32>,
    %get3A_749 = arith.constant 16 : index
    %get3A_750 = tpu.vector_load %arg7[%get3A_749] {strides = array<i32>} : memref<400xi32, #tpu.memory_space<vmem>>, vector<16xi32>,
    %gather3A_751 = tpu.vector_load_idx %arg6[%get3A_750, %get3A_748] : memref<16x256xf32, #tpu.memory_space<vmem>>[vector<16xi32>, vector<16xi32>], vector<16xf32>,
    %swap3A_752 = arith.constant 16 : index
    %swap3A_753 = tpu.vector_load %arg9[%swap3A_752] {strides = array<i32>} : memref<400xf32, #tpu.memory_space<vmem>>, vector<16xf32>,
    tpu.vector_store %arg9[%swap3A_752], %gather3A_751 {strides = array<i32>} : memref<400xf32, #tpu.memory_space<vmem>>, vector<16xf32>,
    %get3A_754 = arith.constant 32 : index
    %get3A_755 = tpu.vector_load %arg8[%get3A_754] {strides = array<i32>} : memref<400xi32, #tpu.memory_space<vmem>>, vector<16xi32>,
    %get3A_756 = arith.constant 32 : index
    %get3A_757 = tpu.vector_load %arg7[%get3A_756] {strides = array<i32>} : memref<400xi32, #tpu.memory_space<vmem>>, vector<16xi32>,
    %gather3A_758 = tpu.vector_load_idx %arg6[%get3A_757, %get3A_755] : memref<16x256xf32, #tpu.memory_space<vmem>>[vector<16xi32>, vector<16xi32>], vector<16xf32>,
    %swap3A_759 = arith.constant 32 : index
    %swap3A_760 = tpu.vector_load %arg9[%swap3A_759] {strides = array<i32>} : memref<400xf32, #tpu.memory_space<vmem>>, vector<16xf32>,
    tpu.vector_store %arg9[%swap3A_759], %gather3A_758 {strides = array<i32>} : memref<400xf32, #tpu.memory_space<vmem>>, vector<16xf32>,
    %get3A_761 = arith.constant 48 : index
    %get3A_762 = tpu.vector_load %arg8[%get3A_761] {strides = array<i32>} : memref<400xi32, #tpu.memory_space<vmem>>, vector<16xi32>,
    %get3A_763 = arith.constant 48 : index
    %get3A_764 = tpu.vector_load %arg7[%get3A_763] {strides = array<i32>} : memref<400xi32, #tpu.memory_space<vmem>>, vector<16xi32>,
    %gather3A_765 = tpu.vector_load_idx %arg6[%get3A_764, %get3A_762] : memref<16x256xf32, #tpu.memory_space<vmem>>[vector<16xi32>, vector<16xi32>], vector<16xf32>,
    %swap3A_766 = arith.constant 48 : index
    %swap3A_767 = tpu.vector_load %arg9[%swap3A_766] {strides = array<i32>} : memref<400xf32, #tpu.memory_space<vmem>>, vector<16xf32>,
    tpu.vector_store %arg9[%swap3A_766], %gather3A_765 {strides = array<i32>} : memref<400xf32, #tpu.memory_space<vmem>>, vector<16xf32>,
    %get3A_768 = arith.constant 64 : index
    %get3A_769 = tpu.vector_load %arg8[%get3A_768] {strides = array<i32>} : memref<400xi32, #tpu.memory_space<vmem>>, vector<16xi32>,
    %get3A_770 = arith.constant 64 : index
    %get3A_771 = tpu.vector_load %arg7[%get3A_770] {strides = array<i32>} : memref<400xi32, #tpu.memory_space<vmem>>, vector<16xi32>,
    %gather3A_772 = tpu.vector_load_idx %arg6[%get3A_771, %get3A_769] : memref<16x256xf32, #tpu.memory_space<vmem>>[vector<16xi32>, vector<16xi32>], vector<16xf32>,
    %swap3A_773 = arith.constant 64 : index
    %swap3A_774 = tpu.vector_load %arg9[%swap3A_773] {strides = array<i32>} : memref<400xf32, #tpu.memory_space<vmem>>, vector<16xf32>,
    tpu.vector_store %arg9[%swap3A_773], %gather3A_772 {strides = array<i32>} : memref<400xf32, #tpu.memory_space<vmem>>, vector<16xf32>,
    %get3A_775 = arith.constant 80 : index
    %get3A_776 = tpu.vector_load %arg8[%get3A_775] {strides = array<i32>} : memref<400xi32, #tpu.memory_space<vmem>>, vector<16xi32>,
    %get3A_777 = arith.constant 80 : index
    %get3A_778 = tpu.vector_load %arg7[%get3A_777] {strides = array<i32>} : memref<400xi32, #tpu.memory_space<vmem>>, vector<16xi32>,
    %gather3A_779 = tpu.vector_load_idx %arg6[%get3A_778, %get3A_776] : memref<16x256xf32, #tpu.memory_space<vmem>>[vector<16xi32>, vector<16xi32>], vector<16xf32>,
    %swap3A_780 = arith.constant 80 : index
    %swap3A_781 = tpu.vector_load %arg9[%swap3A_780] {strides = array<i32>} : memref<400xf32, #tpu.memory_space<vmem>>, vector<16xf32>,
    tpu.vector_store %arg9[%swap3A_780], %gather3A_779 {strides = array<i32>} : memref<400xf32, #tpu.memory_space<vmem>>, vector<16xf32>,
    %get3A_782 = arith.constant 96 : index
    %get3A_783 = tpu.vector_load %arg8[%get3A_782] {strides = array<i32>} : memref<400xi32, #tpu.memory_space<vmem>>, vector<16xi32>,
    %get3A_784 = arith.constant 96 : index
    %get3A_785 = tpu.vector_load %arg7[%get3A_784] {strides = array<i32>} : memref<400xi32, #tpu.memory_space<vmem>>, vector<16xi32>,
    %gather3A_786 = tpu.vector_load_idx %arg6[%get3A_785, %get3A_783] : memref<16x256xf32, #tpu.memory_space<vmem>>[vector<16xi32>, vector<16xi32>], vector<16xf32>,
    %swap3A_787 = arith.constant 96 : index
    %swap3A_788 = tpu.vector_load %arg9[%swap3A_787] {strides = array<i32>} : memref<400xf32, #tpu.memory_space<vmem>>, vector<16xf32>,
    tpu.vector_store %arg9[%swap3A_787], %gather3A_786 {strides = array<i32>} : memref<400xf32, #tpu.memory_space<vmem>>, vector<16xf32>,
    %get3A_789 = arith.constant 112 : index
    %get3A_790 = tpu.vector_load %arg8[%get3A_789] {strides = array<i32>} : memref<400xi32, #tpu.memory_space<vmem>>, vector<16xi32>,
    %get3A_791 = arith.constant 112 : index
    %get3A_792 = tpu.vector_load %arg7[%get3A_791] {strides = array<i32>} : memref<400xi32, #tpu.memory_space<vmem>>, vector<16xi32>,
    %gather3A_793 = tpu.vector_load_idx %arg6[%get3A_792, %get3A_790] : memref<16x256xf32, #tpu.memory_space<vmem>>[vector<16xi32>, vector<16xi32>], vector<16xf32>,
    %swap3A_794 = arith.constant 112 : index
    %swap3A_795 = tpu.vector_load %arg9[%swap3A_794] {strides = array<i32>} : memref<400xf32, #tpu.memory_space<vmem>>, vector<16xf32>,
    tpu.vector_store %arg9[%swap3A_794], %gather3A_793 {strides = array<i32>} : memref<400xf32, #tpu.memory_space<vmem>>, vector<16xf32>,
    %get3A_796 = arith.constant 128 : index
    %get3A_797 = tpu.vector_load %arg8[%get3A_796] {strides = array<i32>} : memref<400xi32, #tpu.memory_space<vmem>>, vector<16xi32>,
    %get3A_798 = arith.constant 128 : index
    %get3A_799 = tpu.vector_load %arg7[%get3A_798] {strides = array<i32>} : memref<400xi32, #tpu.memory_space<vmem>>, vector<16xi32>,
    %gather3A_800 = tpu.vector_load_idx %arg6[%get3A_799, %get3A_797] : memref<16x256xf32, #tpu.memory_space<vmem>>[vector<16xi32>, vector<16xi32>], vector<16xf32>,
    %swap3A_801 = arith.constant 128 : index
    %swap3A_802 = tpu.vector_load %arg9[%swap3A_801] {strides = array<i32>} : memref<400xf32, #tpu.memory_space<vmem>>, vector<16xf32>,
    tpu.vector_store %arg9[%swap3A_801], %gather3A_800 {strides = array<i32>} : memref<400xf32, #tpu.memory_space<vmem>>, vector<16xf32>,
    %get3A_803 = arith.constant 144 : index
    %get3A_804 = tpu.vector_load %arg8[%get3A_803] {strides = array<i32>} : memref<400xi32, #tpu.memory_space<vmem>>, vector<16xi32>,
    %get3A_805 = arith.constant 144 : index
    %get3A_806 = tpu.vector_load %arg7[%get3A_805] {strides = array<i32>} : memref<400xi32, #tpu.memory_space<vmem>>, vector<16xi32>,
    %gather3A_807 = tpu.vector_load_idx %arg6[%get3A_806, %get3A_804] : memref<16x256xf32, #tpu.memory_space<vmem>>[vector<16xi32>, vector<16xi32>], vector<16xf32>,
    %swap3A_808 = arith.constant 144 : index
    %swap3A_809 = tpu.vector_load %arg9[%swap3A_808] {strides = array<i32>} : memref<400xf32, #tpu.memory_space<vmem>>, vector<16xf32>,
    tpu.vector_store %arg9[%swap3A_808], %gather3A_807 {strides = array<i32>} : memref<400xf32, #tpu.memory_space<vmem>>, vector<16xf32>,
    %get3A_810 = arith.constant 160 : index
    %get3A_811 = tpu.vector_load %arg8[%get3A_810] {strides = array<i32>} : memref<400xi32, #tpu.memory_space<vmem>>, vector<16xi32>,
    %get3A_812 = arith.constant 160 : index
    %get3A_813 = tpu.vector_load %arg7[%get3A_812] {strides = array<i32>} : memref<400xi32, #tpu.memory_space<vmem>>, vector<16xi32>,
    %gather3A_814 = tpu.vector_load_idx %arg6[%get3A_813, %get3A_811] : memref<16x256xf32, #tpu.memory_space<vmem>>[vector<16xi32>, vector<16xi32>], vector<16xf32>,
    %swap3A_815 = arith.constant 160 : index
    %swap3A_816 = tpu.vector_load %arg9[%swap3A_815] {strides = array<i32>} : memref<400xf32, #tpu.memory_space<vmem>>, vector<16xf32>,
    tpu.vector_store %arg9[%swap3A_815], %gather3A_814 {strides = array<i32>} : memref<400xf32, #tpu.memory_space<vmem>>, vector<16xf32>,
    %get3A_817 = arith.constant 176 : index
    %get3A_818 = tpu.vector_load %arg8[%get3A_817] {strides = array<i32>} : memref<400xi32, #tpu.memory_space<vmem>>, vector<16xi32>,
    %get3A_819 = arith.constant 176 : index
    %get3A_820 = tpu.vector_load %arg7[%get3A_819] {strides = array<i32>} : memref<400xi32, #tpu.memory_space<vmem>>, vector<16xi32>,
    %gather3A_821 = tpu.vector_load_idx %arg6[%get3A_820, %get3A_818] : memref<16x256xf32, #tpu.memory_space<vmem>>[vector<16xi32>, vector<16xi32>], vector<16xf32>,
    %swap3A_822 = arith.constant 176 : index
    %swap3A_823 = tpu.vector_load %arg9[%swap3A_822] {strides = array<i32>} : memref<400xf32, #tpu.memory_space<vmem>>, vector<16xf32>,
    tpu.vector_store %arg9[%swap3A_822], %gather3A_821 {strides = array<i32>} : memref<400xf32, #tpu.memory_space<vmem>>, vector<16xf32>,
    %get3A_824 = arith.constant 192 : index
    %get3A_825 = tpu.vector_load %arg8[%get3A_824] {strides = array<i32>} : memref<400xi32, #tpu.memory_space<vmem>>, vector<16xi32>,
    %get3A_826 = arith.constant 192 : index
    %get3A_827 = tpu.vector_load %arg7[%get3A_826] {strides = array<i32>} : memref<400xi32, #tpu.memory_space<vmem>>, vector<16xi32>,
    %gather3A_828 = tpu.vector_load_idx %arg6[%get3A_827, %get3A_825] : memref<16x256xf32, #tpu.memory_space<vmem>>[vector<16xi32>, vector<16xi32>], vector<16xf32>,
    %swap3A_829 = arith.constant 192 : index
    %swap3A_830 = tpu.vector_load %arg9[%swap3A_829] {strides = array<i32>} : memref<400xf32, #tpu.memory_space<vmem>>, vector<16xf32>,
    tpu.vector_store %arg9[%swap3A_829], %gather3A_828 {strides = array<i32>} : memref<400xf32, #tpu.memory_space<vmem>>, vector<16xf32>,
    %get3A_831 = arith.constant 208 : index
    %get3A_832 = tpu.vector_load %arg8[%get3A_831] {strides = array<i32>} : memref<400xi32, #tpu.memory_space<vmem>>, vector<16xi32>,
    %get3A_833 = arith.constant 208 : index
    %get3A_834 = tpu.vector_load %arg7[%get3A_833] {strides = array<i32>} : memref<400xi32, #tpu.memory_space<vmem>>, vector<16xi32>,
    %gather3A_835 = tpu.vector_load_idx %arg6[%get3A_834, %get3A_832] : memref<16x256xf32, #tpu.memory_space<vmem>>[vector<16xi32>, vector<16xi32>], vector<16xf32>,
    %swap3A_836 = arith.constant 208 : index
    %swap3A_837 = tpu.vector_load %arg9[%swap3A_836] {strides = array<i32>} : memref<400xf32, #tpu.memory_space<vmem>>, vector<16xf32>,
    tpu.vector_store %arg9[%swap3A_836], %gather3A_835 {strides = array<i32>} : memref<400xf32, #tpu.memory_space<vmem>>, vector<16xf32>,
    %get3A_838 = arith.constant 224 : index
    %get3A_839 = tpu.vector_load %arg8[%get3A_838] {strides = array<i32>} : memref<400xi32, #tpu.memory_space<vmem>>, vector<16xi32>,
    %get3A_840 = arith.constant 224 : index
    %get3A_841 = tpu.vector_load %arg7[%get3A_840] {strides = array<i32>} : memref<400xi32, #tpu.memory_space<vmem>>, vector<16xi32>,
    %gather3A_842 = tpu.vector_load_idx %arg6[%get3A_841, %get3A_839] : memref<16x256xf32, #tpu.memory_space<vmem>>[vector<16xi32>, vector<16xi32>], vector<16xf32>,
    %swap3A_843 = arith.constant 224 : index
    %swap3A_844 = tpu.vector_load %arg9[%swap3A_843] {strides = array<i32>} : memref<400xf32, #tpu.memory_space<vmem>>, vector<16xf32>,
    tpu.vector_store %arg9[%swap3A_843], %gather3A_842 {strides = array<i32>} : memref<400xf32, #tpu.memory_space<vmem>>, vector<16xf32>,
    %get3A_845 = arith.constant 240 : index
    %get3A_846 = tpu.vector_load %arg8[%get3A_845] {strides = array<i32>} : memref<400xi32, #tpu.memory_space<vmem>>, vector<16xi32>,
    %get3A_847 = arith.constant 240 : index
    %get3A_848 = tpu.vector_load %arg7[%get3A_847] {strides = array<i32>} : memref<400xi32, #tpu.memory_space<vmem>>, vector<16xi32>,
    %gather3A_849 = tpu.vector_load_idx %arg6[%get3A_848, %get3A_846] : memref<16x256xf32, #tpu.memory_space<vmem>>[vector<16xi32>, vector<16xi32>], vector<16xf32>,
    %swap3A_850 = arith.constant 240 : index
    %swap3A_851 = tpu.vector_load %arg9[%swap3A_850] {strides = array<i32>} : memref<400xf32, #tpu.memory_space<vmem>>, vector<16xf32>,
    tpu.vector_store %arg9[%swap3A_850], %gather3A_849 {strides = array<i32>} : memref<400xf32, #tpu.memory_space<vmem>>, vector<16xf32>,
    %get3A_852 = arith.constant 256 : index
    %get3A_853 = tpu.vector_load %arg8[%get3A_852] {strides = array<i32>} : memref<400xi32, #tpu.memory_space<vmem>>, vector<16xi32>,
    %get3A_854 = arith.constant 256 : index
    %get3A_855 = tpu.vector_load %arg7[%get3A_854] {strides = array<i32>} : memref<400xi32, #tpu.memory_space<vmem>>, vector<16xi32>,
    %gather3A_856 = tpu.vector_load_idx %arg6[%get3A_855, %get3A_853] : memref<16x256xf32, #tpu.memory_space<vmem>>[vector<16xi32>, vector<16xi32>], vector<16xf32>,
    %swap3A_857 = arith.constant 256 : index
    %swap3A_858 = tpu.vector_load %arg9[%swap3A_857] {strides = array<i32>} : memref<400xf32, #tpu.memory_space<vmem>>, vector<16xf32>,
    tpu.vector_store %arg9[%swap3A_857], %gather3A_856 {strides = array<i32>} : memref<400xf32, #tpu.memory_space<vmem>>, vector<16xf32>,
    %get3A_859 = arith.constant 272 : index
    %get3A_860 = tpu.vector_load %arg8[%get3A_859] {strides = array<i32>} : memref<400xi32, #tpu.memory_space<vmem>>, vector<16xi32>,
    %get3A_861 = arith.constant 272 : index
    %get3A_862 = tpu.vector_load %arg7[%get3A_861] {strides = array<i32>} : memref<400xi32, #tpu.memory_space<vmem>>, vector<16xi32>,
    %gather3A_863 = tpu.vector_load_idx %arg6[%get3A_862, %get3A_860] : memref<16x256xf32, #tpu.memory_space<vmem>>[vector<16xi32>, vector<16xi32>], vector<16xf32>,
    %swap3A_864 = arith.constant 272 : index
    %swap3A_865 = tpu.vector_load %arg9[%swap3A_864] {strides = array<i32>} : memref<400xf32, #tpu.memory_space<vmem>>, vector<16xf32>,
    tpu.vector_store %arg9[%swap3A_864], %gather3A_863 {strides = array<i32>} : memref<400xf32, #tpu.memory_space<vmem>>, vector<16xf32>,
    %get3A_866 = arith.constant 288 : index
    %get3A_867 = tpu.vector_load %arg8[%get3A_866] {strides = array<i32>} : memref<400xi32, #tpu.memory_space<vmem>>, vector<16xi32>,
    %get3A_868 = arith.constant 288 : index
    %get3A_869 = tpu.vector_load %arg7[%get3A_868] {strides = array<i32>} : memref<400xi32, #tpu.memory_space<vmem>>, vector<16xi32>,
    %gather3A_870 = tpu.vector_load_idx %arg6[%get3A_869, %get3A_867] : memref<16x256xf32, #tpu.memory_space<vmem>>[vector<16xi32>, vector<16xi32>], vector<16xf32>,
    %swap3A_871 = arith.constant 288 : index
    %swap3A_872 = tpu.vector_load %arg9[%swap3A_871] {strides = array<i32>} : memref<400xf32, #tpu.memory_space<vmem>>, vector<16xf32>,
    tpu.vector_store %arg9[%swap3A_871], %gather3A_870 {strides = array<i32>} : memref<400xf32, #tpu.memory_space<vmem>>, vector<16xf32>,
    %get3A_873 = arith.constant 304 : index
    %get3A_874 = tpu.vector_load %arg8[%get3A_873] {strides = array<i32>} : memref<400xi32, #tpu.memory_space<vmem>>, vector<16xi32>,
    %get3A_875 = arith.constant 304 : index
    %get3A_876 = tpu.vector_load %arg7[%get3A_875] {strides = array<i32>} : memref<400xi32, #tpu.memory_space<vmem>>, vector<16xi32>,
    %gather3A_877 = tpu.vector_load_idx %arg6[%get3A_876, %get3A_874] : memref<16x256xf32, #tpu.memory_space<vmem>>[vector<16xi32>, vector<16xi32>], vector<16xf32>,
    %swap3A_878 = arith.constant 304 : index
    %swap3A_879 = tpu.vector_load %arg9[%swap3A_878] {strides = array<i32>} : memref<400xf32, #tpu.memory_space<vmem>>, vector<16xf32>,
    tpu.vector_store %arg9[%swap3A_878], %gather3A_877 {strides = array<i32>} : memref<400xf32, #tpu.memory_space<vmem>>, vector<16xf32>,
    %get3A_880 = arith.constant 320 : index
    %get3A_881 = tpu.vector_load %arg8[%get3A_880] {strides = array<i32>} : memref<400xi32, #tpu.memory_space<vmem>>, vector<16xi32>,
    %get3A_882 = arith.constant 320 : index
    %get3A_883 = tpu.vector_load %arg7[%get3A_882] {strides = array<i32>} : memref<400xi32, #tpu.memory_space<vmem>>, vector<16xi32>,
    %gather3A_884 = tpu.vector_load_idx %arg6[%get3A_883, %get3A_881] : memref<16x256xf32, #tpu.memory_space<vmem>>[vector<16xi32>, vector<16xi32>], vector<16xf32>,
    %swap3A_885 = arith.constant 320 : index
    %swap3A_886 = tpu.vector_load %arg9[%swap3A_885] {strides = array<i32>} : memref<400xf32, #tpu.memory_space<vmem>>, vector<16xf32>,
    tpu.vector_store %arg9[%swap3A_885], %gather3A_884 {strides = array<i32>} : memref<400xf32, #tpu.memory_space<vmem>>, vector<16xf32>,
    %get3A_887 = arith.constant 336 : index
    %get3A_888 = tpu.vector_load %arg8[%get3A_887] {strides = array<i32>} : memref<400xi32, #tpu.memory_space<vmem>>, vector<16xi32>,
    %get3A_889 = arith.constant 336 : index
    %get3A_890 = tpu.vector_load %arg7[%get3A_889] {strides = array<i32>} : memref<400xi32, #tpu.memory_space<vmem>>, vector<16xi32>,
    %gather3A_891 = tpu.vector_load_idx %arg6[%get3A_890, %get3A_888] : memref<16x256xf32, #tpu.memory_space<vmem>>[vector<16xi32>, vector<16xi32>], vector<16xf32>,
    %swap3A_892 = arith.constant 336 : index
    %swap3A_893 = tpu.vector_load %arg9[%swap3A_892] {strides = array<i32>} : memref<400xf32, #tpu.memory_space<vmem>>, vector<16xf32>,
    tpu.vector_store %arg9[%swap3A_892], %gather3A_891 {strides = array<i32>} : memref<400xf32, #tpu.memory_space<vmem>>, vector<16xf32>,
    %get3A_894 = arith.constant 352 : index
    %get3A_895 = tpu.vector_load %arg8[%get3A_894] {strides = array<i32>} : memref<400xi32, #tpu.memory_space<vmem>>, vector<16xi32>,
    %get3A_896 = arith.constant 352 : index
    %get3A_897 = tpu.vector_load %arg7[%get3A_896] {strides = array<i32>} : memref<400xi32, #tpu.memory_space<vmem>>, vector<16xi32>,
    %gather3A_898 = tpu.vector_load_idx %arg6[%get3A_897, %get3A_895] : memref<16x256xf32, #tpu.memory_space<vmem>>[vector<16xi32>, vector<16xi32>], vector<16xf32>,
    %swap3A_899 = arith.constant 352 : index
    %swap3A_900 = tpu.vector_load %arg9[%swap3A_899] {strides = array<i32>} : memref<400xf32, #tpu.memory_space<vmem>>, vector<16xf32>,
    tpu.vector_store %arg9[%swap3A_899], %gather3A_898 {strides = array<i32>} : memref<400xf32, #tpu.memory_space<vmem>>, vector<16xf32>,
    %get3A_901 = arith.constant 368 : index
    %get3A_902 = tpu.vector_load %arg8[%get3A_901] {strides = array<i32>} : memref<400xi32, #tpu.memory_space<vmem>>, vector<16xi32>,
    %get3A_903 = arith.constant 368 : index
    %get3A_904 = tpu.vector_load %arg7[%get3A_903] {strides = array<i32>} : memref<400xi32, #tpu.memory_space<vmem>>, vector<16xi32>,
    %gather3A_905 = tpu.vector_load_idx %arg6[%get3A_904, %get3A_902] : memref<16x256xf32, #tpu.memory_space<vmem>>[vector<16xi32>, vector<16xi32>], vector<16xf32>,
    %swap3A_906 = arith.constant 368 : index
    %swap3A_907 = tpu.vector_load %arg9[%swap3A_906] {strides = array<i32>} : memref<400xf32, #tpu.memory_space<vmem>>, vector<16xf32>,
    tpu.vector_store %arg9[%swap3A_906], %gather3A_905 {strides = array<i32>} : memref<400xf32, #tpu.memory_space<vmem>>, vector<16xf32>,
    %get3A_908 = arith.constant 384 : index
    %get3A_909 = tpu.vector_load %arg8[%get3A_908] {strides = array<i32>} : memref<400xi32, #tpu.memory_space<vmem>>, vector<16xi32>,
    %get3A_910 = arith.constant 384 : index
    %get3A_911 = tpu.vector_load %arg7[%get3A_910] {strides = array<i32>} : memref<400xi32, #tpu.memory_space<vmem>>, vector<16xi32>,
    %gather3A_912 = tpu.vector_load_idx %arg6[%get3A_911, %get3A_909] : memref<16x256xf32, #tpu.memory_space<vmem>>[vector<16xi32>, vector<16xi32>], vector<16xf32>,
    %swap3A_913 = arith.constant 384 : index
    %swap3A_914 = tpu.vector_load %arg9[%swap3A_913] {strides = array<i32>} : memref<400xf32, #tpu.memory_space<vmem>>, vector<16xf32>,
    tpu.vector_store %arg9[%swap3A_913], %gather3A_912 {strides = array<i32>} : memref<400xf32, #tpu.memory_space<vmem>>, vector<16xf32>,
    "tpu.region"() ({
      %run_scoped3A = tpu.sem_alloc : memref<!tpu.dma_semaphore, #tpu.memory_space<semaphore_mem>>
      %dma_start3A = tpu.memref_slice %arg5[%mul3A_739] : memref<100000xf32, #tpu.memory_space<hbm>> -> memref<400xf32, #tpu.memory_space<hbm>>
      %dma_start3A_1467 = tpu.memref_slice %arg5[%mul3A_739] : memref<100000xf32, #tpu.memory_space<hbm>> -> memref<400xf32, #tpu.memory_space<hbm>>
      tpu.enqueue_dma source(%arg9 : memref<400xf32, #tpu.memory_space<vmem>>) target(%dma_start3A_1467 : memref<400xf32, #tpu.memory_space<hbm>>) target_semaphore(%run_scoped3A : memref<!tpu.dma_semaphore, #tpu.memory_space<semaphore_mem>>)
      %dma_wait3A = tpu.memref_slice %arg5[%mul3A_739] : memref<100000xf32, #tpu.memory_space<hbm>> -> memref<400xf32, #tpu.memory_space<hbm>>
      %dma_wait3A_1468 = tpu.memref_slice %arg5[%mul3A_739] : memref<100000xf32, #tpu.memory_space<hbm>> -> memref<400xf32, #tpu.memory_space<hbm>>
      tpu.wait_dma2 semaphore(%run_scoped3A : memref<!tpu.dma_semaphore, #tpu.memory_space<semaphore_mem>>) src(%arg9 : memref<400xf32, #tpu.memory_space<vmem>>) dst(%dma_wait3A_1468 : memref<400xf32, #tpu.memory_space<hbm>>)
      tpu.yield
    }) : () -> ()
    %add3A_915 = arith.constant 160 : i32
    %add3A_916 = arith.addi %add3A, %add3A_915 : i32
    %ge3A_917 = arith.constant 250 : i32
    %ge3A_918 = arith.cmpi sge, %add3A_916, %ge3A_917 : i32
    %sub3A_919 = arith.constant 250 : i32
    %sub3A_920 = arith.subi %add3A_916, %sub3A_919 : i32
    %select_n3A_921 = arith.select %ge3A_918, %sub3A_920, %add3A_916 : i32
    %mul3A_922 = arith.constant 400 : i32
    %mul3A_923 = arith.muli %select_n3A_921, %mul3A_922 : i32
    "tpu.region"() ({
      %run_scoped3A = tpu.sem_alloc : memref<!tpu.dma_semaphore, #tpu.memory_space<semaphore_mem>>
      %dma_start3A = tpu.memref_slice %arg3[%mul3A_923] : memref<100000xi32, #tpu.memory_space<hbm>> -> memref<400xi32, #tpu.memory_space<hbm>>
      %dma_start3A_1467 = tpu.memref_slice %arg3[%mul3A_923] : memref<100000xi32, #tpu.memory_space<hbm>> -> memref<400xi32, #tpu.memory_space<hbm>>
      tpu.enqueue_dma source(%dma_start3A_1467 : memref<400xi32, #tpu.memory_space<hbm>>) target(%arg7 : memref<400xi32, #tpu.memory_space<vmem>>) target_semaphore(%run_scoped3A : memref<!tpu.dma_semaphore, #tpu.memory_space<semaphore_mem>>)
      %dma_wait3A = tpu.memref_slice %arg3[%mul3A_923] : memref<100000xi32, #tpu.memory_space<hbm>> -> memref<400xi32, #tpu.memory_space<hbm>>
      %dma_wait3A_1468 = tpu.memref_slice %arg3[%mul3A_923] : memref<100000xi32, #tpu.memory_space<hbm>> -> memref<400xi32, #tpu.memory_space<hbm>>
      tpu.wait_dma2 semaphore(%run_scoped3A : memref<!tpu.dma_semaphore, #tpu.memory_space<semaphore_mem>>) src(%dma_wait3A_1468 : memref<400xi32, #tpu.memory_space<hbm>>) dst(%arg7 : memref<400xi32, #tpu.memory_space<vmem>>)
      tpu.yield
    }) : () -> ()
    "tpu.region"() ({
      %run_scoped3A = tpu.sem_alloc : memref<!tpu.dma_semaphore, #tpu.memory_space<semaphore_mem>>
      %dma_start3A = tpu.memref_slice %arg4[%mul3A_923] : memref<100000xi32, #tpu.memory_space<hbm>> -> memref<400xi32, #tpu.memory_space<hbm>>
      %dma_start3A_1467 = tpu.memref_slice %arg4[%mul3A_923] : memref<100000xi32, #tpu.memory_space<hbm>> -> memref<400xi32, #tpu.memory_space<hbm>>
      tpu.enqueue_dma source(%dma_start3A_1467 : memref<400xi32, #tpu.memory_space<hbm>>) target(%arg8 : memref<400xi32, #tpu.memory_space<vmem>>) target_semaphore(%run_scoped3A : memref<!tpu.dma_semaphore, #tpu.memory_space<semaphore_mem>>)
      %dma_wait3A = tpu.memref_slice %arg4[%mul3A_923] : memref<100000xi32, #tpu.memory_space<hbm>> -> memref<400xi32, #tpu.memory_space<hbm>>
      %dma_wait3A_1468 = tpu.memref_slice %arg4[%mul3A_923] : memref<100000xi32, #tpu.memory_space<hbm>> -> memref<400xi32, #tpu.memory_space<hbm>>
      tpu.wait_dma2 semaphore(%run_scoped3A : memref<!tpu.dma_semaphore, #tpu.memory_space<semaphore_mem>>) src(%dma_wait3A_1468 : memref<400xi32, #tpu.memory_space<hbm>>) dst(%arg8 : memref<400xi32, #tpu.memory_space<vmem>>)
      tpu.yield
    }) : () -> ()
    %get3A_924 = arith.constant 0 : index
    %get3A_925 = tpu.vector_load %arg8[%get3A_924] {strides = array<i32>} : memref<400xi32, #tpu.memory_space<vmem>>, vector<16xi32>,
    %get3A_926 = arith.constant 0 : index
    %get3A_927 = tpu.vector_load %arg7[%get3A_926] {strides = array<i32>} : memref<400xi32, #tpu.memory_space<vmem>>, vector<16xi32>,
    %gather3A_928 = tpu.vector_load_idx %arg6[%get3A_927, %get3A_925] : memref<16x256xf32, #tpu.memory_space<vmem>>[vector<16xi32>, vector<16xi32>], vector<16xf32>,
    %swap3A_929 = arith.constant 0 : index
    %swap3A_930 = tpu.vector_load %arg9[%swap3A_929] {strides = array<i32>} : memref<400xf32, #tpu.memory_space<vmem>>, vector<16xf32>,
    tpu.vector_store %arg9[%swap3A_929], %gather3A_928 {strides = array<i32>} : memref<400xf32, #tpu.memory_space<vmem>>, vector<16xf32>,
    %get3A_931 = arith.constant 16 : index
    %get3A_932 = tpu.vector_load %arg8[%get3A_931] {strides = array<i32>} : memref<400xi32, #tpu.memory_space<vmem>>, vector<16xi32>,
    %get3A_933 = arith.constant 16 : index
    %get3A_934 = tpu.vector_load %arg7[%get3A_933] {strides = array<i32>} : memref<400xi32, #tpu.memory_space<vmem>>, vector<16xi32>,
    %gather3A_935 = tpu.vector_load_idx %arg6[%get3A_934, %get3A_932] : memref<16x256xf32, #tpu.memory_space<vmem>>[vector<16xi32>, vector<16xi32>], vector<16xf32>,
    %swap3A_936 = arith.constant 16 : index
    %swap3A_937 = tpu.vector_load %arg9[%swap3A_936] {strides = array<i32>} : memref<400xf32, #tpu.memory_space<vmem>>, vector<16xf32>,
    tpu.vector_store %arg9[%swap3A_936], %gather3A_935 {strides = array<i32>} : memref<400xf32, #tpu.memory_space<vmem>>, vector<16xf32>,
    %get3A_938 = arith.constant 32 : index
    %get3A_939 = tpu.vector_load %arg8[%get3A_938] {strides = array<i32>} : memref<400xi32, #tpu.memory_space<vmem>>, vector<16xi32>,
    %get3A_940 = arith.constant 32 : index
    %get3A_941 = tpu.vector_load %arg7[%get3A_940] {strides = array<i32>} : memref<400xi32, #tpu.memory_space<vmem>>, vector<16xi32>,
    %gather3A_942 = tpu.vector_load_idx %arg6[%get3A_941, %get3A_939] : memref<16x256xf32, #tpu.memory_space<vmem>>[vector<16xi32>, vector<16xi32>], vector<16xf32>,
    %swap3A_943 = arith.constant 32 : index
    %swap3A_944 = tpu.vector_load %arg9[%swap3A_943] {strides = array<i32>} : memref<400xf32, #tpu.memory_space<vmem>>, vector<16xf32>,
    tpu.vector_store %arg9[%swap3A_943], %gather3A_942 {strides = array<i32>} : memref<400xf32, #tpu.memory_space<vmem>>, vector<16xf32>,
    %get3A_945 = arith.constant 48 : index
    %get3A_946 = tpu.vector_load %arg8[%get3A_945] {strides = array<i32>} : memref<400xi32, #tpu.memory_space<vmem>>, vector<16xi32>,
    %get3A_947 = arith.constant 48 : index
    %get3A_948 = tpu.vector_load %arg7[%get3A_947] {strides = array<i32>} : memref<400xi32, #tpu.memory_space<vmem>>, vector<16xi32>,
    %gather3A_949 = tpu.vector_load_idx %arg6[%get3A_948, %get3A_946] : memref<16x256xf32, #tpu.memory_space<vmem>>[vector<16xi32>, vector<16xi32>], vector<16xf32>,
    %swap3A_950 = arith.constant 48 : index
    %swap3A_951 = tpu.vector_load %arg9[%swap3A_950] {strides = array<i32>} : memref<400xf32, #tpu.memory_space<vmem>>, vector<16xf32>,
    tpu.vector_store %arg9[%swap3A_950], %gather3A_949 {strides = array<i32>} : memref<400xf32, #tpu.memory_space<vmem>>, vector<16xf32>,
    %get3A_952 = arith.constant 64 : index
    %get3A_953 = tpu.vector_load %arg8[%get3A_952] {strides = array<i32>} : memref<400xi32, #tpu.memory_space<vmem>>, vector<16xi32>,
    %get3A_954 = arith.constant 64 : index
    %get3A_955 = tpu.vector_load %arg7[%get3A_954] {strides = array<i32>} : memref<400xi32, #tpu.memory_space<vmem>>, vector<16xi32>,
    %gather3A_956 = tpu.vector_load_idx %arg6[%get3A_955, %get3A_953] : memref<16x256xf32, #tpu.memory_space<vmem>>[vector<16xi32>, vector<16xi32>], vector<16xf32>,
    %swap3A_957 = arith.constant 64 : index
    %swap3A_958 = tpu.vector_load %arg9[%swap3A_957] {strides = array<i32>} : memref<400xf32, #tpu.memory_space<vmem>>, vector<16xf32>,
    tpu.vector_store %arg9[%swap3A_957], %gather3A_956 {strides = array<i32>} : memref<400xf32, #tpu.memory_space<vmem>>, vector<16xf32>,
    %get3A_959 = arith.constant 80 : index
    %get3A_960 = tpu.vector_load %arg8[%get3A_959] {strides = array<i32>} : memref<400xi32, #tpu.memory_space<vmem>>, vector<16xi32>,
    %get3A_961 = arith.constant 80 : index
    %get3A_962 = tpu.vector_load %arg7[%get3A_961] {strides = array<i32>} : memref<400xi32, #tpu.memory_space<vmem>>, vector<16xi32>,
    %gather3A_963 = tpu.vector_load_idx %arg6[%get3A_962, %get3A_960] : memref<16x256xf32, #tpu.memory_space<vmem>>[vector<16xi32>, vector<16xi32>], vector<16xf32>,
    %swap3A_964 = arith.constant 80 : index
    %swap3A_965 = tpu.vector_load %arg9[%swap3A_964] {strides = array<i32>} : memref<400xf32, #tpu.memory_space<vmem>>, vector<16xf32>,
    tpu.vector_store %arg9[%swap3A_964], %gather3A_963 {strides = array<i32>} : memref<400xf32, #tpu.memory_space<vmem>>, vector<16xf32>,
    %get3A_966 = arith.constant 96 : index
    %get3A_967 = tpu.vector_load %arg8[%get3A_966] {strides = array<i32>} : memref<400xi32, #tpu.memory_space<vmem>>, vector<16xi32>,
    %get3A_968 = arith.constant 96 : index
    %get3A_969 = tpu.vector_load %arg7[%get3A_968] {strides = array<i32>} : memref<400xi32, #tpu.memory_space<vmem>>, vector<16xi32>,
    %gather3A_970 = tpu.vector_load_idx %arg6[%get3A_969, %get3A_967] : memref<16x256xf32, #tpu.memory_space<vmem>>[vector<16xi32>, vector<16xi32>], vector<16xf32>,
    %swap3A_971 = arith.constant 96 : index
    %swap3A_972 = tpu.vector_load %arg9[%swap3A_971] {strides = array<i32>} : memref<400xf32, #tpu.memory_space<vmem>>, vector<16xf32>,
    tpu.vector_store %arg9[%swap3A_971], %gather3A_970 {strides = array<i32>} : memref<400xf32, #tpu.memory_space<vmem>>, vector<16xf32>,
    %get3A_973 = arith.constant 112 : index
    %get3A_974 = tpu.vector_load %arg8[%get3A_973] {strides = array<i32>} : memref<400xi32, #tpu.memory_space<vmem>>, vector<16xi32>,
    %get3A_975 = arith.constant 112 : index
    %get3A_976 = tpu.vector_load %arg7[%get3A_975] {strides = array<i32>} : memref<400xi32, #tpu.memory_space<vmem>>, vector<16xi32>,
    %gather3A_977 = tpu.vector_load_idx %arg6[%get3A_976, %get3A_974] : memref<16x256xf32, #tpu.memory_space<vmem>>[vector<16xi32>, vector<16xi32>], vector<16xf32>,
    %swap3A_978 = arith.constant 112 : index
    %swap3A_979 = tpu.vector_load %arg9[%swap3A_978] {strides = array<i32>} : memref<400xf32, #tpu.memory_space<vmem>>, vector<16xf32>,
    tpu.vector_store %arg9[%swap3A_978], %gather3A_977 {strides = array<i32>} : memref<400xf32, #tpu.memory_space<vmem>>, vector<16xf32>,
    %get3A_980 = arith.constant 128 : index
    %get3A_981 = tpu.vector_load %arg8[%get3A_980] {strides = array<i32>} : memref<400xi32, #tpu.memory_space<vmem>>, vector<16xi32>,
    %get3A_982 = arith.constant 128 : index
    %get3A_983 = tpu.vector_load %arg7[%get3A_982] {strides = array<i32>} : memref<400xi32, #tpu.memory_space<vmem>>, vector<16xi32>,
    %gather3A_984 = tpu.vector_load_idx %arg6[%get3A_983, %get3A_981] : memref<16x256xf32, #tpu.memory_space<vmem>>[vector<16xi32>, vector<16xi32>], vector<16xf32>,
    %swap3A_985 = arith.constant 128 : index
    %swap3A_986 = tpu.vector_load %arg9[%swap3A_985] {strides = array<i32>} : memref<400xf32, #tpu.memory_space<vmem>>, vector<16xf32>,
    tpu.vector_store %arg9[%swap3A_985], %gather3A_984 {strides = array<i32>} : memref<400xf32, #tpu.memory_space<vmem>>, vector<16xf32>,
    %get3A_987 = arith.constant 144 : index
    %get3A_988 = tpu.vector_load %arg8[%get3A_987] {strides = array<i32>} : memref<400xi32, #tpu.memory_space<vmem>>, vector<16xi32>,
    %get3A_989 = arith.constant 144 : index
    %get3A_990 = tpu.vector_load %arg7[%get3A_989] {strides = array<i32>} : memref<400xi32, #tpu.memory_space<vmem>>, vector<16xi32>,
    %gather3A_991 = tpu.vector_load_idx %arg6[%get3A_990, %get3A_988] : memref<16x256xf32, #tpu.memory_space<vmem>>[vector<16xi32>, vector<16xi32>], vector<16xf32>,
    %swap3A_992 = arith.constant 144 : index
    %swap3A_993 = tpu.vector_load %arg9[%swap3A_992] {strides = array<i32>} : memref<400xf32, #tpu.memory_space<vmem>>, vector<16xf32>,
    tpu.vector_store %arg9[%swap3A_992], %gather3A_991 {strides = array<i32>} : memref<400xf32, #tpu.memory_space<vmem>>, vector<16xf32>,
    %get3A_994 = arith.constant 160 : index
    %get3A_995 = tpu.vector_load %arg8[%get3A_994] {strides = array<i32>} : memref<400xi32, #tpu.memory_space<vmem>>, vector<16xi32>,
    %get3A_996 = arith.constant 160 : index
    %get3A_997 = tpu.vector_load %arg7[%get3A_996] {strides = array<i32>} : memref<400xi32, #tpu.memory_space<vmem>>, vector<16xi32>,
    %gather3A_998 = tpu.vector_load_idx %arg6[%get3A_997, %get3A_995] : memref<16x256xf32, #tpu.memory_space<vmem>>[vector<16xi32>, vector<16xi32>], vector<16xf32>,
    %swap3A_999 = arith.constant 160 : index
    %swap3A_1000 = tpu.vector_load %arg9[%swap3A_999] {strides = array<i32>} : memref<400xf32, #tpu.memory_space<vmem>>, vector<16xf32>,
    tpu.vector_store %arg9[%swap3A_999], %gather3A_998 {strides = array<i32>} : memref<400xf32, #tpu.memory_space<vmem>>, vector<16xf32>,
    %get3A_1001 = arith.constant 176 : index
    %get3A_1002 = tpu.vector_load %arg8[%get3A_1001] {strides = array<i32>} : memref<400xi32, #tpu.memory_space<vmem>>, vector<16xi32>,
    %get3A_1003 = arith.constant 176 : index
    %get3A_1004 = tpu.vector_load %arg7[%get3A_1003] {strides = array<i32>} : memref<400xi32, #tpu.memory_space<vmem>>, vector<16xi32>,
    %gather3A_1005 = tpu.vector_load_idx %arg6[%get3A_1004, %get3A_1002] : memref<16x256xf32, #tpu.memory_space<vmem>>[vector<16xi32>, vector<16xi32>], vector<16xf32>,
    %swap3A_1006 = arith.constant 176 : index
    %swap3A_1007 = tpu.vector_load %arg9[%swap3A_1006] {strides = array<i32>} : memref<400xf32, #tpu.memory_space<vmem>>, vector<16xf32>,
    tpu.vector_store %arg9[%swap3A_1006], %gather3A_1005 {strides = array<i32>} : memref<400xf32, #tpu.memory_space<vmem>>, vector<16xf32>,
    %get3A_1008 = arith.constant 192 : index
    %get3A_1009 = tpu.vector_load %arg8[%get3A_1008] {strides = array<i32>} : memref<400xi32, #tpu.memory_space<vmem>>, vector<16xi32>,
    %get3A_1010 = arith.constant 192 : index
    %get3A_1011 = tpu.vector_load %arg7[%get3A_1010] {strides = array<i32>} : memref<400xi32, #tpu.memory_space<vmem>>, vector<16xi32>,
    %gather3A_1012 = tpu.vector_load_idx %arg6[%get3A_1011, %get3A_1009] : memref<16x256xf32, #tpu.memory_space<vmem>>[vector<16xi32>, vector<16xi32>], vector<16xf32>,
    %swap3A_1013 = arith.constant 192 : index
    %swap3A_1014 = tpu.vector_load %arg9[%swap3A_1013] {strides = array<i32>} : memref<400xf32, #tpu.memory_space<vmem>>, vector<16xf32>,
    tpu.vector_store %arg9[%swap3A_1013], %gather3A_1012 {strides = array<i32>} : memref<400xf32, #tpu.memory_space<vmem>>, vector<16xf32>,
    %get3A_1015 = arith.constant 208 : index
    %get3A_1016 = tpu.vector_load %arg8[%get3A_1015] {strides = array<i32>} : memref<400xi32, #tpu.memory_space<vmem>>, vector<16xi32>,
    %get3A_1017 = arith.constant 208 : index
    %get3A_1018 = tpu.vector_load %arg7[%get3A_1017] {strides = array<i32>} : memref<400xi32, #tpu.memory_space<vmem>>, vector<16xi32>,
    %gather3A_1019 = tpu.vector_load_idx %arg6[%get3A_1018, %get3A_1016] : memref<16x256xf32, #tpu.memory_space<vmem>>[vector<16xi32>, vector<16xi32>], vector<16xf32>,
    %swap3A_1020 = arith.constant 208 : index
    %swap3A_1021 = tpu.vector_load %arg9[%swap3A_1020] {strides = array<i32>} : memref<400xf32, #tpu.memory_space<vmem>>, vector<16xf32>,
    tpu.vector_store %arg9[%swap3A_1020], %gather3A_1019 {strides = array<i32>} : memref<400xf32, #tpu.memory_space<vmem>>, vector<16xf32>,
    %get3A_1022 = arith.constant 224 : index
    %get3A_1023 = tpu.vector_load %arg8[%get3A_1022] {strides = array<i32>} : memref<400xi32, #tpu.memory_space<vmem>>, vector<16xi32>,
    %get3A_1024 = arith.constant 224 : index
    %get3A_1025 = tpu.vector_load %arg7[%get3A_1024] {strides = array<i32>} : memref<400xi32, #tpu.memory_space<vmem>>, vector<16xi32>,
    %gather3A_1026 = tpu.vector_load_idx %arg6[%get3A_1025, %get3A_1023] : memref<16x256xf32, #tpu.memory_space<vmem>>[vector<16xi32>, vector<16xi32>], vector<16xf32>,
    %swap3A_1027 = arith.constant 224 : index
    %swap3A_1028 = tpu.vector_load %arg9[%swap3A_1027] {strides = array<i32>} : memref<400xf32, #tpu.memory_space<vmem>>, vector<16xf32>,
    tpu.vector_store %arg9[%swap3A_1027], %gather3A_1026 {strides = array<i32>} : memref<400xf32, #tpu.memory_space<vmem>>, vector<16xf32>,
    %get3A_1029 = arith.constant 240 : index
    %get3A_1030 = tpu.vector_load %arg8[%get3A_1029] {strides = array<i32>} : memref<400xi32, #tpu.memory_space<vmem>>, vector<16xi32>,
    %get3A_1031 = arith.constant 240 : index
    %get3A_1032 = tpu.vector_load %arg7[%get3A_1031] {strides = array<i32>} : memref<400xi32, #tpu.memory_space<vmem>>, vector<16xi32>,
    %gather3A_1033 = tpu.vector_load_idx %arg6[%get3A_1032, %get3A_1030] : memref<16x256xf32, #tpu.memory_space<vmem>>[vector<16xi32>, vector<16xi32>], vector<16xf32>,
    %swap3A_1034 = arith.constant 240 : index
    %swap3A_1035 = tpu.vector_load %arg9[%swap3A_1034] {strides = array<i32>} : memref<400xf32, #tpu.memory_space<vmem>>, vector<16xf32>,
    tpu.vector_store %arg9[%swap3A_1034], %gather3A_1033 {strides = array<i32>} : memref<400xf32, #tpu.memory_space<vmem>>, vector<16xf32>,
    %get3A_1036 = arith.constant 256 : index
    %get3A_1037 = tpu.vector_load %arg8[%get3A_1036] {strides = array<i32>} : memref<400xi32, #tpu.memory_space<vmem>>, vector<16xi32>,
    %get3A_1038 = arith.constant 256 : index
    %get3A_1039 = tpu.vector_load %arg7[%get3A_1038] {strides = array<i32>} : memref<400xi32, #tpu.memory_space<vmem>>, vector<16xi32>,
    %gather3A_1040 = tpu.vector_load_idx %arg6[%get3A_1039, %get3A_1037] : memref<16x256xf32, #tpu.memory_space<vmem>>[vector<16xi32>, vector<16xi32>], vector<16xf32>,
    %swap3A_1041 = arith.constant 256 : index
    %swap3A_1042 = tpu.vector_load %arg9[%swap3A_1041] {strides = array<i32>} : memref<400xf32, #tpu.memory_space<vmem>>, vector<16xf32>,
    tpu.vector_store %arg9[%swap3A_1041], %gather3A_1040 {strides = array<i32>} : memref<400xf32, #tpu.memory_space<vmem>>, vector<16xf32>,
    %get3A_1043 = arith.constant 272 : index
    %get3A_1044 = tpu.vector_load %arg8[%get3A_1043] {strides = array<i32>} : memref<400xi32, #tpu.memory_space<vmem>>, vector<16xi32>,
    %get3A_1045 = arith.constant 272 : index
    %get3A_1046 = tpu.vector_load %arg7[%get3A_1045] {strides = array<i32>} : memref<400xi32, #tpu.memory_space<vmem>>, vector<16xi32>,
    %gather3A_1047 = tpu.vector_load_idx %arg6[%get3A_1046, %get3A_1044] : memref<16x256xf32, #tpu.memory_space<vmem>>[vector<16xi32>, vector<16xi32>], vector<16xf32>,
    %swap3A_1048 = arith.constant 272 : index
    %swap3A_1049 = tpu.vector_load %arg9[%swap3A_1048] {strides = array<i32>} : memref<400xf32, #tpu.memory_space<vmem>>, vector<16xf32>,
    tpu.vector_store %arg9[%swap3A_1048], %gather3A_1047 {strides = array<i32>} : memref<400xf32, #tpu.memory_space<vmem>>, vector<16xf32>,
    %get3A_1050 = arith.constant 288 : index
    %get3A_1051 = tpu.vector_load %arg8[%get3A_1050] {strides = array<i32>} : memref<400xi32, #tpu.memory_space<vmem>>, vector<16xi32>,
    %get3A_1052 = arith.constant 288 : index
    %get3A_1053 = tpu.vector_load %arg7[%get3A_1052] {strides = array<i32>} : memref<400xi32, #tpu.memory_space<vmem>>, vector<16xi32>,
    %gather3A_1054 = tpu.vector_load_idx %arg6[%get3A_1053, %get3A_1051] : memref<16x256xf32, #tpu.memory_space<vmem>>[vector<16xi32>, vector<16xi32>], vector<16xf32>,
    %swap3A_1055 = arith.constant 288 : index
    %swap3A_1056 = tpu.vector_load %arg9[%swap3A_1055] {strides = array<i32>} : memref<400xf32, #tpu.memory_space<vmem>>, vector<16xf32>,
    tpu.vector_store %arg9[%swap3A_1055], %gather3A_1054 {strides = array<i32>} : memref<400xf32, #tpu.memory_space<vmem>>, vector<16xf32>,
    %get3A_1057 = arith.constant 304 : index
    %get3A_1058 = tpu.vector_load %arg8[%get3A_1057] {strides = array<i32>} : memref<400xi32, #tpu.memory_space<vmem>>, vector<16xi32>,
    %get3A_1059 = arith.constant 304 : index
    %get3A_1060 = tpu.vector_load %arg7[%get3A_1059] {strides = array<i32>} : memref<400xi32, #tpu.memory_space<vmem>>, vector<16xi32>,
    %gather3A_1061 = tpu.vector_load_idx %arg6[%get3A_1060, %get3A_1058] : memref<16x256xf32, #tpu.memory_space<vmem>>[vector<16xi32>, vector<16xi32>], vector<16xf32>,
    %swap3A_1062 = arith.constant 304 : index
    %swap3A_1063 = tpu.vector_load %arg9[%swap3A_1062] {strides = array<i32>} : memref<400xf32, #tpu.memory_space<vmem>>, vector<16xf32>,
    tpu.vector_store %arg9[%swap3A_1062], %gather3A_1061 {strides = array<i32>} : memref<400xf32, #tpu.memory_space<vmem>>, vector<16xf32>,
    %get3A_1064 = arith.constant 320 : index
    %get3A_1065 = tpu.vector_load %arg8[%get3A_1064] {strides = array<i32>} : memref<400xi32, #tpu.memory_space<vmem>>, vector<16xi32>,
    %get3A_1066 = arith.constant 320 : index
    %get3A_1067 = tpu.vector_load %arg7[%get3A_1066] {strides = array<i32>} : memref<400xi32, #tpu.memory_space<vmem>>, vector<16xi32>,
    %gather3A_1068 = tpu.vector_load_idx %arg6[%get3A_1067, %get3A_1065] : memref<16x256xf32, #tpu.memory_space<vmem>>[vector<16xi32>, vector<16xi32>], vector<16xf32>,
    %swap3A_1069 = arith.constant 320 : index
    %swap3A_1070 = tpu.vector_load %arg9[%swap3A_1069] {strides = array<i32>} : memref<400xf32, #tpu.memory_space<vmem>>, vector<16xf32>,
    tpu.vector_store %arg9[%swap3A_1069], %gather3A_1068 {strides = array<i32>} : memref<400xf32, #tpu.memory_space<vmem>>, vector<16xf32>,
    %get3A_1071 = arith.constant 336 : index
    %get3A_1072 = tpu.vector_load %arg8[%get3A_1071] {strides = array<i32>} : memref<400xi32, #tpu.memory_space<vmem>>, vector<16xi32>,
    %get3A_1073 = arith.constant 336 : index
    %get3A_1074 = tpu.vector_load %arg7[%get3A_1073] {strides = array<i32>} : memref<400xi32, #tpu.memory_space<vmem>>, vector<16xi32>,
    %gather3A_1075 = tpu.vector_load_idx %arg6[%get3A_1074, %get3A_1072] : memref<16x256xf32, #tpu.memory_space<vmem>>[vector<16xi32>, vector<16xi32>], vector<16xf32>,
    %swap3A_1076 = arith.constant 336 : index
    %swap3A_1077 = tpu.vector_load %arg9[%swap3A_1076] {strides = array<i32>} : memref<400xf32, #tpu.memory_space<vmem>>, vector<16xf32>,
    tpu.vector_store %arg9[%swap3A_1076], %gather3A_1075 {strides = array<i32>} : memref<400xf32, #tpu.memory_space<vmem>>, vector<16xf32>,
    %get3A_1078 = arith.constant 352 : index
    %get3A_1079 = tpu.vector_load %arg8[%get3A_1078] {strides = array<i32>} : memref<400xi32, #tpu.memory_space<vmem>>, vector<16xi32>,
    %get3A_1080 = arith.constant 352 : index
    %get3A_1081 = tpu.vector_load %arg7[%get3A_1080] {strides = array<i32>} : memref<400xi32, #tpu.memory_space<vmem>>, vector<16xi32>,
    %gather3A_1082 = tpu.vector_load_idx %arg6[%get3A_1081, %get3A_1079] : memref<16x256xf32, #tpu.memory_space<vmem>>[vector<16xi32>, vector<16xi32>], vector<16xf32>,
    %swap3A_1083 = arith.constant 352 : index
    %swap3A_1084 = tpu.vector_load %arg9[%swap3A_1083] {strides = array<i32>} : memref<400xf32, #tpu.memory_space<vmem>>, vector<16xf32>,
    tpu.vector_store %arg9[%swap3A_1083], %gather3A_1082 {strides = array<i32>} : memref<400xf32, #tpu.memory_space<vmem>>, vector<16xf32>,
    %get3A_1085 = arith.constant 368 : index
    %get3A_1086 = tpu.vector_load %arg8[%get3A_1085] {strides = array<i32>} : memref<400xi32, #tpu.memory_space<vmem>>, vector<16xi32>,
    %get3A_1087 = arith.constant 368 : index
    %get3A_1088 = tpu.vector_load %arg7[%get3A_1087] {strides = array<i32>} : memref<400xi32, #tpu.memory_space<vmem>>, vector<16xi32>,
    %gather3A_1089 = tpu.vector_load_idx %arg6[%get3A_1088, %get3A_1086] : memref<16x256xf32, #tpu.memory_space<vmem>>[vector<16xi32>, vector<16xi32>], vector<16xf32>,
    %swap3A_1090 = arith.constant 368 : index
    %swap3A_1091 = tpu.vector_load %arg9[%swap3A_1090] {strides = array<i32>} : memref<400xf32, #tpu.memory_space<vmem>>, vector<16xf32>,
    tpu.vector_store %arg9[%swap3A_1090], %gather3A_1089 {strides = array<i32>} : memref<400xf32, #tpu.memory_space<vmem>>, vector<16xf32>,
    %get3A_1092 = arith.constant 384 : index
    %get3A_1093 = tpu.vector_load %arg8[%get3A_1092] {strides = array<i32>} : memref<400xi32, #tpu.memory_space<vmem>>, vector<16xi32>,
    %get3A_1094 = arith.constant 384 : index
    %get3A_1095 = tpu.vector_load %arg7[%get3A_1094] {strides = array<i32>} : memref<400xi32, #tpu.memory_space<vmem>>, vector<16xi32>,
    %gather3A_1096 = tpu.vector_load_idx %arg6[%get3A_1095, %get3A_1093] : memref<16x256xf32, #tpu.memory_space<vmem>>[vector<16xi32>, vector<16xi32>], vector<16xf32>,
    %swap3A_1097 = arith.constant 384 : index
    %swap3A_1098 = tpu.vector_load %arg9[%swap3A_1097] {strides = array<i32>} : memref<400xf32, #tpu.memory_space<vmem>>, vector<16xf32>,
    tpu.vector_store %arg9[%swap3A_1097], %gather3A_1096 {strides = array<i32>} : memref<400xf32, #tpu.memory_space<vmem>>, vector<16xf32>,
    "tpu.region"() ({
      %run_scoped3A = tpu.sem_alloc : memref<!tpu.dma_semaphore, #tpu.memory_space<semaphore_mem>>
      %dma_start3A = tpu.memref_slice %arg5[%mul3A_923] : memref<100000xf32, #tpu.memory_space<hbm>> -> memref<400xf32, #tpu.memory_space<hbm>>
      %dma_start3A_1467 = tpu.memref_slice %arg5[%mul3A_923] : memref<100000xf32, #tpu.memory_space<hbm>> -> memref<400xf32, #tpu.memory_space<hbm>>
      tpu.enqueue_dma source(%arg9 : memref<400xf32, #tpu.memory_space<vmem>>) target(%dma_start3A_1467 : memref<400xf32, #tpu.memory_space<hbm>>) target_semaphore(%run_scoped3A : memref<!tpu.dma_semaphore, #tpu.memory_space<semaphore_mem>>)
      %dma_wait3A = tpu.memref_slice %arg5[%mul3A_923] : memref<100000xf32, #tpu.memory_space<hbm>> -> memref<400xf32, #tpu.memory_space<hbm>>
      %dma_wait3A_1468 = tpu.memref_slice %arg5[%mul3A_923] : memref<100000xf32, #tpu.memory_space<hbm>> -> memref<400xf32, #tpu.memory_space<hbm>>
      tpu.wait_dma2 semaphore(%run_scoped3A : memref<!tpu.dma_semaphore, #tpu.memory_space<semaphore_mem>>) src(%arg9 : memref<400xf32, #tpu.memory_space<vmem>>) dst(%dma_wait3A_1468 : memref<400xf32, #tpu.memory_space<hbm>>)
      tpu.yield
    }) : () -> ()
    %add3A_1099 = arith.constant 192 : i32
    %add3A_1100 = arith.addi %add3A, %add3A_1099 : i32
    %ge3A_1101 = arith.constant 250 : i32
    %ge3A_1102 = arith.cmpi sge, %add3A_1100, %ge3A_1101 : i32
    %sub3A_1103 = arith.constant 250 : i32
    %sub3A_1104 = arith.subi %add3A_1100, %sub3A_1103 : i32
    %select_n3A_1105 = arith.select %ge3A_1102, %sub3A_1104, %add3A_1100 : i32
    %mul3A_1106 = arith.constant 400 : i32
    %mul3A_1107 = arith.muli %select_n3A_1105, %mul3A_1106 : i32
    "tpu.region"() ({
      %run_scoped3A = tpu.sem_alloc : memref<!tpu.dma_semaphore, #tpu.memory_space<semaphore_mem>>
      %dma_start3A = tpu.memref_slice %arg3[%mul3A_1107] : memref<100000xi32, #tpu.memory_space<hbm>> -> memref<400xi32, #tpu.memory_space<hbm>>
      %dma_start3A_1467 = tpu.memref_slice %arg3[%mul3A_1107] : memref<100000xi32, #tpu.memory_space<hbm>> -> memref<400xi32, #tpu.memory_space<hbm>>
      tpu.enqueue_dma source(%dma_start3A_1467 : memref<400xi32, #tpu.memory_space<hbm>>) target(%arg7 : memref<400xi32, #tpu.memory_space<vmem>>) target_semaphore(%run_scoped3A : memref<!tpu.dma_semaphore, #tpu.memory_space<semaphore_mem>>)
      %dma_wait3A = tpu.memref_slice %arg3[%mul3A_1107] : memref<100000xi32, #tpu.memory_space<hbm>> -> memref<400xi32, #tpu.memory_space<hbm>>
      %dma_wait3A_1468 = tpu.memref_slice %arg3[%mul3A_1107] : memref<100000xi32, #tpu.memory_space<hbm>> -> memref<400xi32, #tpu.memory_space<hbm>>
      tpu.wait_dma2 semaphore(%run_scoped3A : memref<!tpu.dma_semaphore, #tpu.memory_space<semaphore_mem>>) src(%dma_wait3A_1468 : memref<400xi32, #tpu.memory_space<hbm>>) dst(%arg7 : memref<400xi32, #tpu.memory_space<vmem>>)
      tpu.yield
    }) : () -> ()
    "tpu.region"() ({
      %run_scoped3A = tpu.sem_alloc : memref<!tpu.dma_semaphore, #tpu.memory_space<semaphore_mem>>
      %dma_start3A = tpu.memref_slice %arg4[%mul3A_1107] : memref<100000xi32, #tpu.memory_space<hbm>> -> memref<400xi32, #tpu.memory_space<hbm>>
      %dma_start3A_1467 = tpu.memref_slice %arg4[%mul3A_1107] : memref<100000xi32, #tpu.memory_space<hbm>> -> memref<400xi32, #tpu.memory_space<hbm>>
      tpu.enqueue_dma source(%dma_start3A_1467 : memref<400xi32, #tpu.memory_space<hbm>>) target(%arg8 : memref<400xi32, #tpu.memory_space<vmem>>) target_semaphore(%run_scoped3A : memref<!tpu.dma_semaphore, #tpu.memory_space<semaphore_mem>>)
      %dma_wait3A = tpu.memref_slice %arg4[%mul3A_1107] : memref<100000xi32, #tpu.memory_space<hbm>> -> memref<400xi32, #tpu.memory_space<hbm>>
      %dma_wait3A_1468 = tpu.memref_slice %arg4[%mul3A_1107] : memref<100000xi32, #tpu.memory_space<hbm>> -> memref<400xi32, #tpu.memory_space<hbm>>
      tpu.wait_dma2 semaphore(%run_scoped3A : memref<!tpu.dma_semaphore, #tpu.memory_space<semaphore_mem>>) src(%dma_wait3A_1468 : memref<400xi32, #tpu.memory_space<hbm>>) dst(%arg8 : memref<400xi32, #tpu.memory_space<vmem>>)
      tpu.yield
    }) : () -> ()
    %get3A_1108 = arith.constant 0 : index
    %get3A_1109 = tpu.vector_load %arg8[%get3A_1108] {strides = array<i32>} : memref<400xi32, #tpu.memory_space<vmem>>, vector<16xi32>,
    %get3A_1110 = arith.constant 0 : index
    %get3A_1111 = tpu.vector_load %arg7[%get3A_1110] {strides = array<i32>} : memref<400xi32, #tpu.memory_space<vmem>>, vector<16xi32>,
    %gather3A_1112 = tpu.vector_load_idx %arg6[%get3A_1111, %get3A_1109] : memref<16x256xf32, #tpu.memory_space<vmem>>[vector<16xi32>, vector<16xi32>], vector<16xf32>,
    %swap3A_1113 = arith.constant 0 : index
    %swap3A_1114 = tpu.vector_load %arg9[%swap3A_1113] {strides = array<i32>} : memref<400xf32, #tpu.memory_space<vmem>>, vector<16xf32>,
    tpu.vector_store %arg9[%swap3A_1113], %gather3A_1112 {strides = array<i32>} : memref<400xf32, #tpu.memory_space<vmem>>, vector<16xf32>,
    %get3A_1115 = arith.constant 16 : index
    %get3A_1116 = tpu.vector_load %arg8[%get3A_1115] {strides = array<i32>} : memref<400xi32, #tpu.memory_space<vmem>>, vector<16xi32>,
    %get3A_1117 = arith.constant 16 : index
    %get3A_1118 = tpu.vector_load %arg7[%get3A_1117] {strides = array<i32>} : memref<400xi32, #tpu.memory_space<vmem>>, vector<16xi32>,
    %gather3A_1119 = tpu.vector_load_idx %arg6[%get3A_1118, %get3A_1116] : memref<16x256xf32, #tpu.memory_space<vmem>>[vector<16xi32>, vector<16xi32>], vector<16xf32>,
    %swap3A_1120 = arith.constant 16 : index
    %swap3A_1121 = tpu.vector_load %arg9[%swap3A_1120] {strides = array<i32>} : memref<400xf32, #tpu.memory_space<vmem>>, vector<16xf32>,
    tpu.vector_store %arg9[%swap3A_1120], %gather3A_1119 {strides = array<i32>} : memref<400xf32, #tpu.memory_space<vmem>>, vector<16xf32>,
    %get3A_1122 = arith.constant 32 : index
    %get3A_1123 = tpu.vector_load %arg8[%get3A_1122] {strides = array<i32>} : memref<400xi32, #tpu.memory_space<vmem>>, vector<16xi32>,
    %get3A_1124 = arith.constant 32 : index
    %get3A_1125 = tpu.vector_load %arg7[%get3A_1124] {strides = array<i32>} : memref<400xi32, #tpu.memory_space<vmem>>, vector<16xi32>,
    %gather3A_1126 = tpu.vector_load_idx %arg6[%get3A_1125, %get3A_1123] : memref<16x256xf32, #tpu.memory_space<vmem>>[vector<16xi32>, vector<16xi32>], vector<16xf32>,
    %swap3A_1127 = arith.constant 32 : index
    %swap3A_1128 = tpu.vector_load %arg9[%swap3A_1127] {strides = array<i32>} : memref<400xf32, #tpu.memory_space<vmem>>, vector<16xf32>,
    tpu.vector_store %arg9[%swap3A_1127], %gather3A_1126 {strides = array<i32>} : memref<400xf32, #tpu.memory_space<vmem>>, vector<16xf32>,
    %get3A_1129 = arith.constant 48 : index
    %get3A_1130 = tpu.vector_load %arg8[%get3A_1129] {strides = array<i32>} : memref<400xi32, #tpu.memory_space<vmem>>, vector<16xi32>,
    %get3A_1131 = arith.constant 48 : index
    %get3A_1132 = tpu.vector_load %arg7[%get3A_1131] {strides = array<i32>} : memref<400xi32, #tpu.memory_space<vmem>>, vector<16xi32>,
    %gather3A_1133 = tpu.vector_load_idx %arg6[%get3A_1132, %get3A_1130] : memref<16x256xf32, #tpu.memory_space<vmem>>[vector<16xi32>, vector<16xi32>], vector<16xf32>,
    %swap3A_1134 = arith.constant 48 : index
    %swap3A_1135 = tpu.vector_load %arg9[%swap3A_1134] {strides = array<i32>} : memref<400xf32, #tpu.memory_space<vmem>>, vector<16xf32>,
    tpu.vector_store %arg9[%swap3A_1134], %gather3A_1133 {strides = array<i32>} : memref<400xf32, #tpu.memory_space<vmem>>, vector<16xf32>,
    %get3A_1136 = arith.constant 64 : index
    %get3A_1137 = tpu.vector_load %arg8[%get3A_1136] {strides = array<i32>} : memref<400xi32, #tpu.memory_space<vmem>>, vector<16xi32>,
    %get3A_1138 = arith.constant 64 : index
    %get3A_1139 = tpu.vector_load %arg7[%get3A_1138] {strides = array<i32>} : memref<400xi32, #tpu.memory_space<vmem>>, vector<16xi32>,
    %gather3A_1140 = tpu.vector_load_idx %arg6[%get3A_1139, %get3A_1137] : memref<16x256xf32, #tpu.memory_space<vmem>>[vector<16xi32>, vector<16xi32>], vector<16xf32>,
    %swap3A_1141 = arith.constant 64 : index
    %swap3A_1142 = tpu.vector_load %arg9[%swap3A_1141] {strides = array<i32>} : memref<400xf32, #tpu.memory_space<vmem>>, vector<16xf32>,
    tpu.vector_store %arg9[%swap3A_1141], %gather3A_1140 {strides = array<i32>} : memref<400xf32, #tpu.memory_space<vmem>>, vector<16xf32>,
    %get3A_1143 = arith.constant 80 : index
    %get3A_1144 = tpu.vector_load %arg8[%get3A_1143] {strides = array<i32>} : memref<400xi32, #tpu.memory_space<vmem>>, vector<16xi32>,
    %get3A_1145 = arith.constant 80 : index
    %get3A_1146 = tpu.vector_load %arg7[%get3A_1145] {strides = array<i32>} : memref<400xi32, #tpu.memory_space<vmem>>, vector<16xi32>,
    %gather3A_1147 = tpu.vector_load_idx %arg6[%get3A_1146, %get3A_1144] : memref<16x256xf32, #tpu.memory_space<vmem>>[vector<16xi32>, vector<16xi32>], vector<16xf32>,
    %swap3A_1148 = arith.constant 80 : index
    %swap3A_1149 = tpu.vector_load %arg9[%swap3A_1148] {strides = array<i32>} : memref<400xf32, #tpu.memory_space<vmem>>, vector<16xf32>,
    tpu.vector_store %arg9[%swap3A_1148], %gather3A_1147 {strides = array<i32>} : memref<400xf32, #tpu.memory_space<vmem>>, vector<16xf32>,
    %get3A_1150 = arith.constant 96 : index
    %get3A_1151 = tpu.vector_load %arg8[%get3A_1150] {strides = array<i32>} : memref<400xi32, #tpu.memory_space<vmem>>, vector<16xi32>,
    %get3A_1152 = arith.constant 96 : index
    %get3A_1153 = tpu.vector_load %arg7[%get3A_1152] {strides = array<i32>} : memref<400xi32, #tpu.memory_space<vmem>>, vector<16xi32>,
    %gather3A_1154 = tpu.vector_load_idx %arg6[%get3A_1153, %get3A_1151] : memref<16x256xf32, #tpu.memory_space<vmem>>[vector<16xi32>, vector<16xi32>], vector<16xf32>,
    %swap3A_1155 = arith.constant 96 : index
    %swap3A_1156 = tpu.vector_load %arg9[%swap3A_1155] {strides = array<i32>} : memref<400xf32, #tpu.memory_space<vmem>>, vector<16xf32>,
    tpu.vector_store %arg9[%swap3A_1155], %gather3A_1154 {strides = array<i32>} : memref<400xf32, #tpu.memory_space<vmem>>, vector<16xf32>,
    %get3A_1157 = arith.constant 112 : index
    %get3A_1158 = tpu.vector_load %arg8[%get3A_1157] {strides = array<i32>} : memref<400xi32, #tpu.memory_space<vmem>>, vector<16xi32>,
    %get3A_1159 = arith.constant 112 : index
    %get3A_1160 = tpu.vector_load %arg7[%get3A_1159] {strides = array<i32>} : memref<400xi32, #tpu.memory_space<vmem>>, vector<16xi32>,
    %gather3A_1161 = tpu.vector_load_idx %arg6[%get3A_1160, %get3A_1158] : memref<16x256xf32, #tpu.memory_space<vmem>>[vector<16xi32>, vector<16xi32>], vector<16xf32>,
    %swap3A_1162 = arith.constant 112 : index
    %swap3A_1163 = tpu.vector_load %arg9[%swap3A_1162] {strides = array<i32>} : memref<400xf32, #tpu.memory_space<vmem>>, vector<16xf32>,
    tpu.vector_store %arg9[%swap3A_1162], %gather3A_1161 {strides = array<i32>} : memref<400xf32, #tpu.memory_space<vmem>>, vector<16xf32>,
    %get3A_1164 = arith.constant 128 : index
    %get3A_1165 = tpu.vector_load %arg8[%get3A_1164] {strides = array<i32>} : memref<400xi32, #tpu.memory_space<vmem>>, vector<16xi32>,
    %get3A_1166 = arith.constant 128 : index
    %get3A_1167 = tpu.vector_load %arg7[%get3A_1166] {strides = array<i32>} : memref<400xi32, #tpu.memory_space<vmem>>, vector<16xi32>,
    %gather3A_1168 = tpu.vector_load_idx %arg6[%get3A_1167, %get3A_1165] : memref<16x256xf32, #tpu.memory_space<vmem>>[vector<16xi32>, vector<16xi32>], vector<16xf32>,
    %swap3A_1169 = arith.constant 128 : index
    %swap3A_1170 = tpu.vector_load %arg9[%swap3A_1169] {strides = array<i32>} : memref<400xf32, #tpu.memory_space<vmem>>, vector<16xf32>,
    tpu.vector_store %arg9[%swap3A_1169], %gather3A_1168 {strides = array<i32>} : memref<400xf32, #tpu.memory_space<vmem>>, vector<16xf32>,
    %get3A_1171 = arith.constant 144 : index
    %get3A_1172 = tpu.vector_load %arg8[%get3A_1171] {strides = array<i32>} : memref<400xi32, #tpu.memory_space<vmem>>, vector<16xi32>,
    %get3A_1173 = arith.constant 144 : index
    %get3A_1174 = tpu.vector_load %arg7[%get3A_1173] {strides = array<i32>} : memref<400xi32, #tpu.memory_space<vmem>>, vector<16xi32>,
    %gather3A_1175 = tpu.vector_load_idx %arg6[%get3A_1174, %get3A_1172] : memref<16x256xf32, #tpu.memory_space<vmem>>[vector<16xi32>, vector<16xi32>], vector<16xf32>,
    %swap3A_1176 = arith.constant 144 : index
    %swap3A_1177 = tpu.vector_load %arg9[%swap3A_1176] {strides = array<i32>} : memref<400xf32, #tpu.memory_space<vmem>>, vector<16xf32>,
    tpu.vector_store %arg9[%swap3A_1176], %gather3A_1175 {strides = array<i32>} : memref<400xf32, #tpu.memory_space<vmem>>, vector<16xf32>,
    %get3A_1178 = arith.constant 160 : index
    %get3A_1179 = tpu.vector_load %arg8[%get3A_1178] {strides = array<i32>} : memref<400xi32, #tpu.memory_space<vmem>>, vector<16xi32>,
    %get3A_1180 = arith.constant 160 : index
    %get3A_1181 = tpu.vector_load %arg7[%get3A_1180] {strides = array<i32>} : memref<400xi32, #tpu.memory_space<vmem>>, vector<16xi32>,
    %gather3A_1182 = tpu.vector_load_idx %arg6[%get3A_1181, %get3A_1179] : memref<16x256xf32, #tpu.memory_space<vmem>>[vector<16xi32>, vector<16xi32>], vector<16xf32>,
    %swap3A_1183 = arith.constant 160 : index
    %swap3A_1184 = tpu.vector_load %arg9[%swap3A_1183] {strides = array<i32>} : memref<400xf32, #tpu.memory_space<vmem>>, vector<16xf32>,
    tpu.vector_store %arg9[%swap3A_1183], %gather3A_1182 {strides = array<i32>} : memref<400xf32, #tpu.memory_space<vmem>>, vector<16xf32>,
    %get3A_1185 = arith.constant 176 : index
    %get3A_1186 = tpu.vector_load %arg8[%get3A_1185] {strides = array<i32>} : memref<400xi32, #tpu.memory_space<vmem>>, vector<16xi32>,
    %get3A_1187 = arith.constant 176 : index
    %get3A_1188 = tpu.vector_load %arg7[%get3A_1187] {strides = array<i32>} : memref<400xi32, #tpu.memory_space<vmem>>, vector<16xi32>,
    %gather3A_1189 = tpu.vector_load_idx %arg6[%get3A_1188, %get3A_1186] : memref<16x256xf32, #tpu.memory_space<vmem>>[vector<16xi32>, vector<16xi32>], vector<16xf32>,
    %swap3A_1190 = arith.constant 176 : index
    %swap3A_1191 = tpu.vector_load %arg9[%swap3A_1190] {strides = array<i32>} : memref<400xf32, #tpu.memory_space<vmem>>, vector<16xf32>,
    tpu.vector_store %arg9[%swap3A_1190], %gather3A_1189 {strides = array<i32>} : memref<400xf32, #tpu.memory_space<vmem>>, vector<16xf32>,
    %get3A_1192 = arith.constant 192 : index
    %get3A_1193 = tpu.vector_load %arg8[%get3A_1192] {strides = array<i32>} : memref<400xi32, #tpu.memory_space<vmem>>, vector<16xi32>,
    %get3A_1194 = arith.constant 192 : index
    %get3A_1195 = tpu.vector_load %arg7[%get3A_1194] {strides = array<i32>} : memref<400xi32, #tpu.memory_space<vmem>>, vector<16xi32>,
    %gather3A_1196 = tpu.vector_load_idx %arg6[%get3A_1195, %get3A_1193] : memref<16x256xf32, #tpu.memory_space<vmem>>[vector<16xi32>, vector<16xi32>], vector<16xf32>,
    %swap3A_1197 = arith.constant 192 : index
    %swap3A_1198 = tpu.vector_load %arg9[%swap3A_1197] {strides = array<i32>} : memref<400xf32, #tpu.memory_space<vmem>>, vector<16xf32>,
    tpu.vector_store %arg9[%swap3A_1197], %gather3A_1196 {strides = array<i32>} : memref<400xf32, #tpu.memory_space<vmem>>, vector<16xf32>,
    %get3A_1199 = arith.constant 208 : index
    %get3A_1200 = tpu.vector_load %arg8[%get3A_1199] {strides = array<i32>} : memref<400xi32, #tpu.memory_space<vmem>>, vector<16xi32>,
    %get3A_1201 = arith.constant 208 : index
    %get3A_1202 = tpu.vector_load %arg7[%get3A_1201] {strides = array<i32>} : memref<400xi32, #tpu.memory_space<vmem>>, vector<16xi32>,
    %gather3A_1203 = tpu.vector_load_idx %arg6[%get3A_1202, %get3A_1200] : memref<16x256xf32, #tpu.memory_space<vmem>>[vector<16xi32>, vector<16xi32>], vector<16xf32>,
    %swap3A_1204 = arith.constant 208 : index
    %swap3A_1205 = tpu.vector_load %arg9[%swap3A_1204] {strides = array<i32>} : memref<400xf32, #tpu.memory_space<vmem>>, vector<16xf32>,
    tpu.vector_store %arg9[%swap3A_1204], %gather3A_1203 {strides = array<i32>} : memref<400xf32, #tpu.memory_space<vmem>>, vector<16xf32>,
    %get3A_1206 = arith.constant 224 : index
    %get3A_1207 = tpu.vector_load %arg8[%get3A_1206] {strides = array<i32>} : memref<400xi32, #tpu.memory_space<vmem>>, vector<16xi32>,
    %get3A_1208 = arith.constant 224 : index
    %get3A_1209 = tpu.vector_load %arg7[%get3A_1208] {strides = array<i32>} : memref<400xi32, #tpu.memory_space<vmem>>, vector<16xi32>,
    %gather3A_1210 = tpu.vector_load_idx %arg6[%get3A_1209, %get3A_1207] : memref<16x256xf32, #tpu.memory_space<vmem>>[vector<16xi32>, vector<16xi32>], vector<16xf32>,
    %swap3A_1211 = arith.constant 224 : index
    %swap3A_1212 = tpu.vector_load %arg9[%swap3A_1211] {strides = array<i32>} : memref<400xf32, #tpu.memory_space<vmem>>, vector<16xf32>,
    tpu.vector_store %arg9[%swap3A_1211], %gather3A_1210 {strides = array<i32>} : memref<400xf32, #tpu.memory_space<vmem>>, vector<16xf32>,
    %get3A_1213 = arith.constant 240 : index
    %get3A_1214 = tpu.vector_load %arg8[%get3A_1213] {strides = array<i32>} : memref<400xi32, #tpu.memory_space<vmem>>, vector<16xi32>,
    %get3A_1215 = arith.constant 240 : index
    %get3A_1216 = tpu.vector_load %arg7[%get3A_1215] {strides = array<i32>} : memref<400xi32, #tpu.memory_space<vmem>>, vector<16xi32>,
    %gather3A_1217 = tpu.vector_load_idx %arg6[%get3A_1216, %get3A_1214] : memref<16x256xf32, #tpu.memory_space<vmem>>[vector<16xi32>, vector<16xi32>], vector<16xf32>,
    %swap3A_1218 = arith.constant 240 : index
    %swap3A_1219 = tpu.vector_load %arg9[%swap3A_1218] {strides = array<i32>} : memref<400xf32, #tpu.memory_space<vmem>>, vector<16xf32>,
    tpu.vector_store %arg9[%swap3A_1218], %gather3A_1217 {strides = array<i32>} : memref<400xf32, #tpu.memory_space<vmem>>, vector<16xf32>,
    %get3A_1220 = arith.constant 256 : index
    %get3A_1221 = tpu.vector_load %arg8[%get3A_1220] {strides = array<i32>} : memref<400xi32, #tpu.memory_space<vmem>>, vector<16xi32>,
    %get3A_1222 = arith.constant 256 : index
    %get3A_1223 = tpu.vector_load %arg7[%get3A_1222] {strides = array<i32>} : memref<400xi32, #tpu.memory_space<vmem>>, vector<16xi32>,
    %gather3A_1224 = tpu.vector_load_idx %arg6[%get3A_1223, %get3A_1221] : memref<16x256xf32, #tpu.memory_space<vmem>>[vector<16xi32>, vector<16xi32>], vector<16xf32>,
    %swap3A_1225 = arith.constant 256 : index
    %swap3A_1226 = tpu.vector_load %arg9[%swap3A_1225] {strides = array<i32>} : memref<400xf32, #tpu.memory_space<vmem>>, vector<16xf32>,
    tpu.vector_store %arg9[%swap3A_1225], %gather3A_1224 {strides = array<i32>} : memref<400xf32, #tpu.memory_space<vmem>>, vector<16xf32>,
    %get3A_1227 = arith.constant 272 : index
    %get3A_1228 = tpu.vector_load %arg8[%get3A_1227] {strides = array<i32>} : memref<400xi32, #tpu.memory_space<vmem>>, vector<16xi32>,
    %get3A_1229 = arith.constant 272 : index
    %get3A_1230 = tpu.vector_load %arg7[%get3A_1229] {strides = array<i32>} : memref<400xi32, #tpu.memory_space<vmem>>, vector<16xi32>,
    %gather3A_1231 = tpu.vector_load_idx %arg6[%get3A_1230, %get3A_1228] : memref<16x256xf32, #tpu.memory_space<vmem>>[vector<16xi32>, vector<16xi32>], vector<16xf32>,
    %swap3A_1232 = arith.constant 272 : index
    %swap3A_1233 = tpu.vector_load %arg9[%swap3A_1232] {strides = array<i32>} : memref<400xf32, #tpu.memory_space<vmem>>, vector<16xf32>,
    tpu.vector_store %arg9[%swap3A_1232], %gather3A_1231 {strides = array<i32>} : memref<400xf32, #tpu.memory_space<vmem>>, vector<16xf32>,
    %get3A_1234 = arith.constant 288 : index
    %get3A_1235 = tpu.vector_load %arg8[%get3A_1234] {strides = array<i32>} : memref<400xi32, #tpu.memory_space<vmem>>, vector<16xi32>,
    %get3A_1236 = arith.constant 288 : index
    %get3A_1237 = tpu.vector_load %arg7[%get3A_1236] {strides = array<i32>} : memref<400xi32, #tpu.memory_space<vmem>>, vector<16xi32>,
    %gather3A_1238 = tpu.vector_load_idx %arg6[%get3A_1237, %get3A_1235] : memref<16x256xf32, #tpu.memory_space<vmem>>[vector<16xi32>, vector<16xi32>], vector<16xf32>,
    %swap3A_1239 = arith.constant 288 : index
    %swap3A_1240 = tpu.vector_load %arg9[%swap3A_1239] {strides = array<i32>} : memref<400xf32, #tpu.memory_space<vmem>>, vector<16xf32>,
    tpu.vector_store %arg9[%swap3A_1239], %gather3A_1238 {strides = array<i32>} : memref<400xf32, #tpu.memory_space<vmem>>, vector<16xf32>,
    %get3A_1241 = arith.constant 304 : index
    %get3A_1242 = tpu.vector_load %arg8[%get3A_1241] {strides = array<i32>} : memref<400xi32, #tpu.memory_space<vmem>>, vector<16xi32>,
    %get3A_1243 = arith.constant 304 : index
    %get3A_1244 = tpu.vector_load %arg7[%get3A_1243] {strides = array<i32>} : memref<400xi32, #tpu.memory_space<vmem>>, vector<16xi32>,
    %gather3A_1245 = tpu.vector_load_idx %arg6[%get3A_1244, %get3A_1242] : memref<16x256xf32, #tpu.memory_space<vmem>>[vector<16xi32>, vector<16xi32>], vector<16xf32>,
    %swap3A_1246 = arith.constant 304 : index
    %swap3A_1247 = tpu.vector_load %arg9[%swap3A_1246] {strides = array<i32>} : memref<400xf32, #tpu.memory_space<vmem>>, vector<16xf32>,
    tpu.vector_store %arg9[%swap3A_1246], %gather3A_1245 {strides = array<i32>} : memref<400xf32, #tpu.memory_space<vmem>>, vector<16xf32>,
    %get3A_1248 = arith.constant 320 : index
    %get3A_1249 = tpu.vector_load %arg8[%get3A_1248] {strides = array<i32>} : memref<400xi32, #tpu.memory_space<vmem>>, vector<16xi32>,
    %get3A_1250 = arith.constant 320 : index
    %get3A_1251 = tpu.vector_load %arg7[%get3A_1250] {strides = array<i32>} : memref<400xi32, #tpu.memory_space<vmem>>, vector<16xi32>,
    %gather3A_1252 = tpu.vector_load_idx %arg6[%get3A_1251, %get3A_1249] : memref<16x256xf32, #tpu.memory_space<vmem>>[vector<16xi32>, vector<16xi32>], vector<16xf32>,
    %swap3A_1253 = arith.constant 320 : index
    %swap3A_1254 = tpu.vector_load %arg9[%swap3A_1253] {strides = array<i32>} : memref<400xf32, #tpu.memory_space<vmem>>, vector<16xf32>,
    tpu.vector_store %arg9[%swap3A_1253], %gather3A_1252 {strides = array<i32>} : memref<400xf32, #tpu.memory_space<vmem>>, vector<16xf32>,
    %get3A_1255 = arith.constant 336 : index
    %get3A_1256 = tpu.vector_load %arg8[%get3A_1255] {strides = array<i32>} : memref<400xi32, #tpu.memory_space<vmem>>, vector<16xi32>,
    %get3A_1257 = arith.constant 336 : index
    %get3A_1258 = tpu.vector_load %arg7[%get3A_1257] {strides = array<i32>} : memref<400xi32, #tpu.memory_space<vmem>>, vector<16xi32>,
    %gather3A_1259 = tpu.vector_load_idx %arg6[%get3A_1258, %get3A_1256] : memref<16x256xf32, #tpu.memory_space<vmem>>[vector<16xi32>, vector<16xi32>], vector<16xf32>,
    %swap3A_1260 = arith.constant 336 : index
    %swap3A_1261 = tpu.vector_load %arg9[%swap3A_1260] {strides = array<i32>} : memref<400xf32, #tpu.memory_space<vmem>>, vector<16xf32>,
    tpu.vector_store %arg9[%swap3A_1260], %gather3A_1259 {strides = array<i32>} : memref<400xf32, #tpu.memory_space<vmem>>, vector<16xf32>,
    %get3A_1262 = arith.constant 352 : index
    %get3A_1263 = tpu.vector_load %arg8[%get3A_1262] {strides = array<i32>} : memref<400xi32, #tpu.memory_space<vmem>>, vector<16xi32>,
    %get3A_1264 = arith.constant 352 : index
    %get3A_1265 = tpu.vector_load %arg7[%get3A_1264] {strides = array<i32>} : memref<400xi32, #tpu.memory_space<vmem>>, vector<16xi32>,
    %gather3A_1266 = tpu.vector_load_idx %arg6[%get3A_1265, %get3A_1263] : memref<16x256xf32, #tpu.memory_space<vmem>>[vector<16xi32>, vector<16xi32>], vector<16xf32>,
    %swap3A_1267 = arith.constant 352 : index
    %swap3A_1268 = tpu.vector_load %arg9[%swap3A_1267] {strides = array<i32>} : memref<400xf32, #tpu.memory_space<vmem>>, vector<16xf32>,
    tpu.vector_store %arg9[%swap3A_1267], %gather3A_1266 {strides = array<i32>} : memref<400xf32, #tpu.memory_space<vmem>>, vector<16xf32>,
    %get3A_1269 = arith.constant 368 : index
    %get3A_1270 = tpu.vector_load %arg8[%get3A_1269] {strides = array<i32>} : memref<400xi32, #tpu.memory_space<vmem>>, vector<16xi32>,
    %get3A_1271 = arith.constant 368 : index
    %get3A_1272 = tpu.vector_load %arg7[%get3A_1271] {strides = array<i32>} : memref<400xi32, #tpu.memory_space<vmem>>, vector<16xi32>,
    %gather3A_1273 = tpu.vector_load_idx %arg6[%get3A_1272, %get3A_1270] : memref<16x256xf32, #tpu.memory_space<vmem>>[vector<16xi32>, vector<16xi32>], vector<16xf32>,
    %swap3A_1274 = arith.constant 368 : index
    %swap3A_1275 = tpu.vector_load %arg9[%swap3A_1274] {strides = array<i32>} : memref<400xf32, #tpu.memory_space<vmem>>, vector<16xf32>,
    tpu.vector_store %arg9[%swap3A_1274], %gather3A_1273 {strides = array<i32>} : memref<400xf32, #tpu.memory_space<vmem>>, vector<16xf32>,
    %get3A_1276 = arith.constant 384 : index
    %get3A_1277 = tpu.vector_load %arg8[%get3A_1276] {strides = array<i32>} : memref<400xi32, #tpu.memory_space<vmem>>, vector<16xi32>,
    %get3A_1278 = arith.constant 384 : index
    %get3A_1279 = tpu.vector_load %arg7[%get3A_1278] {strides = array<i32>} : memref<400xi32, #tpu.memory_space<vmem>>, vector<16xi32>,
    %gather3A_1280 = tpu.vector_load_idx %arg6[%get3A_1279, %get3A_1277] : memref<16x256xf32, #tpu.memory_space<vmem>>[vector<16xi32>, vector<16xi32>], vector<16xf32>,
    %swap3A_1281 = arith.constant 384 : index
    %swap3A_1282 = tpu.vector_load %arg9[%swap3A_1281] {strides = array<i32>} : memref<400xf32, #tpu.memory_space<vmem>>, vector<16xf32>,
    tpu.vector_store %arg9[%swap3A_1281], %gather3A_1280 {strides = array<i32>} : memref<400xf32, #tpu.memory_space<vmem>>, vector<16xf32>,
    "tpu.region"() ({
      %run_scoped3A = tpu.sem_alloc : memref<!tpu.dma_semaphore, #tpu.memory_space<semaphore_mem>>
      %dma_start3A = tpu.memref_slice %arg5[%mul3A_1107] : memref<100000xf32, #tpu.memory_space<hbm>> -> memref<400xf32, #tpu.memory_space<hbm>>
      %dma_start3A_1467 = tpu.memref_slice %arg5[%mul3A_1107] : memref<100000xf32, #tpu.memory_space<hbm>> -> memref<400xf32, #tpu.memory_space<hbm>>
      tpu.enqueue_dma source(%arg9 : memref<400xf32, #tpu.memory_space<vmem>>) target(%dma_start3A_1467 : memref<400xf32, #tpu.memory_space<hbm>>) target_semaphore(%run_scoped3A : memref<!tpu.dma_semaphore, #tpu.memory_space<semaphore_mem>>)
      %dma_wait3A = tpu.memref_slice %arg5[%mul3A_1107] : memref<100000xf32, #tpu.memory_space<hbm>> -> memref<400xf32, #tpu.memory_space<hbm>>
      %dma_wait3A_1468 = tpu.memref_slice %arg5[%mul3A_1107] : memref<100000xf32, #tpu.memory_space<hbm>> -> memref<400xf32, #tpu.memory_space<hbm>>
      tpu.wait_dma2 semaphore(%run_scoped3A : memref<!tpu.dma_semaphore, #tpu.memory_space<semaphore_mem>>) src(%arg9 : memref<400xf32, #tpu.memory_space<vmem>>) dst(%dma_wait3A_1468 : memref<400xf32, #tpu.memory_space<hbm>>)
      tpu.yield
    }) : () -> ()
    %add3A_1283 = arith.constant 224 : i32
    %add3A_1284 = arith.addi %add3A, %add3A_1283 : i32
    %ge3A_1285 = arith.constant 250 : i32
    %ge3A_1286 = arith.cmpi sge, %add3A_1284, %ge3A_1285 : i32
    %sub3A_1287 = arith.constant 250 : i32
    %sub3A_1288 = arith.subi %add3A_1284, %sub3A_1287 : i32
    %select_n3A_1289 = arith.select %ge3A_1286, %sub3A_1288, %add3A_1284 : i32
    %mul3A_1290 = arith.constant 400 : i32
    %mul3A_1291 = arith.muli %select_n3A_1289, %mul3A_1290 : i32
    "tpu.region"() ({
      %run_scoped3A = tpu.sem_alloc : memref<!tpu.dma_semaphore, #tpu.memory_space<semaphore_mem>>
      %dma_start3A = tpu.memref_slice %arg3[%mul3A_1291] : memref<100000xi32, #tpu.memory_space<hbm>> -> memref<400xi32, #tpu.memory_space<hbm>>
      %dma_start3A_1467 = tpu.memref_slice %arg3[%mul3A_1291] : memref<100000xi32, #tpu.memory_space<hbm>> -> memref<400xi32, #tpu.memory_space<hbm>>
      tpu.enqueue_dma source(%dma_start3A_1467 : memref<400xi32, #tpu.memory_space<hbm>>) target(%arg7 : memref<400xi32, #tpu.memory_space<vmem>>) target_semaphore(%run_scoped3A : memref<!tpu.dma_semaphore, #tpu.memory_space<semaphore_mem>>)
      %dma_wait3A = tpu.memref_slice %arg3[%mul3A_1291] : memref<100000xi32, #tpu.memory_space<hbm>> -> memref<400xi32, #tpu.memory_space<hbm>>
      %dma_wait3A_1468 = tpu.memref_slice %arg3[%mul3A_1291] : memref<100000xi32, #tpu.memory_space<hbm>> -> memref<400xi32, #tpu.memory_space<hbm>>
      tpu.wait_dma2 semaphore(%run_scoped3A : memref<!tpu.dma_semaphore, #tpu.memory_space<semaphore_mem>>) src(%dma_wait3A_1468 : memref<400xi32, #tpu.memory_space<hbm>>) dst(%arg7 : memref<400xi32, #tpu.memory_space<vmem>>)
      tpu.yield
    }) : () -> ()
    "tpu.region"() ({
      %run_scoped3A = tpu.sem_alloc : memref<!tpu.dma_semaphore, #tpu.memory_space<semaphore_mem>>
      %dma_start3A = tpu.memref_slice %arg4[%mul3A_1291] : memref<100000xi32, #tpu.memory_space<hbm>> -> memref<400xi32, #tpu.memory_space<hbm>>
      %dma_start3A_1467 = tpu.memref_slice %arg4[%mul3A_1291] : memref<100000xi32, #tpu.memory_space<hbm>> -> memref<400xi32, #tpu.memory_space<hbm>>
      tpu.enqueue_dma source(%dma_start3A_1467 : memref<400xi32, #tpu.memory_space<hbm>>) target(%arg8 : memref<400xi32, #tpu.memory_space<vmem>>) target_semaphore(%run_scoped3A : memref<!tpu.dma_semaphore, #tpu.memory_space<semaphore_mem>>)
      %dma_wait3A = tpu.memref_slice %arg4[%mul3A_1291] : memref<100000xi32, #tpu.memory_space<hbm>> -> memref<400xi32, #tpu.memory_space<hbm>>
      %dma_wait3A_1468 = tpu.memref_slice %arg4[%mul3A_1291] : memref<100000xi32, #tpu.memory_space<hbm>> -> memref<400xi32, #tpu.memory_space<hbm>>
      tpu.wait_dma2 semaphore(%run_scoped3A : memref<!tpu.dma_semaphore, #tpu.memory_space<semaphore_mem>>) src(%dma_wait3A_1468 : memref<400xi32, #tpu.memory_space<hbm>>) dst(%arg8 : memref<400xi32, #tpu.memory_space<vmem>>)
      tpu.yield
    }) : () -> ()
    %get3A_1292 = arith.constant 0 : index
    %get3A_1293 = tpu.vector_load %arg8[%get3A_1292] {strides = array<i32>} : memref<400xi32, #tpu.memory_space<vmem>>, vector<16xi32>,
    %get3A_1294 = arith.constant 0 : index
    %get3A_1295 = tpu.vector_load %arg7[%get3A_1294] {strides = array<i32>} : memref<400xi32, #tpu.memory_space<vmem>>, vector<16xi32>,
    %gather3A_1296 = tpu.vector_load_idx %arg6[%get3A_1295, %get3A_1293] : memref<16x256xf32, #tpu.memory_space<vmem>>[vector<16xi32>, vector<16xi32>], vector<16xf32>,
    %swap3A_1297 = arith.constant 0 : index
    %swap3A_1298 = tpu.vector_load %arg9[%swap3A_1297] {strides = array<i32>} : memref<400xf32, #tpu.memory_space<vmem>>, vector<16xf32>,
    tpu.vector_store %arg9[%swap3A_1297], %gather3A_1296 {strides = array<i32>} : memref<400xf32, #tpu.memory_space<vmem>>, vector<16xf32>,
    %get3A_1299 = arith.constant 16 : index
    %get3A_1300 = tpu.vector_load %arg8[%get3A_1299] {strides = array<i32>} : memref<400xi32, #tpu.memory_space<vmem>>, vector<16xi32>,
    %get3A_1301 = arith.constant 16 : index
    %get3A_1302 = tpu.vector_load %arg7[%get3A_1301] {strides = array<i32>} : memref<400xi32, #tpu.memory_space<vmem>>, vector<16xi32>,
    %gather3A_1303 = tpu.vector_load_idx %arg6[%get3A_1302, %get3A_1300] : memref<16x256xf32, #tpu.memory_space<vmem>>[vector<16xi32>, vector<16xi32>], vector<16xf32>,
    %swap3A_1304 = arith.constant 16 : index
    %swap3A_1305 = tpu.vector_load %arg9[%swap3A_1304] {strides = array<i32>} : memref<400xf32, #tpu.memory_space<vmem>>, vector<16xf32>,
    tpu.vector_store %arg9[%swap3A_1304], %gather3A_1303 {strides = array<i32>} : memref<400xf32, #tpu.memory_space<vmem>>, vector<16xf32>,
    %get3A_1306 = arith.constant 32 : index
    %get3A_1307 = tpu.vector_load %arg8[%get3A_1306] {strides = array<i32>} : memref<400xi32, #tpu.memory_space<vmem>>, vector<16xi32>,
    %get3A_1308 = arith.constant 32 : index
    %get3A_1309 = tpu.vector_load %arg7[%get3A_1308] {strides = array<i32>} : memref<400xi32, #tpu.memory_space<vmem>>, vector<16xi32>,
    %gather3A_1310 = tpu.vector_load_idx %arg6[%get3A_1309, %get3A_1307] : memref<16x256xf32, #tpu.memory_space<vmem>>[vector<16xi32>, vector<16xi32>], vector<16xf32>,
    %swap3A_1311 = arith.constant 32 : index
    %swap3A_1312 = tpu.vector_load %arg9[%swap3A_1311] {strides = array<i32>} : memref<400xf32, #tpu.memory_space<vmem>>, vector<16xf32>,
    tpu.vector_store %arg9[%swap3A_1311], %gather3A_1310 {strides = array<i32>} : memref<400xf32, #tpu.memory_space<vmem>>, vector<16xf32>,
    %get3A_1313 = arith.constant 48 : index
    %get3A_1314 = tpu.vector_load %arg8[%get3A_1313] {strides = array<i32>} : memref<400xi32, #tpu.memory_space<vmem>>, vector<16xi32>,
    %get3A_1315 = arith.constant 48 : index
    %get3A_1316 = tpu.vector_load %arg7[%get3A_1315] {strides = array<i32>} : memref<400xi32, #tpu.memory_space<vmem>>, vector<16xi32>,
    %gather3A_1317 = tpu.vector_load_idx %arg6[%get3A_1316, %get3A_1314] : memref<16x256xf32, #tpu.memory_space<vmem>>[vector<16xi32>, vector<16xi32>], vector<16xf32>,
    %swap3A_1318 = arith.constant 48 : index
    %swap3A_1319 = tpu.vector_load %arg9[%swap3A_1318] {strides = array<i32>} : memref<400xf32, #tpu.memory_space<vmem>>, vector<16xf32>,
    tpu.vector_store %arg9[%swap3A_1318], %gather3A_1317 {strides = array<i32>} : memref<400xf32, #tpu.memory_space<vmem>>, vector<16xf32>,
    %get3A_1320 = arith.constant 64 : index
    %get3A_1321 = tpu.vector_load %arg8[%get3A_1320] {strides = array<i32>} : memref<400xi32, #tpu.memory_space<vmem>>, vector<16xi32>,
    %get3A_1322 = arith.constant 64 : index
    %get3A_1323 = tpu.vector_load %arg7[%get3A_1322] {strides = array<i32>} : memref<400xi32, #tpu.memory_space<vmem>>, vector<16xi32>,
    %gather3A_1324 = tpu.vector_load_idx %arg6[%get3A_1323, %get3A_1321] : memref<16x256xf32, #tpu.memory_space<vmem>>[vector<16xi32>, vector<16xi32>], vector<16xf32>,
    %swap3A_1325 = arith.constant 64 : index
    %swap3A_1326 = tpu.vector_load %arg9[%swap3A_1325] {strides = array<i32>} : memref<400xf32, #tpu.memory_space<vmem>>, vector<16xf32>,
    tpu.vector_store %arg9[%swap3A_1325], %gather3A_1324 {strides = array<i32>} : memref<400xf32, #tpu.memory_space<vmem>>, vector<16xf32>,
    %get3A_1327 = arith.constant 80 : index
    %get3A_1328 = tpu.vector_load %arg8[%get3A_1327] {strides = array<i32>} : memref<400xi32, #tpu.memory_space<vmem>>, vector<16xi32>,
    %get3A_1329 = arith.constant 80 : index
    %get3A_1330 = tpu.vector_load %arg7[%get3A_1329] {strides = array<i32>} : memref<400xi32, #tpu.memory_space<vmem>>, vector<16xi32>,
    %gather3A_1331 = tpu.vector_load_idx %arg6[%get3A_1330, %get3A_1328] : memref<16x256xf32, #tpu.memory_space<vmem>>[vector<16xi32>, vector<16xi32>], vector<16xf32>,
    %swap3A_1332 = arith.constant 80 : index
    %swap3A_1333 = tpu.vector_load %arg9[%swap3A_1332] {strides = array<i32>} : memref<400xf32, #tpu.memory_space<vmem>>, vector<16xf32>,
    tpu.vector_store %arg9[%swap3A_1332], %gather3A_1331 {strides = array<i32>} : memref<400xf32, #tpu.memory_space<vmem>>, vector<16xf32>,
    %get3A_1334 = arith.constant 96 : index
    %get3A_1335 = tpu.vector_load %arg8[%get3A_1334] {strides = array<i32>} : memref<400xi32, #tpu.memory_space<vmem>>, vector<16xi32>,
    %get3A_1336 = arith.constant 96 : index
    %get3A_1337 = tpu.vector_load %arg7[%get3A_1336] {strides = array<i32>} : memref<400xi32, #tpu.memory_space<vmem>>, vector<16xi32>,
    %gather3A_1338 = tpu.vector_load_idx %arg6[%get3A_1337, %get3A_1335] : memref<16x256xf32, #tpu.memory_space<vmem>>[vector<16xi32>, vector<16xi32>], vector<16xf32>,
    %swap3A_1339 = arith.constant 96 : index
    %swap3A_1340 = tpu.vector_load %arg9[%swap3A_1339] {strides = array<i32>} : memref<400xf32, #tpu.memory_space<vmem>>, vector<16xf32>,
    tpu.vector_store %arg9[%swap3A_1339], %gather3A_1338 {strides = array<i32>} : memref<400xf32, #tpu.memory_space<vmem>>, vector<16xf32>,
    %get3A_1341 = arith.constant 112 : index
    %get3A_1342 = tpu.vector_load %arg8[%get3A_1341] {strides = array<i32>} : memref<400xi32, #tpu.memory_space<vmem>>, vector<16xi32>,
    %get3A_1343 = arith.constant 112 : index
    %get3A_1344 = tpu.vector_load %arg7[%get3A_1343] {strides = array<i32>} : memref<400xi32, #tpu.memory_space<vmem>>, vector<16xi32>,
    %gather3A_1345 = tpu.vector_load_idx %arg6[%get3A_1344, %get3A_1342] : memref<16x256xf32, #tpu.memory_space<vmem>>[vector<16xi32>, vector<16xi32>], vector<16xf32>,
    %swap3A_1346 = arith.constant 112 : index
    %swap3A_1347 = tpu.vector_load %arg9[%swap3A_1346] {strides = array<i32>} : memref<400xf32, #tpu.memory_space<vmem>>, vector<16xf32>,
    tpu.vector_store %arg9[%swap3A_1346], %gather3A_1345 {strides = array<i32>} : memref<400xf32, #tpu.memory_space<vmem>>, vector<16xf32>,
    %get3A_1348 = arith.constant 128 : index
    %get3A_1349 = tpu.vector_load %arg8[%get3A_1348] {strides = array<i32>} : memref<400xi32, #tpu.memory_space<vmem>>, vector<16xi32>,
    %get3A_1350 = arith.constant 128 : index
    %get3A_1351 = tpu.vector_load %arg7[%get3A_1350] {strides = array<i32>} : memref<400xi32, #tpu.memory_space<vmem>>, vector<16xi32>,
    %gather3A_1352 = tpu.vector_load_idx %arg6[%get3A_1351, %get3A_1349] : memref<16x256xf32, #tpu.memory_space<vmem>>[vector<16xi32>, vector<16xi32>], vector<16xf32>,
    %swap3A_1353 = arith.constant 128 : index
    %swap3A_1354 = tpu.vector_load %arg9[%swap3A_1353] {strides = array<i32>} : memref<400xf32, #tpu.memory_space<vmem>>, vector<16xf32>,
    tpu.vector_store %arg9[%swap3A_1353], %gather3A_1352 {strides = array<i32>} : memref<400xf32, #tpu.memory_space<vmem>>, vector<16xf32>,
    %get3A_1355 = arith.constant 144 : index
    %get3A_1356 = tpu.vector_load %arg8[%get3A_1355] {strides = array<i32>} : memref<400xi32, #tpu.memory_space<vmem>>, vector<16xi32>,
    %get3A_1357 = arith.constant 144 : index
    %get3A_1358 = tpu.vector_load %arg7[%get3A_1357] {strides = array<i32>} : memref<400xi32, #tpu.memory_space<vmem>>, vector<16xi32>,
    %gather3A_1359 = tpu.vector_load_idx %arg6[%get3A_1358, %get3A_1356] : memref<16x256xf32, #tpu.memory_space<vmem>>[vector<16xi32>, vector<16xi32>], vector<16xf32>,
    %swap3A_1360 = arith.constant 144 : index
    %swap3A_1361 = tpu.vector_load %arg9[%swap3A_1360] {strides = array<i32>} : memref<400xf32, #tpu.memory_space<vmem>>, vector<16xf32>,
    tpu.vector_store %arg9[%swap3A_1360], %gather3A_1359 {strides = array<i32>} : memref<400xf32, #tpu.memory_space<vmem>>, vector<16xf32>,
    %get3A_1362 = arith.constant 160 : index
    %get3A_1363 = tpu.vector_load %arg8[%get3A_1362] {strides = array<i32>} : memref<400xi32, #tpu.memory_space<vmem>>, vector<16xi32>,
    %get3A_1364 = arith.constant 160 : index
    %get3A_1365 = tpu.vector_load %arg7[%get3A_1364] {strides = array<i32>} : memref<400xi32, #tpu.memory_space<vmem>>, vector<16xi32>,
    %gather3A_1366 = tpu.vector_load_idx %arg6[%get3A_1365, %get3A_1363] : memref<16x256xf32, #tpu.memory_space<vmem>>[vector<16xi32>, vector<16xi32>], vector<16xf32>,
    %swap3A_1367 = arith.constant 160 : index
    %swap3A_1368 = tpu.vector_load %arg9[%swap3A_1367] {strides = array<i32>} : memref<400xf32, #tpu.memory_space<vmem>>, vector<16xf32>,
    tpu.vector_store %arg9[%swap3A_1367], %gather3A_1366 {strides = array<i32>} : memref<400xf32, #tpu.memory_space<vmem>>, vector<16xf32>,
    %get3A_1369 = arith.constant 176 : index
    %get3A_1370 = tpu.vector_load %arg8[%get3A_1369] {strides = array<i32>} : memref<400xi32, #tpu.memory_space<vmem>>, vector<16xi32>,
    %get3A_1371 = arith.constant 176 : index
    %get3A_1372 = tpu.vector_load %arg7[%get3A_1371] {strides = array<i32>} : memref<400xi32, #tpu.memory_space<vmem>>, vector<16xi32>,
    %gather3A_1373 = tpu.vector_load_idx %arg6[%get3A_1372, %get3A_1370] : memref<16x256xf32, #tpu.memory_space<vmem>>[vector<16xi32>, vector<16xi32>], vector<16xf32>,
    %swap3A_1374 = arith.constant 176 : index
    %swap3A_1375 = tpu.vector_load %arg9[%swap3A_1374] {strides = array<i32>} : memref<400xf32, #tpu.memory_space<vmem>>, vector<16xf32>,
    tpu.vector_store %arg9[%swap3A_1374], %gather3A_1373 {strides = array<i32>} : memref<400xf32, #tpu.memory_space<vmem>>, vector<16xf32>,
    %get3A_1376 = arith.constant 192 : index
    %get3A_1377 = tpu.vector_load %arg8[%get3A_1376] {strides = array<i32>} : memref<400xi32, #tpu.memory_space<vmem>>, vector<16xi32>,
    %get3A_1378 = arith.constant 192 : index
    %get3A_1379 = tpu.vector_load %arg7[%get3A_1378] {strides = array<i32>} : memref<400xi32, #tpu.memory_space<vmem>>, vector<16xi32>,
    %gather3A_1380 = tpu.vector_load_idx %arg6[%get3A_1379, %get3A_1377] : memref<16x256xf32, #tpu.memory_space<vmem>>[vector<16xi32>, vector<16xi32>], vector<16xf32>,
    %swap3A_1381 = arith.constant 192 : index
    %swap3A_1382 = tpu.vector_load %arg9[%swap3A_1381] {strides = array<i32>} : memref<400xf32, #tpu.memory_space<vmem>>, vector<16xf32>,
    tpu.vector_store %arg9[%swap3A_1381], %gather3A_1380 {strides = array<i32>} : memref<400xf32, #tpu.memory_space<vmem>>, vector<16xf32>,
    %get3A_1383 = arith.constant 208 : index
    %get3A_1384 = tpu.vector_load %arg8[%get3A_1383] {strides = array<i32>} : memref<400xi32, #tpu.memory_space<vmem>>, vector<16xi32>,
    %get3A_1385 = arith.constant 208 : index
    %get3A_1386 = tpu.vector_load %arg7[%get3A_1385] {strides = array<i32>} : memref<400xi32, #tpu.memory_space<vmem>>, vector<16xi32>,
    %gather3A_1387 = tpu.vector_load_idx %arg6[%get3A_1386, %get3A_1384] : memref<16x256xf32, #tpu.memory_space<vmem>>[vector<16xi32>, vector<16xi32>], vector<16xf32>,
    %swap3A_1388 = arith.constant 208 : index
    %swap3A_1389 = tpu.vector_load %arg9[%swap3A_1388] {strides = array<i32>} : memref<400xf32, #tpu.memory_space<vmem>>, vector<16xf32>,
    tpu.vector_store %arg9[%swap3A_1388], %gather3A_1387 {strides = array<i32>} : memref<400xf32, #tpu.memory_space<vmem>>, vector<16xf32>,
    %get3A_1390 = arith.constant 224 : index
    %get3A_1391 = tpu.vector_load %arg8[%get3A_1390] {strides = array<i32>} : memref<400xi32, #tpu.memory_space<vmem>>, vector<16xi32>,
    %get3A_1392 = arith.constant 224 : index
    %get3A_1393 = tpu.vector_load %arg7[%get3A_1392] {strides = array<i32>} : memref<400xi32, #tpu.memory_space<vmem>>, vector<16xi32>,
    %gather3A_1394 = tpu.vector_load_idx %arg6[%get3A_1393, %get3A_1391] : memref<16x256xf32, #tpu.memory_space<vmem>>[vector<16xi32>, vector<16xi32>], vector<16xf32>,
    %swap3A_1395 = arith.constant 224 : index
    %swap3A_1396 = tpu.vector_load %arg9[%swap3A_1395] {strides = array<i32>} : memref<400xf32, #tpu.memory_space<vmem>>, vector<16xf32>,
    tpu.vector_store %arg9[%swap3A_1395], %gather3A_1394 {strides = array<i32>} : memref<400xf32, #tpu.memory_space<vmem>>, vector<16xf32>,
    %get3A_1397 = arith.constant 240 : index
    %get3A_1398 = tpu.vector_load %arg8[%get3A_1397] {strides = array<i32>} : memref<400xi32, #tpu.memory_space<vmem>>, vector<16xi32>,
    %get3A_1399 = arith.constant 240 : index
    %get3A_1400 = tpu.vector_load %arg7[%get3A_1399] {strides = array<i32>} : memref<400xi32, #tpu.memory_space<vmem>>, vector<16xi32>,
    %gather3A_1401 = tpu.vector_load_idx %arg6[%get3A_1400, %get3A_1398] : memref<16x256xf32, #tpu.memory_space<vmem>>[vector<16xi32>, vector<16xi32>], vector<16xf32>,
    %swap3A_1402 = arith.constant 240 : index
    %swap3A_1403 = tpu.vector_load %arg9[%swap3A_1402] {strides = array<i32>} : memref<400xf32, #tpu.memory_space<vmem>>, vector<16xf32>,
    tpu.vector_store %arg9[%swap3A_1402], %gather3A_1401 {strides = array<i32>} : memref<400xf32, #tpu.memory_space<vmem>>, vector<16xf32>,
    %get3A_1404 = arith.constant 256 : index
    %get3A_1405 = tpu.vector_load %arg8[%get3A_1404] {strides = array<i32>} : memref<400xi32, #tpu.memory_space<vmem>>, vector<16xi32>,
    %get3A_1406 = arith.constant 256 : index
    %get3A_1407 = tpu.vector_load %arg7[%get3A_1406] {strides = array<i32>} : memref<400xi32, #tpu.memory_space<vmem>>, vector<16xi32>,
    %gather3A_1408 = tpu.vector_load_idx %arg6[%get3A_1407, %get3A_1405] : memref<16x256xf32, #tpu.memory_space<vmem>>[vector<16xi32>, vector<16xi32>], vector<16xf32>,
    %swap3A_1409 = arith.constant 256 : index
    %swap3A_1410 = tpu.vector_load %arg9[%swap3A_1409] {strides = array<i32>} : memref<400xf32, #tpu.memory_space<vmem>>, vector<16xf32>,
    tpu.vector_store %arg9[%swap3A_1409], %gather3A_1408 {strides = array<i32>} : memref<400xf32, #tpu.memory_space<vmem>>, vector<16xf32>,
    %get3A_1411 = arith.constant 272 : index
    %get3A_1412 = tpu.vector_load %arg8[%get3A_1411] {strides = array<i32>} : memref<400xi32, #tpu.memory_space<vmem>>, vector<16xi32>,
    %get3A_1413 = arith.constant 272 : index
    %get3A_1414 = tpu.vector_load %arg7[%get3A_1413] {strides = array<i32>} : memref<400xi32, #tpu.memory_space<vmem>>, vector<16xi32>,
    %gather3A_1415 = tpu.vector_load_idx %arg6[%get3A_1414, %get3A_1412] : memref<16x256xf32, #tpu.memory_space<vmem>>[vector<16xi32>, vector<16xi32>], vector<16xf32>,
    %swap3A_1416 = arith.constant 272 : index
    %swap3A_1417 = tpu.vector_load %arg9[%swap3A_1416] {strides = array<i32>} : memref<400xf32, #tpu.memory_space<vmem>>, vector<16xf32>,
    tpu.vector_store %arg9[%swap3A_1416], %gather3A_1415 {strides = array<i32>} : memref<400xf32, #tpu.memory_space<vmem>>, vector<16xf32>,
    %get3A_1418 = arith.constant 288 : index
    %get3A_1419 = tpu.vector_load %arg8[%get3A_1418] {strides = array<i32>} : memref<400xi32, #tpu.memory_space<vmem>>, vector<16xi32>,
    %get3A_1420 = arith.constant 288 : index
    %get3A_1421 = tpu.vector_load %arg7[%get3A_1420] {strides = array<i32>} : memref<400xi32, #tpu.memory_space<vmem>>, vector<16xi32>,
    %gather3A_1422 = tpu.vector_load_idx %arg6[%get3A_1421, %get3A_1419] : memref<16x256xf32, #tpu.memory_space<vmem>>[vector<16xi32>, vector<16xi32>], vector<16xf32>,
    %swap3A_1423 = arith.constant 288 : index
    %swap3A_1424 = tpu.vector_load %arg9[%swap3A_1423] {strides = array<i32>} : memref<400xf32, #tpu.memory_space<vmem>>, vector<16xf32>,
    tpu.vector_store %arg9[%swap3A_1423], %gather3A_1422 {strides = array<i32>} : memref<400xf32, #tpu.memory_space<vmem>>, vector<16xf32>,
    %get3A_1425 = arith.constant 304 : index
    %get3A_1426 = tpu.vector_load %arg8[%get3A_1425] {strides = array<i32>} : memref<400xi32, #tpu.memory_space<vmem>>, vector<16xi32>,
    %get3A_1427 = arith.constant 304 : index
    %get3A_1428 = tpu.vector_load %arg7[%get3A_1427] {strides = array<i32>} : memref<400xi32, #tpu.memory_space<vmem>>, vector<16xi32>,
    %gather3A_1429 = tpu.vector_load_idx %arg6[%get3A_1428, %get3A_1426] : memref<16x256xf32, #tpu.memory_space<vmem>>[vector<16xi32>, vector<16xi32>], vector<16xf32>,
    %swap3A_1430 = arith.constant 304 : index
    %swap3A_1431 = tpu.vector_load %arg9[%swap3A_1430] {strides = array<i32>} : memref<400xf32, #tpu.memory_space<vmem>>, vector<16xf32>,
    tpu.vector_store %arg9[%swap3A_1430], %gather3A_1429 {strides = array<i32>} : memref<400xf32, #tpu.memory_space<vmem>>, vector<16xf32>,
    %get3A_1432 = arith.constant 320 : index
    %get3A_1433 = tpu.vector_load %arg8[%get3A_1432] {strides = array<i32>} : memref<400xi32, #tpu.memory_space<vmem>>, vector<16xi32>,
    %get3A_1434 = arith.constant 320 : index
    %get3A_1435 = tpu.vector_load %arg7[%get3A_1434] {strides = array<i32>} : memref<400xi32, #tpu.memory_space<vmem>>, vector<16xi32>,
    %gather3A_1436 = tpu.vector_load_idx %arg6[%get3A_1435, %get3A_1433] : memref<16x256xf32, #tpu.memory_space<vmem>>[vector<16xi32>, vector<16xi32>], vector<16xf32>,
    %swap3A_1437 = arith.constant 320 : index
    %swap3A_1438 = tpu.vector_load %arg9[%swap3A_1437] {strides = array<i32>} : memref<400xf32, #tpu.memory_space<vmem>>, vector<16xf32>,
    tpu.vector_store %arg9[%swap3A_1437], %gather3A_1436 {strides = array<i32>} : memref<400xf32, #tpu.memory_space<vmem>>, vector<16xf32>,
    %get3A_1439 = arith.constant 336 : index
    %get3A_1440 = tpu.vector_load %arg8[%get3A_1439] {strides = array<i32>} : memref<400xi32, #tpu.memory_space<vmem>>, vector<16xi32>,
    %get3A_1441 = arith.constant 336 : index
    %get3A_1442 = tpu.vector_load %arg7[%get3A_1441] {strides = array<i32>} : memref<400xi32, #tpu.memory_space<vmem>>, vector<16xi32>,
    %gather3A_1443 = tpu.vector_load_idx %arg6[%get3A_1442, %get3A_1440] : memref<16x256xf32, #tpu.memory_space<vmem>>[vector<16xi32>, vector<16xi32>], vector<16xf32>,
    %swap3A_1444 = arith.constant 336 : index
    %swap3A_1445 = tpu.vector_load %arg9[%swap3A_1444] {strides = array<i32>} : memref<400xf32, #tpu.memory_space<vmem>>, vector<16xf32>,
    tpu.vector_store %arg9[%swap3A_1444], %gather3A_1443 {strides = array<i32>} : memref<400xf32, #tpu.memory_space<vmem>>, vector<16xf32>,
    %get3A_1446 = arith.constant 352 : index
    %get3A_1447 = tpu.vector_load %arg8[%get3A_1446] {strides = array<i32>} : memref<400xi32, #tpu.memory_space<vmem>>, vector<16xi32>,
    %get3A_1448 = arith.constant 352 : index
    %get3A_1449 = tpu.vector_load %arg7[%get3A_1448] {strides = array<i32>} : memref<400xi32, #tpu.memory_space<vmem>>, vector<16xi32>,
    %gather3A_1450 = tpu.vector_load_idx %arg6[%get3A_1449, %get3A_1447] : memref<16x256xf32, #tpu.memory_space<vmem>>[vector<16xi32>, vector<16xi32>], vector<16xf32>,
    %swap3A_1451 = arith.constant 352 : index
    %swap3A_1452 = tpu.vector_load %arg9[%swap3A_1451] {strides = array<i32>} : memref<400xf32, #tpu.memory_space<vmem>>, vector<16xf32>,
    tpu.vector_store %arg9[%swap3A_1451], %gather3A_1450 {strides = array<i32>} : memref<400xf32, #tpu.memory_space<vmem>>, vector<16xf32>,
    %get3A_1453 = arith.constant 368 : index
    %get3A_1454 = tpu.vector_load %arg8[%get3A_1453] {strides = array<i32>} : memref<400xi32, #tpu.memory_space<vmem>>, vector<16xi32>,
    %get3A_1455 = arith.constant 368 : index
    %get3A_1456 = tpu.vector_load %arg7[%get3A_1455] {strides = array<i32>} : memref<400xi32, #tpu.memory_space<vmem>>, vector<16xi32>,
    %gather3A_1457 = tpu.vector_load_idx %arg6[%get3A_1456, %get3A_1454] : memref<16x256xf32, #tpu.memory_space<vmem>>[vector<16xi32>, vector<16xi32>], vector<16xf32>,
    %swap3A_1458 = arith.constant 368 : index
    %swap3A_1459 = tpu.vector_load %arg9[%swap3A_1458] {strides = array<i32>} : memref<400xf32, #tpu.memory_space<vmem>>, vector<16xf32>,
    tpu.vector_store %arg9[%swap3A_1458], %gather3A_1457 {strides = array<i32>} : memref<400xf32, #tpu.memory_space<vmem>>, vector<16xf32>,
    %get3A_1460 = arith.constant 384 : index
    %get3A_1461 = tpu.vector_load %arg8[%get3A_1460] {strides = array<i32>} : memref<400xi32, #tpu.memory_space<vmem>>, vector<16xi32>,
    %get3A_1462 = arith.constant 384 : index
    %get3A_1463 = tpu.vector_load %arg7[%get3A_1462] {strides = array<i32>} : memref<400xi32, #tpu.memory_space<vmem>>, vector<16xi32>,
    %gather3A_1464 = tpu.vector_load_idx %arg6[%get3A_1463, %get3A_1461] : memref<16x256xf32, #tpu.memory_space<vmem>>[vector<16xi32>, vector<16xi32>], vector<16xf32>,
    %swap3A_1465 = arith.constant 384 : index
    %swap3A_1466 = tpu.vector_load %arg9[%swap3A_1465] {strides = array<i32>} : memref<400xf32, #tpu.memory_space<vmem>>, vector<16xf32>,
    tpu.vector_store %arg9[%swap3A_1465], %gather3A_1464 {strides = array<i32>} : memref<400xf32, #tpu.memory_space<vmem>>, vector<16xf32>,
    "tpu.region"() ({
      %run_scoped3A = tpu.sem_alloc : memref<!tpu.dma_semaphore, #tpu.memory_space<semaphore_mem>>
      %dma_start3A = tpu.memref_slice %arg5[%mul3A_1291] : memref<100000xf32, #tpu.memory_space<hbm>> -> memref<400xf32, #tpu.memory_space<hbm>>
      %dma_start3A_1467 = tpu.memref_slice %arg5[%mul3A_1291] : memref<100000xf32, #tpu.memory_space<hbm>> -> memref<400xf32, #tpu.memory_space<hbm>>
      tpu.enqueue_dma source(%arg9 : memref<400xf32, #tpu.memory_space<vmem>>) target(%dma_start3A_1467 : memref<400xf32, #tpu.memory_space<hbm>>) target_semaphore(%run_scoped3A : memref<!tpu.dma_semaphore, #tpu.memory_space<semaphore_mem>>)
      %dma_wait3A = tpu.memref_slice %arg5[%mul3A_1291] : memref<100000xf32, #tpu.memory_space<hbm>> -> memref<400xf32, #tpu.memory_space<hbm>>
      %dma_wait3A_1468 = tpu.memref_slice %arg5[%mul3A_1291] : memref<100000xf32, #tpu.memory_space<hbm>> -> memref<400xf32, #tpu.memory_space<hbm>>
      tpu.wait_dma2 semaphore(%run_scoped3A : memref<!tpu.dma_semaphore, #tpu.memory_space<semaphore_mem>>) src(%arg9 : memref<400xf32, #tpu.memory_space<vmem>>) dst(%dma_wait3A_1468 : memref<400xf32, #tpu.memory_space<hbm>>)
      tpu.yield
    }) : () -> ()
    return
  }
}

</mosaic_0001>

<sc_bundles>
// kernel: kernel.3.cloned.1.call-start
scs
__scs_entry_jumppad:
0x0: {  	(pc) =	sbr.rel $0x88, $3  }
0x1: {  	(tag) =	ssettag $0x0;
	lr =	simm.s32 $0x1  }
0x2: {  	[smem:$0x3F9B] =	sst lr;
	_ =	strace $0xD0000000  }
0x3: {  	_ = 	snop  }
0x4: {  	_ = 	snop  }
0x5: {  	_ = 	snop  }
0x6: {  	_ = 	snop  }
0x7: {  	_ = 	snop  }
__scs_overlays_trampoline_lowered:
0x8: {  	[smem:$0x3FAA] =	sst s0  }
0x9: {  	[smem:$0x3FAB] =	sst s1  }
0xa: {  	[smem:$0x3FAC] =	sst s2  }
0xb: {  	[smem:$0x3FAD] =	sst s3  }
0xc: {  	[smem:$0x3FAE] =	sst s4  }
0xd: {  	[smem:$0x3FAF] =	sst s5  }
0xe: {  	[smem:$0x3FB0] =	sst s6  }
0xf: {  	[smem:$0x3FB1] =	sst s7  }
0x10: {  	[smem:$0x3FB2] =	sst s8  }
0x11: {  	[smem:$0x3FB3] =	sst s9;
	s0 =	simm.s32 @!p0 $0x0  }
0x12: {  	s1 =	sld [smem:$0x3F99];
	s0 =	simm.s32 @p0 $0x1  }
0x13: {  	[smem:$0x3FB4] =	sst s0;
	s0 =	simm.s32 @!p1 $0x0  }
0x14: {  	s2 =	sld [smem:$0x3F98];
	s0 =	simm.s32 @p1 $0x1  }
0x15: {  	[smem:$0x3FB5] =	sst s0;
	s0 =	simm.s32 @!p2 $0x0  }
0x16: {  	s3 =	sld [smem:$0x3FDB];
	s0 =	simm.s32 @p2 $0x1  }
0x17: {  	s4 =	simm.s32 $0x1BF5;
	[smem:$0x3FB7] =	sst s0  }
0x18: {  	s0 =	sld [smem:$0x3F9A];
	_ =	swait.ge [sflag:s4], $0x0  }
0x19: {  	s7 =	sld [smem:$0x3F9B]  }
0x1a: {  	s8 =	sadd.s32 $0xFFFFE003, lr  }
0x1b: {  	s9 =	sadd.s32 $0xFFFFFEF7, lr;
	s5 =	simm.s32 $0xFFFFFFFF;
	p2 =	slt.u32 s8, $0xFFFFF086  }
0x1c: {  	p1 =	slt.u32 s9, $0xF7A;
	s5 =	simm.s32 @!p2 $0x0  }
0x1d: {  	s5 =	simm.s32 @p1 $0x1;
	p0 =	seq.s32 s7, s2  }
0x1e: {  	s7 =	smul.u32 @!p0 $0xF7A, s2;
	p2 =	seq.s32 @!p0 s5, $0x0  }
0x1f: {  	s9 =	smul.u32 $0xF7A, s1;
	s8 =	simm.s32 @!p0 $0x1BF5;
	p2 =	por !p2, p0  }
0x20: {  	[sflag:s8] =	ssyncset.s32 @!p0 $0xFFFFF086;
	s6 =	sadd.s32 @!p0 s3, s7;
	s7 =	simm.s32 @!p0 $0x108  }
0x21: {  	s3 =	sadd.s32 s3, s9;
	s6 =	sadd.s32 @!p0 $0x88, s6;
	s7 =	simm.s32 @p2 $0x1082  }
0x22: {  	[simem:s7], [sflag:s8] =	dma.local @!p0 [hbm:s6], $0xF7A  }
0x23: {  	s9 =	sor.u32 $0xD0000000, s2;
	s6 =	simm.s32 $0x108;
	_ =	swait.ge @!p0 [sflag:s8], $0x0  }
0x24: {  	s3 =	sadd.s32 $0x88, s3;
	s6 =	simm.s32 @!p1 $0x1082;
	[sflag:s4] =	ssyncset.s32 $0xFFFFF086  }
0x25: {  	[simem:s6], [sflag:s4] =	dma.local [hbm:s3], $0xF7A  }
0x26: {  	[smem:$0x3F9B] =	sst s1;
	(tag) =	ssettag s2;
	_ =	strace s9  }
0x27: {  	s1 =	sld [smem:$0x3FAB]  }
0x28: {  	s2 =	sld [smem:$0x3FAC]  }
0x29: {  	s4 =	sld [smem:$0x3FAE]  }
0x2a: {  	p0 =	seq.s32 s5, $0x0;
	s5 =	sld [smem:$0x3FAF]  }
0x2b: {  	s6 =	sld [smem:$0x3FB0]  }
0x2c: {  	s7 =	sld [smem:$0x3FB1]  }
0x2d: {  	s3 =	simm.s32 $0x108;
	s8 =	sld [smem:$0x3FB2]  }
0x2e: {  	s3 =	simm.s32 @!p0 $0x1082;
	s9 =	sld [smem:$0x3FB3]  }
0x2f: {  	lr =	sadd.s32 s0, s3;
	s0 =	sld [smem:$0x3FAA]  }
0x30: {  	s3 =	sld [smem:$0x3FAD]  }
0x31: {  	[smem:$0x3FB6] =	sst s10  }
0x32: {  	s10 =	sld [smem:$0x3FB4];
	_ =	sdelay $0x3  }
0x33: {  	p0 =	seq.s32 s10, $0x1;
	s10 =	sld [smem:$0x3FB6];
	_ =	sdelay $0x3  }
0x34: {  	[smem:$0x3FB6] =	sst s10  }
0x35: {  	s10 =	sld [smem:$0x3FB5];
	_ =	sdelay $0x3  }
0x36: {  	p1 =	seq.s32 s10, $0x1;
	s10 =	sld [smem:$0x3FB6];
	_ =	sdelay $0x3  }
0x37: {  	[smem:$0x3FB6] =	sst s10  }
0x38: {  	s10 =	sld [smem:$0x3FB7]  }
0x39: {  	_ = 	snop;
	(pc) =	sbr.ind lr, $3  }
0x3a: {  	_ = 	snop  }
0x3b: {  	_ = 	snop  }
0x3c: {  	p2 =	seq.s32 s10, $0x1;
	s10 =	sld [smem:$0x3FB6]  }
0x3d: {  	_ =	shalt  }
0x3e: {  	_ =	shalt  }
0x3f: {  	_ =	shalt  }
0x40: {  	_ =	shalt  }
0x41: {  	_ =	shalt  }
0x42: {  	_ =	shalt  }
0x43: {  	_ =	shalt  }
0x44: {  	_ =	shalt  }
0x45: {  	_ =	shalt  }
0x46: {  	_ =	shalt  }
0x47: {  	_ =	shalt  }
0x48: {  	_ =	shalt  }
0x49: {  	_ =	shalt  }
0x4a: {  	_ =	shalt  }
0x4b: {  	_ =	shalt  }
0x4c: {  	_ =	shalt  }
0x4d: {  	_ =	shalt  }
0x4e: {  	_ =	shalt  }
0x4f: {  	_ =	shalt  }
0x50: {  	_ =	shalt  }
0x51: {  	_ =	shalt  }
0x52: {  	_ =	shalt  }
0x53: {  	_ =	shalt  }
0x54: {  	_ =	shalt  }
0x55: {  	_ =	shalt  }
0x56: {  	_ =	shalt  }
0x57: {  	_ =	shalt  }
0x58: {  	_ =	shalt  }
0x59: {  	_ =	shalt  }
0x5a: {  	_ =	shalt  }
0x5b: {  	_ =	shalt  }
0x5c: {  	_ =	shalt  }
0x5d: {  	_ =	shalt  }
0x5e: {  	_ =	shalt  }
0x5f: {  	_ =	shalt  }
0x60: {  	_ =	shalt  }
0x61: {  	_ =	shalt  }
0x62: {  	_ =	shalt  }
0x63: {  	_ =	shalt  }
0x64: {  	_ =	shalt  }
0x65: {  	_ =	shalt  }
0x66: {  	_ =	shalt  }
0x67: {  	_ =	shalt  }
0x68: {  	_ =	shalt  }
0x69: {  	_ =	shalt  }
0x6a: {  	_ =	shalt  }
0x6b: {  	_ =	shalt  }
0x6c: {  	_ =	shalt  }
0x6d: {  	_ =	shalt  }
0x6e: {  	_ =	shalt  }
0x6f: {  	_ =	shalt  }
0x70: {  	_ =	shalt  }
0x71: {  	_ =	shalt  }
0x72: {  	_ =	shalt  }
0x73: {  	_ =	shalt  }
0x74: {  	_ =	shalt  }
0x75: {  	_ =	shalt  }
0x76: {  	_ =	shalt  }
0x77: {  	_ =	shalt  }
0x78: {  	_ =	shalt  }
0x79: {  	_ =	shalt  }
0x7a: {  	_ =	shalt  }
0x7b: {  	_ =	shalt  }
0x7c: {  	_ =	shalt  }
0x7d: {  	_ =	shalt  }
0x7e: {  	_ =	shalt  }
0x7f: {  	_ =	shalt  }
0x80: {  	_ =	shalt  }
0x81: {  	_ =	shalt  }
0x82: {  	_ =	shalt  }
0x83: {  	_ =	shalt  }
0x84: {  	_ =	shalt  }
0x85: {  	_ =	shalt  }
0x86: {  	_ =	shalt  }
0x87: {  	_ =	shalt  }
.Lfunc_end0:
.L_simem_size_0:
called_computation.2_lowered:
.L_overlay_start_0:
0x88: {  	s2 =	sld [smem:$0x3FD9]  }
0x89: {  	s3 =	sld [smem:$0x3FFE];
	_ =	sdelay $0x1  }
0x8a: {  	s1 =	srdreg.scid  }
0x8b: {  	s0 =	sand.u32 $0x1, s1  }
0x8c: {  	s17 =	sshll.u32 s0, $0xA;
	s2 =	sadd.s32 s3, s2  }
0x8d: {  	s2 =	sadd.s32 s2, s17  }
0x8e: {  	[smem:$0x3FC2] =	sst s2  }
0x8f: {  	_ = 	snop  }
0x90: {  	s2 =	sld [smem:$0x3FC8]  }
0x91: {  	s18 =	sld [smem:$0x3FC7]  }
0x92: {  	s4 =	sld [smem:$0x3FD0];
	(tm) =	ssettm $0x1  }
0x93: {  	s5 =	sld [smem:$0x3FFB];
	_ =	sdelay $0x3  }
0x94: {  	_ =	strace s5  }
0x95: {  	s5 =	sld [smem:$0x3FFC];
	_ =	sdelay $0x3  }
0x96: {  	_ =	strace s5  }
0x97: {  	s5 =	sld [smem:$0x3FFD];
	_ =	sdelay $0x3  }
0x98: {  	_ =	strace s5  }
0x99: {  	_ =	strace $0x8FFFFFFF  }
0x9a: {  	s19 =	sld [smem:$0x3FDB];
	_ =	sdelay $0x1  }
0x9b: {  	s6 =	simm.s32 $_scs_section_size  }
0x9c: {  	s7 =	simm.s32 $_size__tile_overlayer_lowered;
	s8 =	simm.s32 $_tile_overlayer_lowered  }
0x9d: {  	s22 =	simm.s32 $0x1BFF;
	s21 =	sshll.u32 s8, $0x1;
	s5 =	sadd.s32 s6, s19  }
0x9e: {  	s9 =	simm.s32 $0x0;
	s20 =	sshll.u32 s7, $0x1;
	s7 =	sadd.s32 s21, s5  }
0x9f: {  	[timem:s9], [sflag:s22] =	dma.local [hbm:s7], s20  }
0xa0: {  	_ =	swait.ge [sflag:s22], s20  }
0xa1: {  	s6 =	ssub.s32 $0x0, s20;
	[sflag:s22] =	ssyncset.done $0x0  }
0xa2: {  	[sflag:s22] =	ssyncadd.s32 s6;
	_ =	sdelay $0x1  }
0xa3: {  	s23 =	simm.s32 $0x1B8B  }
0xa4: {  	_ =	swait.ge [sflag:s23], $0x1  }
0xa5: {  	[sflag:s23] =	ssyncset.done $0x0  }
0xa6: {  	s25 =	simm.s32 $0x1B8E;
	s24 =	sld [smem:$0x3FFE];
	[sflag:s23] =	ssyncadd.s32 $0xFFFFFFFF  }
0xa7: {  	s26 =	simm.s32 $execute0_lowered;
	[smem:$0x3FD2] =	sst s25  }
0xa8: {  	s7 =	sshll.u32 s26, $0x1;
	_ =	strace $0x8000004C;
	[dreg:$0x1] =	wrdreg $0xFFFFFFFF  }
0xa9: {  	s28 =	simm.s32 $_size_execute0_lowered;
	s5 =	sadd.s32 s5, s7;
	[dreg:$0x0] =	wrdreg $0x0  }
0xaa: {  	s7 =	sshll.u32 s28, $0x1;
	[dreg:$0x2] =	wrdreg s5  }
0xab: {  	[dreg:$0x3] =	wrdreg s7  }
0xac: {  	[dreg:$0x4] =	wrdreg $0xC0  }
0xad: {  	_ =	task [dreg:s9], $0x5FFFF  }
0xae: {  	[dreg:$0x1] =	wrdreg $0xFFFFFFFF  }
0xaf: {  	[dreg:$0x0] =	wrdreg $0x60  }
0xb0: {  	[dreg:$0x2] =	wrdreg s4  }
0xb1: {  	[dreg:$0x3] =	wrdreg s2  }
0xb2: {  	[dreg:$0x4] =	wrdreg s18  }
0xb3: {  	[dreg:$0x5] =	wrdreg s24  }
0xb4: {  	[dreg:$0x6] =	wrdreg $0x9  }
0xb5: {  	_ =	task.clear_ibuf [dreg:s9], $0x7FFFF;
	_ =	strace $0x9000004C  }
0xb6: {  	s29 =	simm.s32 $0x9;
	_ =	strace $0x8000004E  }
0xb7: {  	_ =	swait.ge [sflag:s29], $0x1  }
0xb8: {  	[sflag:s29] =	ssyncadd.s32 $0xFFFFFFFF  }
0xb9: {  	_ =	strace $0x9000004E  }
0xba: {  	_ =	sfence  }
0xbb: {  	s30 =	sld [smem:$0x0];
	_ =	sdelay $0x2  }
0xbc: {  	s31 =	sshll.u32 s1, $0xD;
	s1 =	sshrl.u32 s1, $0x2  }
0xbd: {  	s3 =	sand.u32 $0x4000, s31;
	s1 =	sadd.s32 s1, s30  }
0xbe: {  	s0 =	sor.u32 s3, s0;
	s1 =	sshll.u32 s1, $0x11  }
0xbf: {  	s0 =	sor.u32 s1, s0  }
0xc0: {  	s0 =	sadd.s32 $0x8F2B, s0  }
0xc1: {  	[sflag:s0] =	ssyncadd.remote.s32 $0x1  }
0xc2: {  	_ =	sfence.sel $0xFFFF  }
0xc3: {  	[dreg:$0x0] =	wrdreg $0xFFFFFFFF;
	(pc) =	sbr.abs _section_cstart, $3  }
0xc4: {  	[dreg:$0x1] =	wrdreg $0xFFFFFFFF  }
0xc5: {  	_ =	task.clear_ibuf [dreg:s9], $0x2FFFF;
	_ =	strace $0x9FFFFFFF  }
0xc6: {  	(tm) =	ssettm $0x7FFFFFFF  }
0xc7: {  	_ =	shalt  }
tec
execute0_lowered:
.L_overlay_start_1:
0x0: {  	(tag) =	ssettag $0x1  }
0x1: {  	s0 =	rddreg [dreg:$0x0]  }
0x2: {  	s1 =	srdreg.scid;
	s20 =	rddreg [dreg:$0x1]  }
0x3: {  	s24 =	stileid.u32;
	s25 =	rddreg [dreg:$0x2];
	s17 =	simm.s32 $0xFFFFFFE6  }
0x4: {  	s30 =	simm.s32 $0x1000;
	s31 =	simm.s32 $0x1200;
	[dreg:$0x5] =	wrdreg s0  }
0x5: {  	s2 =	sand.u32 $0x1, s1;
	s26 =	sshll.u32 s24, $0x1;
	s1 =	simm.s32 $0x0  }
0x6: {  	p0 =	sgt.u32 s24, $0xC;
	s16 =	sor.u32 s2, s26;
	s26 =	rddreg [dreg:$0x3]  }
0x7: {  	s2 =	ssub.s32 $0x2, s2;
	[smem:$0x7FF] =	sst s1;
	s4 =	smul.u32 $0x32, s16  }
0x8: {  	s17 =	simm.s32 @!p0 $0xE0;
	s3 =	smul.u32 $0x190, s16;
	s5 =	sshrl.u32 s2, $0x1  }
0x9: {  	s17 =	sadd.s32 s17, s16;
	_ =	strace $0x8000004D;
	s28 =	ssub.s32 s2, s5  }
0xa: {  	s22 =	smul.u32 $0x190, s17;
	s2 =	sadd.s32 s20, s4;
	s19 =	sshrl.u32 s3, $0x3  }
0xb: {  	s3 =	sadd.s32 s25, s4;
	s4 =	sadd.s32 s26, s4;
	s28 =	smax.u32 s28, $0x1  }
0xc: {  	s7 =	sadd.s32 $0x640, s19;
	s10 =	sadd.s32 $0xC80, s19;
	s13 =	sadd.s32 $0x12C0, s19  }
0xd: {  	s18 =	sadd.s32 $0x1900, s19;
	s21 =	sadd.s32 $0x1F40, s19;
	s23 =	sadd.s32 $0x2580, s19  }
0xe: {  	s29 =	sshrl.u32 s22, $0x3;
	s5 =	sadd.s32 s20, s7;
	s6 =	sadd.s32 s25, s7  }
0xf: {  	s7 =	sadd.s32 s26, s7;
	s8 =	sadd.s32 s20, s10;
	s9 =	sadd.s32 s25, s10  }
0x10: {  	s10 =	sadd.s32 s26, s10;
	s11 =	sadd.s32 s20, s13;
	s12 =	sadd.s32 s25, s13  }
0x11: {  	s13 =	sadd.s32 s26, s13;
	s14 =	sadd.s32 s20, s18;
	s15 =	sadd.s32 s25, s18  }
0x12: {  	s16 =	sadd.s32 s26, s18;
	s17 =	sadd.s32 s20, s21;
	s18 =	sadd.s32 s25, s21  }
0x13: {  	s19 =	sadd.s32 s26, s21;
	s21 =	sadd.s32 s20, s23;
	s22 =	sadd.s32 s25, s23  }
0x14: {  	s23 =	sadd.s32 s26, s23;
	s24 =	sadd.s32 s20, s29;
	s25 =	sadd.s32 s25, s29  }
0x15: {  	s26 =	sadd.s32 s26, s29;
	s29 =	simm.s32 $0x1;
	s20 =	simm.s32 $0x1400  }
.LBB2_1:
0x16: {  	s0 =	rddreg [dreg:$0x5]  }
0x17: {  	[tilespmem:s1], [sflag:$0x1] =	stream.linear.gather [hbm4b:s0+s1], $0x1000, $0x38;
	[tilespmem:$0x1600] =	vst v63  }
0x18: {  	_ =	swait.ge [sflag:s29], $0x1000  }
0x19: {  	[sflag:s29] =	ssyncset.done $0x0  }
0x1a: {  	[sflag:s29] =	ssyncadd.s32 $0xFFFFF000  }
0x1b: {  	[tilespmem:s30], [sflag:$0x1] =	stream.linear.gather [hbm4b:s2+s1], $0x190, $0x38;
	[tilespmem:$0x1600] =	vst v63  }
0x1c: {  	_ =	swait.ge [sflag:s29], $0x190  }
0x1d: {  	[sflag:s29] =	ssyncset.done $0x0  }
0x1e: {  	[sflag:s29] =	ssyncadd.s32 $0xFFFFFE70  }
0x1f: {  	[tilespmem:s31], [sflag:$0x1] =	stream.linear.gather [hbm4b:s3+s1], $0x190, $0x38;
	[tilespmem:$0x1600] =	vst v63  }
0x20: {  	_ =	swait.ge [sflag:s29], $0x190  }
0x21: {  	[sflag:s29] =	ssyncset.done $0x0  }
0x22: {  	[sflag:s29] =	ssyncadd.s32 $0xFFFFFE70  }
0x23: {  	v0 =	vld [tilespmem:$0x1200]  }
0x24: {  	v1 =	vld [tilespmem:$0x1000];
	_ =	sdelay $0x4  }
0x25: {  	v4 =	vld [tilespmem:$0x1210];
	v2 =	vshll.u32 v1, $0x8;
	v3 =	vshll.u32 v0, $0x3  }
0x26: {  	v5 =	vld [tilespmem:$0x1010];
	v1 =	vshll.u32 v1, $0x7;
	v2 =	vand.u32 $0xFFFFF800, v2;
	v3 =	vand.u32 $0xFFFFFC00, v3  }
0x27: {  	v1 =	vand.u32 $0x380, v1;
	v2 =	vadd.s32 v3, v2  }
0x28: {  	v0 =	vand.u32 $0x7F, v0;
	v1 =	vor.u32 v1, v2  }
0x29: {  	v0 =	vor.u32 v0, v1;
	_ =	sdelay $0x1  }
0x2a: {  	v59 =	vld [tilespmem:$0x1220];
	v57 =	vshll.u32 v5, $0x8;
	v58 =	vshll.u32 v4, $0x3  }
0x2b: {  	v6 =	vld [tilespmem:$0x1020];
	v5 =	vshll.u32 v5, $0x7;
	v2 =	vand.u32 $0xFFFFFC00, v58;
	v1 =	vand.u32 $0xFFFFF800, v57  }
0x2c: {  	v60 =	vand.u32 $0x380, v5;
	v1 =	vadd.s32 v2, v1  }
0x2d: {  	v4 =	vand.u32 $0x7F, v4;
	v1 =	vor.u32 v60, v1;
	v0 =	vld.idx.msk [tilespmem:v0+s1+$0x0], $0xffff  }
0x2e: {  	v1 =	vor.u32 v4, v1;
	_ =	sdelay $0x1  }
0x2f: {  	v63 =	vld [tilespmem:$0x1230];
	v61 =	vshll.u32 v6, $0x8;
	v62 =	vshll.u32 v59, $0x3  }
0x30: {  	v7 =	vld [tilespmem:$0x1030];
	v6 =	vshll.u32 v6, $0x7;
	v2 =	vand.u32 $0xFFFFF800, v61;
	v4 =	vand.u32 $0xFFFFFC00, v62  }
0x31: {  	v10 =	vand.u32 $0x380, v6;
	v9 =	vadd.s32 v4, v2;
	[tilespmem:$0x1400] =	vst v0  }
0x32: {  	v3 =	vand.u32 $0x7F, v59;
	v0 =	vor.u32 v10, v9;
	v1 =	vld.idx.msk [tilespmem:v1+s1+$0x0], $0xffff  }
0x33: {  	v0 =	vor.u32 v3, v0;
	_ =	sdelay $0x1  }
0x34: {  	v13 =	vld [tilespmem:$0x1240];
	v11 =	vshll.u32 v7, $0x8;
	v12 =	vshll.u32 v63, $0x3  }
0x35: {  	v15 =	vld [tilespmem:$0x1040];
	v14 =	vshll.u32 v7, $0x7;
	v2 =	vand.u32 $0xFFFFF800, v11;
	v3 =	vand.u32 $0xFFFFFC00, v12  }
0x36: {  	v17 =	vand.u32 $0x380, v14;
	v16 =	vadd.s32 v3, v2;
	[tilespmem:$0x1410] =	vst v1  }
0x37: {  	v18 =	vand.u32 $0x7F, v63;
	v1 =	vor.u32 v17, v16;
	v0 =	vld.idx.msk [tilespmem:v0+s1+$0x0], $0xffff  }
0x38: {  	v1 =	vor.u32 v18, v1;
	_ =	sdelay $0x1  }
0x39: {  	v21 =	vld [tilespmem:$0x1250];
	v19 =	vshll.u32 v15, $0x8;
	v20 =	vshll.u32 v13, $0x3  }
0x3a: {  	v23 =	vld [tilespmem:$0x1050];
	v22 =	vshll.u32 v15, $0x7;
	v2 =	vand.u32 $0xFFFFF800, v19;
	v3 =	vand.u32 $0xFFFFFC00, v20  }
0x3b: {  	v25 =	vand.u32 $0x380, v22;
	v24 =	vadd.s32 v3, v2;
	[tilespmem:$0x1420] =	vst v0  }
0x3c: {  	v26 =	vand.u32 $0x7F, v13;
	v0 =	vor.u32 v25, v24;
	v1 =	vld.idx.msk [tilespmem:v1+s1+$0x0], $0xffff  }
0x3d: {  	v0 =	vor.u32 v26, v0;
	_ =	sdelay $0x1  }
0x3e: {  	v29 =	vld [tilespmem:$0x1260];
	v27 =	vshll.u32 v23, $0x8;
	v28 =	vshll.u32 v21, $0x3  }
0x3f: {  	v31 =	vld [tilespmem:$0x1060];
	v30 =	vshll.u32 v23, $0x7;
	v2 =	vand.u32 $0xFFFFF800, v27;
	v3 =	vand.u32 $0xFFFFFC00, v28  }
0x40: {  	v33 =	vand.u32 $0x380, v30;
	v32 =	vadd.s32 v3, v2;
	[tilespmem:$0x1430] =	vst v1  }
0x41: {  	v34 =	vand.u32 $0x7F, v21;
	v1 =	vor.u32 v33, v32;
	v0 =	vld.idx.msk [tilespmem:v0+s1+$0x0], $0xffff  }
0x42: {  	v1 =	vor.u32 v34, v1;
	_ =	sdelay $0x1  }
0x43: {  	v37 =	vld [tilespmem:$0x1270];
	v35 =	vshll.u32 v31, $0x8;
	v36 =	vshll.u32 v29, $0x3  }
0x44: {  	v39 =	vld [tilespmem:$0x1070];
	v38 =	vshll.u32 v31, $0x7;
	v2 =	vand.u32 $0xFFFFF800, v35;
	v3 =	vand.u32 $0xFFFFFC00, v36  }
0x45: {  	v41 =	vand.u32 $0x380, v38;
	v40 =	vadd.s32 v3, v2;
	[tilespmem:$0x1440] =	vst v0  }
0x46: {  	v42 =	vand.u32 $0x7F, v29;
	v0 =	vor.u32 v41, v40;
	v1 =	vld.idx.msk [tilespmem:v1+s1+$0x0], $0xffff  }
0x47: {  	v0 =	vor.u32 v42, v0;
	_ =	sdelay $0x1  }
0x48: {  	v45 =	vld [tilespmem:$0x1280];
	v43 =	vshll.u32 v39, $0x8;
	v44 =	vshll.u32 v37, $0x3  }
0x49: {  	v47 =	vld [tilespmem:$0x1080];
	v46 =	vshll.u32 v39, $0x7;
	v2 =	vand.u32 $0xFFFFF800, v43;
	v3 =	vand.u32 $0xFFFFFC00, v44  }
0x4a: {  	v49 =	vand.u32 $0x380, v46;
	v48 =	vadd.s32 v3, v2;
	[tilespmem:$0x1450] =	vst v1  }
0x4b: {  	v50 =	vand.u32 $0x7F, v37;
	v1 =	vor.u32 v49, v48;
	v0 =	vld.idx.msk [tilespmem:v0+s1+$0x0], $0xffff  }
0x4c: {  	v1 =	vor.u32 v50, v1;
	_ =	sdelay $0x1  }
0x4d: {  	v53 =	vld [tilespmem:$0x1290];
	v51 =	vshll.u32 v47, $0x8;
	v52 =	vshll.u32 v45, $0x3  }
0x4e: {  	v55 =	vld [tilespmem:$0x1090];
	v54 =	vshll.u32 v47, $0x7;
	v2 =	vand.u32 $0xFFFFF800, v51;
	v3 =	vand.u32 $0xFFFFFC00, v52  }
0x4f: {  	v57 =	vand.u32 $0x380, v54;
	v56 =	vadd.s32 v3, v2;
	[tilespmem:$0x1460] =	vst v0  }
0x50: {  	v58 =	vand.u32 $0x7F, v45;
	v0 =	vor.u32 v57, v56;
	v1 =	vld.idx.msk [tilespmem:v1+s1+$0x0], $0xffff  }
0x51: {  	v0 =	vor.u32 v58, v0;
	_ =	sdelay $0x1  }
0x52: {  	v63 =	vld [tilespmem:$0x10A0];
	v59 =	vshll.u32 v55, $0x8;
	v60 =	vshll.u32 v53, $0x3  }
0x53: {  	v61 =	vld [tilespmem:$0x12A0];
	v62 =	vshll.u32 v55, $0x7;
	v2 =	vand.u32 $0xFFFFF800, v59;
	v3 =	vand.u32 $0xFFFFFC00, v60  }
0x54: {  	v9 =	vand.u32 $0x380, v62;
	v8 =	vadd.s32 v3, v2;
	[tilespmem:$0x1470] =	vst v1  }
0x55: {  	v10 =	vand.u32 $0x7F, v53;
	v1 =	vor.u32 v9, v8;
	v0 =	vld.idx.msk [tilespmem:v0+s1+$0x0], $0xffff  }
0x56: {  	v1 =	vor.u32 v10, v1;
	_ =	sdelay $0x1  }
0x57: {  	v13 =	vld [tilespmem:$0x12B0];
	v11 =	vshll.u32 v63, $0x8;
	v12 =	vshll.u32 v61, $0x3  }
0x58: {  	v15 =	vld [tilespmem:$0x10B0];
	v14 =	vshll.u32 v63, $0x7;
	v2 =	vand.u32 $0xFFFFF800, v11;
	v3 =	vand.u32 $0xFFFFFC00, v12  }
0x59: {  	v17 =	vand.u32 $0x380, v14;
	v16 =	vadd.s32 v3, v2;
	[tilespmem:$0x1480] =	vst v0  }
0x5a: {  	v18 =	vand.u32 $0x7F, v61;
	v0 =	vor.u32 v17, v16;
	v1 =	vld.idx.msk [tilespmem:v1+s1+$0x0], $0xffff  }
0x5b: {  	v0 =	vor.u32 v18, v0;
	_ =	sdelay $0x1  }
0x5c: {  	v21 =	vld [tilespmem:$0x12C0];
	v19 =	vshll.u32 v15, $0x8;
	v20 =	vshll.u32 v13, $0x3  }
0x5d: {  	v23 =	vld [tilespmem:$0x10C0];
	v22 =	vshll.u32 v15, $0x7;
	v2 =	vand.u32 $0xFFFFF800, v19;
	v3 =	vand.u32 $0xFFFFFC00, v20  }
0x5e: {  	v24 =	vadd.s32 v3, v2;
	v25 =	vand.u32 $0x380, v22;
	[tilespmem:$0x1490] =	vst v1  }
0x5f: {  	v26 =	vand.u32 $0x7F, v13;
	v1 =	vor.u32 v25, v24;
	v0 =	vld.idx.msk [tilespmem:v0+s1+$0x0], $0xffff  }
0x60: {  	v1 =	vor.u32 v26, v1;
	_ =	sdelay $0x1  }
0x61: {  	v29 =	vld [tilespmem:$0x12D0];
	v27 =	vshll.u32 v23, $0x8;
	v28 =	vshll.u32 v21, $0x3  }
0x62: {  	v31 =	vld [tilespmem:$0x10D0];
	v30 =	vshll.u32 v23, $0x7;
	v2 =	vand.u32 $0xFFFFF800, v27;
	v3 =	vand.u32 $0xFFFFFC00, v28  }
0x63: {  	v32 =	vadd.s32 v3, v2;
	v33 =	vand.u32 $0x380, v30;
	[tilespmem:$0x14A0] =	vst v0  }
0x64: {  	v34 =	vand.u32 $0x7F, v21;
	v0 =	vor.u32 v33, v32;
	v1 =	vld.idx.msk [tilespmem:v1+s1+$0x0], $0xffff  }
0x65: {  	v0 =	vor.u32 v34, v0;
	_ =	sdelay $0x1  }
0x66: {  	v37 =	vld [tilespmem:$0x12E0];
	v35 =	vshll.u32 v31, $0x8;
	v36 =	vshll.u32 v29, $0x3  }
0x67: {  	v39 =	vld [tilespmem:$0x10E0];
	v38 =	vshll.u32 v31, $0x7;
	v2 =	vand.u32 $0xFFFFF800, v35;
	v3 =	vand.u32 $0xFFFFFC00, v36  }
0x68: {  	v40 =	vadd.s32 v3, v2;
	v41 =	vand.u32 $0x380, v38;
	[tilespmem:$0x14B0] =	vst v1  }
0x69: {  	v42 =	vand.u32 $0x7F, v29;
	v1 =	vor.u32 v41, v40;
	v0 =	vld.idx.msk [tilespmem:v0+s1+$0x0], $0xffff  }
0x6a: {  	v1 =	vor.u32 v42, v1;
	_ =	sdelay $0x1  }
0x6b: {  	v47 =	vld [tilespmem:$0x10F0];
	v43 =	vshll.u32 v39, $0x8;
	v44 =	vshll.u32 v37, $0x3  }
0x6c: {  	v45 =	vld [tilespmem:$0x12F0];
	v46 =	vshll.u32 v39, $0x7;
	v2 =	vand.u32 $0xFFFFF800, v43;
	v3 =	vand.u32 $0xFFFFFC00, v44  }
0x6d: {  	v48 =	vadd.s32 v3, v2;
	v49 =	vand.u32 $0x380, v46;
	[tilespmem:$0x14C0] =	vst v0  }
0x6e: {  	v50 =	vand.u32 $0x7F, v37;
	v0 =	vor.u32 v49, v48;
	v1 =	vld.idx.msk [tilespmem:v1+s1+$0x0], $0xffff  }
0x6f: {  	v0 =	vor.u32 v50, v0;
	_ =	sdelay $0x1  }
0x70: {  	v55 =	vld [tilespmem:$0x1100];
	v51 =	vshll.u32 v47, $0x8;
	v52 =	vshll.u32 v45, $0x3  }
0x71: {  	v54 =	vshll.u32 v47, $0x7;
	v53 =	vld [tilespmem:$0x1300];
	v2 =	vand.u32 $0xFFFFF800, v51;
	v3 =	vand.u32 $0xFFFFFC00, v52  }
0x72: {  	v56 =	vadd.s32 v3, v2;
	v57 =	vand.u32 $0x380, v54;
	[tilespmem:$0x14D0] =	vst v1  }
0x73: {  	v58 =	vand.u32 $0x7F, v45;
	v1 =	vor.u32 v57, v56;
	v0 =	vld.idx.msk [tilespmem:v0+s1+$0x0], $0xffff  }
0x74: {  	v1 =	vor.u32 v58, v1;
	_ =	sdelay $0x1  }
0x75: {  	v63 =	vld [tilespmem:$0x1110];
	v59 =	vshll.u32 v55, $0x8;
	v60 =	vshll.u32 v53, $0x3  }
0x76: {  	v62 =	vshll.u32 v55, $0x7;
	v61 =	vld [tilespmem:$0x1310];
	v2 =	vand.u32 $0xFFFFF800, v59;
	v3 =	vand.u32 $0xFFFFFC00, v60  }
0x77: {  	v8 =	vadd.s32 v3, v2;
	v9 =	vand.u32 $0x380, v62;
	[tilespmem:$0x14E0] =	vst v0  }
0x78: {  	v10 =	vand.u32 $0x7F, v53;
	v0 =	vor.u32 v9, v8;
	v1 =	vld.idx.msk [tilespmem:v1+s1+$0x0], $0xffff  }
0x79: {  	v0 =	vor.u32 v10, v0;
	_ =	sdelay $0x1  }
0x7a: {  	v15 =	vld [tilespmem:$0x1120];
	v11 =	vshll.u32 v63, $0x8;
	v12 =	vshll.u32 v61, $0x3  }
0x7b: {  	v14 =	vshll.u32 v63, $0x7;
	v13 =	vld [tilespmem:$0x1320];
	v2 =	vand.u32 $0xFFFFF800, v11;
	v3 =	vand.u32 $0xFFFFFC00, v12  }
0x7c: {  	v16 =	vadd.s32 v3, v2;
	v17 =	vand.u32 $0x380, v14;
	[tilespmem:$0x14F0] =	vst v1  }
0x7d: {  	v18 =	vand.u32 $0x7F, v61;
	v1 =	vor.u32 v17, v16;
	v0 =	vld.idx.msk [tilespmem:v0+s1+$0x0], $0xffff  }
0x7e: {  	v1 =	vor.u32 v18, v1;
	_ =	sdelay $0x1  }
0x7f: {  	v23 =	vld [tilespmem:$0x1130];
	v19 =	vshll.u32 v15, $0x8;
	v20 =	vshll.u32 v13, $0x3  }
0x80: {  	v22 =	vshll.u32 v15, $0x7;
	v21 =	vld [tilespmem:$0x1330];
	v2 =	vand.u32 $0xFFFFF800, v19;
	v3 =	vand.u32 $0xFFFFFC00, v20  }
0x81: {  	v24 =	vadd.s32 v3, v2;
	v25 =	vand.u32 $0x380, v22;
	[tilespmem:$0x1500] =	vst v0  }
0x82: {  	v26 =	vand.u32 $0x7F, v13;
	v0 =	vor.u32 v25, v24;
	v1 =	vld.idx.msk [tilespmem:v1+s1+$0x0], $0xffff  }
0x83: {  	v0 =	vor.u32 v26, v0;
	_ =	sdelay $0x1  }
0x84: {  	v31 =	vld [tilespmem:$0x1140];
	v27 =	vshll.u32 v23, $0x8;
	v28 =	vshll.u32 v21, $0x3  }
0x85: {  	v30 =	vshll.u32 v23, $0x7;
	v29 =	vld [tilespmem:$0x1340];
	v2 =	vand.u32 $0xFFFFF800, v27;
	v3 =	vand.u32 $0xFFFFFC00, v28  }
0x86: {  	v32 =	vadd.s32 v3, v2;
	v33 =	vand.u32 $0x380, v30;
	[tilespmem:$0x1510] =	vst v1  }
0x87: {  	v34 =	vand.u32 $0x7F, v21;
	v1 =	vor.u32 v33, v32;
	v0 =	vld.idx.msk [tilespmem:v0+s1+$0x0], $0xffff  }
0x88: {  	v1 =	vor.u32 v34, v1;
	_ =	sdelay $0x1  }
0x89: {  	v39 =	vld [tilespmem:$0x1150];
	v35 =	vshll.u32 v31, $0x8;
	v36 =	vshll.u32 v29, $0x3  }
0x8a: {  	v38 =	vshll.u32 v31, $0x7;
	v37 =	vld [tilespmem:$0x1350];
	v2 =	vand.u32 $0xFFFFF800, v35;
	v3 =	vand.u32 $0xFFFFFC00, v36  }
0x8b: {  	v40 =	vadd.s32 v3, v2;
	v41 =	vand.u32 $0x380, v38;
	[tilespmem:$0x1520] =	vst v0  }
0x8c: {  	v42 =	vand.u32 $0x7F, v29;
	v0 =	vor.u32 v41, v40;
	v1 =	vld.idx.msk [tilespmem:v1+s1+$0x0], $0xffff  }
0x8d: {  	v0 =	vor.u32 v42, v0;
	_ =	sdelay $0x1  }
0x8e: {  	v47 =	vld [tilespmem:$0x1160];
	v43 =	vshll.u32 v39, $0x8;
	v44 =	vshll.u32 v37, $0x3  }
0x8f: {  	v46 =	vshll.u32 v39, $0x7;
	v45 =	vld [tilespmem:$0x1360];
	v2 =	vand.u32 $0xFFFFF800, v43;
	v3 =	vand.u32 $0xFFFFFC00, v44  }
0x90: {  	v48 =	vadd.s32 v3, v2;
	v49 =	vand.u32 $0x380, v46;
	[tilespmem:$0x1530] =	vst v1  }
0x91: {  	v50 =	vand.u32 $0x7F, v37;
	v1 =	vor.u32 v49, v48;
	v0 =	vld.idx.msk [tilespmem:v0+s1+$0x0], $0xffff  }
0x92: {  	v1 =	vor.u32 v50, v1;
	_ =	sdelay $0x1  }
0x93: {  	v55 =	vld [tilespmem:$0x1170];
	v51 =	vshll.u32 v47, $0x8;
	v52 =	vshll.u32 v45, $0x3  }
0x94: {  	v54 =	vshll.u32 v47, $0x7;
	v53 =	vld [tilespmem:$0x1370];
	v2 =	vand.u32 $0xFFFFF800, v51;
	v3 =	vand.u32 $0xFFFFFC00, v52  }
0x95: {  	v56 =	vadd.s32 v3, v2;
	v57 =	vand.u32 $0x380, v54;
	[tilespmem:$0x1540] =	vst v0  }
0x96: {  	v58 =	vand.u32 $0x7F, v45;
	v0 =	vor.u32 v57, v56;
	v1 =	vld.idx.msk [tilespmem:v1+s1+$0x0], $0xffff  }
0x97: {  	v0 =	vor.u32 v58, v0;
	_ =	sdelay $0x1  }
0x98: {  	v63 =	vld [tilespmem:$0x1180];
	v59 =	vshll.u32 v55, $0x8;
	v60 =	vshll.u32 v53, $0x3  }
0x99: {  	v62 =	vshll.u32 v55, $0x7;
	v61 =	vld [tilespmem:$0x1380];
	v2 =	vand.u32 $0xFFFFF800, v59;
	v3 =	vand.u32 $0xFFFFFC00, v60  }
0x9a: {  	v9 =	vadd.s32 v3, v2;
	v10 =	vand.u32 $0x380, v62;
	[tilespmem:$0x1550] =	vst v1  }
0x9b: {  	v11 =	vand.u32 $0x7F, v53;
	v1 =	vor.u32 v10, v9;
	v0 =	vld.idx.msk [tilespmem:v0+s1+$0x0], $0xffff  }
0x9c: {  	v1 =	vor.u32 v11, v1;
	_ =	sdelay $0x1  }
0x9d: {  	v12 =	vshll.u32 v63, $0x8;
	v13 =	vshll.u32 v61, $0x3  }
0x9e: {  	v14 =	vshll.u32 v63, $0x7;
	v2 =	vand.u32 $0xFFFFF800, v12;
	v3 =	vand.u32 $0xFFFFFC00, v13  }
0x9f: {  	v15 =	vadd.s32 v3, v2;
	v16 =	vand.u32 $0x380, v14;
	[tilespmem:$0x1560] =	vst v0  }
0xa0: {  	v17 =	vand.u32 $0x7F, v61;
	v0 =	vor.u32 v16, v15;
	v1 =	vld.idx.msk [tilespmem:v1+s1+$0x0], $0xffff  }
0xa1: {  	v0 =	vor.u32 v17, v0;
	_ =	sdelay $0x3  }
0xa2: {  	[tilespmem:$0x1570] =	vst v1  }
0xa3: {  	v0 =	vld.idx.msk [tilespmem:v0+s1+$0x0], $0xffff;
	_ =	sdelay $0x4  }
0xa4: {  	[tilespmem:$0x1580] =	vst v0  }
0xa5: {  	[hbm4b:s4+s1] =	stream.linear.scatter [tilespmem:s20], [sflag:$0x1], $0x190, $0x38;
	[tilespmem:$0x1600] =	vst v63  }
0xa6: {  	_ =	swait.ge [sflag:s29], $0x190  }
0xa7: {  	[sflag:s29] =	ssyncset.done $0x0  }
0xa8: {  	[sflag:s29] =	ssyncadd.s32 $0xFFFFFE70  }
0xa9: {  	[tilespmem:s30], [sflag:$0x1] =	stream.linear.gather [hbm4b:s5+s1], $0x190, $0x38;
	[tilespmem:$0x1600] =	vst v63  }
0xaa: {  	_ =	swait.ge [sflag:s29], $0x190  }
0xab: {  	[sflag:s29] =	ssyncset.done $0x0  }
0xac: {  	[sflag:s29] =	ssyncadd.s32 $0xFFFFFE70  }
0xad: {  	[tilespmem:s31], [sflag:$0x1] =	stream.linear.gather [hbm4b:s6+s1], $0x190, $0x38;
	[tilespmem:$0x1600] =	vst v63  }
0xae: {  	_ =	swait.ge [sflag:s29], $0x190  }
0xaf: {  	[sflag:s29] =	ssyncset.done $0x0  }
0xb0: {  	[sflag:s29] =	ssyncadd.s32 $0xFFFFFE70  }
0xb1: {  	v18 =	vld [tilespmem:$0x1200]  }
0xb2: {  	v19 =	vld [tilespmem:$0x1000];
	_ =	sdelay $0x4  }
0xb3: {  	v22 =	vld [tilespmem:$0x1210];
	v20 =	vshll.u32 v19, $0x8;
	v21 =	vshll.u32 v18, $0x3  }
0xb4: {  	v23 =	vld [tilespmem:$0x1010];
	v1 =	vshll.u32 v19, $0x7;
	v2 =	vand.u32 $0xFFFFF800, v20;
	v3 =	vand.u32 $0xFFFFFC00, v21  }
0xb5: {  	v1 =	vand.u32 $0x380, v1;
	v2 =	vadd.s32 v3, v2  }
0xb6: {  	v0 =	vand.u32 $0x7F, v18;
	v1 =	vor.u32 v1, v2  }
0xb7: {  	v0 =	vor.u32 v0, v1;
	_ =	sdelay $0x1  }
0xb8: {  	v26 =	vld [tilespmem:$0x1220];
	v24 =	vshll.u32 v23, $0x8;
	v25 =	vshll.u32 v22, $0x3  }
0xb9: {  	v27 =	vld [tilespmem:$0x1020];
	v5 =	vshll.u32 v23, $0x7;
	v2 =	vand.u32 $0xFFFFFC00, v25;
	v1 =	vand.u32 $0xFFFFF800, v24  }
0xba: {  	v28 =	vand.u32 $0x380, v5;
	v1 =	vadd.s32 v2, v1  }
0xbb: {  	v4 =	vand.u32 $0x7F, v22;
	v1 =	vor.u32 v28, v1;
	v0 =	vld.idx.msk [tilespmem:v0+s1+$0x0], $0xffff  }
0xbc: {  	v1 =	vor.u32 v4, v1;
	_ =	sdelay $0x1  }
0xbd: {  	v31 =	vld [tilespmem:$0x1230];
	v29 =	vshll.u32 v27, $0x8;
	v30 =	vshll.u32 v26, $0x3  }
0xbe: {  	v32 =	vld [tilespmem:$0x1030];
	v6 =	vshll.u32 v27, $0x7;
	v2 =	vand.u32 $0xFFFFF800, v29;
	v4 =	vand.u32 $0xFFFFFC00, v30  }
0xbf: {  	v34 =	vand.u32 $0x380, v6;
	v33 =	vadd.s32 v4, v2;
	[tilespmem:$0x1400] =	vst v0  }
0xc0: {  	v3 =	vand.u32 $0x7F, v26;
	v0 =	vor.u32 v34, v33;
	v1 =	vld.idx.msk [tilespmem:v1+s1+$0x0], $0xffff  }
0xc1: {  	v0 =	vor.u32 v3, v0;
	_ =	sdelay $0x1  }
0xc2: {  	v37 =	vld [tilespmem:$0x1240];
	v35 =	vshll.u32 v32, $0x8;
	v36 =	vshll.u32 v31, $0x3  }
0xc3: {  	v39 =	vld [tilespmem:$0x1040];
	v38 =	vshll.u32 v32, $0x7;
	v2 =	vand.u32 $0xFFFFF800, v35;
	v3 =	vand.u32 $0xFFFFFC00, v36  }
0xc4: {  	v41 =	vand.u32 $0x380, v38;
	v40 =	vadd.s32 v3, v2;
	[tilespmem:$0x1410] =	vst v1  }
0xc5: {  	v42 =	vand.u32 $0x7F, v31;
	v1 =	vor.u32 v41, v40;
	v0 =	vld.idx.msk [tilespmem:v0+s1+$0x0], $0xffff  }
0xc6: {  	v1 =	vor.u32 v42, v1;
	_ =	sdelay $0x1  }
0xc7: {  	v45 =	vld [tilespmem:$0x1250];
	v43 =	vshll.u32 v39, $0x8;
	v44 =	vshll.u32 v37, $0x3  }
0xc8: {  	v47 =	vld [tilespmem:$0x1050];
	v46 =	vshll.u32 v39, $0x7;
	v2 =	vand.u32 $0xFFFFF800, v43;
	v3 =	vand.u32 $0xFFFFFC00, v44  }
0xc9: {  	v49 =	vand.u32 $0x380, v46;
	v48 =	vadd.s32 v3, v2;
	[tilespmem:$0x1420] =	vst v0  }
0xca: {  	v50 =	vand.u32 $0x7F, v37;
	v0 =	vor.u32 v49, v48;
	v1 =	vld.idx.msk [tilespmem:v1+s1+$0x0], $0xffff  }
0xcb: {  	v0 =	vor.u32 v50, v0;
	_ =	sdelay $0x1  }
0xcc: {  	v53 =	vld [tilespmem:$0x1260];
	v51 =	vshll.u32 v47, $0x8;
	v52 =	vshll.u32 v45, $0x3  }
0xcd: {  	v55 =	vld [tilespmem:$0x1060];
	v54 =	vshll.u32 v47, $0x7;
	v2 =	vand.u32 $0xFFFFF800, v51;
	v3 =	vand.u32 $0xFFFFFC00, v52  }
0xce: {  	v57 =	vand.u32 $0x380, v54;
	v56 =	vadd.s32 v3, v2;
	[tilespmem:$0x1430] =	vst v1  }
0xcf: {  	v58 =	vand.u32 $0x7F, v45;
	v1 =	vor.u32 v57, v56;
	v0 =	vld.idx.msk [tilespmem:v0+s1+$0x0], $0xffff  }
0xd0: {  	v1 =	vor.u32 v58, v1;
	_ =	sdelay $0x1  }
0xd1: {  	v61 =	vld [tilespmem:$0x1270];
	v59 =	vshll.u32 v55, $0x8;
	v60 =	vshll.u32 v53, $0x3  }
0xd2: {  	v63 =	vld [tilespmem:$0x1070];
	v62 =	vshll.u32 v55, $0x7;
	v2 =	vand.u32 $0xFFFFF800, v59;
	v3 =	vand.u32 $0xFFFFFC00, v60  }
0xd3: {  	v9 =	vand.u32 $0x380, v62;
	v8 =	vadd.s32 v3, v2;
	[tilespmem:$0x1440] =	vst v0  }
0xd4: {  	v10 =	vand.u32 $0x7F, v53;
	v0 =	vor.u32 v9, v8;
	v1 =	vld.idx.msk [tilespmem:v1+s1+$0x0], $0xffff  }
0xd5: {  	v0 =	vor.u32 v10, v0;
	_ =	sdelay $0x1  }
0xd6: {  	v13 =	vld [tilespmem:$0x1280];
	v11 =	vshll.u32 v63, $0x8;
	v12 =	vshll.u32 v61, $0x3  }
0xd7: {  	v15 =	vld [tilespmem:$0x1080];
	v14 =	vshll.u32 v63, $0x7;
	v2 =	vand.u32 $0xFFFFF800, v11;
	v3 =	vand.u32 $0xFFFFFC00, v12  }
0xd8: {  	v17 =	vand.u32 $0x380, v14;
	v16 =	vadd.s32 v3, v2;
	[tilespmem:$0x1450] =	vst v1  }
0xd9: {  	v18 =	vand.u32 $0x7F, v61;
	v1 =	vor.u32 v17, v16;
	v0 =	vld.idx.msk [tilespmem:v0+s1+$0x0], $0xffff  }
0xda: {  	v1 =	vor.u32 v18, v1;
	_ =	sdelay $0x1  }
0xdb: {  	v19 =	vshll.u32 v15, $0x8;
	v23 =	vld [tilespmem:$0x1090];
	v20 =	vshll.u32 v13, $0x3  }
0xdc: {  	v22 =	vshll.u32 v15, $0x7;
	v21 =	vld [tilespmem:$0x1290];
	v2 =	vand.u32 $0xFFFFF800, v19;
	v3 =	vand.u32 $0xFFFFFC00, v20  }
0xdd: {  	v25 =	vand.u32 $0x380, v22;
	v24 =	vadd.s32 v3, v2;
	[tilespmem:$0x1460] =	vst v0  }
0xde: {  	v26 =	vand.u32 $0x7F, v13;
	v0 =	vor.u32 v25, v24;
	v1 =	vld.idx.msk [tilespmem:v1+s1+$0x0], $0xffff  }
0xdf: {  	v0 =	vor.u32 v26, v0;
	_ =	sdelay $0x1  }
0xe0: {  	v31 =	vld [tilespmem:$0x10A0];
	v27 =	vshll.u32 v23, $0x8;
	v28 =	vshll.u32 v21, $0x3  }
0xe1: {  	v29 =	vld [tilespmem:$0x12A0];
	v30 =	vshll.u32 v23, $0x7;
	v2 =	vand.u32 $0xFFFFF800, v27;
	v3 =	vand.u32 $0xFFFFFC00, v28  }
0xe2: {  	v33 =	vand.u32 $0x380, v30;
	v32 =	vadd.s32 v3, v2;
	[tilespmem:$0x1470] =	vst v1  }
0xe3: {  	v34 =	vand.u32 $0x7F, v21;
	v1 =	vor.u32 v33, v32;
	v0 =	vld.idx.msk [tilespmem:v0+s1+$0x0], $0xffff  }
0xe4: {  	v1 =	vor.u32 v34, v1;
	_ =	sdelay $0x1  }
0xe5: {  	v37 =	vld [tilespmem:$0x12B0];
	v35 =	vshll.u32 v31, $0x8;
	v36 =	vshll.u32 v29, $0x3  }
0xe6: {  	v39 =	vld [tilespmem:$0x10B0];
	v38 =	vshll.u32 v31, $0x7;
	v2 =	vand.u32 $0xFFFFF800, v35;
	v3 =	vand.u32 $0xFFFFFC00, v36  }
0xe7: {  	v41 =	vand.u32 $0x380, v38;
	v40 =	vadd.s32 v3, v2;
	[tilespmem:$0x1480] =	vst v0  }
0xe8: {  	v42 =	vand.u32 $0x7F, v29;
	v0 =	vor.u32 v41, v40;
	v1 =	vld.idx.msk [tilespmem:v1+s1+$0x0], $0xffff  }
0xe9: {  	v0 =	vor.u32 v42, v0;
	_ =	sdelay $0x1  }
0xea: {  	v45 =	vld [tilespmem:$0x12C0];
	v43 =	vshll.u32 v39, $0x8;
	v44 =	vshll.u32 v37, $0x3  }
0xeb: {  	v47 =	vld [tilespmem:$0x10C0];
	v46 =	vshll.u32 v39, $0x7;
	v2 =	vand.u32 $0xFFFFF800, v43;
	v3 =	vand.u32 $0xFFFFFC00, v44  }
0xec: {  	v48 =	vadd.s32 v3, v2;
	v49 =	vand.u32 $0x380, v46;
	[tilespmem:$0x1490] =	vst v1  }
0xed: {  	v50 =	vand.u32 $0x7F, v37;
	v1 =	vor.u32 v49, v48;
	v0 =	vld.idx.msk [tilespmem:v0+s1+$0x0], $0xffff  }
0xee: {  	v1 =	vor.u32 v50, v1;
	_ =	sdelay $0x1  }
0xef: {  	v53 =	vld [tilespmem:$0x12D0];
	v51 =	vshll.u32 v47, $0x8;
	v52 =	vshll.u32 v45, $0x3  }
0xf0: {  	v55 =	vld [tilespmem:$0x10D0];
	v54 =	vshll.u32 v47, $0x7;
	v2 =	vand.u32 $0xFFFFF800, v51;
	v3 =	vand.u32 $0xFFFFFC00, v52  }
0xf1: {  	v56 =	vadd.s32 v3, v2;
	v57 =	vand.u32 $0x380, v54;
	[tilespmem:$0x14A0] =	vst v0  }
0xf2: {  	v58 =	vand.u32 $0x7F, v45;
	v0 =	vor.u32 v57, v56;
	v1 =	vld.idx.msk [tilespmem:v1+s1+$0x0], $0xffff  }
0xf3: {  	v0 =	vor.u32 v58, v0;
	_ =	sdelay $0x1  }
0xf4: {  	v61 =	vld [tilespmem:$0x12E0];
	v59 =	vshll.u32 v55, $0x8;
	v60 =	vshll.u32 v53, $0x3  }
0xf5: {  	v63 =	vld [tilespmem:$0x10E0];
	v62 =	vshll.u32 v55, $0x7;
	v2 =	vand.u32 $0xFFFFF800, v59;
	v3 =	vand.u32 $0xFFFFFC00, v60  }
0xf6: {  	v8 =	vadd.s32 v3, v2;
	v9 =	vand.u32 $0x380, v62;
	[tilespmem:$0x14B0] =	vst v1  }
0xf7: {  	v10 =	vand.u32 $0x7F, v53;
	v1 =	vor.u32 v9, v8;
	v0 =	vld.idx.msk [tilespmem:v0+s1+$0x0], $0xffff  }
0xf8: {  	v1 =	vor.u32 v10, v1;
	_ =	sdelay $0x1  }
0xf9: {  	v15 =	vld [tilespmem:$0x10F0];
	v11 =	vshll.u32 v63, $0x8;
	v12 =	vshll.u32 v61, $0x3  }
0xfa: {  	v13 =	vld [tilespmem:$0x12F0];
	v14 =	vshll.u32 v63, $0x7;
	v2 =	vand.u32 $0xFFFFF800, v11;
	v3 =	vand.u32 $0xFFFFFC00, v12  }
0xfb: {  	v16 =	vadd.s32 v3, v2;
	v17 =	vand.u32 $0x380, v14;
	[tilespmem:$0x14C0] =	vst v0  }
0xfc: {  	v18 =	vand.u32 $0x7F, v61;
	v0 =	vor.u32 v17, v16;
	v1 =	vld.idx.msk [tilespmem:v1+s1+$0x0], $0xffff  }
0xfd: {  	v0 =	vor.u32 v18, v0;
	_ =	sdelay $0x1  }
0xfe: {  	v23 =	vld [tilespmem:$0x1100];
	v19 =	vshll.u32 v15, $0x8;
	v20 =	vshll.u32 v13, $0x3  }
0xff: {  	v22 =	vshll.u32 v15, $0x7;
	v21 =	vld [tilespmem:$0x1300];
	v2 =	vand.u32 $0xFFFFF800, v19;
	v3 =	vand.u32 $0xFFFFFC00, v20  }
0x100: {  	v24 =	vadd.s32 v3, v2;
	v25 =	vand.u32 $0x380, v22;
	[tilespmem:$0x14D0] =	vst v1  }
0x101: {  	v26 =	vand.u32 $0x7F, v13;
	v1 =	vor.u32 v25, v24;
	v0 =	vld.idx.msk [tilespmem:v0+s1+$0x0], $0xffff  }
0x102: {  	v1 =	vor.u32 v26, v1;
	_ =	sdelay $0x1  }
0x103: {  	v31 =	vld [tilespmem:$0x1110];
	v27 =	vshll.u32 v23, $0x8;
	v28 =	vshll.u32 v21, $0x3  }
0x104: {  	v30 =	vshll.u32 v23, $0x7;
	v29 =	vld [tilespmem:$0x1310];
	v2 =	vand.u32 $0xFFFFF800, v27;
	v3 =	vand.u32 $0xFFFFFC00, v28  }
0x105: {  	v32 =	vadd.s32 v3, v2;
	v33 =	vand.u32 $0x380, v30;
	[tilespmem:$0x14E0] =	vst v0  }
0x106: {  	v34 =	vand.u32 $0x7F, v21;
	v0 =	vor.u32 v33, v32;
	v1 =	vld.idx.msk [tilespmem:v1+s1+$0x0], $0xffff  }
0x107: {  	v0 =	vor.u32 v34, v0;
	_ =	sdelay $0x1  }
0x108: {  	v39 =	vld [tilespmem:$0x1120];
	v35 =	vshll.u32 v31, $0x8;
	v36 =	vshll.u32 v29, $0x3  }
0x109: {  	v38 =	vshll.u32 v31, $0x7;
	v37 =	vld [tilespmem:$0x1320];
	v2 =	vand.u32 $0xFFFFF800, v35;
	v3 =	vand.u32 $0xFFFFFC00, v36  }
0x10a: {  	v40 =	vadd.s32 v3, v2;
	v41 =	vand.u32 $0x380, v38;
	[tilespmem:$0x14F0] =	vst v1  }
0x10b: {  	v42 =	vand.u32 $0x7F, v29;
	v1 =	vor.u32 v41, v40;
	v0 =	vld.idx.msk [tilespmem:v0+s1+$0x0], $0xffff  }
0x10c: {  	v1 =	vor.u32 v42, v1;
	_ =	sdelay $0x1  }
0x10d: {  	v47 =	vld [tilespmem:$0x1130];
	v43 =	vshll.u32 v39, $0x8;
	v44 =	vshll.u32 v37, $0x3  }
0x10e: {  	v46 =	vshll.u32 v39, $0x7;
	v45 =	vld [tilespmem:$0x1330];
	v2 =	vand.u32 $0xFFFFF800, v43;
	v3 =	vand.u32 $0xFFFFFC00, v44  }
0x10f: {  	v48 =	vadd.s32 v3, v2;
	v49 =	vand.u32 $0x380, v46;
	[tilespmem:$0x1500] =	vst v0  }
0x110: {  	v50 =	vand.u32 $0x7F, v37;
	v0 =	vor.u32 v49, v48;
	v1 =	vld.idx.msk [tilespmem:v1+s1+$0x0], $0xffff  }
0x111: {  	v0 =	vor.u32 v50, v0;
	_ =	sdelay $0x1  }
0x112: {  	v55 =	vld [tilespmem:$0x1140];
	v51 =	vshll.u32 v47, $0x8;
	v52 =	vshll.u32 v45, $0x3  }
0x113: {  	v54 =	vshll.u32 v47, $0x7;
	v53 =	vld [tilespmem:$0x1340];
	v2 =	vand.u32 $0xFFFFF800, v51;
	v3 =	vand.u32 $0xFFFFFC00, v52  }
0x114: {  	v56 =	vadd.s32 v3, v2;
	v57 =	vand.u32 $0x380, v54;
	[tilespmem:$0x1510] =	vst v1  }
0x115: {  	v58 =	vand.u32 $0x7F, v45;
	v1 =	vor.u32 v57, v56;
	v0 =	vld.idx.msk [tilespmem:v0+s1+$0x0], $0xffff  }
0x116: {  	v1 =	vor.u32 v58, v1;
	_ =	sdelay $0x1  }
0x117: {  	v63 =	vld [tilespmem:$0x1150];
	v59 =	vshll.u32 v55, $0x8;
	v60 =	vshll.u32 v53, $0x3  }
0x118: {  	v62 =	vshll.u32 v55, $0x7;
	v61 =	vld [tilespmem:$0x1350];
	v2 =	vand.u32 $0xFFFFF800, v59;
	v3 =	vand.u32 $0xFFFFFC00, v60  }
0x119: {  	v9 =	vadd.s32 v3, v2;
	v10 =	vand.u32 $0x380, v62;
	[tilespmem:$0x1520] =	vst v0  }
0x11a: {  	v11 =	vand.u32 $0x7F, v53;
	v0 =	vor.u32 v10, v9;
	v1 =	vld.idx.msk [tilespmem:v1+s1+$0x0], $0xffff  }
0x11b: {  	v0 =	vor.u32 v11, v0;
	_ =	sdelay $0x1  }
0x11c: {  	v12 =	vshll.u32 v63, $0x8;
	v14 =	vld [tilespmem:$0x1360];
	v13 =	vshll.u32 v61, $0x3  }
0x11d: {  	v15 =	vshll.u32 v63, $0x7;
	v2 =	vand.u32 $0xFFFFF800, v12;
	v3 =	vand.u32 $0xFFFFFC00, v13;
	v16 =	vld [tilespmem:$0x1160]  }
0x11e: {  	v17 =	vadd.s32 v3, v2;
	v18 =	vand.u32 $0x380, v15;
	[tilespmem:$0x1530] =	vst v1  }
0x11f: {  	v19 =	vand.u32 $0x7F, v61;
	v1 =	vor.u32 v18, v17;
	v0 =	vld.idx.msk [tilespmem:v0+s1+$0x0], $0xffff  }
0x120: {  	v1 =	vor.u32 v19, v1;
	_ =	sdelay $0x1  }
0x121: {  	v22 =	vld [tilespmem:$0x1370];
	v21 =	vshll.u32 v14, $0x3;
	v20 =	vshll.u32 v16, $0x8  }
0x122: {  	v3 =	vand.u32 $0xFFFFFC00, v21;
	v23 =	vshll.u32 v16, $0x7;
	v2 =	vand.u32 $0xFFFFF800, v20;
	v24 =	vld [tilespmem:$0x1170]  }
0x123: {  	v25 =	vadd.s32 v3, v2;
	v26 =	vand.u32 $0x380, v23;
	[tilespmem:$0x1540] =	vst v0  }
0x124: {  	v27 =	vand.u32 $0x7F, v14;
	v0 =	vor.u32 v26, v25;
	v1 =	vld.idx.msk [tilespmem:v1+s1+$0x0], $0xffff  }
0x125: {  	v0 =	vor.u32 v27, v0;
	_ =	sdelay $0x1  }
0x126: {  	v30 =	vld [tilespmem:$0x1380];
	v29 =	vshll.u32 v22, $0x3;
	v28 =	vshll.u32 v24, $0x8  }
0x127: {  	v3 =	vand.u32 $0xFFFFFC00, v29;
	v31 =	vshll.u32 v24, $0x7;
	v2 =	vand.u32 $0xFFFFF800, v28;
	v32 =	vld [tilespmem:$0x1180]  }
0x128: {  	v33 =	vadd.s32 v3, v2;
	v34 =	vand.u32 $0x380, v31;
	[tilespmem:$0x1550] =	vst v1  }
0x129: {  	v35 =	vand.u32 $0x7F, v22;
	v1 =	vor.u32 v34, v33;
	v0 =	vld.idx.msk [tilespmem:v0+s1+$0x0], $0xffff  }
0x12a: {  	v1 =	vor.u32 v35, v1;
	_ =	sdelay $0x1  }
0x12b: {  	v37 =	vshll.u32 v30, $0x3;
	v36 =	vshll.u32 v32, $0x8  }
0x12c: {  	v3 =	vand.u32 $0xFFFFFC00, v37;
	v38 =	vshll.u32 v32, $0x7;
	v2 =	vand.u32 $0xFFFFF800, v36  }
0x12d: {  	v40 =	vand.u32 $0x380, v38;
	v39 =	vadd.s32 v3, v2;
	[tilespmem:$0x1560] =	vst v0  }
0x12e: {  	v41 =	vand.u32 $0x7F, v30;
	v0 =	vor.u32 v40, v39;
	v1 =	vld.idx.msk [tilespmem:v1+s1+$0x0], $0xffff  }
0x12f: {  	v0 =	vor.u32 v41, v0;
	_ =	sdelay $0x3  }
0x130: {  	[tilespmem:$0x1570] =	vst v1  }
0x131: {  	v0 =	vld.idx.msk [tilespmem:v0+s1+$0x0], $0xffff;
	_ =	sdelay $0x4  }
0x132: {  	[tilespmem:$0x1580] =	vst v0  }
0x133: {  	[hbm4b:s7+s1] =	stream.linear.scatter [tilespmem:s20], [sflag:$0x1], $0x190, $0x38;
	[tilespmem:$0x1600] =	vst v63  }
0x134: {  	_ =	swait.ge [sflag:s29], $0x190  }
0x135: {  	[sflag:s29] =	ssyncset.done $0x0  }
0x136: {  	[sflag:s29] =	ssyncadd.s32 $0xFFFFFE70  }
0x137: {  	[tilespmem:s30], [sflag:$0x1] =	stream.linear.gather [hbm4b:s8+s1], $0x190, $0x38;
	[tilespmem:$0x1600] =	vst v63  }
0x138: {  	_ =	swait.ge [sflag:s29], $0x190  }
0x139: {  	[sflag:s29] =	ssyncset.done $0x0  }
0x13a: {  	[sflag:s29] =	ssyncadd.s32 $0xFFFFFE70  }
0x13b: {  	[tilespmem:s31], [sflag:$0x1] =	stream.linear.gather [hbm4b:s9+s1], $0x190, $0x38;
	[tilespmem:$0x1600] =	vst v63  }
0x13c: {  	_ =	swait.ge [sflag:s29], $0x190  }
0x13d: {  	[sflag:s29] =	ssyncset.done $0x0  }
0x13e: {  	[sflag:s29] =	ssyncadd.s32 $0xFFFFFE70  }
0x13f: {  	v42 =	vld [tilespmem:$0x1200]  }
0x140: {  	v43 =	vld [tilespmem:$0x1000];
	_ =	sdelay $0x4  }
0x141: {  	v46 =	vld [tilespmem:$0x1210];
	v44 =	vshll.u32 v43, $0x8;
	v45 =	vshll.u32 v42, $0x3  }
0x142: {  	v47 =	vld [tilespmem:$0x1010];
	v1 =	vshll.u32 v43, $0x7;
	v2 =	vand.u32 $0xFFFFF800, v44;
	v3 =	vand.u32 $0xFFFFFC00, v45  }
0x143: {  	v1 =	vand.u32 $0x380, v1;
	v2 =	vadd.s32 v3, v2  }
0x144: {  	v0 =	vand.u32 $0x7F, v42;
	v1 =	vor.u32 v1, v2  }
0x145: {  	v0 =	vor.u32 v0, v1;
	_ =	sdelay $0x1  }
0x146: {  	v50 =	vld [tilespmem:$0x1220];
	v48 =	vshll.u32 v47, $0x8;
	v49 =	vshll.u32 v46, $0x3  }
0x147: {  	v51 =	vld [tilespmem:$0x1020];
	v5 =	vshll.u32 v47, $0x7;
	v2 =	vand.u32 $0xFFFFFC00, v49;
	v1 =	vand.u32 $0xFFFFF800, v48  }
0x148: {  	v52 =	vand.u32 $0x380, v5;
	v1 =	vadd.s32 v2, v1  }
0x149: {  	v4 =	vand.u32 $0x7F, v46;
	v1 =	vor.u32 v52, v1;
	v0 =	vld.idx.msk [tilespmem:v0+s1+$0x0], $0xffff  }
0x14a: {  	v1 =	vor.u32 v4, v1;
	_ =	sdelay $0x1  }
0x14b: {  	v55 =	vld [tilespmem:$0x1230];
	v53 =	vshll.u32 v51, $0x8;
	v54 =	vshll.u32 v50, $0x3  }
0x14c: {  	v56 =	vld [tilespmem:$0x1030];
	v6 =	vshll.u32 v51, $0x7;
	v2 =	vand.u32 $0xFFFFF800, v53;
	v4 =	vand.u32 $0xFFFFFC00, v54  }
0x14d: {  	v58 =	vand.u32 $0x380, v6;
	v57 =	vadd.s32 v4, v2;
	[tilespmem:$0x1400] =	vst v0  }
0x14e: {  	v3 =	vand.u32 $0x7F, v50;
	v0 =	vor.u32 v58, v57;
	v1 =	vld.idx.msk [tilespmem:v1+s1+$0x0], $0xffff  }
0x14f: {  	v0 =	vor.u32 v3, v0;
	_ =	sdelay $0x1  }
0x150: {  	v61 =	vld [tilespmem:$0x1240];
	v59 =	vshll.u32 v56, $0x8;
	v60 =	vshll.u32 v55, $0x3  }
0x151: {  	v63 =	vld [tilespmem:$0x1040];
	v62 =	vshll.u32 v56, $0x7;
	v2 =	vand.u32 $0xFFFFF800, v59;
	v3 =	vand.u32 $0xFFFFFC00, v60  }
0x152: {  	v9 =	vand.u32 $0x380, v62;
	v8 =	vadd.s32 v3, v2;
	[tilespmem:$0x1410] =	vst v1  }
0x153: {  	v10 =	vand.u32 $0x7F, v55;
	v1 =	vor.u32 v9, v8;
	v0 =	vld.idx.msk [tilespmem:v0+s1+$0x0], $0xffff  }
0x154: {  	v1 =	vor.u32 v10, v1;
	_ =	sdelay $0x1  }
0x155: {  	v13 =	vld [tilespmem:$0x1250];
	v11 =	vshll.u32 v63, $0x8;
	v12 =	vshll.u32 v61, $0x3  }
0x156: {  	v15 =	vld [tilespmem:$0x1050];
	v14 =	vshll.u32 v63, $0x7;
	v2 =	vand.u32 $0xFFFFF800, v11;
	v3 =	vand.u32 $0xFFFFFC00, v12  }
0x157: {  	v17 =	vand.u32 $0x380, v14;
	v16 =	vadd.s32 v3, v2;
	[tilespmem:$0x1420] =	vst v0  }
0x158: {  	v18 =	vand.u32 $0x7F, v61;
	v0 =	vor.u32 v17, v16;
	v1 =	vld.idx.msk [tilespmem:v1+s1+$0x0], $0xffff  }
0x159: {  	v0 =	vor.u32 v18, v0;
	_ =	sdelay $0x1  }
0x15a: {  	v21 =	vld [tilespmem:$0x1260];
	v19 =	vshll.u32 v15, $0x8;
	v20 =	vshll.u32 v13, $0x3  }
0x15b: {  	v23 =	vld [tilespmem:$0x1060];
	v22 =	vshll.u32 v15, $0x7;
	v2 =	vand.u32 $0xFFFFF800, v19;
	v3 =	vand.u32 $0xFFFFFC00, v20  }
0x15c: {  	v25 =	vand.u32 $0x380, v22;
	v24 =	vadd.s32 v3, v2;
	[tilespmem:$0x1430] =	vst v1  }
0x15d: {  	v26 =	vand.u32 $0x7F, v13;
	v1 =	vor.u32 v25, v24;
	v0 =	vld.idx.msk [tilespmem:v0+s1+$0x0], $0xffff  }
0x15e: {  	v1 =	vor.u32 v26, v1;
	_ =	sdelay $0x1  }
0x15f: {  	v29 =	vld [tilespmem:$0x1270];
	v27 =	vshll.u32 v23, $0x8;
	v28 =	vshll.u32 v21, $0x3  }
0x160: {  	v31 =	vld [tilespmem:$0x1070];
	v30 =	vshll.u32 v23, $0x7;
	v2 =	vand.u32 $0xFFFFF800, v27;
	v3 =	vand.u32 $0xFFFFFC00, v28  }
0x161: {  	v33 =	vand.u32 $0x380, v30;
	v32 =	vadd.s32 v3, v2;
	[tilespmem:$0x1440] =	vst v0  }
0x162: {  	v34 =	vand.u32 $0x7F, v21;
	v0 =	vor.u32 v33, v32;
	v1 =	vld.idx.msk [tilespmem:v1+s1+$0x0], $0xffff  }
0x163: {  	v0 =	vor.u32 v34, v0;
	_ =	sdelay $0x1  }
0x164: {  	v37 =	vld [tilespmem:$0x1280];
	v35 =	vshll.u32 v31, $0x8;
	v36 =	vshll.u32 v29, $0x3  }
0x165: {  	v39 =	vld [tilespmem:$0x1080];
	v38 =	vshll.u32 v31, $0x7;
	v2 =	vand.u32 $0xFFFFF800, v35;
	v3 =	vand.u32 $0xFFFFFC00, v36  }
0x166: {  	v41 =	vand.u32 $0x380, v38;
	v40 =	vadd.s32 v3, v2;
	[tilespmem:$0x1450] =	vst v1  }
0x167: {  	v42 =	vand.u32 $0x7F, v29;
	v1 =	vor.u32 v41, v40;
	v0 =	vld.idx.msk [tilespmem:v0+s1+$0x0], $0xffff  }
0x168: {  	v1 =	vor.u32 v42, v1;
	_ =	sdelay $0x1  }
0x169: {  	v43 =	vshll.u32 v39, $0x8;
	v47 =	vld [tilespmem:$0x1090];
	v44 =	vshll.u32 v37, $0x3  }
0x16a: {  	v46 =	vshll.u32 v39, $0x7;
	v45 =	vld [tilespmem:$0x1290];
	v2 =	vand.u32 $0xFFFFF800, v43;
	v3 =	vand.u32 $0xFFFFFC00, v44  }
0x16b: {  	v49 =	vand.u32 $0x380, v46;
	v48 =	vadd.s32 v3, v2;
	[tilespmem:$0x1460] =	vst v0  }
0x16c: {  	v50 =	vand.u32 $0x7F, v37;
	v0 =	vor.u32 v49, v48;
	v1 =	vld.idx.msk [tilespmem:v1+s1+$0x0], $0xffff  }
0x16d: {  	v0 =	vor.u32 v50, v0;
	_ =	sdelay $0x1  }
0x16e: {  	v55 =	vld [tilespmem:$0x10A0];
	v51 =	vshll.u32 v47, $0x8;
	v52 =	vshll.u32 v45, $0x3  }
0x16f: {  	v53 =	vld [tilespmem:$0x12A0];
	v54 =	vshll.u32 v47, $0x7;
	v2 =	vand.u32 $0xFFFFF800, v51;
	v3 =	vand.u32 $0xFFFFFC00, v52  }
0x170: {  	v57 =	vand.u32 $0x380, v54;
	v56 =	vadd.s32 v3, v2;
	[tilespmem:$0x1470] =	vst v1  }
0x171: {  	v58 =	vand.u32 $0x7F, v45;
	v1 =	vor.u32 v57, v56;
	v0 =	vld.idx.msk [tilespmem:v0+s1+$0x0], $0xffff  }
0x172: {  	v1 =	vor.u32 v58, v1;
	_ =	sdelay $0x1  }
0x173: {  	v61 =	vld [tilespmem:$0x12B0];
	v59 =	vshll.u32 v55, $0x8;
	v60 =	vshll.u32 v53, $0x3  }
0x174: {  	v63 =	vld [tilespmem:$0x10B0];
	v62 =	vshll.u32 v55, $0x7;
	v2 =	vand.u32 $0xFFFFF800, v59;
	v3 =	vand.u32 $0xFFFFFC00, v60  }
0x175: {  	v10 =	vand.u32 $0x380, v62;
	v9 =	vadd.s32 v3, v2;
	[tilespmem:$0x1480] =	vst v0  }
0x176: {  	v11 =	vand.u32 $0x7F, v53;
	v0 =	vor.u32 v10, v9;
	v1 =	vld.idx.msk [tilespmem:v1+s1+$0x0], $0xffff  }
0x177: {  	v0 =	vor.u32 v11, v0;
	_ =	sdelay $0x1  }
0x178: {  	v14 =	vld [tilespmem:$0x12C0];
	v13 =	vshll.u32 v61, $0x3;
	v12 =	vshll.u32 v63, $0x8  }
0x179: {  	v15 =	vshll.u32 v63, $0x7;
	v2 =	vand.u32 $0xFFFFF800, v12;
	v3 =	vand.u32 $0xFFFFFC00, v13;
	v16 =	vld [tilespmem:$0x10C0]  }
0x17a: {  	v17 =	vadd.s32 v3, v2;
	v18 =	vand.u32 $0x380, v15;
	[tilespmem:$0x1490] =	vst v1  }
0x17b: {  	v19 =	vand.u32 $0x7F, v61;
	v1 =	vor.u32 v18, v17;
	v0 =	vld.idx.msk [tilespmem:v0+s1+$0x0], $0xffff  }
0x17c: {  	v1 =	vor.u32 v19, v1;
	_ =	sdelay $0x1  }
0x17d: {  	v22 =	vld [tilespmem:$0x12D0];
	v21 =	vshll.u32 v14, $0x3;
	v20 =	vshll.u32 v16, $0x8  }
0x17e: {  	v3 =	vand.u32 $0xFFFFFC00, v21;
	v23 =	vshll.u32 v16, $0x7;
	v2 =	vand.u32 $0xFFFFF800, v20;
	v24 =	vld [tilespmem:$0x10D0]  }
0x17f: {  	v25 =	vadd.s32 v3, v2;
	v26 =	vand.u32 $0x380, v23;
	[tilespmem:$0x14A0] =	vst v0  }
0x180: {  	v27 =	vand.u32 $0x7F, v14;
	v0 =	vor.u32 v26, v25;
	v1 =	vld.idx.msk [tilespmem:v1+s1+$0x0], $0xffff  }
0x181: {  	v0 =	vor.u32 v27, v0;
	_ =	sdelay $0x1  }
0x182: {  	v30 =	vld [tilespmem:$0x12E0];
	v29 =	vshll.u32 v22, $0x3;
	v28 =	vshll.u32 v24, $0x8  }
0x183: {  	v3 =	vand.u32 $0xFFFFFC00, v29;
	v31 =	vshll.u32 v24, $0x7;
	v2 =	vand.u32 $0xFFFFF800, v28;
	v32 =	vld [tilespmem:$0x10E0]  }
0x184: {  	v33 =	vadd.s32 v3, v2;
	v34 =	vand.u32 $0x380, v31;
	[tilespmem:$0x14B0] =	vst v1  }
0x185: {  	v35 =	vand.u32 $0x7F, v22;
	v1 =	vor.u32 v34, v33;
	v0 =	vld.idx.msk [tilespmem:v0+s1+$0x0], $0xffff  }
0x186: {  	v1 =	vor.u32 v35, v1;
	_ =	sdelay $0x1  }
0x187: {  	v38 =	vld [tilespmem:$0x12F0];
	v37 =	vshll.u32 v30, $0x3;
	v36 =	vshll.u32 v32, $0x8  }
0x188: {  	v3 =	vand.u32 $0xFFFFFC00, v37;
	v39 =	vshll.u32 v32, $0x7;
	v2 =	vand.u32 $0xFFFFF800, v36;
	v40 =	vld [tilespmem:$0x10F0]  }
0x189: {  	v41 =	vadd.s32 v3, v2;
	v42 =	vand.u32 $0x380, v39;
	[tilespmem:$0x14C0] =	vst v0  }
0x18a: {  	v43 =	vand.u32 $0x7F, v30;
	v0 =	vor.u32 v42, v41;
	v1 =	vld.idx.msk [tilespmem:v1+s1+$0x0], $0xffff  }
0x18b: {  	v0 =	vor.u32 v43, v0;
	_ =	sdelay $0x1  }
0x18c: {  	v46 =	vld [tilespmem:$0x1300];
	v45 =	vshll.u32 v38, $0x3;
	v44 =	vshll.u32 v40, $0x8  }
0x18d: {  	v3 =	vand.u32 $0xFFFFFC00, v45;
	v47 =	vshll.u32 v40, $0x7;
	v2 =	vand.u32 $0xFFFFF800, v44;
	v48 =	vld [tilespmem:$0x1100]  }
0x18e: {  	v49 =	vadd.s32 v3, v2;
	v50 =	vand.u32 $0x380, v47;
	[tilespmem:$0x14D0] =	vst v1  }
0x18f: {  	v51 =	vand.u32 $0x7F, v38;
	v1 =	vor.u32 v50, v49;
	v0 =	vld.idx.msk [tilespmem:v0+s1+$0x0], $0xffff  }
0x190: {  	v1 =	vor.u32 v51, v1;
	_ =	sdelay $0x1  }
0x191: {  	v54 =	vld [tilespmem:$0x1310];
	v53 =	vshll.u32 v46, $0x3;
	v52 =	vshll.u32 v48, $0x8  }
0x192: {  	v3 =	vand.u32 $0xFFFFFC00, v53;
	v55 =	vshll.u32 v48, $0x7;
	v2 =	vand.u32 $0xFFFFF800, v52;
	v56 =	vld [tilespmem:$0x1110]  }
0x193: {  	v57 =	vadd.s32 v3, v2;
	v58 =	vand.u32 $0x380, v55;
	[tilespmem:$0x14E0] =	vst v0  }
0x194: {  	v59 =	vand.u32 $0x7F, v46;
	v0 =	vor.u32 v58, v57;
	v1 =	vld.idx.msk [tilespmem:v1+s1+$0x0], $0xffff  }
0x195: {  	v0 =	vor.u32 v59, v0;
	_ =	sdelay $0x1  }
0x196: {  	v61 =	vshll.u32 v54, $0x3;
	v62 =	vld [tilespmem:$0x1320];
	v60 =	vshll.u32 v56, $0x8  }
0x197: {  	v3 =	vand.u32 $0xFFFFFC00, v61;
	v63 =	vshll.u32 v56, $0x7;
	v2 =	vand.u32 $0xFFFFF800, v60;
	v9 =	vld [tilespmem:$0x1120]  }
0x198: {  	v10 =	vadd.s32 v3, v2;
	v11 =	vand.u32 $0x380, v63;
	[tilespmem:$0x14F0] =	vst v1  }
0x199: {  	v12 =	vand.u32 $0x7F, v54;
	v1 =	vor.u32 v11, v10;
	v0 =	vld.idx.msk [tilespmem:v0+s1+$0x0], $0xffff  }
0x19a: {  	v1 =	vor.u32 v12, v1;
	_ =	sdelay $0x1  }
0x19b: {  	v14 =	vshll.u32 v62, $0x3;
	v15 =	vld [tilespmem:$0x1330];
	v13 =	vshll.u32 v9, $0x8  }
0x19c: {  	v3 =	vand.u32 $0xFFFFFC00, v14;
	v16 =	vshll.u32 v9, $0x7;
	v2 =	vand.u32 $0xFFFFF800, v13;
	v17 =	vld [tilespmem:$0x1130]  }
0x19d: {  	v18 =	vadd.s32 v3, v2;
	v19 =	vand.u32 $0x380, v16;
	[tilespmem:$0x1500] =	vst v0  }
0x19e: {  	v20 =	vand.u32 $0x7F, v62;
	v0 =	vor.u32 v19, v18;
	v1 =	vld.idx.msk [tilespmem:v1+s1+$0x0], $0xffff  }
0x19f: {  	v0 =	vor.u32 v20, v0;
	_ =	sdelay $0x1  }
0x1a0: {  	v22 =	vshll.u32 v15, $0x3;
	v23 =	vld [tilespmem:$0x1340];
	v21 =	vshll.u32 v17, $0x8  }
0x1a1: {  	v3 =	vand.u32 $0xFFFFFC00, v22;
	v24 =	vshll.u32 v17, $0x7;
	v2 =	vand.u32 $0xFFFFF800, v21;
	v25 =	vld [tilespmem:$0x1140]  }
0x1a2: {  	v26 =	vadd.s32 v3, v2;
	v27 =	vand.u32 $0x380, v24;
	[tilespmem:$0x1510] =	vst v1  }
0x1a3: {  	v28 =	vand.u32 $0x7F, v15;
	v1 =	vor.u32 v27, v26;
	v0 =	vld.idx.msk [tilespmem:v0+s1+$0x0], $0xffff  }
0x1a4: {  	v1 =	vor.u32 v28, v1;
	_ =	sdelay $0x1  }
0x1a5: {  	v30 =	vshll.u32 v23, $0x3;
	v31 =	vld [tilespmem:$0x1350];
	v29 =	vshll.u32 v25, $0x8  }
0x1a6: {  	v3 =	vand.u32 $0xFFFFFC00, v30;
	v32 =	vshll.u32 v25, $0x7;
	v2 =	vand.u32 $0xFFFFF800, v29;
	v33 =	vld [tilespmem:$0x1150]  }
0x1a7: {  	v34 =	vadd.s32 v3, v2;
	v35 =	vand.u32 $0x380, v32;
	[tilespmem:$0x1520] =	vst v0  }
0x1a8: {  	v36 =	vand.u32 $0x7F, v23;
	v0 =	vor.u32 v35, v34;
	v1 =	vld.idx.msk [tilespmem:v1+s1+$0x0], $0xffff  }
0x1a9: {  	v0 =	vor.u32 v36, v0;
	_ =	sdelay $0x1  }
0x1aa: {  	v38 =	vshll.u32 v31, $0x3;
	v39 =	vld [tilespmem:$0x1360];
	v37 =	vshll.u32 v33, $0x8  }
0x1ab: {  	v3 =	vand.u32 $0xFFFFFC00, v38;
	v40 =	vshll.u32 v33, $0x7;
	v2 =	vand.u32 $0xFFFFF800, v37;
	v41 =	vld [tilespmem:$0x1160]  }
0x1ac: {  	v42 =	vadd.s32 v3, v2;
	v43 =	vand.u32 $0x380, v40;
	[tilespmem:$0x1530] =	vst v1  }
0x1ad: {  	v44 =	vand.u32 $0x7F, v31;
	v1 =	vor.u32 v43, v42;
	v0 =	vld.idx.msk [tilespmem:v0+s1+$0x0], $0xffff  }
0x1ae: {  	v1 =	vor.u32 v44, v1;
	_ =	sdelay $0x1  }
0x1af: {  	v46 =	vshll.u32 v39, $0x3;
	v47 =	vld [tilespmem:$0x1370];
	v45 =	vshll.u32 v41, $0x8  }
0x1b0: {  	v3 =	vand.u32 $0xFFFFFC00, v46;
	v48 =	vshll.u32 v41, $0x7;
	v2 =	vand.u32 $0xFFFFF800, v45;
	v49 =	vld [tilespmem:$0x1170]  }
0x1b1: {  	v50 =	vadd.s32 v3, v2;
	v51 =	vand.u32 $0x380, v48;
	[tilespmem:$0x1540] =	vst v0  }
0x1b2: {  	v52 =	vand.u32 $0x7F, v39;
	v0 =	vor.u32 v51, v50;
	v1 =	vld.idx.msk [tilespmem:v1+s1+$0x0], $0xffff  }
0x1b3: {  	v0 =	vor.u32 v52, v0;
	_ =	sdelay $0x1  }
0x1b4: {  	v54 =	vshll.u32 v47, $0x3;
	v55 =	vld [tilespmem:$0x1380];
	v53 =	vshll.u32 v49, $0x8  }
0x1b5: {  	v3 =	vand.u32 $0xFFFFFC00, v54;
	v56 =	vshll.u32 v49, $0x7;
	v2 =	vand.u32 $0xFFFFF800, v53;
	v57 =	vld [tilespmem:$0x1180]  }
0x1b6: {  	v58 =	vadd.s32 v3, v2;
	v59 =	vand.u32 $0x380, v56;
	[tilespmem:$0x1550] =	vst v1  }
0x1b7: {  	v60 =	vand.u32 $0x7F, v47;
	v1 =	vor.u32 v59, v58;
	v0 =	vld.idx.msk [tilespmem:v0+s1+$0x0], $0xffff  }
0x1b8: {  	v1 =	vor.u32 v60, v1;
	_ =	sdelay $0x1  }
0x1b9: {  	v62 =	vshll.u32 v55, $0x3;
	v61 =	vshll.u32 v57, $0x8  }
0x1ba: {  	v3 =	vand.u32 $0xFFFFFC00, v62;
	v63 =	vshll.u32 v57, $0x7;
	v2 =	vand.u32 $0xFFFFF800, v61  }
0x1bb: {  	v9 =	vand.u32 $0x380, v63;
	v8 =	vadd.s32 v3, v2;
	[tilespmem:$0x1560] =	vst v0  }
0x1bc: {  	v10 =	vand.u32 $0x7F, v55;
	v0 =	vor.u32 v9, v8;
	v1 =	vld.idx.msk [tilespmem:v1+s1+$0x0], $0xffff  }
0x1bd: {  	v0 =	vor.u32 v10, v0;
	_ =	sdelay $0x3  }
0x1be: {  	[tilespmem:$0x1570] =	vst v1  }
0x1bf: {  	v0 =	vld.idx.msk [tilespmem:v0+s1+$0x0], $0xffff;
	_ =	sdelay $0x4  }
0x1c0: {  	[tilespmem:$0x1580] =	vst v0  }
0x1c1: {  	[hbm4b:s10+s1] =	stream.linear.scatter [tilespmem:s20], [sflag:$0x1], $0x190, $0x38;
	[tilespmem:$0x1600] =	vst v63  }
0x1c2: {  	_ =	swait.ge [sflag:s29], $0x190  }
0x1c3: {  	[sflag:s29] =	ssyncset.done $0x0  }
0x1c4: {  	[sflag:s29] =	ssyncadd.s32 $0xFFFFFE70  }
0x1c5: {  	[tilespmem:s30], [sflag:$0x1] =	stream.linear.gather [hbm4b:s11+s1], $0x190, $0x38;
	[tilespmem:$0x1600] =	vst v63  }
0x1c6: {  	_ =	swait.ge [sflag:s29], $0x190  }
0x1c7: {  	[sflag:s29] =	ssyncset.done $0x0  }
0x1c8: {  	[sflag:s29] =	ssyncadd.s32 $0xFFFFFE70  }
0x1c9: {  	[tilespmem:s31], [sflag:$0x1] =	stream.linear.gather [hbm4b:s12+s1], $0x190, $0x38;
	[tilespmem:$0x1600] =	vst v63  }
0x1ca: {  	_ =	swait.ge [sflag:s29], $0x190  }
0x1cb: {  	[sflag:s29] =	ssyncset.done $0x0  }
0x1cc: {  	[sflag:s29] =	ssyncadd.s32 $0xFFFFFE70  }
0x1cd: {  	v11 =	vld [tilespmem:$0x1200]  }
0x1ce: {  	v12 =	vld [tilespmem:$0x1000];
	_ =	sdelay $0x4  }
0x1cf: {  	v15 =	vld [tilespmem:$0x1210];
	v13 =	vshll.u32 v12, $0x8;
	v14 =	vshll.u32 v11, $0x3  }
0x1d0: {  	v16 =	vld [tilespmem:$0x1010];
	v1 =	vshll.u32 v12, $0x7;
	v2 =	vand.u32 $0xFFFFF800, v13;
	v3 =	vand.u32 $0xFFFFFC00, v14  }
0x1d1: {  	v1 =	vand.u32 $0x380, v1;
	v2 =	vadd.s32 v3, v2  }
0x1d2: {  	v0 =	vand.u32 $0x7F, v11;
	v1 =	vor.u32 v1, v2  }
0x1d3: {  	v0 =	vor.u32 v0, v1;
	_ =	sdelay $0x1  }
0x1d4: {  	v19 =	vld [tilespmem:$0x1220];
	v17 =	vshll.u32 v16, $0x8;
	v18 =	vshll.u32 v15, $0x3  }
0x1d5: {  	v20 =	vld [tilespmem:$0x1020];
	v5 =	vshll.u32 v16, $0x7;
	v2 =	vand.u32 $0xFFFFFC00, v18;
	v1 =	vand.u32 $0xFFFFF800, v17  }
0x1d6: {  	v21 =	vand.u32 $0x380, v5;
	v1 =	vadd.s32 v2, v1  }
0x1d7: {  	v4 =	vand.u32 $0x7F, v15;
	v1 =	vor.u32 v21, v1;
	v0 =	vld.idx.msk [tilespmem:v0+s1+$0x0], $0xffff  }
0x1d8: {  	v1 =	vor.u32 v4, v1;
	_ =	sdelay $0x1  }
0x1d9: {  	v24 =	vld [tilespmem:$0x1230];
	v22 =	vshll.u32 v20, $0x8;
	v23 =	vshll.u32 v19, $0x3  }
0x1da: {  	v25 =	vld [tilespmem:$0x1030];
	v6 =	vshll.u32 v20, $0x7;
	v2 =	vand.u32 $0xFFFFF800, v22;
	v4 =	vand.u32 $0xFFFFFC00, v23  }
0x1db: {  	v27 =	vand.u32 $0x380, v6;
	v26 =	vadd.s32 v4, v2;
	[tilespmem:$0x1400] =	vst v0  }
0x1dc: {  	v3 =	vand.u32 $0x7F, v19;
	v0 =	vor.u32 v27, v26;
	v1 =	vld.idx.msk [tilespmem:v1+s1+$0x0], $0xffff  }
0x1dd: {  	v0 =	vor.u32 v3, v0;
	_ =	sdelay $0x1  }
0x1de: {  	v30 =	vld [tilespmem:$0x1240];
	v28 =	vshll.u32 v25, $0x8;
	v29 =	vshll.u32 v24, $0x3  }
0x1df: {  	v32 =	vld [tilespmem:$0x1040];
	v31 =	vshll.u32 v25, $0x7;
	v2 =	vand.u32 $0xFFFFF800, v28;
	v3 =	vand.u32 $0xFFFFFC00, v29  }
0x1e0: {  	v34 =	vand.u32 $0x380, v31;
	v33 =	vadd.s32 v3, v2;
	[tilespmem:$0x1410] =	vst v1  }
0x1e1: {  	v35 =	vand.u32 $0x7F, v24;
	v1 =	vor.u32 v34, v33;
	v0 =	vld.idx.msk [tilespmem:v0+s1+$0x0], $0xffff  }
0x1e2: {  	v1 =	vor.u32 v35, v1;
	_ =	sdelay $0x1  }
0x1e3: {  	v38 =	vld [tilespmem:$0x1250];
	v36 =	vshll.u32 v32, $0x8;
	v37 =	vshll.u32 v30, $0x3  }
0x1e4: {  	v40 =	vld [tilespmem:$0x1050];
	v39 =	vshll.u32 v32, $0x7;
	v2 =	vand.u32 $0xFFFFF800, v36;
	v3 =	vand.u32 $0xFFFFFC00, v37  }
0x1e5: {  	v42 =	vand.u32 $0x380, v39;
	v41 =	vadd.s32 v3, v2;
	[tilespmem:$0x1420] =	vst v0  }
0x1e6: {  	v43 =	vand.u32 $0x7F, v30;
	v0 =	vor.u32 v42, v41;
	v1 =	vld.idx.msk [tilespmem:v1+s1+$0x0], $0xffff  }
0x1e7: {  	v0 =	vor.u32 v43, v0;
	_ =	sdelay $0x1  }
0x1e8: {  	v46 =	vld [tilespmem:$0x1260];
	v44 =	vshll.u32 v40, $0x8;
	v45 =	vshll.u32 v38, $0x3  }
0x1e9: {  	v48 =	vld [tilespmem:$0x1060];
	v47 =	vshll.u32 v40, $0x7;
	v2 =	vand.u32 $0xFFFFF800, v44;
	v3 =	vand.u32 $0xFFFFFC00, v45  }
0x1ea: {  	v50 =	vand.u32 $0x380, v47;
	v49 =	vadd.s32 v3, v2;
	[tilespmem:$0x1430] =	vst v1  }
0x1eb: {  	v51 =	vand.u32 $0x7F, v38;
	v1 =	vor.u32 v50, v49;
	v0 =	vld.idx.msk [tilespmem:v0+s1+$0x0], $0xffff  }
0x1ec: {  	v1 =	vor.u32 v51, v1;
	_ =	sdelay $0x1  }
0x1ed: {  	v54 =	vld [tilespmem:$0x1270];
	v52 =	vshll.u32 v48, $0x8;
	v53 =	vshll.u32 v46, $0x3  }
0x1ee: {  	v56 =	vld [tilespmem:$0x1070];
	v55 =	vshll.u32 v48, $0x7;
	v2 =	vand.u32 $0xFFFFF800, v52;
	v3 =	vand.u32 $0xFFFFFC00, v53  }
0x1ef: {  	v58 =	vand.u32 $0x380, v55;
	v57 =	vadd.s32 v3, v2;
	[tilespmem:$0x1440] =	vst v0  }
0x1f0: {  	v59 =	vand.u32 $0x7F, v46;
	v0 =	vor.u32 v58, v57;
	v1 =	vld.idx.msk [tilespmem:v1+s1+$0x0], $0xffff  }
0x1f1: {  	v0 =	vor.u32 v59, v0;
	_ =	sdelay $0x1  }
0x1f2: {  	v62 =	vld [tilespmem:$0x1280];
	v60 =	vshll.u32 v56, $0x8;
	v61 =	vshll.u32 v54, $0x3  }
0x1f3: {  	v9 =	vld [tilespmem:$0x1080];
	v63 =	vshll.u32 v56, $0x7;
	v2 =	vand.u32 $0xFFFFF800, v60;
	v3 =	vand.u32 $0xFFFFFC00, v61  }
0x1f4: {  	v11 =	vand.u32 $0x380, v63;
	v10 =	vadd.s32 v3, v2;
	[tilespmem:$0x1450] =	vst v1  }
0x1f5: {  	v12 =	vand.u32 $0x7F, v54;
	v1 =	vor.u32 v11, v10;
	v0 =	vld.idx.msk [tilespmem:v0+s1+$0x0], $0xffff  }
0x1f6: {  	v1 =	vor.u32 v12, v1;
	_ =	sdelay $0x1  }
0x1f7: {  	v15 =	vld [tilespmem:$0x1290];
	v13 =	vshll.u32 v9, $0x8;
	v14 =	vshll.u32 v62, $0x3  }
0x1f8: {  	v16 =	vshll.u32 v9, $0x7;
	v17 =	vld [tilespmem:$0x1090];
	v2 =	vand.u32 $0xFFFFF800, v13;
	v3 =	vand.u32 $0xFFFFFC00, v14  }
0x1f9: {  	v19 =	vand.u32 $0x380, v16;
	v18 =	vadd.s32 v3, v2;
	[tilespmem:$0x1460] =	vst v0  }
0x1fa: {  	v20 =	vand.u32 $0x7F, v62;
	v0 =	vor.u32 v19, v18;
	v1 =	vld.idx.msk [tilespmem:v1+s1+$0x0], $0xffff  }
0x1fb: {  	v0 =	vor.u32 v20, v0;
	_ =	sdelay $0x1  }
0x1fc: {  	v22 =	vshll.u32 v15, $0x3;
	v21 =	vshll.u32 v17, $0x8  }
0x1fd: {  	v23 =	vshll.u32 v17, $0x7;
	v2 =	vand.u32 $0xFFFFF800, v21;
	v3 =	vand.u32 $0xFFFFFC00, v22  }
0x1fe: {  	v25 =	vand.u32 $0x380, v23;
	v24 =	vadd.s32 v3, v2;
	[tilespmem:$0x1470] =	vst v1  }
0x1ff: {  	v26 =	vand.u32 $0x7F, v15;
	v1 =	vor.u32 v25, v24;
	v0 =	vld.idx.msk [tilespmem:v0+s1+$0x0], $0xffff  }
0x200: {  	v1 =	vor.u32 v26, v1;
	_ =	sdelay $0x3  }
0x201: {  	[tilespmem:$0x1480] =	vst v0  }
0x202: {  	v0 =	vld.idx.msk [tilespmem:v1+s1+$0x0], $0xffff;
	_ =	sdelay $0x4  }
0x203: {  	[tilespmem:$0x1490] =	vst v0  }
0x204: {  	v0 =	vld [tilespmem:$0x12A0]  }
0x205: {  	v27 =	vld [tilespmem:$0x10A0];
	_ =	sdelay $0x4  }
0x206: {  	v30 =	vld [tilespmem:$0x12B0];
	v28 =	vshll.u32 v27, $0x8;
	v29 =	vshll.u32 v0, $0x3  }
0x207: {  	v31 =	vld [tilespmem:$0x10B0];
	v1 =	vshll.u32 v27, $0x7;
	v2 =	vand.u32 $0xFFFFF800, v28;
	v3 =	vand.u32 $0xFFFFFC00, v29  }
0x208: {  	v1 =	vand.u32 $0x380, v1;
	v2 =	vadd.s32 v3, v2  }
0x209: {  	v0 =	vand.u32 $0x7F, v0;
	v1 =	vor.u32 v1, v2  }
0x20a: {  	v0 =	vor.u32 v0, v1;
	_ =	sdelay $0x1  }
0x20b: {  	v34 =	vld [tilespmem:$0x12C0];
	v32 =	vshll.u32 v31, $0x8;
	v33 =	vshll.u32 v30, $0x3  }
0x20c: {  	v35 =	vld [tilespmem:$0x10C0];
	v5 =	vshll.u32 v31, $0x7;
	v2 =	vand.u32 $0xFFFFFC00, v33;
	v1 =	vand.u32 $0xFFFFF800, v32  }
0x20d: {  	v36 =	vand.u32 $0x380, v5;
	v1 =	vadd.s32 v2, v1  }
0x20e: {  	v4 =	vand.u32 $0x7F, v30;
	v1 =	vor.u32 v36, v1;
	v0 =	vld.idx.msk [tilespmem:v0+s1+$0x0], $0xffff  }
0x20f: {  	v1 =	vor.u32 v4, v1;
	_ =	sdelay $0x1  }
0x210: {  	v39 =	vld [tilespmem:$0x12D0];
	v37 =	vshll.u32 v35, $0x8;
	v38 =	vshll.u32 v34, $0x3  }
0x211: {  	v40 =	vld [tilespmem:$0x10D0];
	v6 =	vshll.u32 v35, $0x7;
	v2 =	vand.u32 $0xFFFFF800, v37;
	v4 =	vand.u32 $0xFFFFFC00, v38  }
0x212: {  	v42 =	vand.u32 $0x380, v6;
	v41 =	vadd.s32 v4, v2;
	[tilespmem:$0x14A0] =	vst v0  }
0x213: {  	v3 =	vand.u32 $0x7F, v34;
	v0 =	vor.u32 v42, v41;
	v1 =	vld.idx.msk [tilespmem:v1+s1+$0x0], $0xffff  }
0x214: {  	v0 =	vor.u32 v3, v0;
	_ =	sdelay $0x1  }
0x215: {  	v45 =	vld [tilespmem:$0x12E0];
	v43 =	vshll.u32 v40, $0x8;
	v44 =	vshll.u32 v39, $0x3  }
0x216: {  	v47 =	vld [tilespmem:$0x10E0];
	v46 =	vshll.u32 v40, $0x7;
	v2 =	vand.u32 $0xFFFFF800, v43;
	v3 =	vand.u32 $0xFFFFFC00, v44  }
0x217: {  	v49 =	vand.u32 $0x380, v46;
	v48 =	vadd.s32 v3, v2;
	[tilespmem:$0x14B0] =	vst v1  }
0x218: {  	v50 =	vand.u32 $0x7F, v39;
	v1 =	vor.u32 v49, v48;
	v0 =	vld.idx.msk [tilespmem:v0+s1+$0x0], $0xffff  }
0x219: {  	v1 =	vor.u32 v50, v1;
	_ =	sdelay $0x1  }
0x21a: {  	v53 =	vld [tilespmem:$0x12F0];
	v51 =	vshll.u32 v47, $0x8;
	v52 =	vshll.u32 v45, $0x3  }
0x21b: {  	v55 =	vld [tilespmem:$0x10F0];
	v54 =	vshll.u32 v47, $0x7;
	v2 =	vand.u32 $0xFFFFF800, v51;
	v3 =	vand.u32 $0xFFFFFC00, v52  }
0x21c: {  	v57 =	vand.u32 $0x380, v54;
	v56 =	vadd.s32 v3, v2;
	[tilespmem:$0x14C0] =	vst v0  }
0x21d: {  	v58 =	vand.u32 $0x7F, v45;
	v0 =	vor.u32 v57, v56;
	v1 =	vld.idx.msk [tilespmem:v1+s1+$0x0], $0xffff  }
0x21e: {  	v0 =	vor.u32 v58, v0;
	_ =	sdelay $0x1  }
0x21f: {  	v61 =	vld [tilespmem:$0x1300];
	v59 =	vshll.u32 v55, $0x8;
	v60 =	vshll.u32 v53, $0x3  }
0x220: {  	v63 =	vld [tilespmem:$0x1100];
	v62 =	vshll.u32 v55, $0x7;
	v2 =	vand.u32 $0xFFFFF800, v59;
	v3 =	vand.u32 $0xFFFFFC00, v60  }
0x221: {  	v9 =	vand.u32 $0x380, v62;
	v8 =	vadd.s32 v3, v2;
	[tilespmem:$0x14D0] =	vst v1  }
0x222: {  	v10 =	vand.u32 $0x7F, v53;
	v1 =	vor.u32 v9, v8;
	v0 =	vld.idx.msk [tilespmem:v0+s1+$0x0], $0xffff  }
0x223: {  	v1 =	vor.u32 v10, v1;
	_ =	sdelay $0x1  }
0x224: {  	v13 =	vld [tilespmem:$0x1310];
	v11 =	vshll.u32 v63, $0x8;
	v12 =	vshll.u32 v61, $0x3  }
0x225: {  	v15 =	vld [tilespmem:$0x1110];
	v14 =	vshll.u32 v63, $0x7;
	v2 =	vand.u32 $0xFFFFF800, v11;
	v3 =	vand.u32 $0xFFFFFC00, v12  }
0x226: {  	v17 =	vand.u32 $0x380, v14;
	v16 =	vadd.s32 v3, v2;
	[tilespmem:$0x14E0] =	vst v0  }
0x227: {  	v18 =	vand.u32 $0x7F, v61;
	v0 =	vor.u32 v17, v16;
	v1 =	vld.idx.msk [tilespmem:v1+s1+$0x0], $0xffff  }
0x228: {  	v0 =	vor.u32 v18, v0;
	_ =	sdelay $0x1  }
0x229: {  	v21 =	vld [tilespmem:$0x1320];
	v19 =	vshll.u32 v15, $0x8;
	v20 =	vshll.u32 v13, $0x3  }
0x22a: {  	v23 =	vld [tilespmem:$0x1120];
	v22 =	vshll.u32 v15, $0x7;
	v2 =	vand.u32 $0xFFFFF800, v19;
	v3 =	vand.u32 $0xFFFFFC00, v20  }
0x22b: {  	v25 =	vand.u32 $0x380, v22;
	v24 =	vadd.s32 v3, v2;
	[tilespmem:$0x14F0] =	vst v1  }
0x22c: {  	v26 =	vand.u32 $0x7F, v13;
	v1 =	vor.u32 v25, v24;
	v0 =	vld.idx.msk [tilespmem:v0+s1+$0x0], $0xffff  }
0x22d: {  	v1 =	vor.u32 v26, v1;
	_ =	sdelay $0x1  }
0x22e: {  	v27 =	vshll.u32 v23, $0x8;
	v31 =	vld [tilespmem:$0x1130];
	v28 =	vshll.u32 v21, $0x3  }
0x22f: {  	v30 =	vshll.u32 v23, $0x7;
	v29 =	vld [tilespmem:$0x1330];
	v2 =	vand.u32 $0xFFFFF800, v27;
	v3 =	vand.u32 $0xFFFFFC00, v28  }
0x230: {  	v33 =	vand.u32 $0x380, v30;
	v32 =	vadd.s32 v3, v2;
	[tilespmem:$0x1500] =	vst v0  }
0x231: {  	v34 =	vand.u32 $0x7F, v21;
	v0 =	vor.u32 v33, v32;
	v1 =	vld.idx.msk [tilespmem:v1+s1+$0x0], $0xffff  }
0x232: {  	v0 =	vor.u32 v34, v0;
	_ =	sdelay $0x1  }
0x233: {  	v39 =	vld [tilespmem:$0x1140];
	v35 =	vshll.u32 v31, $0x8;
	v36 =	vshll.u32 v29, $0x3  }
0x234: {  	v37 =	vld [tilespmem:$0x1340];
	v38 =	vshll.u32 v31, $0x7;
	v2 =	vand.u32 $0xFFFFF800, v35;
	v3 =	vand.u32 $0xFFFFFC00, v36  }
0x235: {  	v41 =	vand.u32 $0x380, v38;
	v40 =	vadd.s32 v3, v2;
	[tilespmem:$0x1510] =	vst v1  }
0x236: {  	v42 =	vand.u32 $0x7F, v29;
	v1 =	vor.u32 v41, v40;
	v0 =	vld.idx.msk [tilespmem:v0+s1+$0x0], $0xffff  }
0x237: {  	v1 =	vor.u32 v42, v1;
	_ =	sdelay $0x1  }
0x238: {  	v45 =	vld [tilespmem:$0x1350];
	v43 =	vshll.u32 v39, $0x8;
	v44 =	vshll.u32 v37, $0x3  }
0x239: {  	v47 =	vld [tilespmem:$0x1150];
	v46 =	vshll.u32 v39, $0x7;
	v2 =	vand.u32 $0xFFFFF800, v43;
	v3 =	vand.u32 $0xFFFFFC00, v44  }
0x23a: {  	v49 =	vand.u32 $0x380, v46;
	v48 =	vadd.s32 v3, v2;
	[tilespmem:$0x1520] =	vst v0  }
0x23b: {  	v50 =	vand.u32 $0x7F, v37;
	v0 =	vor.u32 v49, v48;
	v1 =	vld.idx.msk [tilespmem:v1+s1+$0x0], $0xffff  }
0x23c: {  	v0 =	vor.u32 v50, v0;
	_ =	sdelay $0x1  }
0x23d: {  	v53 =	vld [tilespmem:$0x1360];
	v51 =	vshll.u32 v47, $0x8;
	v52 =	vshll.u32 v45, $0x3  }
0x23e: {  	v55 =	vld [tilespmem:$0x1160];
	v54 =	vshll.u32 v47, $0x7;
	v2 =	vand.u32 $0xFFFFF800, v51;
	v3 =	vand.u32 $0xFFFFFC00, v52  }
0x23f: {  	v56 =	vadd.s32 v3, v2;
	v57 =	vand.u32 $0x380, v54;
	[tilespmem:$0x1530] =	vst v1  }
0x240: {  	v58 =	vand.u32 $0x7F, v45;
	v1 =	vor.u32 v57, v56;
	v0 =	vld.idx.msk [tilespmem:v0+s1+$0x0], $0xffff  }
0x241: {  	v1 =	vor.u32 v58, v1;
	_ =	sdelay $0x1  }
0x242: {  	v61 =	vld [tilespmem:$0x1370];
	v59 =	vshll.u32 v55, $0x8;
	v60 =	vshll.u32 v53, $0x3  }
0x243: {  	v63 =	vld [tilespmem:$0x1170];
	v62 =	vshll.u32 v55, $0x7;
	v2 =	vand.u32 $0xFFFFF800, v59;
	v3 =	vand.u32 $0xFFFFFC00, v60  }
0x244: {  	v9 =	vadd.s32 v3, v2;
	v10 =	vand.u32 $0x380, v62;
	[tilespmem:$0x1540] =	vst v0  }
0x245: {  	v11 =	vand.u32 $0x7F, v53;
	v0 =	vor.u32 v10, v9;
	v1 =	vld.idx.msk [tilespmem:v1+s1+$0x0], $0xffff  }
0x246: {  	v0 =	vor.u32 v11, v0;
	_ =	sdelay $0x1  }
0x247: {  	v14 =	vld [tilespmem:$0x1380];
	v13 =	vshll.u32 v61, $0x3;
	v12 =	vshll.u32 v63, $0x8  }
0x248: {  	v15 =	vshll.u32 v63, $0x7;
	v2 =	vand.u32 $0xFFFFF800, v12;
	v3 =	vand.u32 $0xFFFFFC00, v13;
	v16 =	vld [tilespmem:$0x1180]  }
0x249: {  	v17 =	vadd.s32 v3, v2;
	v18 =	vand.u32 $0x380, v15;
	[tilespmem:$0x1550] =	vst v1  }
0x24a: {  	v19 =	vand.u32 $0x7F, v61;
	v1 =	vor.u32 v18, v17;
	v0 =	vld.idx.msk [tilespmem:v0+s1+$0x0], $0xffff  }
0x24b: {  	v1 =	vor.u32 v19, v1;
	_ =	sdelay $0x1  }
0x24c: {  	v21 =	vshll.u32 v14, $0x3;
	v20 =	vshll.u32 v16, $0x8  }
0x24d: {  	v3 =	vand.u32 $0xFFFFFC00, v21;
	v22 =	vshll.u32 v16, $0x7;
	v2 =	vand.u32 $0xFFFFF800, v20  }
0x24e: {  	v24 =	vand.u32 $0x380, v22;
	v23 =	vadd.s32 v3, v2;
	[tilespmem:$0x1560] =	vst v0  }
0x24f: {  	v25 =	vand.u32 $0x7F, v14;
	v0 =	vor.u32 v24, v23;
	v1 =	vld.idx.msk [tilespmem:v1+s1+$0x0], $0xffff  }
0x250: {  	v0 =	vor.u32 v25, v0;
	_ =	sdelay $0x3  }
0x251: {  	[tilespmem:$0x1570] =	vst v1  }
0x252: {  	v0 =	vld.idx.msk [tilespmem:v0+s1+$0x0], $0xffff;
	_ =	sdelay $0x4  }
0x253: {  	[tilespmem:$0x1580] =	vst v0  }
0x254: {  	[hbm4b:s13+s1] =	stream.linear.scatter [tilespmem:s20], [sflag:$0x1], $0x190, $0x38;
	[tilespmem:$0x1600] =	vst v63  }
0x255: {  	_ =	swait.ge [sflag:s29], $0x190  }
0x256: {  	[sflag:s29] =	ssyncset.done $0x0  }
0x257: {  	[sflag:s29] =	ssyncadd.s32 $0xFFFFFE70  }
0x258: {  	[tilespmem:s30], [sflag:$0x1] =	stream.linear.gather [hbm4b:s14+s1], $0x190, $0x38;
	[tilespmem:$0x1600] =	vst v63  }
0x259: {  	_ =	swait.ge [sflag:s29], $0x190  }
0x25a: {  	[sflag:s29] =	ssyncset.done $0x0  }
0x25b: {  	[sflag:s29] =	ssyncadd.s32 $0xFFFFFE70  }
0x25c: {  	[tilespmem:s31], [sflag:$0x1] =	stream.linear.gather [hbm4b:s15+s1], $0x190, $0x38;
	[tilespmem:$0x1600] =	vst v63  }
0x25d: {  	_ =	swait.ge [sflag:s29], $0x190  }
0x25e: {  	[sflag:s29] =	ssyncset.done $0x0  }
0x25f: {  	[sflag:s29] =	ssyncadd.s32 $0xFFFFFE70  }
0x260: {  	v26 =	vld [tilespmem:$0x1200]  }
0x261: {  	v27 =	vld [tilespmem:$0x1000];
	_ =	sdelay $0x4  }
0x262: {  	v30 =	vld [tilespmem:$0x1210];
	v28 =	vshll.u32 v27, $0x8;
	v29 =	vshll.u32 v26, $0x3  }
0x263: {  	v31 =	vld [tilespmem:$0x1010];
	v1 =	vshll.u32 v27, $0x7;
	v2 =	vand.u32 $0xFFFFF800, v28;
	v3 =	vand.u32 $0xFFFFFC00, v29  }
0x264: {  	v1 =	vand.u32 $0x380, v1;
	v2 =	vadd.s32 v3, v2  }
0x265: {  	v0 =	vand.u32 $0x7F, v26;
	v1 =	vor.u32 v1, v2  }
0x266: {  	v0 =	vor.u32 v0, v1;
	_ =	sdelay $0x1  }
0x267: {  	v34 =	vld [tilespmem:$0x1220];
	v32 =	vshll.u32 v31, $0x8;
	v33 =	vshll.u32 v30, $0x3  }
0x268: {  	v35 =	vld [tilespmem:$0x1020];
	v5 =	vshll.u32 v31, $0x7;
	v2 =	vand.u32 $0xFFFFFC00, v33;
	v1 =	vand.u32 $0xFFFFF800, v32  }
0x269: {  	v36 =	vand.u32 $0x380, v5;
	v1 =	vadd.s32 v2, v1  }
0x26a: {  	v4 =	vand.u32 $0x7F, v30;
	v1 =	vor.u32 v36, v1;
	v0 =	vld.idx.msk [tilespmem:v0+s1+$0x0], $0xffff  }
0x26b: {  	v1 =	vor.u32 v4, v1;
	_ =	sdelay $0x1  }
0x26c: {  	v39 =	vld [tilespmem:$0x1230];
	v37 =	vshll.u32 v35, $0x8;
	v38 =	vshll.u32 v34, $0x3  }
0x26d: {  	v40 =	vld [tilespmem:$0x1030];
	v6 =	vshll.u32 v35, $0x7;
	v2 =	vand.u32 $0xFFFFF800, v37;
	v4 =	vand.u32 $0xFFFFFC00, v38  }
0x26e: {  	v42 =	vand.u32 $0x380, v6;
	v41 =	vadd.s32 v4, v2;
	[tilespmem:$0x1400] =	vst v0  }
0x26f: {  	v3 =	vand.u32 $0x7F, v34;
	v0 =	vor.u32 v42, v41;
	v1 =	vld.idx.msk [tilespmem:v1+s1+$0x0], $0xffff  }
0x270: {  	v0 =	vor.u32 v3, v0;
	_ =	sdelay $0x1  }
0x271: {  	v45 =	vld [tilespmem:$0x1240];
	v43 =	vshll.u32 v40, $0x8;
	v44 =	vshll.u32 v39, $0x3  }
0x272: {  	v47 =	vld [tilespmem:$0x1040];
	v46 =	vshll.u32 v40, $0x7;
	v2 =	vand.u32 $0xFFFFF800, v43;
	v3 =	vand.u32 $0xFFFFFC00, v44  }
0x273: {  	v49 =	vand.u32 $0x380, v46;
	v48 =	vadd.s32 v3, v2;
	[tilespmem:$0x1410] =	vst v1  }
0x274: {  	v50 =	vand.u32 $0x7F, v39;
	v1 =	vor.u32 v49, v48;
	v0 =	vld.idx.msk [tilespmem:v0+s1+$0x0], $0xffff  }
0x275: {  	v1 =	vor.u32 v50, v1;
	_ =	sdelay $0x1  }
0x276: {  	v53 =	vld [tilespmem:$0x1250];
	v51 =	vshll.u32 v47, $0x8;
	v52 =	vshll.u32 v45, $0x3  }
0x277: {  	v55 =	vld [tilespmem:$0x1050];
	v54 =	vshll.u32 v47, $0x7;
	v2 =	vand.u32 $0xFFFFF800, v51;
	v3 =	vand.u32 $0xFFFFFC00, v52  }
0x278: {  	v57 =	vand.u32 $0x380, v54;
	v56 =	vadd.s32 v3, v2;
	[tilespmem:$0x1420] =	vst v0  }
0x279: {  	v58 =	vand.u32 $0x7F, v45;
	v0 =	vor.u32 v57, v56;
	v1 =	vld.idx.msk [tilespmem:v1+s1+$0x0], $0xffff  }
0x27a: {  	v0 =	vor.u32 v58, v0;
	_ =	sdelay $0x1  }
0x27b: {  	v61 =	vld [tilespmem:$0x1260];
	v59 =	vshll.u32 v55, $0x8;
	v60 =	vshll.u32 v53, $0x3  }
0x27c: {  	v63 =	vld [tilespmem:$0x1060];
	v62 =	vshll.u32 v55, $0x7;
	v2 =	vand.u32 $0xFFFFF800, v59;
	v3 =	vand.u32 $0xFFFFFC00, v60  }
0x27d: {  	v9 =	vand.u32 $0x380, v62;
	v8 =	vadd.s32 v3, v2;
	[tilespmem:$0x1430] =	vst v1  }
0x27e: {  	v10 =	vand.u32 $0x7F, v53;
	v1 =	vor.u32 v9, v8;
	v0 =	vld.idx.msk [tilespmem:v0+s1+$0x0], $0xffff  }
0x27f: {  	v1 =	vor.u32 v10, v1;
	_ =	sdelay $0x1  }
0x280: {  	v13 =	vld [tilespmem:$0x1270];
	v11 =	vshll.u32 v63, $0x8;
	v12 =	vshll.u32 v61, $0x3  }
0x281: {  	v15 =	vld [tilespmem:$0x1070];
	v14 =	vshll.u32 v63, $0x7;
	v2 =	vand.u32 $0xFFFFF800, v11;
	v3 =	vand.u32 $0xFFFFFC00, v12  }
0x282: {  	v17 =	vand.u32 $0x380, v14;
	v16 =	vadd.s32 v3, v2;
	[tilespmem:$0x1440] =	vst v0  }
0x283: {  	v18 =	vand.u32 $0x7F, v61;
	v0 =	vor.u32 v17, v16;
	v1 =	vld.idx.msk [tilespmem:v1+s1+$0x0], $0xffff  }
0x284: {  	v0 =	vor.u32 v18, v0;
	_ =	sdelay $0x1  }
0x285: {  	v21 =	vld [tilespmem:$0x1280];
	v19 =	vshll.u32 v15, $0x8;
	v20 =	vshll.u32 v13, $0x3  }
0x286: {  	v23 =	vld [tilespmem:$0x1080];
	v22 =	vshll.u32 v15, $0x7;
	v2 =	vand.u32 $0xFFFFF800, v19;
	v3 =	vand.u32 $0xFFFFFC00, v20  }
0x287: {  	v25 =	vand.u32 $0x380, v22;
	v24 =	vadd.s32 v3, v2;
	[tilespmem:$0x1450] =	vst v1  }
0x288: {  	v26 =	vand.u32 $0x7F, v13;
	v1 =	vor.u32 v25, v24;
	v0 =	vld.idx.msk [tilespmem:v0+s1+$0x0], $0xffff  }
0x289: {  	v1 =	vor.u32 v26, v1;
	_ =	sdelay $0x1  }
0x28a: {  	v27 =	vshll.u32 v23, $0x8;
	v31 =	vld [tilespmem:$0x1090];
	v28 =	vshll.u32 v21, $0x3  }
0x28b: {  	v30 =	vshll.u32 v23, $0x7;
	v29 =	vld [tilespmem:$0x1290];
	v2 =	vand.u32 $0xFFFFF800, v27;
	v3 =	vand.u32 $0xFFFFFC00, v28  }
0x28c: {  	v33 =	vand.u32 $0x380, v30;
	v32 =	vadd.s32 v3, v2;
	[tilespmem:$0x1460] =	vst v0  }
0x28d: {  	v34 =	vand.u32 $0x7F, v21;
	v0 =	vor.u32 v33, v32;
	v1 =	vld.idx.msk [tilespmem:v1+s1+$0x0], $0xffff  }
0x28e: {  	v0 =	vor.u32 v34, v0;
	_ =	sdelay $0x1  }
0x28f: {  	v39 =	vld [tilespmem:$0x10A0];
	v35 =	vshll.u32 v31, $0x8;
	v36 =	vshll.u32 v29, $0x3  }
0x290: {  	v37 =	vld [tilespmem:$0x12A0];
	v38 =	vshll.u32 v31, $0x7;
	v2 =	vand.u32 $0xFFFFF800, v35;
	v3 =	vand.u32 $0xFFFFFC00, v36  }
0x291: {  	v41 =	vand.u32 $0x380, v38;
	v40 =	vadd.s32 v3, v2;
	[tilespmem:$0x1470] =	vst v1  }
0x292: {  	v42 =	vand.u32 $0x7F, v29;
	v1 =	vor.u32 v41, v40;
	v0 =	vld.idx.msk [tilespmem:v0+s1+$0x0], $0xffff  }
0x293: {  	v1 =	vor.u32 v42, v1;
	_ =	sdelay $0x1  }
0x294: {  	v45 =	vld [tilespmem:$0x12B0];
	v43 =	vshll.u32 v39, $0x8;
	v44 =	vshll.u32 v37, $0x3  }
0x295: {  	v47 =	vld [tilespmem:$0x10B0];
	v46 =	vshll.u32 v39, $0x7;
	v2 =	vand.u32 $0xFFFFF800, v43;
	v3 =	vand.u32 $0xFFFFFC00, v44  }
0x296: {  	v49 =	vand.u32 $0x380, v46;
	v48 =	vadd.s32 v3, v2;
	[tilespmem:$0x1480] =	vst v0  }
0x297: {  	v50 =	vand.u32 $0x7F, v37;
	v0 =	vor.u32 v49, v48;
	v1 =	vld.idx.msk [tilespmem:v1+s1+$0x0], $0xffff  }
0x298: {  	v0 =	vor.u32 v50, v0;
	_ =	sdelay $0x1  }
0x299: {  	v53 =	vld [tilespmem:$0x12C0];
	v51 =	vshll.u32 v47, $0x8;
	v52 =	vshll.u32 v45, $0x3  }
0x29a: {  	v55 =	vld [tilespmem:$0x10C0];
	v54 =	vshll.u32 v47, $0x7;
	v2 =	vand.u32 $0xFFFFF800, v51;
	v3 =	vand.u32 $0xFFFFFC00, v52  }
0x29b: {  	v56 =	vadd.s32 v3, v2;
	v57 =	vand.u32 $0x380, v54;
	[tilespmem:$0x1490] =	vst v1  }
0x29c: {  	v58 =	vand.u32 $0x7F, v45;
	v1 =	vor.u32 v57, v56;
	v0 =	vld.idx.msk [tilespmem:v0+s1+$0x0], $0xffff  }
0x29d: {  	v1 =	vor.u32 v58, v1;
	_ =	sdelay $0x1  }
0x29e: {  	v61 =	vld [tilespmem:$0x12D0];
	v59 =	vshll.u32 v55, $0x8;
	v60 =	vshll.u32 v53, $0x3  }
0x29f: {  	v63 =	vld [tilespmem:$0x10D0];
	v62 =	vshll.u32 v55, $0x7;
	v2 =	vand.u32 $0xFFFFF800, v59;
	v3 =	vand.u32 $0xFFFFFC00, v60  }
0x2a0: {  	v8 =	vadd.s32 v3, v2;
	v9 =	vand.u32 $0x380, v62;
	[tilespmem:$0x14A0] =	vst v0  }
0x2a1: {  	v10 =	vand.u32 $0x7F, v53;
	v0 =	vor.u32 v9, v8;
	v1 =	vld.idx.msk [tilespmem:v1+s1+$0x0], $0xffff  }
0x2a2: {  	v0 =	vor.u32 v10, v0;
	_ =	sdelay $0x1  }
0x2a3: {  	v13 =	vld [tilespmem:$0x12E0];
	v11 =	vshll.u32 v63, $0x8;
	v12 =	vshll.u32 v61, $0x3  }
0x2a4: {  	v15 =	vld [tilespmem:$0x10E0];
	v14 =	vshll.u32 v63, $0x7;
	v2 =	vand.u32 $0xFFFFF800, v11;
	v3 =	vand.u32 $0xFFFFFC00, v12  }
0x2a5: {  	v16 =	vadd.s32 v3, v2;
	v17 =	vand.u32 $0x380, v14;
	[tilespmem:$0x14B0] =	vst v1  }
0x2a6: {  	v18 =	vand.u32 $0x7F, v61;
	v1 =	vor.u32 v17, v16;
	v0 =	vld.idx.msk [tilespmem:v0+s1+$0x0], $0xffff  }
0x2a7: {  	v1 =	vor.u32 v18, v1;
	_ =	sdelay $0x1  }
0x2a8: {  	v23 =	vld [tilespmem:$0x10F0];
	v19 =	vshll.u32 v15, $0x8;
	v20 =	vshll.u32 v13, $0x3  }
0x2a9: {  	v21 =	vld [tilespmem:$0x12F0];
	v22 =	vshll.u32 v15, $0x7;
	v2 =	vand.u32 $0xFFFFF800, v19;
	v3 =	vand.u32 $0xFFFFFC00, v20  }
0x2aa: {  	v24 =	vadd.s32 v3, v2;
	v25 =	vand.u32 $0x380, v22;
	[tilespmem:$0x14C0] =	vst v0  }
0x2ab: {  	v26 =	vand.u32 $0x7F, v13;
	v0 =	vor.u32 v25, v24;
	v1 =	vld.idx.msk [tilespmem:v1+s1+$0x0], $0xffff  }
0x2ac: {  	v0 =	vor.u32 v26, v0;
	_ =	sdelay $0x1  }
0x2ad: {  	v31 =	vld [tilespmem:$0x1100];
	v27 =	vshll.u32 v23, $0x8;
	v28 =	vshll.u32 v21, $0x3  }
0x2ae: {  	v30 =	vshll.u32 v23, $0x7;
	v29 =	vld [tilespmem:$0x1300];
	v2 =	vand.u32 $0xFFFFF800, v27;
	v3 =	vand.u32 $0xFFFFFC00, v28  }
0x2af: {  	v32 =	vadd.s32 v3, v2;
	v33 =	vand.u32 $0x380, v30;
	[tilespmem:$0x14D0] =	vst v1  }
0x2b0: {  	v34 =	vand.u32 $0x7F, v21;
	v1 =	vor.u32 v33, v32;
	v0 =	vld.idx.msk [tilespmem:v0+s1+$0x0], $0xffff  }
0x2b1: {  	v1 =	vor.u32 v34, v1;
	_ =	sdelay $0x1  }
0x2b2: {  	v39 =	vld [tilespmem:$0x1110];
	v35 =	vshll.u32 v31, $0x8;
	v36 =	vshll.u32 v29, $0x3  }
0x2b3: {  	v38 =	vshll.u32 v31, $0x7;
	v37 =	vld [tilespmem:$0x1310];
	v2 =	vand.u32 $0xFFFFF800, v35;
	v3 =	vand.u32 $0xFFFFFC00, v36  }
0x2b4: {  	v40 =	vadd.s32 v3, v2;
	v41 =	vand.u32 $0x380, v38;
	[tilespmem:$0x14E0] =	vst v0  }
0x2b5: {  	v42 =	vand.u32 $0x7F, v29;
	v0 =	vor.u32 v41, v40;
	v1 =	vld.idx.msk [tilespmem:v1+s1+$0x0], $0xffff  }
0x2b6: {  	v0 =	vor.u32 v42, v0;
	_ =	sdelay $0x1  }
0x2b7: {  	v47 =	vld [tilespmem:$0x1120];
	v43 =	vshll.u32 v39, $0x8;
	v44 =	vshll.u32 v37, $0x3  }
0x2b8: {  	v46 =	vshll.u32 v39, $0x7;
	v45 =	vld [tilespmem:$0x1320];
	v2 =	vand.u32 $0xFFFFF800, v43;
	v3 =	vand.u32 $0xFFFFFC00, v44  }
0x2b9: {  	v48 =	vadd.s32 v3, v2;
	v49 =	vand.u32 $0x380, v46;
	[tilespmem:$0x14F0] =	vst v1  }
0x2ba: {  	v50 =	vand.u32 $0x7F, v37;
	v1 =	vor.u32 v49, v48;
	v0 =	vld.idx.msk [tilespmem:v0+s1+$0x0], $0xffff  }
0x2bb: {  	v1 =	vor.u32 v50, v1;
	_ =	sdelay $0x1  }
0x2bc: {  	v55 =	vld [tilespmem:$0x1130];
	v51 =	vshll.u32 v47, $0x8;
	v52 =	vshll.u32 v45, $0x3  }
0x2bd: {  	v54 =	vshll.u32 v47, $0x7;
	v53 =	vld [tilespmem:$0x1330];
	v2 =	vand.u32 $0xFFFFF800, v51;
	v3 =	vand.u32 $0xFFFFFC00, v52  }
0x2be: {  	v56 =	vadd.s32 v3, v2;
	v57 =	vand.u32 $0x380, v54;
	[tilespmem:$0x1500] =	vst v0  }
0x2bf: {  	v58 =	vand.u32 $0x7F, v45;
	v0 =	vor.u32 v57, v56;
	v1 =	vld.idx.msk [tilespmem:v1+s1+$0x0], $0xffff  }
0x2c0: {  	v0 =	vor.u32 v58, v0;
	_ =	sdelay $0x1  }
0x2c1: {  	v63 =	vld [tilespmem:$0x1140];
	v59 =	vshll.u32 v55, $0x8;
	v60 =	vshll.u32 v53, $0x3  }
0x2c2: {  	v62 =	vshll.u32 v55, $0x7;
	v61 =	vld [tilespmem:$0x1340];
	v2 =	vand.u32 $0xFFFFF800, v59;
	v3 =	vand.u32 $0xFFFFFC00, v60  }
0x2c3: {  	v8 =	vadd.s32 v3, v2;
	v9 =	vand.u32 $0x380, v62;
	[tilespmem:$0x1510] =	vst v1  }
0x2c4: {  	v10 =	vand.u32 $0x7F, v53;
	v1 =	vor.u32 v9, v8;
	v0 =	vld.idx.msk [tilespmem:v0+s1+$0x0], $0xffff  }
0x2c5: {  	v1 =	vor.u32 v10, v1;
	_ =	sdelay $0x1  }
0x2c6: {  	v15 =	vld [tilespmem:$0x1150];
	v11 =	vshll.u32 v63, $0x8;
	v12 =	vshll.u32 v61, $0x3  }
0x2c7: {  	v14 =	vshll.u32 v63, $0x7;
	v13 =	vld [tilespmem:$0x1350];
	v2 =	vand.u32 $0xFFFFF800, v11;
	v3 =	vand.u32 $0xFFFFFC00, v12  }
0x2c8: {  	v16 =	vadd.s32 v3, v2;
	v17 =	vand.u32 $0x380, v14;
	[tilespmem:$0x1520] =	vst v0  }
0x2c9: {  	v18 =	vand.u32 $0x7F, v61;
	v0 =	vor.u32 v17, v16;
	v1 =	vld.idx.msk [tilespmem:v1+s1+$0x0], $0xffff  }
0x2ca: {  	v0 =	vor.u32 v18, v0;
	_ =	sdelay $0x1  }
0x2cb: {  	v23 =	vld [tilespmem:$0x1160];
	v19 =	vshll.u32 v15, $0x8;
	v20 =	vshll.u32 v13, $0x3  }
0x2cc: {  	v22 =	vshll.u32 v15, $0x7;
	v21 =	vld [tilespmem:$0x1360];
	v2 =	vand.u32 $0xFFFFF800, v19;
	v3 =	vand.u32 $0xFFFFFC00, v20  }
0x2cd: {  	v24 =	vadd.s32 v3, v2;
	v25 =	vand.u32 $0x380, v22;
	[tilespmem:$0x1530] =	vst v1  }
0x2ce: {  	v26 =	vand.u32 $0x7F, v13;
	v1 =	vor.u32 v25, v24;
	v0 =	vld.idx.msk [tilespmem:v0+s1+$0x0], $0xffff  }
0x2cf: {  	v1 =	vor.u32 v26, v1;
	_ =	sdelay $0x1  }
0x2d0: {  	v31 =	vld [tilespmem:$0x1170];
	v27 =	vshll.u32 v23, $0x8;
	v28 =	vshll.u32 v21, $0x3  }
0x2d1: {  	v30 =	vshll.u32 v23, $0x7;
	v29 =	vld [tilespmem:$0x1370];
	v2 =	vand.u32 $0xFFFFF800, v27;
	v3 =	vand.u32 $0xFFFFFC00, v28  }
0x2d2: {  	v32 =	vadd.s32 v3, v2;
	v33 =	vand.u32 $0x380, v30;
	[tilespmem:$0x1540] =	vst v0  }
0x2d3: {  	v34 =	vand.u32 $0x7F, v21;
	v0 =	vor.u32 v33, v32;
	v1 =	vld.idx.msk [tilespmem:v1+s1+$0x0], $0xffff  }
0x2d4: {  	v0 =	vor.u32 v34, v0;
	_ =	sdelay $0x1  }
0x2d5: {  	v39 =	vld [tilespmem:$0x1180];
	v35 =	vshll.u32 v31, $0x8;
	v36 =	vshll.u32 v29, $0x3  }
0x2d6: {  	v38 =	vshll.u32 v31, $0x7;
	v37 =	vld [tilespmem:$0x1380];
	v2 =	vand.u32 $0xFFFFF800, v35;
	v3 =	vand.u32 $0xFFFFFC00, v36  }
0x2d7: {  	v40 =	vadd.s32 v3, v2;
	v41 =	vand.u32 $0x380, v38;
	[tilespmem:$0x1550] =	vst v1  }
0x2d8: {  	v42 =	vand.u32 $0x7F, v29;
	v1 =	vor.u32 v41, v40;
	v0 =	vld.idx.msk [tilespmem:v0+s1+$0x0], $0xffff  }
0x2d9: {  	v1 =	vor.u32 v42, v1;
	_ =	sdelay $0x1  }
0x2da: {  	v43 =	vshll.u32 v39, $0x8;
	v44 =	vshll.u32 v37, $0x3  }
0x2db: {  	v45 =	vshll.u32 v39, $0x7;
	v2 =	vand.u32 $0xFFFFF800, v43;
	v3 =	vand.u32 $0xFFFFFC00, v44  }
0x2dc: {  	v47 =	vand.u32 $0x380, v45;
	v46 =	vadd.s32 v3, v2;
	[tilespmem:$0x1560] =	vst v0  }
0x2dd: {  	v48 =	vand.u32 $0x7F, v37;
	v0 =	vor.u32 v47, v46;
	v1 =	vld.idx.msk [tilespmem:v1+s1+$0x0], $0xffff  }
0x2de: {  	v0 =	vor.u32 v48, v0;
	_ =	sdelay $0x3  }
0x2df: {  	[tilespmem:$0x1570] =	vst v1  }
0x2e0: {  	v0 =	vld.idx.msk [tilespmem:v0+s1+$0x0], $0xffff;
	_ =	sdelay $0x4  }
0x2e1: {  	[tilespmem:$0x1580] =	vst v0  }
0x2e2: {  	[hbm4b:s16+s1] =	stream.linear.scatter [tilespmem:s20], [sflag:$0x1], $0x190, $0x38;
	[tilespmem:$0x1600] =	vst v63  }
0x2e3: {  	_ =	swait.ge [sflag:s29], $0x190  }
0x2e4: {  	[sflag:s29] =	ssyncset.done $0x0  }
0x2e5: {  	[sflag:s29] =	ssyncadd.s32 $0xFFFFFE70  }
0x2e6: {  	[tilespmem:s30], [sflag:$0x1] =	stream.linear.gather [hbm4b:s17+s1], $0x190, $0x38;
	[tilespmem:$0x1600] =	vst v63  }
0x2e7: {  	_ =	swait.ge [sflag:s29], $0x190  }
0x2e8: {  	[sflag:s29] =	ssyncset.done $0x0  }
0x2e9: {  	[sflag:s29] =	ssyncadd.s32 $0xFFFFFE70  }
0x2ea: {  	[tilespmem:s31], [sflag:$0x1] =	stream.linear.gather [hbm4b:s18+s1], $0x190, $0x38;
	[tilespmem:$0x1600] =	vst v63  }
0x2eb: {  	_ =	swait.ge [sflag:s29], $0x190  }
0x2ec: {  	[sflag:s29] =	ssyncset.done $0x0  }
0x2ed: {  	[sflag:s29] =	ssyncadd.s32 $0xFFFFFE70  }
0x2ee: {  	v49 =	vld [tilespmem:$0x1200]  }
0x2ef: {  	v50 =	vld [tilespmem:$0x1000];
	_ =	sdelay $0x4  }
0x2f0: {  	v53 =	vld [tilespmem:$0x1210];
	v51 =	vshll.u32 v50, $0x8;
	v52 =	vshll.u32 v49, $0x3  }
0x2f1: {  	v54 =	vld [tilespmem:$0x1010];
	v1 =	vshll.u32 v50, $0x7;
	v2 =	vand.u32 $0xFFFFF800, v51;
	v3 =	vand.u32 $0xFFFFFC00, v52  }
0x2f2: {  	v1 =	vand.u32 $0x380, v1;
	v2 =	vadd.s32 v3, v2  }
0x2f3: {  	v0 =	vand.u32 $0x7F, v49;
	v1 =	vor.u32 v1, v2  }
0x2f4: {  	v0 =	vor.u32 v0, v1;
	_ =	sdelay $0x1  }
0x2f5: {  	v57 =	vld [tilespmem:$0x1220];
	v55 =	vshll.u32 v54, $0x8;
	v56 =	vshll.u32 v53, $0x3  }
0x2f6: {  	v58 =	vld [tilespmem:$0x1020];
	v5 =	vshll.u32 v54, $0x7;
	v2 =	vand.u32 $0xFFFFFC00, v56;
	v1 =	vand.u32 $0xFFFFF800, v55  }
0x2f7: {  	v59 =	vand.u32 $0x380, v5;
	v1 =	vadd.s32 v2, v1  }
0x2f8: {  	v4 =	vand.u32 $0x7F, v53;
	v1 =	vor.u32 v59, v1;
	v0 =	vld.idx.msk [tilespmem:v0+s1+$0x0], $0xffff  }
0x2f9: {  	v1 =	vor.u32 v4, v1;
	_ =	sdelay $0x1  }
0x2fa: {  	v62 =	vld [tilespmem:$0x1230];
	v60 =	vshll.u32 v58, $0x8;
	v61 =	vshll.u32 v57, $0x3  }
0x2fb: {  	v63 =	vld [tilespmem:$0x1030];
	v6 =	vshll.u32 v58, $0x7;
	v2 =	vand.u32 $0xFFFFF800, v60;
	v4 =	vand.u32 $0xFFFFFC00, v61  }
0x2fc: {  	v10 =	vand.u32 $0x380, v6;
	v9 =	vadd.s32 v4, v2;
	[tilespmem:$0x1400] =	vst v0  }
0x2fd: {  	v3 =	vand.u32 $0x7F, v57;
	v0 =	vor.u32 v10, v9;
	v1 =	vld.idx.msk [tilespmem:v1+s1+$0x0], $0xffff  }
0x2fe: {  	v0 =	vor.u32 v3, v0;
	_ =	sdelay $0x1  }
0x2ff: {  	v13 =	vld [tilespmem:$0x1240];
	v11 =	vshll.u32 v63, $0x8;
	v12 =	vshll.u32 v62, $0x3  }
0x300: {  	v15 =	vld [tilespmem:$0x1040];
	v14 =	vshll.u32 v63, $0x7;
	v2 =	vand.u32 $0xFFFFF800, v11;
	v3 =	vand.u32 $0xFFFFFC00, v12  }
0x301: {  	v17 =	vand.u32 $0x380, v14;
	v16 =	vadd.s32 v3, v2;
	[tilespmem:$0x1410] =	vst v1  }
0x302: {  	v18 =	vand.u32 $0x7F, v62;
	v1 =	vor.u32 v17, v16;
	v0 =	vld.idx.msk [tilespmem:v0+s1+$0x0], $0xffff  }
0x303: {  	v1 =	vor.u32 v18, v1;
	_ =	sdelay $0x1  }
0x304: {  	v21 =	vld [tilespmem:$0x1250];
	v19 =	vshll.u32 v15, $0x8;
	v20 =	vshll.u32 v13, $0x3  }
0x305: {  	v23 =	vld [tilespmem:$0x1050];
	v22 =	vshll.u32 v15, $0x7;
	v2 =	vand.u32 $0xFFFFF800, v19;
	v3 =	vand.u32 $0xFFFFFC00, v20  }
0x306: {  	v25 =	vand.u32 $0x380, v22;
	v24 =	vadd.s32 v3, v2;
	[tilespmem:$0x1420] =	vst v0  }
0x307: {  	v26 =	vand.u32 $0x7F, v13;
	v0 =	vor.u32 v25, v24;
	v1 =	vld.idx.msk [tilespmem:v1+s1+$0x0], $0xffff  }
0x308: {  	v0 =	vor.u32 v26, v0;
	_ =	sdelay $0x1  }
0x309: {  	v29 =	vld [tilespmem:$0x1260];
	v27 =	vshll.u32 v23, $0x8;
	v28 =	vshll.u32 v21, $0x3  }
0x30a: {  	v31 =	vld [tilespmem:$0x1060];
	v30 =	vshll.u32 v23, $0x7;
	v2 =	vand.u32 $0xFFFFF800, v27;
	v3 =	vand.u32 $0xFFFFFC00, v28  }
0x30b: {  	v33 =	vand.u32 $0x380, v30;
	v32 =	vadd.s32 v3, v2;
	[tilespmem:$0x1430] =	vst v1  }
0x30c: {  	v34 =	vand.u32 $0x7F, v21;
	v1 =	vor.u32 v33, v32;
	v0 =	vld.idx.msk [tilespmem:v0+s1+$0x0], $0xffff  }
0x30d: {  	v1 =	vor.u32 v34, v1;
	_ =	sdelay $0x1  }
0x30e: {  	v37 =	vld [tilespmem:$0x1270];
	v35 =	vshll.u32 v31, $0x8;
	v36 =	vshll.u32 v29, $0x3  }
0x30f: {  	v39 =	vld [tilespmem:$0x1070];
	v38 =	vshll.u32 v31, $0x7;
	v2 =	vand.u32 $0xFFFFF800, v35;
	v3 =	vand.u32 $0xFFFFFC00, v36  }
0x310: {  	v41 =	vand.u32 $0x380, v38;
	v40 =	vadd.s32 v3, v2;
	[tilespmem:$0x1440] =	vst v0  }
0x311: {  	v42 =	vand.u32 $0x7F, v29;
	v0 =	vor.u32 v41, v40;
	v1 =	vld.idx.msk [tilespmem:v1+s1+$0x0], $0xffff  }
0x312: {  	v0 =	vor.u32 v42, v0;
	_ =	sdelay $0x1  }
0x313: {  	v45 =	vld [tilespmem:$0x1280];
	v43 =	vshll.u32 v39, $0x8;
	v44 =	vshll.u32 v37, $0x3  }
0x314: {  	v47 =	vld [tilespmem:$0x1080];
	v46 =	vshll.u32 v39, $0x7;
	v2 =	vand.u32 $0xFFFFF800, v43;
	v3 =	vand.u32 $0xFFFFFC00, v44  }
0x315: {  	v49 =	vand.u32 $0x380, v46;
	v48 =	vadd.s32 v3, v2;
	[tilespmem:$0x1450] =	vst v1  }
0x316: {  	v50 =	vand.u32 $0x7F, v37;
	v1 =	vor.u32 v49, v48;
	v0 =	vld.idx.msk [tilespmem:v0+s1+$0x0], $0xffff  }
0x317: {  	v1 =	vor.u32 v50, v1;
	_ =	sdelay $0x1  }
0x318: {  	v53 =	vld [tilespmem:$0x1290];
	v51 =	vshll.u32 v47, $0x8;
	v52 =	vshll.u32 v45, $0x3  }
0x319: {  	v54 =	vshll.u32 v47, $0x7;
	v55 =	vld [tilespmem:$0x1090];
	v2 =	vand.u32 $0xFFFFF800, v51;
	v3 =	vand.u32 $0xFFFFFC00, v52  }
0x31a: {  	v57 =	vand.u32 $0x380, v54;
	v56 =	vadd.s32 v3, v2;
	[tilespmem:$0x1460] =	vst v0  }
0x31b: {  	v58 =	vand.u32 $0x7F, v45;
	v0 =	vor.u32 v57, v56;
	v1 =	vld.idx.msk [tilespmem:v1+s1+$0x0], $0xffff  }
0x31c: {  	v0 =	vor.u32 v58, v0;
	_ =	sdelay $0x1  }
0x31d: {  	v63 =	vld [tilespmem:$0x10A0];
	v60 =	vshll.u32 v53, $0x3;
	v59 =	vshll.u32 v55, $0x8  }
0x31e: {  	v61 =	vld [tilespmem:$0x12A0];
	v62 =	vshll.u32 v55, $0x7;
	v2 =	vand.u32 $0xFFFFF800, v59;
	v3 =	vand.u32 $0xFFFFFC00, v60  }
0x31f: {  	v9 =	vand.u32 $0x380, v62;
	v8 =	vadd.s32 v3, v2;
	[tilespmem:$0x1470] =	vst v1  }
0x320: {  	v10 =	vand.u32 $0x7F, v53;
	v1 =	vor.u32 v9, v8;
	v0 =	vld.idx.msk [tilespmem:v0+s1+$0x0], $0xffff  }
0x321: {  	v1 =	vor.u32 v10, v1;
	_ =	sdelay $0x1  }
0x322: {  	v13 =	vld [tilespmem:$0x12B0];
	v11 =	vshll.u32 v63, $0x8;
	v12 =	vshll.u32 v61, $0x3  }
0x323: {  	v15 =	vld [tilespmem:$0x10B0];
	v14 =	vshll.u32 v63, $0x7;
	v2 =	vand.u32 $0xFFFFF800, v11;
	v3 =	vand.u32 $0xFFFFFC00, v12  }
0x324: {  	v17 =	vand.u32 $0x380, v14;
	v16 =	vadd.s32 v3, v2;
	[tilespmem:$0x1480] =	vst v0  }
0x325: {  	v18 =	vand.u32 $0x7F, v61;
	v0 =	vor.u32 v17, v16;
	v1 =	vld.idx.msk [tilespmem:v1+s1+$0x0], $0xffff  }
0x326: {  	v0 =	vor.u32 v18, v0;
	_ =	sdelay $0x1  }
0x327: {  	v21 =	vld [tilespmem:$0x12C0];
	v19 =	vshll.u32 v15, $0x8;
	v20 =	vshll.u32 v13, $0x3  }
0x328: {  	v23 =	vld [tilespmem:$0x10C0];
	v22 =	vshll.u32 v15, $0x7;
	v2 =	vand.u32 $0xFFFFF800, v19;
	v3 =	vand.u32 $0xFFFFFC00, v20  }
0x329: {  	v24 =	vadd.s32 v3, v2;
	v25 =	vand.u32 $0x380, v22;
	[tilespmem:$0x1490] =	vst v1  }
0x32a: {  	v26 =	vand.u32 $0x7F, v13;
	v1 =	vor.u32 v25, v24;
	v0 =	vld.idx.msk [tilespmem:v0+s1+$0x0], $0xffff  }
0x32b: {  	v1 =	vor.u32 v26, v1;
	_ =	sdelay $0x1  }
0x32c: {  	v29 =	vld [tilespmem:$0x12D0];
	v27 =	vshll.u32 v23, $0x8;
	v28 =	vshll.u32 v21, $0x3  }
0x32d: {  	v31 =	vld [tilespmem:$0x10D0];
	v30 =	vshll.u32 v23, $0x7;
	v2 =	vand.u32 $0xFFFFF800, v27;
	v3 =	vand.u32 $0xFFFFFC00, v28  }
0x32e: {  	v32 =	vadd.s32 v3, v2;
	v33 =	vand.u32 $0x380, v30;
	[tilespmem:$0x14A0] =	vst v0  }
0x32f: {  	v34 =	vand.u32 $0x7F, v21;
	v0 =	vor.u32 v33, v32;
	v1 =	vld.idx.msk [tilespmem:v1+s1+$0x0], $0xffff  }
0x330: {  	v0 =	vor.u32 v34, v0;
	_ =	sdelay $0x1  }
0x331: {  	v37 =	vld [tilespmem:$0x12E0];
	v35 =	vshll.u32 v31, $0x8;
	v36 =	vshll.u32 v29, $0x3  }
0x332: {  	v39 =	vld [tilespmem:$0x10E0];
	v38 =	vshll.u32 v31, $0x7;
	v2 =	vand.u32 $0xFFFFF800, v35;
	v3 =	vand.u32 $0xFFFFFC00, v36  }
0x333: {  	v40 =	vadd.s32 v3, v2;
	v41 =	vand.u32 $0x380, v38;
	[tilespmem:$0x14B0] =	vst v1  }
0x334: {  	v42 =	vand.u32 $0x7F, v29;
	v1 =	vor.u32 v41, v40;
	v0 =	vld.idx.msk [tilespmem:v0+s1+$0x0], $0xffff  }
0x335: {  	v1 =	vor.u32 v42, v1;
	_ =	sdelay $0x1  }
0x336: {  	v45 =	vld [tilespmem:$0x12F0];
	v43 =	vshll.u32 v39, $0x8;
	v44 =	vshll.u32 v37, $0x3  }
0x337: {  	v47 =	vld [tilespmem:$0x10F0];
	v46 =	vshll.u32 v39, $0x7;
	v2 =	vand.u32 $0xFFFFF800, v43;
	v3 =	vand.u32 $0xFFFFFC00, v44  }
0x338: {  	v48 =	vadd.s32 v3, v2;
	v49 =	vand.u32 $0x380, v46;
	[tilespmem:$0x14C0] =	vst v0  }
0x339: {  	v50 =	vand.u32 $0x7F, v37;
	v0 =	vor.u32 v49, v48;
	v1 =	vld.idx.msk [tilespmem:v1+s1+$0x0], $0xffff  }
0x33a: {  	v0 =	vor.u32 v50, v0;
	_ =	sdelay $0x1  }
0x33b: {  	v55 =	vld [tilespmem:$0x1100];
	v51 =	vshll.u32 v47, $0x8;
	v52 =	vshll.u32 v45, $0x3  }
0x33c: {  	v54 =	vshll.u32 v47, $0x7;
	v53 =	vld [tilespmem:$0x1300];
	v2 =	vand.u32 $0xFFFFF800, v51;
	v3 =	vand.u32 $0xFFFFFC00, v52  }
0x33d: {  	v56 =	vadd.s32 v3, v2;
	v57 =	vand.u32 $0x380, v54;
	[tilespmem:$0x14D0] =	vst v1  }
0x33e: {  	v58 =	vand.u32 $0x7F, v45;
	v1 =	vor.u32 v57, v56;
	v0 =	vld.idx.msk [tilespmem:v0+s1+$0x0], $0xffff  }
0x33f: {  	v1 =	vor.u32 v58, v1;
	_ =	sdelay $0x1  }
0x340: {  	v63 =	vld [tilespmem:$0x1110];
	v59 =	vshll.u32 v55, $0x8;
	v60 =	vshll.u32 v53, $0x3  }
0x341: {  	v62 =	vshll.u32 v55, $0x7;
	v61 =	vld [tilespmem:$0x1310];
	v2 =	vand.u32 $0xFFFFF800, v59;
	v3 =	vand.u32 $0xFFFFFC00, v60  }
0x342: {  	v8 =	vadd.s32 v3, v2;
	v9 =	vand.u32 $0x380, v62;
	[tilespmem:$0x14E0] =	vst v0  }
0x343: {  	v10 =	vand.u32 $0x7F, v53;
	v0 =	vor.u32 v9, v8;
	v1 =	vld.idx.msk [tilespmem:v1+s1+$0x0], $0xffff  }
0x344: {  	v0 =	vor.u32 v10, v0;
	_ =	sdelay $0x1  }
0x345: {  	v15 =	vld [tilespmem:$0x1120];
	v11 =	vshll.u32 v63, $0x8;
	v12 =	vshll.u32 v61, $0x3  }
0x346: {  	v14 =	vshll.u32 v63, $0x7;
	v13 =	vld [tilespmem:$0x1320];
	v2 =	vand.u32 $0xFFFFF800, v11;
	v3 =	vand.u32 $0xFFFFFC00, v12  }
0x347: {  	v16 =	vadd.s32 v3, v2;
	v17 =	vand.u32 $0x380, v14;
	[tilespmem:$0x14F0] =	vst v1  }
0x348: {  	v18 =	vand.u32 $0x7F, v61;
	v1 =	vor.u32 v17, v16;
	v0 =	vld.idx.msk [tilespmem:v0+s1+$0x0], $0xffff  }
0x349: {  	v1 =	vor.u32 v18, v1;
	_ =	sdelay $0x1  }
0x34a: {  	v23 =	vld [tilespmem:$0x1130];
	v19 =	vshll.u32 v15, $0x8;
	v20 =	vshll.u32 v13, $0x3  }
0x34b: {  	v22 =	vshll.u32 v15, $0x7;
	v21 =	vld [tilespmem:$0x1330];
	v2 =	vand.u32 $0xFFFFF800, v19;
	v3 =	vand.u32 $0xFFFFFC00, v20  }
0x34c: {  	v24 =	vadd.s32 v3, v2;
	v25 =	vand.u32 $0x380, v22;
	[tilespmem:$0x1500] =	vst v0  }
0x34d: {  	v26 =	vand.u32 $0x7F, v13;
	v0 =	vor.u32 v25, v24;
	v1 =	vld.idx.msk [tilespmem:v1+s1+$0x0], $0xffff  }
0x34e: {  	v0 =	vor.u32 v26, v0;
	_ =	sdelay $0x1  }
0x34f: {  	v31 =	vld [tilespmem:$0x1140];
	v27 =	vshll.u32 v23, $0x8;
	v28 =	vshll.u32 v21, $0x3  }
0x350: {  	v30 =	vshll.u32 v23, $0x7;
	v29 =	vld [tilespmem:$0x1340];
	v2 =	vand.u32 $0xFFFFF800, v27;
	v3 =	vand.u32 $0xFFFFFC00, v28  }
0x351: {  	v32 =	vadd.s32 v3, v2;
	v33 =	vand.u32 $0x380, v30;
	[tilespmem:$0x1510] =	vst v1  }
0x352: {  	v34 =	vand.u32 $0x7F, v21;
	v1 =	vor.u32 v33, v32;
	v0 =	vld.idx.msk [tilespmem:v0+s1+$0x0], $0xffff  }
0x353: {  	v1 =	vor.u32 v34, v1;
	_ =	sdelay $0x1  }
0x354: {  	v39 =	vld [tilespmem:$0x1150];
	v35 =	vshll.u32 v31, $0x8;
	v36 =	vshll.u32 v29, $0x3  }
0x355: {  	v38 =	vshll.u32 v31, $0x7;
	v37 =	vld [tilespmem:$0x1350];
	v2 =	vand.u32 $0xFFFFF800, v35;
	v3 =	vand.u32 $0xFFFFFC00, v36  }
0x356: {  	v40 =	vadd.s32 v3, v2;
	v41 =	vand.u32 $0x380, v38;
	[tilespmem:$0x1520] =	vst v0  }
0x357: {  	v42 =	vand.u32 $0x7F, v29;
	v0 =	vor.u32 v41, v40;
	v1 =	vld.idx.msk [tilespmem:v1+s1+$0x0], $0xffff  }
0x358: {  	v0 =	vor.u32 v42, v0;
	_ =	sdelay $0x1  }
0x359: {  	v47 =	vld [tilespmem:$0x1160];
	v43 =	vshll.u32 v39, $0x8;
	v44 =	vshll.u32 v37, $0x3  }
0x35a: {  	v46 =	vshll.u32 v39, $0x7;
	v45 =	vld [tilespmem:$0x1360];
	v2 =	vand.u32 $0xFFFFF800, v43;
	v3 =	vand.u32 $0xFFFFFC00, v44  }
0x35b: {  	v48 =	vadd.s32 v3, v2;
	v49 =	vand.u32 $0x380, v46;
	[tilespmem:$0x1530] =	vst v1  }
0x35c: {  	v50 =	vand.u32 $0x7F, v37;
	v1 =	vor.u32 v49, v48;
	v0 =	vld.idx.msk [tilespmem:v0+s1+$0x0], $0xffff  }
0x35d: {  	v1 =	vor.u32 v50, v1;
	_ =	sdelay $0x1  }
0x35e: {  	v55 =	vld [tilespmem:$0x1170];
	v51 =	vshll.u32 v47, $0x8;
	v52 =	vshll.u32 v45, $0x3  }
0x35f: {  	v54 =	vshll.u32 v47, $0x7;
	v53 =	vld [tilespmem:$0x1370];
	v2 =	vand.u32 $0xFFFFF800, v51;
	v3 =	vand.u32 $0xFFFFFC00, v52  }
0x360: {  	v56 =	vadd.s32 v3, v2;
	v57 =	vand.u32 $0x380, v54;
	[tilespmem:$0x1540] =	vst v0  }
0x361: {  	v58 =	vand.u32 $0x7F, v45;
	v0 =	vor.u32 v57, v56;
	v1 =	vld.idx.msk [tilespmem:v1+s1+$0x0], $0xffff  }
0x362: {  	v0 =	vor.u32 v58, v0;
	_ =	sdelay $0x1  }
0x363: {  	v63 =	vld [tilespmem:$0x1180];
	v59 =	vshll.u32 v55, $0x8;
	v60 =	vshll.u32 v53, $0x3  }
0x364: {  	v62 =	vshll.u32 v55, $0x7;
	v61 =	vld [tilespmem:$0x1380];
	v2 =	vand.u32 $0xFFFFF800, v59;
	v3 =	vand.u32 $0xFFFFFC00, v60  }
0x365: {  	v9 =	vadd.s32 v3, v2;
	v10 =	vand.u32 $0x380, v62;
	[tilespmem:$0x1550] =	vst v1  }
0x366: {  	v11 =	vand.u32 $0x7F, v53;
	v1 =	vor.u32 v10, v9;
	v0 =	vld.idx.msk [tilespmem:v0+s1+$0x0], $0xffff  }
0x367: {  	v1 =	vor.u32 v11, v1;
	_ =	sdelay $0x1  }
0x368: {  	v12 =	vshll.u32 v63, $0x8;
	v13 =	vshll.u32 v61, $0x3  }
0x369: {  	v14 =	vshll.u32 v63, $0x7;
	v2 =	vand.u32 $0xFFFFF800, v12;
	v3 =	vand.u32 $0xFFFFFC00, v13  }
0x36a: {  	v15 =	vadd.s32 v3, v2;
	v16 =	vand.u32 $0x380, v14;
	[tilespmem:$0x1560] =	vst v0  }
0x36b: {  	v17 =	vand.u32 $0x7F, v61;
	v0 =	vor.u32 v16, v15;
	v1 =	vld.idx.msk [tilespmem:v1+s1+$0x0], $0xffff  }
0x36c: {  	v0 =	vor.u32 v17, v0;
	_ =	sdelay $0x3  }
0x36d: {  	[tilespmem:$0x1570] =	vst v1  }
0x36e: {  	v0 =	vld.idx.msk [tilespmem:v0+s1+$0x0], $0xffff;
	_ =	sdelay $0x4  }
0x36f: {  	[tilespmem:$0x1580] =	vst v0  }
0x370: {  	[hbm4b:s19+s1] =	stream.linear.scatter [tilespmem:s20], [sflag:$0x1], $0x190, $0x38;
	[tilespmem:$0x1600] =	vst v63  }
0x371: {  	_ =	swait.ge [sflag:s29], $0x190  }
0x372: {  	[sflag:s29] =	ssyncset.done $0x0  }
0x373: {  	[sflag:s29] =	ssyncadd.s32 $0xFFFFFE70  }
0x374: {  	[tilespmem:s30], [sflag:$0x1] =	stream.linear.gather [hbm4b:s21+s1], $0x190, $0x38;
	[tilespmem:$0x1600] =	vst v63  }
0x375: {  	_ =	swait.ge [sflag:s29], $0x190  }
0x376: {  	[sflag:s29] =	ssyncset.done $0x0  }
0x377: {  	[sflag:s29] =	ssyncadd.s32 $0xFFFFFE70  }
0x378: {  	[tilespmem:s31], [sflag:$0x1] =	stream.linear.gather [hbm4b:s22+s1], $0x190, $0x38;
	[tilespmem:$0x1600] =	vst v63  }
0x379: {  	_ =	swait.ge [sflag:s29], $0x190  }
0x37a: {  	[sflag:s29] =	ssyncset.done $0x0  }
0x37b: {  	[sflag:s29] =	ssyncadd.s32 $0xFFFFFE70  }
0x37c: {  	v18 =	vld [tilespmem:$0x1200]  }
0x37d: {  	v19 =	vld [tilespmem:$0x1000];
	_ =	sdelay $0x4  }
0x37e: {  	v22 =	vld [tilespmem:$0x1210];
	v20 =	vshll.u32 v19, $0x8;
	v21 =	vshll.u32 v18, $0x3  }
0x37f: {  	v23 =	vld [tilespmem:$0x1010];
	v1 =	vshll.u32 v19, $0x7;
	v2 =	vand.u32 $0xFFFFF800, v20;
	v3 =	vand.u32 $0xFFFFFC00, v21  }
0x380: {  	v1 =	vand.u32 $0x380, v1;
	v2 =	vadd.s32 v3, v2  }
0x381: {  	v0 =	vand.u32 $0x7F, v18;
	v1 =	vor.u32 v1, v2  }
0x382: {  	v0 =	vor.u32 v0, v1;
	_ =	sdelay $0x1  }
0x383: {  	v26 =	vld [tilespmem:$0x1220];
	v24 =	vshll.u32 v23, $0x8;
	v25 =	vshll.u32 v22, $0x3  }
0x384: {  	v27 =	vld [tilespmem:$0x1020];
	v5 =	vshll.u32 v23, $0x7;
	v2 =	vand.u32 $0xFFFFFC00, v25;
	v1 =	vand.u32 $0xFFFFF800, v24  }
0x385: {  	v28 =	vand.u32 $0x380, v5;
	v1 =	vadd.s32 v2, v1  }
0x386: {  	v4 =	vand.u32 $0x7F, v22;
	v1 =	vor.u32 v28, v1;
	v0 =	vld.idx.msk [tilespmem:v0+s1+$0x0], $0xffff  }
0x387: {  	v1 =	vor.u32 v4, v1;
	_ =	sdelay $0x1  }
0x388: {  	v31 =	vld [tilespmem:$0x1230];
	v29 =	vshll.u32 v27, $0x8;
	v30 =	vshll.u32 v26, $0x3  }
0x389: {  	v32 =	vld [tilespmem:$0x1030];
	v6 =	vshll.u32 v27, $0x7;
	v2 =	vand.u32 $0xFFFFF800, v29;
	v4 =	vand.u32 $0xFFFFFC00, v30  }
0x38a: {  	v34 =	vand.u32 $0x380, v6;
	v33 =	vadd.s32 v4, v2;
	[tilespmem:$0x1400] =	vst v0  }
0x38b: {  	v3 =	vand.u32 $0x7F, v26;
	v0 =	vor.u32 v34, v33;
	v1 =	vld.idx.msk [tilespmem:v1+s1+$0x0], $0xffff  }
0x38c: {  	v0 =	vor.u32 v3, v0;
	_ =	sdelay $0x1  }
0x38d: {  	v37 =	vld [tilespmem:$0x1240];
	v35 =	vshll.u32 v32, $0x8;
	v36 =	vshll.u32 v31, $0x3  }
0x38e: {  	v39 =	vld [tilespmem:$0x1040];
	v38 =	vshll.u32 v32, $0x7;
	v2 =	vand.u32 $0xFFFFF800, v35;
	v3 =	vand.u32 $0xFFFFFC00, v36  }
0x38f: {  	v41 =	vand.u32 $0x380, v38;
	v40 =	vadd.s32 v3, v2;
	[tilespmem:$0x1410] =	vst v1  }
0x390: {  	v42 =	vand.u32 $0x7F, v31;
	v1 =	vor.u32 v41, v40;
	v0 =	vld.idx.msk [tilespmem:v0+s1+$0x0], $0xffff  }
0x391: {  	v1 =	vor.u32 v42, v1;
	_ =	sdelay $0x1  }
0x392: {  	v45 =	vld [tilespmem:$0x1250];
	v43 =	vshll.u32 v39, $0x8;
	v44 =	vshll.u32 v37, $0x3  }
0x393: {  	v47 =	vld [tilespmem:$0x1050];
	v46 =	vshll.u32 v39, $0x7;
	v2 =	vand.u32 $0xFFFFF800, v43;
	v3 =	vand.u32 $0xFFFFFC00, v44  }
0x394: {  	v49 =	vand.u32 $0x380, v46;
	v48 =	vadd.s32 v3, v2;
	[tilespmem:$0x1420] =	vst v0  }
0x395: {  	v50 =	vand.u32 $0x7F, v37;
	v0 =	vor.u32 v49, v48;
	v1 =	vld.idx.msk [tilespmem:v1+s1+$0x0], $0xffff  }
0x396: {  	v0 =	vor.u32 v50, v0;
	_ =	sdelay $0x1  }
0x397: {  	v53 =	vld [tilespmem:$0x1260];
	v51 =	vshll.u32 v47, $0x8;
	v52 =	vshll.u32 v45, $0x3  }
0x398: {  	v55 =	vld [tilespmem:$0x1060];
	v54 =	vshll.u32 v47, $0x7;
	v2 =	vand.u32 $0xFFFFF800, v51;
	v3 =	vand.u32 $0xFFFFFC00, v52  }
0x399: {  	v57 =	vand.u32 $0x380, v54;
	v56 =	vadd.s32 v3, v2;
	[tilespmem:$0x1430] =	vst v1  }
0x39a: {  	v58 =	vand.u32 $0x7F, v45;
	v1 =	vor.u32 v57, v56;
	v0 =	vld.idx.msk [tilespmem:v0+s1+$0x0], $0xffff  }
0x39b: {  	v1 =	vor.u32 v58, v1;
	_ =	sdelay $0x1  }
0x39c: {  	v61 =	vld [tilespmem:$0x1270];
	v59 =	vshll.u32 v55, $0x8;
	v60 =	vshll.u32 v53, $0x3  }
0x39d: {  	v63 =	vld [tilespmem:$0x1070];
	v62 =	vshll.u32 v55, $0x7;
	v2 =	vand.u32 $0xFFFFF800, v59;
	v3 =	vand.u32 $0xFFFFFC00, v60  }
0x39e: {  	v9 =	vand.u32 $0x380, v62;
	v8 =	vadd.s32 v3, v2;
	[tilespmem:$0x1440] =	vst v0  }
0x39f: {  	v10 =	vand.u32 $0x7F, v53;
	v0 =	vor.u32 v9, v8;
	v1 =	vld.idx.msk [tilespmem:v1+s1+$0x0], $0xffff  }
0x3a0: {  	v0 =	vor.u32 v10, v0;
	_ =	sdelay $0x1  }
0x3a1: {  	v13 =	vld [tilespmem:$0x1280];
	v11 =	vshll.u32 v63, $0x8;
	v12 =	vshll.u32 v61, $0x3  }
0x3a2: {  	v15 =	vld [tilespmem:$0x1080];
	v14 =	vshll.u32 v63, $0x7;
	v2 =	vand.u32 $0xFFFFF800, v11;
	v3 =	vand.u32 $0xFFFFFC00, v12  }
0x3a3: {  	v17 =	vand.u32 $0x380, v14;
	v16 =	vadd.s32 v3, v2;
	[tilespmem:$0x1450] =	vst v1  }
0x3a4: {  	v18 =	vand.u32 $0x7F, v61;
	v1 =	vor.u32 v17, v16;
	v0 =	vld.idx.msk [tilespmem:v0+s1+$0x0], $0xffff  }
0x3a5: {  	v1 =	vor.u32 v18, v1;
	_ =	sdelay $0x1  }
0x3a6: {  	v19 =	vshll.u32 v15, $0x8;
	v23 =	vld [tilespmem:$0x1090];
	v20 =	vshll.u32 v13, $0x3  }
0x3a7: {  	v22 =	vshll.u32 v15, $0x7;
	v21 =	vld [tilespmem:$0x1290];
	v2 =	vand.u32 $0xFFFFF800, v19;
	v3 =	vand.u32 $0xFFFFFC00, v20  }
0x3a8: {  	v25 =	vand.u32 $0x380, v22;
	v24 =	vadd.s32 v3, v2;
	[tilespmem:$0x1460] =	vst v0  }
0x3a9: {  	v26 =	vand.u32 $0x7F, v13;
	v0 =	vor.u32 v25, v24;
	v1 =	vld.idx.msk [tilespmem:v1+s1+$0x0], $0xffff  }
0x3aa: {  	v0 =	vor.u32 v26, v0;
	_ =	sdelay $0x1  }
0x3ab: {  	v31 =	vld [tilespmem:$0x10A0];
	v27 =	vshll.u32 v23, $0x8;
	v28 =	vshll.u32 v21, $0x3  }
0x3ac: {  	v29 =	vld [tilespmem:$0x12A0];
	v30 =	vshll.u32 v23, $0x7;
	v2 =	vand.u32 $0xFFFFF800, v27;
	v3 =	vand.u32 $0xFFFFFC00, v28  }
0x3ad: {  	v33 =	vand.u32 $0x380, v30;
	v32 =	vadd.s32 v3, v2;
	[tilespmem:$0x1470] =	vst v1  }
0x3ae: {  	v34 =	vand.u32 $0x7F, v21;
	v1 =	vor.u32 v33, v32;
	v0 =	vld.idx.msk [tilespmem:v0+s1+$0x0], $0xffff  }
0x3af: {  	v1 =	vor.u32 v34, v1;
	_ =	sdelay $0x1  }
0x3b0: {  	v37 =	vld [tilespmem:$0x12B0];
	v35 =	vshll.u32 v31, $0x8;
	v36 =	vshll.u32 v29, $0x3  }
0x3b1: {  	v39 =	vld [tilespmem:$0x10B0];
	v38 =	vshll.u32 v31, $0x7;
	v2 =	vand.u32 $0xFFFFF800, v35;
	v3 =	vand.u32 $0xFFFFFC00, v36  }
0x3b2: {  	v41 =	vand.u32 $0x380, v38;
	v40 =	vadd.s32 v3, v2;
	[tilespmem:$0x1480] =	vst v0  }
0x3b3: {  	v42 =	vand.u32 $0x7F, v29;
	v0 =	vor.u32 v41, v40;
	v1 =	vld.idx.msk [tilespmem:v1+s1+$0x0], $0xffff  }
0x3b4: {  	v0 =	vor.u32 v42, v0;
	_ =	sdelay $0x1  }
0x3b5: {  	v45 =	vld [tilespmem:$0x12C0];
	v43 =	vshll.u32 v39, $0x8;
	v44 =	vshll.u32 v37, $0x3  }
0x3b6: {  	v47 =	vld [tilespmem:$0x10C0];
	v46 =	vshll.u32 v39, $0x7;
	v2 =	vand.u32 $0xFFFFF800, v43;
	v3 =	vand.u32 $0xFFFFFC00, v44  }
0x3b7: {  	v48 =	vadd.s32 v3, v2;
	v49 =	vand.u32 $0x380, v46;
	[tilespmem:$0x1490] =	vst v1  }
0x3b8: {  	v50 =	vand.u32 $0x7F, v37;
	v1 =	vor.u32 v49, v48;
	v0 =	vld.idx.msk [tilespmem:v0+s1+$0x0], $0xffff  }
0x3b9: {  	v1 =	vor.u32 v50, v1;
	_ =	sdelay $0x1  }
0x3ba: {  	v53 =	vld [tilespmem:$0x12D0];
	v51 =	vshll.u32 v47, $0x8;
	v52 =	vshll.u32 v45, $0x3  }
0x3bb: {  	v55 =	vld [tilespmem:$0x10D0];
	v54 =	vshll.u32 v47, $0x7;
	v2 =	vand.u32 $0xFFFFF800, v51;
	v3 =	vand.u32 $0xFFFFFC00, v52  }
0x3bc: {  	v56 =	vadd.s32 v3, v2;
	v57 =	vand.u32 $0x380, v54;
	[tilespmem:$0x14A0] =	vst v0  }
0x3bd: {  	v58 =	vand.u32 $0x7F, v45;
	v0 =	vor.u32 v57, v56;
	v1 =	vld.idx.msk [tilespmem:v1+s1+$0x0], $0xffff  }
0x3be: {  	v0 =	vor.u32 v58, v0;
	_ =	sdelay $0x1  }
0x3bf: {  	v61 =	vld [tilespmem:$0x12E0];
	v59 =	vshll.u32 v55, $0x8;
	v60 =	vshll.u32 v53, $0x3  }
0x3c0: {  	v63 =	vld [tilespmem:$0x10E0];
	v62 =	vshll.u32 v55, $0x7;
	v2 =	vand.u32 $0xFFFFF800, v59;
	v3 =	vand.u32 $0xFFFFFC00, v60  }
0x3c1: {  	v8 =	vadd.s32 v3, v2;
	v9 =	vand.u32 $0x380, v62;
	[tilespmem:$0x14B0] =	vst v1  }
0x3c2: {  	v10 =	vand.u32 $0x7F, v53;
	v1 =	vor.u32 v9, v8;
	v0 =	vld.idx.msk [tilespmem:v0+s1+$0x0], $0xffff  }
0x3c3: {  	v1 =	vor.u32 v10, v1;
	_ =	sdelay $0x1  }
0x3c4: {  	v15 =	vld [tilespmem:$0x10F0];
	v11 =	vshll.u32 v63, $0x8;
	v12 =	vshll.u32 v61, $0x3  }
0x3c5: {  	v13 =	vld [tilespmem:$0x12F0];
	v14 =	vshll.u32 v63, $0x7;
	v2 =	vand.u32 $0xFFFFF800, v11;
	v3 =	vand.u32 $0xFFFFFC00, v12  }
0x3c6: {  	v16 =	vadd.s32 v3, v2;
	v17 =	vand.u32 $0x380, v14;
	[tilespmem:$0x14C0] =	vst v0  }
0x3c7: {  	v18 =	vand.u32 $0x7F, v61;
	v0 =	vor.u32 v17, v16;
	v1 =	vld.idx.msk [tilespmem:v1+s1+$0x0], $0xffff  }
0x3c8: {  	v0 =	vor.u32 v18, v0;
	_ =	sdelay $0x1  }
0x3c9: {  	v23 =	vld [tilespmem:$0x1100];
	v19 =	vshll.u32 v15, $0x8;
	v20 =	vshll.u32 v13, $0x3  }
0x3ca: {  	v22 =	vshll.u32 v15, $0x7;
	v21 =	vld [tilespmem:$0x1300];
	v2 =	vand.u32 $0xFFFFF800, v19;
	v3 =	vand.u32 $0xFFFFFC00, v20  }
0x3cb: {  	v24 =	vadd.s32 v3, v2;
	v25 =	vand.u32 $0x380, v22;
	[tilespmem:$0x14D0] =	vst v1  }
0x3cc: {  	v26 =	vand.u32 $0x7F, v13;
	v1 =	vor.u32 v25, v24;
	v0 =	vld.idx.msk [tilespmem:v0+s1+$0x0], $0xffff  }
0x3cd: {  	v1 =	vor.u32 v26, v1;
	_ =	sdelay $0x1  }
0x3ce: {  	v31 =	vld [tilespmem:$0x1110];
	v27 =	vshll.u32 v23, $0x8;
	v28 =	vshll.u32 v21, $0x3  }
0x3cf: {  	v30 =	vshll.u32 v23, $0x7;
	v29 =	vld [tilespmem:$0x1310];
	v2 =	vand.u32 $0xFFFFF800, v27;
	v3 =	vand.u32 $0xFFFFFC00, v28  }
0x3d0: {  	v32 =	vadd.s32 v3, v2;
	v33 =	vand.u32 $0x380, v30;
	[tilespmem:$0x14E0] =	vst v0  }
0x3d1: {  	v34 =	vand.u32 $0x7F, v21;
	v0 =	vor.u32 v33, v32;
	v1 =	vld.idx.msk [tilespmem:v1+s1+$0x0], $0xffff  }
0x3d2: {  	v0 =	vor.u32 v34, v0;
	_ =	sdelay $0x1  }
0x3d3: {  	v39 =	vld [tilespmem:$0x1120];
	v35 =	vshll.u32 v31, $0x8;
	v36 =	vshll.u32 v29, $0x3  }
0x3d4: {  	v38 =	vshll.u32 v31, $0x7;
	v37 =	vld [tilespmem:$0x1320];
	v2 =	vand.u32 $0xFFFFF800, v35;
	v3 =	vand.u32 $0xFFFFFC00, v36  }
0x3d5: {  	v40 =	vadd.s32 v3, v2;
	v41 =	vand.u32 $0x380, v38;
	[tilespmem:$0x14F0] =	vst v1  }
0x3d6: {  	v42 =	vand.u32 $0x7F, v29;
	v1 =	vor.u32 v41, v40;
	v0 =	vld.idx.msk [tilespmem:v0+s1+$0x0], $0xffff  }
0x3d7: {  	v1 =	vor.u32 v42, v1;
	_ =	sdelay $0x1  }
0x3d8: {  	v47 =	vld [tilespmem:$0x1130];
	v43 =	vshll.u32 v39, $0x8;
	v44 =	vshll.u32 v37, $0x3  }
0x3d9: {  	v46 =	vshll.u32 v39, $0x7;
	v45 =	vld [tilespmem:$0x1330];
	v2 =	vand.u32 $0xFFFFF800, v43;
	v3 =	vand.u32 $0xFFFFFC00, v44  }
0x3da: {  	v48 =	vadd.s32 v3, v2;
	v49 =	vand.u32 $0x380, v46;
	[tilespmem:$0x1500] =	vst v0  }
0x3db: {  	v50 =	vand.u32 $0x7F, v37;
	v0 =	vor.u32 v49, v48;
	v1 =	vld.idx.msk [tilespmem:v1+s1+$0x0], $0xffff  }
0x3dc: {  	v0 =	vor.u32 v50, v0;
	_ =	sdelay $0x1  }
0x3dd: {  	v55 =	vld [tilespmem:$0x1140];
	v51 =	vshll.u32 v47, $0x8;
	v52 =	vshll.u32 v45, $0x3  }
0x3de: {  	v54 =	vshll.u32 v47, $0x7;
	v53 =	vld [tilespmem:$0x1340];
	v2 =	vand.u32 $0xFFFFF800, v51;
	v3 =	vand.u32 $0xFFFFFC00, v52  }
0x3df: {  	v56 =	vadd.s32 v3, v2;
	v57 =	vand.u32 $0x380, v54;
	[tilespmem:$0x1510] =	vst v1  }
0x3e0: {  	v58 =	vand.u32 $0x7F, v45;
	v1 =	vor.u32 v57, v56;
	v0 =	vld.idx.msk [tilespmem:v0+s1+$0x0], $0xffff  }
0x3e1: {  	v1 =	vor.u32 v58, v1;
	_ =	sdelay $0x1  }
0x3e2: {  	v63 =	vld [tilespmem:$0x1150];
	v59 =	vshll.u32 v55, $0x8;
	v60 =	vshll.u32 v53, $0x3  }
0x3e3: {  	v62 =	vshll.u32 v55, $0x7;
	v61 =	vld [tilespmem:$0x1350];
	v2 =	vand.u32 $0xFFFFF800, v59;
	v3 =	vand.u32 $0xFFFFFC00, v60  }
0x3e4: {  	v8 =	vadd.s32 v3, v2;
	v9 =	vand.u32 $0x380, v62;
	[tilespmem:$0x1520] =	vst v0  }
0x3e5: {  	v10 =	vand.u32 $0x7F, v53;
	v0 =	vor.u32 v9, v8;
	v1 =	vld.idx.msk [tilespmem:v1+s1+$0x0], $0xffff  }
0x3e6: {  	v0 =	vor.u32 v10, v0;
	_ =	sdelay $0x1  }
0x3e7: {  	v15 =	vld [tilespmem:$0x1160];
	v11 =	vshll.u32 v63, $0x8;
	v12 =	vshll.u32 v61, $0x3  }
0x3e8: {  	v14 =	vshll.u32 v63, $0x7;
	v13 =	vld [tilespmem:$0x1360];
	v2 =	vand.u32 $0xFFFFF800, v11;
	v3 =	vand.u32 $0xFFFFFC00, v12  }
0x3e9: {  	v16 =	vadd.s32 v3, v2;
	v17 =	vand.u32 $0x380, v14;
	[tilespmem:$0x1530] =	vst v1  }
0x3ea: {  	v18 =	vand.u32 $0x7F, v61;
	v1 =	vor.u32 v17, v16;
	v0 =	vld.idx.msk [tilespmem:v0+s1+$0x0], $0xffff  }
0x3eb: {  	v1 =	vor.u32 v18, v1;
	_ =	sdelay $0x1  }
0x3ec: {  	v23 =	vld [tilespmem:$0x1170];
	v19 =	vshll.u32 v15, $0x8;
	v20 =	vshll.u32 v13, $0x3  }
0x3ed: {  	v22 =	vshll.u32 v15, $0x7;
	v21 =	vld [tilespmem:$0x1370];
	v2 =	vand.u32 $0xFFFFF800, v19;
	v3 =	vand.u32 $0xFFFFFC00, v20  }
0x3ee: {  	v24 =	vadd.s32 v3, v2;
	v25 =	vand.u32 $0x380, v22;
	[tilespmem:$0x1540] =	vst v0  }
0x3ef: {  	v26 =	vand.u32 $0x7F, v13;
	v0 =	vor.u32 v25, v24;
	v1 =	vld.idx.msk [tilespmem:v1+s1+$0x0], $0xffff  }
0x3f0: {  	v0 =	vor.u32 v26, v0;
	_ =	sdelay $0x1  }
0x3f1: {  	v31 =	vld [tilespmem:$0x1180];
	v27 =	vshll.u32 v23, $0x8;
	v28 =	vshll.u32 v21, $0x3  }
0x3f2: {  	v30 =	vshll.u32 v23, $0x7;
	v29 =	vld [tilespmem:$0x1380];
	v2 =	vand.u32 $0xFFFFF800, v27;
	v3 =	vand.u32 $0xFFFFFC00, v28  }
0x3f3: {  	v32 =	vadd.s32 v3, v2;
	v33 =	vand.u32 $0x380, v30;
	[tilespmem:$0x1550] =	vst v1  }
0x3f4: {  	v34 =	vand.u32 $0x7F, v21;
	v1 =	vor.u32 v33, v32;
	v0 =	vld.idx.msk [tilespmem:v0+s1+$0x0], $0xffff  }
0x3f5: {  	v1 =	vor.u32 v34, v1;
	_ =	sdelay $0x1  }
0x3f6: {  	v35 =	vshll.u32 v31, $0x8;
	v36 =	vshll.u32 v29, $0x3  }
0x3f7: {  	v37 =	vshll.u32 v31, $0x7;
	v2 =	vand.u32 $0xFFFFF800, v35;
	v3 =	vand.u32 $0xFFFFFC00, v36  }
0x3f8: {  	v39 =	vand.u32 $0x380, v37;
	v38 =	vadd.s32 v3, v2;
	[tilespmem:$0x1560] =	vst v0  }
0x3f9: {  	v40 =	vand.u32 $0x7F, v29;
	v0 =	vor.u32 v39, v38;
	v1 =	vld.idx.msk [tilespmem:v1+s1+$0x0], $0xffff  }
0x3fa: {  	v0 =	vor.u32 v40, v0;
	_ =	sdelay $0x3  }
0x3fb: {  	[tilespmem:$0x1570] =	vst v1  }
0x3fc: {  	v0 =	vld.idx.msk [tilespmem:v0+s1+$0x0], $0xffff;
	_ =	sdelay $0x4  }
0x3fd: {  	[tilespmem:$0x1580] =	vst v0  }
0x3fe: {  	[hbm4b:s23+s1] =	stream.linear.scatter [tilespmem:s20], [sflag:$0x1], $0x190, $0x38;
	[tilespmem:$0x1600] =	vst v63  }
0x3ff: {  	_ =	swait.ge [sflag:s29], $0x190  }
0x400: {  	[sflag:s29] =	ssyncset.done $0x0  }
0x401: {  	[sflag:s29] =	ssyncadd.s32 $0xFFFFFE70  }
0x402: {  	[tilespmem:s30], [sflag:$0x1] =	stream.linear.gather [hbm4b:s24+s1], $0x190, $0x38;
	[tilespmem:$0x1600] =	vst v63  }
0x403: {  	_ =	swait.ge [sflag:s29], $0x190  }
0x404: {  	[sflag:s29] =	ssyncset.done $0x0  }
0x405: {  	[sflag:s29] =	ssyncadd.s32 $0xFFFFFE70  }
0x406: {  	[tilespmem:s31], [sflag:$0x1] =	stream.linear.gather [hbm4b:s25+s1], $0x190, $0x38;
	[tilespmem:$0x1600] =	vst v63  }
0x407: {  	_ =	swait.ge [sflag:s29], $0x190  }
0x408: {  	[sflag:s29] =	ssyncset.done $0x0  }
0x409: {  	[sflag:s29] =	ssyncadd.s32 $0xFFFFFE70  }
0x40a: {  	v41 =	vld [tilespmem:$0x1200]  }
0x40b: {  	v42 =	vld [tilespmem:$0x1000];
	_ =	sdelay $0x4  }
0x40c: {  	v45 =	vld [tilespmem:$0x1210];
	v43 =	vshll.u32 v42, $0x8;
	v44 =	vshll.u32 v41, $0x3  }
0x40d: {  	v46 =	vld [tilespmem:$0x1010];
	v1 =	vshll.u32 v42, $0x7;
	v2 =	vand.u32 $0xFFFFF800, v43;
	v3 =	vand.u32 $0xFFFFFC00, v44  }
0x40e: {  	v1 =	vand.u32 $0x380, v1;
	v2 =	vadd.s32 v3, v2  }
0x40f: {  	v0 =	vand.u32 $0x7F, v41;
	v1 =	vor.u32 v1, v2  }
0x410: {  	v0 =	vor.u32 v0, v1;
	_ =	sdelay $0x1  }
0x411: {  	v49 =	vld [tilespmem:$0x1220];
	v47 =	vshll.u32 v46, $0x8;
	v48 =	vshll.u32 v45, $0x3  }
0x412: {  	v50 =	vld [tilespmem:$0x1020];
	v5 =	vshll.u32 v46, $0x7;
	v2 =	vand.u32 $0xFFFFFC00, v48;
	v1 =	vand.u32 $0xFFFFF800, v47  }
0x413: {  	v51 =	vand.u32 $0x380, v5;
	v1 =	vadd.s32 v2, v1  }
0x414: {  	v4 =	vand.u32 $0x7F, v45;
	v1 =	vor.u32 v51, v1;
	v0 =	vld.idx.msk [tilespmem:v0+s1+$0x0], $0xffff  }
0x415: {  	v1 =	vor.u32 v4, v1;
	_ =	sdelay $0x1  }
0x416: {  	v54 =	vld [tilespmem:$0x1230];
	v52 =	vshll.u32 v50, $0x8;
	v53 =	vshll.u32 v49, $0x3  }
0x417: {  	v55 =	vld [tilespmem:$0x1030];
	v6 =	vshll.u32 v50, $0x7;
	v2 =	vand.u32 $0xFFFFF800, v52;
	v4 =	vand.u32 $0xFFFFFC00, v53  }
0x418: {  	v57 =	vand.u32 $0x380, v6;
	v56 =	vadd.s32 v4, v2;
	[tilespmem:$0x1400] =	vst v0  }
0x419: {  	v3 =	vand.u32 $0x7F, v49;
	v0 =	vor.u32 v57, v56;
	v1 =	vld.idx.msk [tilespmem:v1+s1+$0x0], $0xffff  }
0x41a: {  	v0 =	vor.u32 v3, v0;
	_ =	sdelay $0x1  }
0x41b: {  	v60 =	vld [tilespmem:$0x1240];
	v58 =	vshll.u32 v55, $0x8;
	v59 =	vshll.u32 v54, $0x3  }
0x41c: {  	v62 =	vld [tilespmem:$0x1040];
	v61 =	vshll.u32 v55, $0x7;
	v2 =	vand.u32 $0xFFFFF800, v58;
	v3 =	vand.u32 $0xFFFFFC00, v59  }
0x41d: {  	v8 =	vand.u32 $0x380, v61;
	v63 =	vadd.s32 v3, v2;
	[tilespmem:$0x1410] =	vst v1  }
0x41e: {  	v9 =	vand.u32 $0x7F, v54;
	v1 =	vor.u32 v8, v63;
	v0 =	vld.idx.msk [tilespmem:v0+s1+$0x0], $0xffff  }
0x41f: {  	v1 =	vor.u32 v9, v1;
	_ =	sdelay $0x1  }
0x420: {  	v12 =	vld [tilespmem:$0x1250];
	v10 =	vshll.u32 v62, $0x8;
	v11 =	vshll.u32 v60, $0x3  }
0x421: {  	v14 =	vld [tilespmem:$0x1050];
	v13 =	vshll.u32 v62, $0x7;
	v2 =	vand.u32 $0xFFFFF800, v10;
	v3 =	vand.u32 $0xFFFFFC00, v11  }
0x422: {  	v16 =	vand.u32 $0x380, v13;
	v15 =	vadd.s32 v3, v2;
	[tilespmem:$0x1420] =	vst v0  }
0x423: {  	v17 =	vand.u32 $0x7F, v60;
	v0 =	vor.u32 v16, v15;
	v1 =	vld.idx.msk [tilespmem:v1+s1+$0x0], $0xffff  }
0x424: {  	v0 =	vor.u32 v17, v0;
	_ =	sdelay $0x1  }
0x425: {  	v20 =	vld [tilespmem:$0x1260];
	v18 =	vshll.u32 v14, $0x8;
	v19 =	vshll.u32 v12, $0x3  }
0x426: {  	v22 =	vld [tilespmem:$0x1060];
	v21 =	vshll.u32 v14, $0x7;
	v2 =	vand.u32 $0xFFFFF800, v18;
	v3 =	vand.u32 $0xFFFFFC00, v19  }
0x427: {  	v24 =	vand.u32 $0x380, v21;
	v23 =	vadd.s32 v3, v2;
	[tilespmem:$0x1430] =	vst v1  }
0x428: {  	v25 =	vand.u32 $0x7F, v12;
	v1 =	vor.u32 v24, v23;
	v0 =	vld.idx.msk [tilespmem:v0+s1+$0x0], $0xffff  }
0x429: {  	v1 =	vor.u32 v25, v1;
	_ =	sdelay $0x1  }
0x42a: {  	v28 =	vld [tilespmem:$0x1270];
	v26 =	vshll.u32 v22, $0x8;
	v27 =	vshll.u32 v20, $0x3  }
0x42b: {  	v30 =	vld [tilespmem:$0x1070];
	v29 =	vshll.u32 v22, $0x7;
	v2 =	vand.u32 $0xFFFFF800, v26;
	v3 =	vand.u32 $0xFFFFFC00, v27  }
0x42c: {  	v32 =	vand.u32 $0x380, v29;
	v31 =	vadd.s32 v3, v2;
	[tilespmem:$0x1440] =	vst v0  }
0x42d: {  	v33 =	vand.u32 $0x7F, v20;
	v0 =	vor.u32 v32, v31;
	v1 =	vld.idx.msk [tilespmem:v1+s1+$0x0], $0xffff  }
0x42e: {  	v0 =	vor.u32 v33, v0;
	_ =	sdelay $0x1  }
0x42f: {  	v36 =	vld [tilespmem:$0x1280];
	v34 =	vshll.u32 v30, $0x8;
	v35 =	vshll.u32 v28, $0x3  }
0x430: {  	v38 =	vld [tilespmem:$0x1080];
	v37 =	vshll.u32 v30, $0x7;
	v2 =	vand.u32 $0xFFFFF800, v34;
	v3 =	vand.u32 $0xFFFFFC00, v35  }
0x431: {  	v40 =	vand.u32 $0x380, v37;
	v39 =	vadd.s32 v3, v2;
	[tilespmem:$0x1450] =	vst v1  }
0x432: {  	v41 =	vand.u32 $0x7F, v28;
	v1 =	vor.u32 v40, v39;
	v0 =	vld.idx.msk [tilespmem:v0+s1+$0x0], $0xffff  }
0x433: {  	v1 =	vor.u32 v41, v1;
	_ =	sdelay $0x1  }
0x434: {  	v42 =	vshll.u32 v38, $0x8;
	v46 =	vld [tilespmem:$0x1090];
	v43 =	vshll.u32 v36, $0x3  }
0x435: {  	v45 =	vshll.u32 v38, $0x7;
	v44 =	vld [tilespmem:$0x1290];
	v2 =	vand.u32 $0xFFFFF800, v42;
	v3 =	vand.u32 $0xFFFFFC00, v43  }
0x436: {  	v48 =	vand.u32 $0x380, v45;
	v47 =	vadd.s32 v3, v2;
	[tilespmem:$0x1460] =	vst v0  }
0x437: {  	v49 =	vand.u32 $0x7F, v36;
	v0 =	vor.u32 v48, v47;
	v1 =	vld.idx.msk [tilespmem:v1+s1+$0x0], $0xffff  }
0x438: {  	v0 =	vor.u32 v49, v0;
	_ =	sdelay $0x1  }
0x439: {  	v54 =	vld [tilespmem:$0x10A0];
	v50 =	vshll.u32 v46, $0x8;
	v51 =	vshll.u32 v44, $0x3  }
0x43a: {  	v52 =	vld [tilespmem:$0x12A0];
	v53 =	vshll.u32 v46, $0x7;
	v2 =	vand.u32 $0xFFFFF800, v50;
	v3 =	vand.u32 $0xFFFFFC00, v51  }
0x43b: {  	v56 =	vand.u32 $0x380, v53;
	v55 =	vadd.s32 v3, v2;
	[tilespmem:$0x1470] =	vst v1  }
0x43c: {  	v57 =	vand.u32 $0x7F, v44;
	v1 =	vor.u32 v56, v55;
	v0 =	vld.idx.msk [tilespmem:v0+s1+$0x0], $0xffff  }
0x43d: {  	v1 =	vor.u32 v57, v1;
	_ =	sdelay $0x1  }
0x43e: {  	v60 =	vld [tilespmem:$0x12B0];
	v58 =	vshll.u32 v54, $0x8;
	v59 =	vshll.u32 v52, $0x3  }
0x43f: {  	v62 =	vld [tilespmem:$0x10B0];
	v61 =	vshll.u32 v54, $0x7;
	v2 =	vand.u32 $0xFFFFF800, v58;
	v3 =	vand.u32 $0xFFFFFC00, v59  }
0x440: {  	v8 =	vand.u32 $0x380, v61;
	v63 =	vadd.s32 v3, v2;
	[tilespmem:$0x1480] =	vst v0  }
0x441: {  	v9 =	vand.u32 $0x7F, v52;
	v0 =	vor.u32 v8, v63;
	v1 =	vld.idx.msk [tilespmem:v1+s1+$0x0], $0xffff  }
0x442: {  	v0 =	vor.u32 v9, v0;
	_ =	sdelay $0x1  }
0x443: {  	v12 =	vld [tilespmem:$0x12C0];
	v10 =	vshll.u32 v62, $0x8;
	v11 =	vshll.u32 v60, $0x3  }
0x444: {  	v14 =	vld [tilespmem:$0x10C0];
	v13 =	vshll.u32 v62, $0x7;
	v2 =	vand.u32 $0xFFFFF800, v10;
	v3 =	vand.u32 $0xFFFFFC00, v11  }
0x445: {  	v15 =	vadd.s32 v3, v2;
	v16 =	vand.u32 $0x380, v13;
	[tilespmem:$0x1490] =	vst v1  }
0x446: {  	v17 =	vand.u32 $0x7F, v60;
	v1 =	vor.u32 v16, v15;
	v0 =	vld.idx.msk [tilespmem:v0+s1+$0x0], $0xffff  }
0x447: {  	v1 =	vor.u32 v17, v1;
	_ =	sdelay $0x1  }
0x448: {  	v20 =	vld [tilespmem:$0x12D0];
	v18 =	vshll.u32 v14, $0x8;
	v19 =	vshll.u32 v12, $0x3  }
0x449: {  	v22 =	vld [tilespmem:$0x10D0];
	v21 =	vshll.u32 v14, $0x7;
	v2 =	vand.u32 $0xFFFFF800, v18;
	v3 =	vand.u32 $0xFFFFFC00, v19  }
0x44a: {  	v23 =	vadd.s32 v3, v2;
	v24 =	vand.u32 $0x380, v21;
	[tilespmem:$0x14A0] =	vst v0  }
0x44b: {  	v25 =	vand.u32 $0x7F, v12;
	v0 =	vor.u32 v24, v23;
	v1 =	vld.idx.msk [tilespmem:v1+s1+$0x0], $0xffff  }
0x44c: {  	v0 =	vor.u32 v25, v0;
	_ =	sdelay $0x1  }
0x44d: {  	v28 =	vld [tilespmem:$0x12E0];
	v26 =	vshll.u32 v22, $0x8;
	v27 =	vshll.u32 v20, $0x3  }
0x44e: {  	v30 =	vld [tilespmem:$0x10E0];
	v29 =	vshll.u32 v22, $0x7;
	v2 =	vand.u32 $0xFFFFF800, v26;
	v3 =	vand.u32 $0xFFFFFC00, v27  }
0x44f: {  	v31 =	vadd.s32 v3, v2;
	v32 =	vand.u32 $0x380, v29;
	[tilespmem:$0x14B0] =	vst v1  }
0x450: {  	v33 =	vand.u32 $0x7F, v20;
	v1 =	vor.u32 v32, v31;
	v0 =	vld.idx.msk [tilespmem:v0+s1+$0x0], $0xffff  }
0x451: {  	v1 =	vor.u32 v33, v1;
	_ =	sdelay $0x1  }
0x452: {  	v38 =	vld [tilespmem:$0x10F0];
	v34 =	vshll.u32 v30, $0x8;
	v35 =	vshll.u32 v28, $0x3  }
0x453: {  	v36 =	vld [tilespmem:$0x12F0];
	v37 =	vshll.u32 v30, $0x7;
	v2 =	vand.u32 $0xFFFFF800, v34;
	v3 =	vand.u32 $0xFFFFFC00, v35  }
0x454: {  	v39 =	vadd.s32 v3, v2;
	v40 =	vand.u32 $0x380, v37;
	[tilespmem:$0x14C0] =	vst v0  }
0x455: {  	v41 =	vand.u32 $0x7F, v28;
	v0 =	vor.u32 v40, v39;
	v1 =	vld.idx.msk [tilespmem:v1+s1+$0x0], $0xffff  }
0x456: {  	v0 =	vor.u32 v41, v0;
	_ =	sdelay $0x1  }
0x457: {  	v46 =	vld [tilespmem:$0x1100];
	v42 =	vshll.u32 v38, $0x8;
	v43 =	vshll.u32 v36, $0x3  }
0x458: {  	v45 =	vshll.u32 v38, $0x7;
	v44 =	vld [tilespmem:$0x1300];
	v2 =	vand.u32 $0xFFFFF800, v42;
	v3 =	vand.u32 $0xFFFFFC00, v43  }
0x459: {  	v47 =	vadd.s32 v3, v2;
	v48 =	vand.u32 $0x380, v45;
	[tilespmem:$0x14D0] =	vst v1  }
0x45a: {  	v49 =	vand.u32 $0x7F, v36;
	v1 =	vor.u32 v48, v47;
	v0 =	vld.idx.msk [tilespmem:v0+s1+$0x0], $0xffff  }
0x45b: {  	v1 =	vor.u32 v49, v1;
	_ =	sdelay $0x1  }
0x45c: {  	v54 =	vld [tilespmem:$0x1110];
	v50 =	vshll.u32 v46, $0x8;
	v51 =	vshll.u32 v44, $0x3  }
0x45d: {  	v53 =	vshll.u32 v46, $0x7;
	v52 =	vld [tilespmem:$0x1310];
	v2 =	vand.u32 $0xFFFFF800, v50;
	v3 =	vand.u32 $0xFFFFFC00, v51  }
0x45e: {  	v55 =	vadd.s32 v3, v2;
	v56 =	vand.u32 $0x380, v53;
	[tilespmem:$0x14E0] =	vst v0  }
0x45f: {  	v57 =	vand.u32 $0x7F, v44;
	v0 =	vor.u32 v56, v55;
	v1 =	vld.idx.msk [tilespmem:v1+s1+$0x0], $0xffff  }
0x460: {  	v0 =	vor.u32 v57, v0;
	_ =	sdelay $0x1  }
0x461: {  	v62 =	vld [tilespmem:$0x1120];
	v58 =	vshll.u32 v54, $0x8;
	v59 =	vshll.u32 v52, $0x3  }
0x462: {  	v61 =	vshll.u32 v54, $0x7;
	v60 =	vld [tilespmem:$0x1320];
	v2 =	vand.u32 $0xFFFFF800, v58;
	v3 =	vand.u32 $0xFFFFFC00, v59  }
0x463: {  	v63 =	vadd.s32 v3, v2;
	v8 =	vand.u32 $0x380, v61;
	[tilespmem:$0x14F0] =	vst v1  }
0x464: {  	v9 =	vand.u32 $0x7F, v52;
	v1 =	vor.u32 v8, v63;
	v0 =	vld.idx.msk [tilespmem:v0+s1+$0x0], $0xffff  }
0x465: {  	v1 =	vor.u32 v9, v1;
	_ =	sdelay $0x1  }
0x466: {  	v14 =	vld [tilespmem:$0x1130];
	v10 =	vshll.u32 v62, $0x8;
	v11 =	vshll.u32 v60, $0x3  }
0x467: {  	v13 =	vshll.u32 v62, $0x7;
	v12 =	vld [tilespmem:$0x1330];
	v2 =	vand.u32 $0xFFFFF800, v10;
	v3 =	vand.u32 $0xFFFFFC00, v11  }
0x468: {  	v15 =	vadd.s32 v3, v2;
	v16 =	vand.u32 $0x380, v13;
	[tilespmem:$0x1500] =	vst v0  }
0x469: {  	v17 =	vand.u32 $0x7F, v60;
	v0 =	vor.u32 v16, v15;
	v1 =	vld.idx.msk [tilespmem:v1+s1+$0x0], $0xffff  }
0x46a: {  	v0 =	vor.u32 v17, v0;
	_ =	sdelay $0x1  }
0x46b: {  	v22 =	vld [tilespmem:$0x1140];
	v18 =	vshll.u32 v14, $0x8;
	v19 =	vshll.u32 v12, $0x3  }
0x46c: {  	v21 =	vshll.u32 v14, $0x7;
	v20 =	vld [tilespmem:$0x1340];
	v2 =	vand.u32 $0xFFFFF800, v18;
	v3 =	vand.u32 $0xFFFFFC00, v19  }
0x46d: {  	v23 =	vadd.s32 v3, v2;
	v24 =	vand.u32 $0x380, v21;
	[tilespmem:$0x1510] =	vst v1  }
0x46e: {  	v25 =	vand.u32 $0x7F, v12;
	v1 =	vor.u32 v24, v23;
	v0 =	vld.idx.msk [tilespmem:v0+s1+$0x0], $0xffff  }
0x46f: {  	v1 =	vor.u32 v25, v1;
	_ =	sdelay $0x1  }
0x470: {  	v30 =	vld [tilespmem:$0x1150];
	v26 =	vshll.u32 v22, $0x8;
	v27 =	vshll.u32 v20, $0x3  }
0x471: {  	v29 =	vshll.u32 v22, $0x7;
	v28 =	vld [tilespmem:$0x1350];
	v2 =	vand.u32 $0xFFFFF800, v26;
	v3 =	vand.u32 $0xFFFFFC00, v27  }
0x472: {  	v31 =	vadd.s32 v3, v2;
	v32 =	vand.u32 $0x380, v29;
	[tilespmem:$0x1520] =	vst v0  }
0x473: {  	v33 =	vand.u32 $0x7F, v20;
	v0 =	vor.u32 v32, v31;
	v1 =	vld.idx.msk [tilespmem:v1+s1+$0x0], $0xffff  }
0x474: {  	v0 =	vor.u32 v33, v0;
	_ =	sdelay $0x1  }
0x475: {  	v38 =	vld [tilespmem:$0x1160];
	v34 =	vshll.u32 v30, $0x8;
	v35 =	vshll.u32 v28, $0x3  }
0x476: {  	v37 =	vshll.u32 v30, $0x7;
	v36 =	vld [tilespmem:$0x1360];
	v2 =	vand.u32 $0xFFFFF800, v34;
	v3 =	vand.u32 $0xFFFFFC00, v35  }
0x477: {  	v39 =	vadd.s32 v3, v2;
	v40 =	vand.u32 $0x380, v37;
	[tilespmem:$0x1530] =	vst v1  }
0x478: {  	v41 =	vand.u32 $0x7F, v28;
	v1 =	vor.u32 v40, v39;
	v0 =	vld.idx.msk [tilespmem:v0+s1+$0x0], $0xffff  }
0x479: {  	v1 =	vor.u32 v41, v1;
	_ =	sdelay $0x1  }
0x47a: {  	v46 =	vld [tilespmem:$0x1170];
	v42 =	vshll.u32 v38, $0x8;
	v43 =	vshll.u32 v36, $0x3  }
0x47b: {  	v45 =	vshll.u32 v38, $0x7;
	v44 =	vld [tilespmem:$0x1370];
	v2 =	vand.u32 $0xFFFFF800, v42;
	v3 =	vand.u32 $0xFFFFFC00, v43  }
0x47c: {  	v47 =	vadd.s32 v3, v2;
	v48 =	vand.u32 $0x380, v45;
	[tilespmem:$0x1540] =	vst v0  }
0x47d: {  	v49 =	vand.u32 $0x7F, v36;
	v0 =	vor.u32 v48, v47;
	v1 =	vld.idx.msk [tilespmem:v1+s1+$0x0], $0xffff  }
0x47e: {  	v0 =	vor.u32 v49, v0;
	_ =	sdelay $0x1  }
0x47f: {  	v54 =	vld [tilespmem:$0x1180];
	v50 =	vshll.u32 v46, $0x8;
	v51 =	vshll.u32 v44, $0x3  }
0x480: {  	v53 =	vshll.u32 v46, $0x7;
	v52 =	vld [tilespmem:$0x1380];
	v2 =	vand.u32 $0xFFFFF800, v50;
	v3 =	vand.u32 $0xFFFFFC00, v51  }
0x481: {  	v55 =	vadd.s32 v3, v2;
	v56 =	vand.u32 $0x380, v53;
	[tilespmem:$0x1550] =	vst v1  }
0x482: {  	v57 =	vand.u32 $0x7F, v44;
	v1 =	vor.u32 v56, v55;
	v0 =	vld.idx.msk [tilespmem:v0+s1+$0x0], $0xffff  }
0x483: {  	v1 =	vor.u32 v57, v1;
	_ =	sdelay $0x1  }
0x484: {  	v58 =	vshll.u32 v54, $0x8;
	v59 =	vshll.u32 v52, $0x3  }
0x485: {  	v60 =	vshll.u32 v54, $0x7;
	v2 =	vand.u32 $0xFFFFF800, v58;
	v3 =	vand.u32 $0xFFFFFC00, v59  }
0x486: {  	v62 =	vand.u32 $0x380, v60;
	v61 =	vadd.s32 v3, v2;
	[tilespmem:$0x1560] =	vst v0  }
0x487: {  	v63 =	vand.u32 $0x7F, v52;
	v0 =	vor.u32 v62, v61;
	v1 =	vld.idx.msk [tilespmem:v1+s1+$0x0], $0xffff  }
0x488: {  	v0 =	vor.u32 v63, v0;
	_ =	sdelay $0x3  }
0x489: {  	[tilespmem:$0x1570] =	vst v1  }
0x48a: {  	v0 =	vld.idx.msk [tilespmem:v0+s1+$0x0], $0xffff;
	_ =	sdelay $0x3  }
0x48b: {  	p0 =	sne.s32 s28, $0x1  }
.Ltmp0:
0x48c: {  	[tilespmem:$0x1580] =	vst v0;
	(pc) =	sbr.rel @p0 .LBB2_1-.Ltmp0, $4  }
0x48d: {  	[hbm4b:s26+s1] =	stream.linear.scatter [tilespmem:s20], [sflag:$0x1], $0x190, $0x38;
	[tilespmem:$0x1600] =	vst v63  }
0x48e: {  	_ =	swait.ge [sflag:s29], $0x190  }
0x48f: {  	[sflag:s29] =	ssyncset.done $0x0  }
0x490: {  	s28 =	sadd.s32 $0xFFFFFFFF, s28;
	[sflag:s29] =	ssyncadd.s32 $0xFFFFFE70  }
0x491: {  	_ =	sfence.sel $0x180000  }
0x492: {  	[bflag:$0x0] =	sbarrier.arrive $0xFFFF  }
0x493: {  	_ =	strace $0x9000004D  }
0x494: {  	s0 =	stileid.u32;
	[bflag:$0x2] =	sbarrier.arrive $0xFFFF  }
0x495: {  	p0 =	sne.s32 s0, $0x0;
	s0 =	rddreg [dreg:$0x4]  }
0x496: {  	s0 =	sadd.s32 @!p0 $0x100000, s0  }
0x497: {  	[sflag:s0] =	ssyncadd.tile.s32 @!p0 $0x1;
	_ =	shalt  }
.Lfunc_end2:
_tile_overlayer_lowered:
.L_overlay_start_2:
0x498: {  	(tag) =	ssettag $0x2  }
0x499: {  	s0 =	rddreg [dreg:$0x0];
	s2 =	stileid.u32  }
0x49a: {  	s1 =	rddreg [dreg:$0x1];
	p0 =	sne.s32 s2, $0x0  }
0x49b: {  	s3 =	rddreg [dreg:$0x2];
	[bflag:$0x3] =	sbarrier.arrive $0xFFFF;
	s2 =	simm.s32 @!p0 $0x1C01  }
0x49c: {  	[timem:s3], [sflag:s2] =	dma.local @!p0 [hbm:s0], s1  }
0x49d: {  	s0 =	simm.s32 @!p0 $0x1  }
0x49e: {  	_ =	swait.ge @!p0 [sflag:s0], s1  }
0x49f: {  	s1 =	ssub.s32 @!p0 $0x0, s1;
	[sflag:s0] =	ssyncset.done @!p0 $0x0  }
0x4a0: {  	[sflag:s0] =	ssyncadd.s32 @!p0 s1  }
0x4a1: {  	[bflag:$0x3] =	sbarrier.arrive $0xFFFF  }
0x4a2: {  	_ =	shalt  }

// kernel: scatter_offload_async_start.1
scs
__scs_entry_jumppad:
0x0: {  	(pc) =	sbr.rel $0x88, $3  }
0x1: {  	(tag) =	ssettag $0x0;
	lr =	simm.s32 $0x1  }
0x2: {  	[smem:$0x3F9B] =	sst lr;
	_ =	strace $0xD0000000  }
0x3: {  	_ = 	snop  }
0x4: {  	_ = 	snop  }
0x5: {  	_ = 	snop  }
0x6: {  	_ = 	snop  }
0x7: {  	_ = 	snop  }
__scs_overlays_trampoline_lowered:
0x8: {  	[smem:$0x3FAA] =	sst s0  }
0x9: {  	[smem:$0x3FAB] =	sst s1  }
0xa: {  	[smem:$0x3FAC] =	sst s2  }
0xb: {  	[smem:$0x3FAD] =	sst s3  }
0xc: {  	[smem:$0x3FAE] =	sst s4  }
0xd: {  	[smem:$0x3FAF] =	sst s5  }
0xe: {  	[smem:$0x3FB0] =	sst s6  }
0xf: {  	[smem:$0x3FB1] =	sst s7  }
0x10: {  	[smem:$0x3FB2] =	sst s8  }
0x11: {  	[smem:$0x3FB3] =	sst s9;
	s0 =	simm.s32 @!p0 $0x0  }
0x12: {  	s1 =	sld [smem:$0x3F99];
	s0 =	simm.s32 @p0 $0x1  }
0x13: {  	[smem:$0x3FB4] =	sst s0;
	s0 =	simm.s32 @!p1 $0x0  }
0x14: {  	s2 =	sld [smem:$0x3F98];
	s0 =	simm.s32 @p1 $0x1  }
0x15: {  	[smem:$0x3FB5] =	sst s0;
	s0 =	simm.s32 @!p2 $0x0  }
0x16: {  	s3 =	sld [smem:$0x3FDB];
	s0 =	simm.s32 @p2 $0x1  }
0x17: {  	s4 =	simm.s32 $0x1BF5;
	[smem:$0x3FB7] =	sst s0  }
0x18: {  	s0 =	sld [smem:$0x3F9A];
	_ =	swait.ge [sflag:s4], $0x0  }
0x19: {  	s7 =	sld [smem:$0x3F9B]  }
0x1a: {  	s8 =	sadd.s32 $0xFFFFE003, lr  }
0x1b: {  	s9 =	sadd.s32 $0xFFFFFEF7, lr;
	s5 =	simm.s32 $0xFFFFFFFF;
	p2 =	slt.u32 s8, $0xFFFFF086  }
0x1c: {  	p1 =	slt.u32 s9, $0xF7A;
	s5 =	simm.s32 @!p2 $0x0  }
0x1d: {  	s5 =	simm.s32 @p1 $0x1;
	p0 =	seq.s32 s7, s2  }
0x1e: {  	s7 =	smul.u32 @!p0 $0xF7A, s2;
	p2 =	seq.s32 @!p0 s5, $0x0  }
0x1f: {  	s9 =	smul.u32 $0xF7A, s1;
	s8 =	simm.s32 @!p0 $0x1BF5;
	p2 =	por !p2, p0  }
0x20: {  	[sflag:s8] =	ssyncset.s32 @!p0 $0xFFFFF086;
	s6 =	sadd.s32 @!p0 s3, s7;
	s7 =	simm.s32 @!p0 $0x108  }
0x21: {  	s3 =	sadd.s32 s3, s9;
	s6 =	sadd.s32 @!p0 $0x88, s6;
	s7 =	simm.s32 @p2 $0x1082  }
0x22: {  	[simem:s7], [sflag:s8] =	dma.local @!p0 [hbm:s6], $0xF7A  }
0x23: {  	s9 =	sor.u32 $0xD0000000, s2;
	s6 =	simm.s32 $0x108;
	_ =	swait.ge @!p0 [sflag:s8], $0x0  }
0x24: {  	s3 =	sadd.s32 $0x88, s3;
	s6 =	simm.s32 @!p1 $0x1082;
	[sflag:s4] =	ssyncset.s32 $0xFFFFF086  }
0x25: {  	[simem:s6], [sflag:s4] =	dma.local [hbm:s3], $0xF7A  }
0x26: {  	[smem:$0x3F9B] =	sst s1;
	(tag) =	ssettag s2;
	_ =	strace s9  }
0x27: {  	s1 =	sld [smem:$0x3FAB]  }
0x28: {  	s2 =	sld [smem:$0x3FAC]  }
0x29: {  	s4 =	sld [smem:$0x3FAE]  }
0x2a: {  	p0 =	seq.s32 s5, $0x0;
	s5 =	sld [smem:$0x3FAF]  }
0x2b: {  	s6 =	sld [smem:$0x3FB0]  }
0x2c: {  	s7 =	sld [smem:$0x3FB1]  }
0x2d: {  	s3 =	simm.s32 $0x108;
	s8 =	sld [smem:$0x3FB2]  }
0x2e: {  	s3 =	simm.s32 @!p0 $0x1082;
	s9 =	sld [smem:$0x3FB3]  }
0x2f: {  	lr =	sadd.s32 s0, s3;
	s0 =	sld [smem:$0x3FAA]  }
0x30: {  	s3 =	sld [smem:$0x3FAD]  }
0x31: {  	[smem:$0x3FB6] =	sst s10  }
0x32: {  	s10 =	sld [smem:$0x3FB4];
	_ =	sdelay $0x3  }
0x33: {  	p0 =	seq.s32 s10, $0x1;
	s10 =	sld [smem:$0x3FB6];
	_ =	sdelay $0x3  }
0x34: {  	[smem:$0x3FB6] =	sst s10  }
0x35: {  	s10 =	sld [smem:$0x3FB5];
	_ =	sdelay $0x3  }
0x36: {  	p1 =	seq.s32 s10, $0x1;
	s10 =	sld [smem:$0x3FB6];
	_ =	sdelay $0x3  }
0x37: {  	[smem:$0x3FB6] =	sst s10  }
0x38: {  	s10 =	sld [smem:$0x3FB7]  }
0x39: {  	_ = 	snop;
	(pc) =	sbr.ind lr, $3  }
0x3a: {  	_ = 	snop  }
0x3b: {  	_ = 	snop  }
0x3c: {  	p2 =	seq.s32 s10, $0x1;
	s10 =	sld [smem:$0x3FB6]  }
0x3d: {  	_ =	shalt  }
0x3e: {  	_ =	shalt  }
0x3f: {  	_ =	shalt  }
0x40: {  	_ =	shalt  }
0x41: {  	_ =	shalt  }
0x42: {  	_ =	shalt  }
0x43: {  	_ =	shalt  }
0x44: {  	_ =	shalt  }
0x45: {  	_ =	shalt  }
0x46: {  	_ =	shalt  }
0x47: {  	_ =	shalt  }
0x48: {  	_ =	shalt  }
0x49: {  	_ =	shalt  }
0x4a: {  	_ =	shalt  }
0x4b: {  	_ =	shalt  }
0x4c: {  	_ =	shalt  }
0x4d: {  	_ =	shalt  }
0x4e: {  	_ =	shalt  }
0x4f: {  	_ =	shalt  }
0x50: {  	_ =	shalt  }
0x51: {  	_ =	shalt  }
0x52: {  	_ =	shalt  }
0x53: {  	_ =	shalt  }
0x54: {  	_ =	shalt  }
0x55: {  	_ =	shalt  }
0x56: {  	_ =	shalt  }
0x57: {  	_ =	shalt  }
0x58: {  	_ =	shalt  }
0x59: {  	_ =	shalt  }
0x5a: {  	_ =	shalt  }
0x5b: {  	_ =	shalt  }
0x5c: {  	_ =	shalt  }
0x5d: {  	_ =	shalt  }
0x5e: {  	_ =	shalt  }
0x5f: {  	_ =	shalt  }
0x60: {  	_ =	shalt  }
0x61: {  	_ =	shalt  }
0x62: {  	_ =	shalt  }
0x63: {  	_ =	shalt  }
0x64: {  	_ =	shalt  }
0x65: {  	_ =	shalt  }
0x66: {  	_ =	shalt  }
0x67: {  	_ =	shalt  }
0x68: {  	_ =	shalt  }
0x69: {  	_ =	shalt  }
0x6a: {  	_ =	shalt  }
0x6b: {  	_ =	shalt  }
0x6c: {  	_ =	shalt  }
0x6d: {  	_ =	shalt  }
0x6e: {  	_ =	shalt  }
0x6f: {  	_ =	shalt  }
0x70: {  	_ =	shalt  }
0x71: {  	_ =	shalt  }
0x72: {  	_ =	shalt  }
0x73: {  	_ =	shalt  }
0x74: {  	_ =	shalt  }
0x75: {  	_ =	shalt  }
0x76: {  	_ =	shalt  }
0x77: {  	_ =	shalt  }
0x78: {  	_ =	shalt  }
0x79: {  	_ =	shalt  }
0x7a: {  	_ =	shalt  }
0x7b: {  	_ =	shalt  }
0x7c: {  	_ =	shalt  }
0x7d: {  	_ =	shalt  }
0x7e: {  	_ =	shalt  }
0x7f: {  	_ =	shalt  }
0x80: {  	_ =	shalt  }
0x81: {  	_ =	shalt  }
0x82: {  	_ =	shalt  }
0x83: {  	_ =	shalt  }
0x84: {  	_ =	shalt  }
0x85: {  	_ =	shalt  }
0x86: {  	_ =	shalt  }
0x87: {  	_ =	shalt  }
.Lfunc_end0:
.L_simem_size_0:
called_computation.1_lowered:
.L_overlay_start_0:
0x88: {  	s0 =	sld [smem:$0x3FD9]  }
0x89: {  	s1 =	sld [smem:$0x3FFE];
	_ =	sdelay $0x3  }
0x8a: {  	s0 =	sadd.s32 s1, s0  }
0x8b: {  	[smem:$0x3FC2] =	sst s0  }
0x8c: {  	_ = 	snop  }
0x8d: {  	s0 =	sld [smem:$0x3FD0];
	(tm) =	ssettm $0x1  }
0x8e: {  	s16 =	sld [smem:$0x3FFB];
	_ =	sdelay $0x3  }
0x8f: {  	_ =	strace s16  }
0x90: {  	s1 =	sld [smem:$0x3FFC];
	_ =	sdelay $0x3  }
0x91: {  	_ =	strace s1  }
0x92: {  	s1 =	sld [smem:$0x3FFD];
	_ =	sdelay $0x3  }
0x93: {  	_ =	strace s1  }
0x94: {  	_ =	strace $0x8FFFFFFF  }
0x95: {  	s17 =	sld [smem:$0x3FDB];
	_ =	sdelay $0x1  }
0x96: {  	s2 =	simm.s32 $_scs_section_size  }
0x97: {  	s3 =	simm.s32 $_size__tile_overlayer_lowered;
	s4 =	simm.s32 $_tile_overlayer_lowered  }
0x98: {  	s20 =	simm.s32 $0x1BFF;
	s19 =	sshll.u32 s4, $0x1;
	s1 =	sadd.s32 s2, s17  }
0x99: {  	s5 =	simm.s32 $0x0;
	s18 =	sshll.u32 s3, $0x1;
	s3 =	sadd.s32 s19, s1  }
0x9a: {  	[timem:s5], [sflag:s20] =	dma.local [hbm:s3], s18  }
0x9b: {  	_ =	swait.ge [sflag:s20], s18  }
0x9c: {  	s2 =	ssub.s32 $0x0, s18;
	[sflag:s20] =	ssyncset.done $0x0  }
0x9d: {  	[sflag:s20] =	ssyncadd.s32 s2;
	_ =	sdelay $0x1  }
0x9e: {  	s21 =	simm.s32 $0x1B8B  }
0x9f: {  	_ =	swait.ge [sflag:s21], $0x1  }
0xa0: {  	[sflag:s21] =	ssyncset.done $0x0  }
0xa1: {  	s23 =	simm.s32 $0x1B8E;
	s22 =	sld [smem:$0x3FFE];
	[sflag:s21] =	ssyncadd.s32 $0xFFFFFFFF  }
0xa2: {  	s24 =	simm.s32 $execute0_lowered;
	[smem:$0x3FD2] =	sst s23  }
0xa3: {  	s3 =	sshll.u32 s24, $0x1;
	_ =	strace $0x80000046;
	[dreg:$0x1] =	wrdreg $0xFFFFFFFF  }
0xa4: {  	s25 =	simm.s32 $_size_execute0_lowered;
	s1 =	sadd.s32 s1, s3;
	[dreg:$0x0] =	wrdreg $0x0  }
0xa5: {  	s3 =	sshll.u32 s25, $0x1;
	[dreg:$0x2] =	wrdreg s1  }
0xa6: {  	[dreg:$0x3] =	wrdreg s3  }
0xa7: {  	[dreg:$0x4] =	wrdreg $0xC0  }
0xa8: {  	_ =	task [dreg:s5], $0x5FFFF  }
0xa9: {  	[dreg:$0x1] =	wrdreg $0xFFFFFFFF  }
0xaa: {  	[dreg:$0x0] =	wrdreg $0x60  }
0xab: {  	[dreg:$0x2] =	wrdreg s0  }
0xac: {  	[dreg:$0x3] =	wrdreg s22  }
0xad: {  	[dreg:$0x4] =	wrdreg $0xA  }
0xae: {  	_ =	task.clear_ibuf [dreg:s5], $0x5FFFF;
	_ =	strace $0x90000046  }
0xaf: {  	s26 =	simm.s32 $0xA;
	_ =	strace $0x80000048  }
0xb0: {  	_ =	swait.ge [sflag:s26], $0x1  }
0xb1: {  	[sflag:s26] =	ssyncadd.s32 $0xFFFFFFFF  }
0xb2: {  	_ =	strace $0x90000048  }
0xb3: {  	_ =	sfence  }
0xb4: {  	s28 =	sld [smem:$0x0];
	_ =	sdelay $0x1  }
0xb5: {  	s29 =	srdreg.scid  }
0xb6: {  	s30 =	sshll.u32 s29, $0xD;
	s31 =	sshrl.u32 s29, $0x2  }
0xb7: {  	s2 =	sand.u32 $0x4000, s30;
	s1 =	sand.u32 $0x1, s29;
	s0 =	sadd.s32 s31, s28  }
0xb8: {  	s1 =	sor.u32 s2, s1;
	s0 =	sshll.u32 s0, $0x11  }
0xb9: {  	s0 =	sor.u32 s0, s1  }
0xba: {  	s0 =	sadd.s32 $0x8F2B, s0  }
0xbb: {  	[sflag:s0] =	ssyncadd.remote.s32 $0x1  }
0xbc: {  	_ =	sfence.sel $0xFFFF  }
0xbd: {  	[dreg:$0x0] =	wrdreg $0xFFFFFFFF;
	(pc) =	sbr.abs _section_cstart, $3  }
0xbe: {  	[dreg:$0x1] =	wrdreg $0xFFFFFFFF  }
0xbf: {  	_ =	task.clear_ibuf [dreg:s5], $0x2FFFF;
	_ =	strace $0x9FFFFFFF  }
0xc0: {  	(tm) =	ssettm $0x7FFFFFFF  }
0xc1: {  	_ =	shalt  }
tec
execute0_lowered:
.L_overlay_start_1:
0x0: {  	(tag) =	ssettag $0x1  }
0x1: {  	s1 =	rddreg [dreg:$0x0]  }
0x2: {  	s0 =	rddreg [dreg:$0x1];
	s14 =	stileid.u32  }
0x3: {  	_ =	strace $0x80000047;
	s2 =	simm.s32 $0x1;
	s3 =	smin.u32 s14, $0x9  }
0x4: {  	v1 =	vimm.s32 $0xFFFFFFFF;
	[sflag:s2] =	ssyncpa.u1 $0x0;
	s3 =	sadd.s32 s14, s3  }
0x5: {  	s4 =	simm.s32 $0x1F40;
	p0 =	slt.u32 s14, $0x9;
	[tilespmem:$0x10] =	vst v1;
	s3 =	smul.u32 $0xFA0, s3  }
0x6: {  	v0 =	vimm.f32 $0.0e+00;
	[tilespmem:$0x20] =	vst v1;
	s4 =	simm.s32 @!p0 $0xFA0  }
0x7: {  	[tilespmem:$0x30] =	vst v0;
	s4 =	sadd.s32 s4, s3  }
0x8: {  	[tilespmem:$0x40] =	vst v0;
	s4 =	smin.u32 s4, $0x186A0  }
0x9: {  	[tilespmem:$0x50] =	vst v0;
	s9 =	ssub.s32 s4, s3  }
0xa: {  	s7 =	simm.s32 $0x2;
	[tilespmem:$0x60] =	vst v1;
	p0 =	sgt.s32 s9, $0x0  }
0xb: {  	s8 =	simm.s32 $0x8;
	s31 =	simm.s32 $0x9;
	[tilespmem:$0x70] =	vst v1;
	s9 =	simm.s32 @!p0 $0x0  }
0xc: {  	s16 =	simm.s32 $0x0;
	s17 =	simm.s32 $0xF0;
	[tilespmem:$0x80] =	vst v1;
	s5 =	smulhi.u32 $0x10624DD3, s9  }
0xd: {  	s18 =	simm.s32 $0xFFFFFFFF;
	s19 =	simm.s32 $0xFFFFE1C0;
	s20 =	simm.s32 $0xFFFFFFFE;
	v1 =	vimm.s32 $0x0;
	[tilespmem:$0xB0] =	vst v0  }
0xe: {  	s21 =	simm.s32 $0xF;
	s25 =	simm.s32 $0x0;
	[tilespmem:$0x90] =	vst v1;
	s10 =	sshrl.u32 s5, $0x8  }
0xf: {  	[tilespmem:$0xA0] =	vst v1;
	[sflag:s7] =	ssyncpa.u1 $0x0;
	s7 =	simm.s32 $0x7;
	s11 =	smul.u32 $0xFA0, s10  }
0x10: {  	s24 =	simm.s32 $0x0;
	s6 =	sadd.s32 $0x9600, s0;
	[sflag:s7] =	ssyncpa.u1 $0x0  }
.Ltmp0:
0x11: {  	[sflag:s8] =	ssyncpa.u1 $0x0;
	p0 =	sne.s32 s9, s11;
	(pc) =	sbr.rel .LBB2_1-.Ltmp0, $4  }
0x12: {  	s23 =	smov.u32 s3;
	[sflag:s31] =	ssyncpa.u1 $0x0;
	s2 =	simm.s32 @!p0 $0x0  }
0x13: {  	s5 =	sadd.s32 $0x6400, s0;
	p0 =	por $0x0, $0x0;
	s9 =	sadd.s32 s2, s10  }
0x14: {  	vm0 =	vmmov $0xffff;
	v2 =	vlaneseq.u32;
	s10 =	sshll.u32 s14, $0x1;
	s14 =	sshllo.u32 s14, $0x1;
	s11 =	sadd.s32 $0x1, s9  }
0x15: {  	vm1 =	vmxor vm1, vm1;
	vm2 =	vmmov $0x1;
	vm3 =	vcmask $0x3F3C;
	s12 =	sadd.s32 $0x2, s9;
	s13 =	sor.u32 $0x81, s10;
	s15 =	sor.u32 $0x80, s10  }
.LBB2_9:
0x16: {  	p1 =	slt.u32 s24, $0x3  }
0x17: {  	s0 =	simm.s32 @!p1 $0x2  }
0x18: {  	_ =	swait.ge @!p1 [sflag:s0], $0xFA0  }
0x19: {  	[sflag:s0] =	ssyncset.done @!p1 $0x0  }
0x1a: {  	[sflag:s0] =	ssyncadd.s32 @!p1 $0xFFFFF060;
	s0 =	simm.s32 @!p1 $0x9  }
0x1b: {  	_ =	swait.ge @!p1 [sflag:s0], $0x10  }
0x1c: {  	[sflag:s0] =	ssyncset.done @!p1 $0x0  }
0x1d: {  	[sflag:s0] =	ssyncadd.s32 @!p1 $0xFFFFFFF0;
	p1 =	sne.s32 s24, s12  }
.Ltmp1:
0x1e: {  	s2 =	sadd.s32 $0xFA0, s23;
	(pc) =	sbr.rel @!p1 .LBB2_10-.Ltmp1, $4  }
0x1f: {  	s22 =	smov.u32 s3;
	s31 =	sadd.s32 $0x1, s24;
	s17 =	sadd.s32 $0xFA0, s17  }
0x20: {  	s18 =	sadd.s32 $0x1, s18;
	s25 =	smov.u32 s23;
	p2 =	slt.s32 s2, s4  }
0x21: {  	p0 =	por !p0, !p0;
	s19 =	sadd.s32 $0xFA0, s19;
	s22 =	smov.u32 @p2 s2  }
0x22: {  	s20 =	sadd.s32 $0x1, s20;
	s23 =	smov.u32 s22;
	s24 =	smov.u32 s31  }
.LBB2_1:
0x23: {  	p1 =	sge.u32 s24, s9  }
0x24: {  	s0 =	smulhi.u32 @!p1 $0xAAAAAAAB, s24;
	_ =	sdelay $0x1  }
0x25: {  	s0 =	sshrl.u32 @!p1 s0, $0x1  }
0x26: {  	s0 =	smul.u32 @!p1 $0x3, s0;
	_ =	sdelay $0x1  }
0x27: {  	s0 =	ssub.s32 @!p1 s24, s0  }
0x28: {  	s0 =	smul.u32 @!p1 $0x3E80, s0;
	_ =	sdelay $0x1  }
0x29: {  	s2 =	sshrl.u32 @!p1 s23, $0x3;
	s0 =	sshrl.u32 @!p1 s0, $0x2  }
0x2a: {  	s22 =	sand.u32 @!p1 $0x7, s23;
	s2 =	sadd.s32 @!p1 s5, s2;
	s0 =	sadd.s32 @!p1 $0x100, s0  }
0x2b: {  	[tilespmem:s0], [sflag:$0x7] =	stream.linear.gather @!p1 [hbm4b:s2+s22], $0xFA0, $0x38;
	[tilespmem:$0x8DC0] =	vst v63  }
0x2c: {  	s0 =	sadd.s32 $0xFFFFFFFF, s24  }
0x2d: {  	p1 =	sge.u32 s0, s9  }
.Ltmp2:
0x2e: {  	_ = 	snop;
	(pc) =	sbr.rel @p1 .LBB2_5-.Ltmp2, $1  }
0x2f: {  	_ =	sdelay $0x3  }
0x30: {  	s2 =	smulhi.u32 $0xAAAAAAAB, s0;
	_ =	sdelay $0x1  }
0x31: {  	s2 =	sshrl.u32 s2, $0x1  }
0x32: {  	s2 =	smul.u32 $0x3, s2;
	_ =	sdelay $0x1  }
0x33: {  	s2 =	ssub.s32 s0, s2  }
0x34: {  	s2 =	smul.u32 $0x3E80, s2  }
0x35: {  	_ =	swait.ge [sflag:s7], $0xFA0  }
0x36: {  	[sflag:s7] =	ssyncset.done $0x0;
	s2 =	sshrl.u32 s2, $0x2  }
0x37: {  	[sflag:s7] =	ssyncadd.s32 $0xFFFFF060;
	(ifvalue) =	ssetifvalue $0xFFFFFFFF;
	v3 =	vld.msk [tilespmem:s2+$0x100 ss:$0x1], $0xffff;
	_ =	sdelay $0x2  }
0x38: {  	s30 =	smulhi.u32 $0xAAAAAAAB, s18;
	p1 =	sne.s32 s24, $0x1  }
0x39: {  	v4 =	vimm.s32 @!p1 $0x0  }
0x3a: {  	s2 =	sshrl.u32 s30, $0x1;
	v4 =	vperm.xlane @!p1 v3, v4  }
0x3b: {  	s22 =	sshll.u32 s24, $0x4;
	s2 =	smul.u32 $0xFFFF4480, s2;
	vm4 =	vlt.u32 v3, $0x1000  }
0x3c: {  	s22 =	sand.u32 $0x10, s22;
	v3 =	vnsel vm4, $0xFFFFFFFE, v3;
	vm4 =	vlt.u32 @!p1 v4, $0x1000  }
0x3d: {  	s2 =	sshra.s32 s2, $0x2;
	[tilespmem:s22+$0x60] =	vst v3;
	v3 =	vnsel @!p1 vm4, $0xFFFFFFFE, v4  }
0x3e: {  	s28 =	sadd.s32 s2, s17;
	[tilespmem:$0x80] =	vst @!p1 v3  }
0x3f: {  	v3 =	vld.msk [tilespmem:s28+$0x0 ss:$0x1], $0xffff;
	_ =	sdelay $0x4  }
0x40: {  	(xrf1) =	vunique.msk.u32 $0xffff, v3;
	_ =	sdelay $0xd  }
0x41: {  	v4 =	vimm.s32 $0xFFFFFFFF;
	v5, _, _ =	vpop (xrf1)  }
0x42: {  	vm5 =	vne.s32 v3, v4;
	vm4 =	veq.s32 v5, v2  }
0x43: {  	vm6 =	vlt.u32 v3, $0x1000;
	vm4 =	vmand vm5, vm4  }
0x44: {  	vm4 =	vmand vm6, vm4  }
0x45: {  	v4 =	vnsel vm4, $0xFFFFFFFF, v3  }
0x46: {  	s31 =	sand.u32 $0x1, s0  }
0x47: {  	s0 =	simm.s32 $0xFA0;
	p1 =	seq.s32 s31, $0x1  }
0x48: {  	s0 =	simm.s32 @!p1 $0x0  }
0x49: {  	s26 =	sadd.s32 $0x3F70, s0;
	(ifvalue) =	ssetifvalue $0xFFFFFFFF  }
0x4a: {  	v3 =	vperm.xlane v3, v1;
	[tilespmem:s26], [sflag:$0x8] =	stream.indirect_vreg.gather [hbm4b:s1+s16], $0x1, v4, vm0, $0x4038;
	v4 =	vnsel vm6, $0xFFFFFFFE, v4;
	[tilespmem:$0x8DC0] =	vst v63  }
0x4b: {  	s2 =	simm.s32 $0x0;
	s22 =	sadd.s32 $0xFFFFFFF0, s28;
	[tilespmem:s28+$0x0] =	vst v4  }
.LBB2_3:
0x4c: {  	v4 =	vld.msk [tilespmem:s22+$0x0 ss:$0x1], $0xffff;
	s2 =	sadd.s32 $0x10, s2;
	v5 =	vmov v3;
	s28 =	smov.u32 s22  }
0x4d: {  	p1 =	slt.u32 s2, $0xF90;
	_ =	sdelay $0x4  }
0x4e: {  	v3 =	vperm.xlane v4, v1;
	(xrf1) =	vunique.msk.u32 $0xffff, v4;
	_ =	sdelay $0xd  }
0x4f: {  	v6, _, _ =	vpop (xrf1)  }
0x50: {  	vm5 =	vne.s32 v4, v5;
	vm4 =	veq.s32 v6, v2  }
0x51: {  	vm6 =	vlt.u32 v4, $0x1000;
	vm4 =	vmand vm5, vm4  }
0x52: {  	vm4 =	vmand vm6, vm4  }
0x53: {  	v4 =	vnsel vm4, $0xFFFFFFFF, v4  }
.Ltmp3:
0x54: {  	v5 =	vnsel vm6, $0xFFFFFFFE, v4;
	(pc) =	sbr.rel @p1 .LBB2_3-.Ltmp3, $3  }
0x55: {  	_ =	sdelay $0x1  }
0x56: {  	s22 =	sadd.s32 $0xFFFFFFF0, s22;
	s26 =	sadd.s32 $0xFFFFFFF0, s26;
	(ifvalue) =	ssetifvalue $0xFFFFFFFF  }
0x57: {  	[tilespmem:s26], [sflag:$0x8] =	stream.indirect_vreg.gather [hbm4b:s1+s16], $0x1, v4, vm0, $0x4038;
	[tilespmem:s28+$0x0] =	vst v5  }
0x58: {  	s2 =	sshrl.u32 s25, $0x3  }
0x59: {  	s0 =	sadd.s32 $0x4F20, s0;
	s2 =	sadd.s32 s6, s2  }
0x5a: {  	[tilespmem:s0], [sflag:$0x8] =	stream.linear.gather [hbm:s2], $0xFA0, $0x38;
	[tilespmem:$0x8DC0] =	vst v63  }
.LBB2_5:
0x5b: {  	p1 =	slt.u32 s24, $0x2  }
0x5c: {  	p2 =	sge.u32 @!p1 s24, s12  }
0x5d: {  	p1 =	por p1, p2  }
.Ltmp4:
0x5e: {  	_ = 	snop;
	(pc) =	sbr.rel @p1 .LBB2_9-.Ltmp4, $1  }
0x5f: {  	_ =	sdelay $0x3  }
0x60: {  	s0 =	sadd.s32 $0xFFFFFFFE, s24  }
0x61: {  	s2 =	smulhi.u32 $0xAAAAAAAB, s0;
	_ =	sdelay $0x1  }
0x62: {  	s2 =	sshrl.u32 s2, $0x1  }
0x63: {  	s2 =	smul.u32 $0x3, s2;
	_ =	sdelay $0x1  }
0x64: {  	s0 =	ssub.s32 s0, s2  }
0x65: {  	_ =	swait.ge [sflag:s8], $0x1F40;
	s0 =	smul.u32 $0xFA0, s0  }
0x66: {  	p1 =	sne.s32 s24, s11;
	[sflag:s8] =	ssyncset.done $0x0  }
0x67: {  	[sflag:s8] =	ssyncadd.s32 $0xFFFFE0C0;
	s2 =	sadd.s32 @!p1 $0x109F, s0  }
0x68: {  	[spmem:s13] =	stream.linear.scatter @!p1 [tilespmem:s2], [sflag:$0x1], $0x1, $0x38;
	[tilespmem:$0x8DC0] =	vst v63  }
0x69: {  	s2 =	simm.s32 @!p1 $0x1  }
0x6a: {  	_ =	swait.ge @!p1 [sflag:s2], $0x1  }
0x6b: {  	s22 =	sshll.u32 s24, $0x4;
	[sflag:s2] =	ssyncset.done @!p1 $0x0  }
0x6c: {  	s25 =	sand.u32 $0x10, s22;
	[sflag:s2] =	ssyncadd.s32 @!p1 $0xFFFFFFFF  }
0x6d: {  	s2 =	sxor.u32 $0x10, s25;
	v4 =	vld [tilespmem:s25+$0x10]  }
0x6e: {  	v5 =	vld [tilespmem:s2+$0x60]  }
0x6f: {  	v3 =	vld [tilespmem:$0x80];
	_ =	sdelay $0x2  }
0x70: {  	(v2sf) =	vpush v4, $0x0  }
0x71: {  	(v2sf) =	vpush v5, $0x0  }
0x72: {  	(v2sf) =	vpush v3, $0x0;
	_ =	sdelay $0xc  }
0x73: {  	s22 =	spop (v2sf)  }
0x74: {  	s26 =	spop (v2sf)  }
0x75: {  	s28 =	spop (v2sf)  }
0x76: {  	p2 =	seq.s32 s22, s26;
	p3 =	seq.s32 s28, s22  }
0x77: {  	p3 =	por p2, p3  }
0x78: {  	s26 =	sand.u32 $0x1, s24;
	v4 =	vpsel p3, $0xFFFFFFFF, v4  }
0x79: {  	s29 =	smul.u32 $0xFA0, s26;
	[tilespmem:s25+$0x10] =	vst.msk $0x1, v4  }
0x7a: {  	v4 =	vld [tilespmem:$0x30]  }
0x7b: {  	v5 =	vld [tilespmem:s29+$0x4F20]  }
0x7c: {  	v6 =	vld [tilespmem:s25+$0x40];
	_ =	sdelay $0x3  }
0x7d: {  	vm4 =	vmmov vm1;
	v5 =	vadd.f32 v5, v4  }
0x7e: {  	vm5 =	vmmov vm2;
	vm4 =	vmmov @p2 vm2;
	s22 =	sshll.u32 s26, $0x4;
	v4 =	vadd.f32 v6, v4  }
0x7f: {  	s26 =	sor.u32 $0x8DA0, s22;
	vm5 =	vmmov @p3 vm1;
	[tilespmem:s29+$0x4F20] =	vst.msk vm4, v5  }
0x80: {  	[tilespmem:s26+$0x0] =	vst.msk vm5, v4  }
0x81: {  	v4 =	vld [tilespmem:s29+$0x3F70];
	_ =	sdelay $0x3  }
0x82: {  	v5 =	vimm.f32 $0.0e+00  }
0x83: {  	v4 =	vshift.insert v4, v5, s21  }
0x84: {  	s22 =	sor.u32 $0x40, s2  }
0x85: {  	[tilespmem:s22+$0x0] =	vst.msk $0x1, v4  }
0x86: {  	[tilespmem:s29+$0x3F7F] =	vst.msk $0x1, v5  }
0x87: {  	v4 =	vld [tilespmem:s0+$0x1090];
	_ =	sdelay $0x1  }
0x88: {  	s22 =	smulhi.u32 $0xAAAAAAAB, s20;
	s0 =	simm.s32 $0x1  }
0x89: {  	s0 =	simm.s32 @!p0 $0x0  }
0x8a: {  	s22 =	sshrl.u32 s22, $0x1;
	s0 =	smul.u32 $0x3E80, s0  }
0x8b: {  	s22 =	smul.u32 $0xFFFF4480, s22;
	v4 =	vshift.insert v4, v1, s21  }
0x8c: {  	s0 =	sshrl.u32 s0, $0x2  }
0x8d: {  	s22 =	sshra.s32 s22, $0x2;
	s30 =	sadd.s32 $0x4F20, s0;
	[tilespmem:s2+$0x10] =	vst.msk $0x1, v4  }
0x8e: {  	s22 =	sadd.s32 s22, s19;
	v6 =	vld [tilespmem:s30+$0x0]  }
0x8f: {  	v7 =	vld [tilespmem:s22+$0x0];
	_ =	sdelay $0x3  }
0x90: {  	v5 =	vadd.f32 v6, v5  }
0x91: {  	vm4 =	vne.s32 v7, $0xFFFFFFFF  }
0x92: {  	(xrf2) =	vadd.seg.scan.f32 vm4, v5;
	_ =	sdelay $0x3  }
0x93: {  	s31 =	sadd.s32 $0x2FE0, s0;
	v5 =	vperm.xlane v4, v1  }
0x94: {  	v6 =	vld [tilespmem:s31+$0x0]  }
0x95: {  	vm5 =	veq.s32 v7, v3;
	vm6 =	veq.s32 v7, v5  }
0x96: {  	vm7 =	vgt.u32 v7, $0xFFFFFFFD;
	vm6 =	vmor vm6, vm5  }
0x97: {  	vm6 =	vmor vm6, vm7  }
0x98: {  	v9 =	vld [tilespmem:$0xA0];
	v7 =	vsel vm6, $0xFFFFFFFF, v7  }
0x99: {  	v10 =	vld [tilespmem:$0x90];
	v6 =	vsel vm5, $0x0, v6;
	v8, _, _ =	vpop (xrf2)  }
0x9a: {  	v6 =	vadd.f32 v8, v6  }
0x9b: {  	s0 =	sadd.s32 $0x6E60, s0  }
0x9c: {  	vm4 =	vmand vm4, vm3;
	[tilespmem:s0+$0x0] =	vst v6;
	(ifvalue) =	ssetifvalue $0xFFFFFFFF  }
0x9d: {  	vm6 =	veq.s32 v9, $0x1;
	[hbm4b:s1+s16] =	stream.indirect_vreg.scatter [tilespmem:s0], [sflag:$0x2], $0x1, v7, vm0, $0x4038;
	v7 =	vsel vm4, $0x0, v8;
	[tilespmem:$0x8DC0] =	vst v63  }
0x9e: {  	s2 =	simm.s32 $0x0;
	s22 =	sadd.s32 $0x10, s22;
	vm4 =	vmor vm6, vm5;
	v6 =	vsel vm5, v8, v10;
	v7 =	vshift.insert v7, v0, s21  }
.LBB2_7:
0x9f: {  	v8 =	vld [tilespmem:s22+$0x0];
	s30 =	sadd.s32 $0x10, s30  }
0xa0: {  	s31 =	sadd.s32 $0x10, s31;
	v9 =	vld [tilespmem:s30+$0x0]  }
0xa1: {  	s2 =	sadd.s32 $0x10, s2;
	v10 =	vld [tilespmem:s31+$0x0]  }
0xa2: {  	p2 =	slt.u32 s2, $0xF90;
	_ =	sdelay $0x2  }
0xa3: {  	v7 =	vadd.f32 v9, v7  }
0xa4: {  	vm5 =	vne.s32 v8, $0xFFFFFFFF  }
0xa5: {  	vm6 =	vmand vm5, vm3;
	(xrf2) =	vadd.seg.scan.f32 vm5, v7;
	_ =	sdelay $0x5  }
0xa6: {  	vm7 =	veq.s32 v8, v5;
	vm5 =	veq.s32 v8, v3  }
0xa7: {  	vm8 =	vgt.u32 v8, $0xFFFFFFFD;
	vm4 =	vmor vm4, vm5;
	vm7 =	vmor vm7, vm5  }
0xa8: {  	vm7 =	vmor vm7, vm8  }
0xa9: {  	v8 =	vsel vm7, $0xFFFFFFFF, v8  }
.Ltmp5:
0xaa: {  	v7 =	vsel vm5, $0x0, v10;
	v9, _, _ =	vpop (xrf2);
	(pc) =	sbr.rel @p2 .LBB2_7-.Ltmp5, $4  }
0xab: {  	v6 =	vsel vm5, v9, v6;
	v10 =	vadd.f32 v9, v7;
	v7 =	vsel vm6, $0x0, v9  }
0xac: {  	s0 =	sadd.s32 $0x10, s0;
	v7 =	vshift.insert v7, v0, s21  }
0xad: {  	s22 =	sadd.s32 $0x10, s22;
	[tilespmem:s0+$0x0] =	vst v10;
	(ifvalue) =	ssetifvalue $0xFFFFFFFF  }
0xae: {  	[hbm4b:s1+s16] =	stream.indirect_vreg.scatter [tilespmem:s0], [sflag:$0x2], $0x1, v8, vm0, $0x4038;
	[tilespmem:$0x8DC0] =	vst v63  }
0xaf: {  	v3 =	vld [tilespmem:s29+$0x7DF0];
	_ =	sdelay $0x4  }
0xb0: {  	v3 =	vshift.insert v3, v0, s21  }
0xb1: {  	s0 =	simm.s32 $0x30  }
0xb2: {  	[tilespmem:s0+$0x0] =	vst.msk $0x1, v3  }
0xb3: {  	v3 =	vsel vm4, $0x1, v1;
	[tilespmem:$0x90] =	vst v6  }
0xb4: {  	s0 =	sadd.s32 @!p1 $0x7DFF, s29;
	[tilespmem:$0xA0] =	vst v3  }
0xb5: {  	[spmem:s14] =	stream.linear.scatter @!p1 [tilespmem:s0], [sflag:$0x1], $0x1, $0x38;
	[tilespmem:$0x8DC0] =	vst v63  }
0xb6: {  	s0 =	simm.s32 @!p1 $0x1  }
0xb7: {  	v3 =	vmctz.xlane @!p1 vm4;
	_ =	swait.ge @!p1 [sflag:s0], $0x1  }
0xb8: {  	(v2sf) =	vpush @!p1 v4, $0x0  }
0xb9: {  	(v2sf) =	vpush @!p1 v3, $0x0;
	_ =	sdelay $0xd  }
0xba: {  	s2 =	spop @!p1 (v2sf)  }
0xbb: {  	s22 =	spop @!p1 (v2sf)  }
0xbc: {  	p2 =	sne.s32 @!p1 s28, s2;
	p3 =	slt.s32 @!p1 s22, $0xF  }
0xbd: {  	[sflag:s0] =	ssyncset.done @!p1 $0x0;
	p2 =	por p2, p1;
	p3 =	por !p3, p1  }
0xbe: {  	[sflag:s0] =	ssyncadd.s32 @!p1 $0xFFFFFFFF;
	v3 =	vimm.s32 @!p2 $0xFFFFFFFF;
	s22 =	simm.s32 @p3 $0xF  }
0xbf: {  	[tilespmem:$0x80] =	vst @!p2 v3;
	s2 =	sadd.s32 @!p1 $0x90, s22  }
0xc0: {  	[spmem:s10] =	stream.linear.scatter @!p1 [tilespmem:s2], [sflag:$0x1], $0x1, $0x38;
	[tilespmem:$0x8DC0] =	vst v63  }
0xc1: {  	_ =	swait.ge @!p1 [sflag:s0], $0x1  }
0xc2: {  	[sflag:s0] =	ssyncset.done @!p1 $0x0  }
0xc3: {  	s2 =	simm.s32 @!p1 $0x80;
	[sflag:s0] =	ssyncadd.s32 @!p1 $0xFFFFFFFF  }
0xc4: {  	[spmem:s15] =	stream.linear.scatter @!p1 [tilespmem:s2], [sflag:$0x1], $0x1, $0x38;
	[tilespmem:$0x8DC0] =	vst v63  }
0xc5: {  	_ =	swait.ge @!p1 [sflag:s0], $0x1  }
0xc6: {  	[sflag:s0] =	ssyncset.done @!p1 $0x0  }
0xc7: {  	[sflag:s0] =	ssyncadd.s32 @!p1 $0xFFFFFFFF;
	(ifvalue) =	ssetifvalue $0xFFFFFFFF;
	v3 =	vld [tilespmem:s25+$0x10];
	_ =	sdelay $0x3  }
.Ltmp6:
0xc8: {  	_ = 	snop;
	(pc) =	sbr.rel .LBB2_9-.Ltmp6, $3  }
0xc9: {  	_ =	sdelay $0x1  }
0xca: {  	(ifvalue) =	ssetifvalue $0xFFFFFFFF  }
0xcb: {  	[hbm4b:s1+s16] =	stream.indirect_vreg.scatter [tilespmem:s26], [sflag:$0x9], $0x1, v3, vm0, $0x4038;
	[tilespmem:$0x8DC0] =	vst v63  }
.LBB2_10:
0xcc: {  	_ =	sfence.sel $0x180000  }
0xcd: {  	s0 =	simm.s32 $0x7;
	[bflag:$0x0] =	sbarrier.arrive $0xFFFF  }
0xce: {  	s26 =	simm.s32 $0x8;
	[sflag:s0] =	ssyncpa.u1 $0x1  }
0xcf: {  	s28 =	simm.s32 $0x9;
	[sflag:s26] =	ssyncpa.u1 $0x1  }
0xd0: {  	[sflag:s28] =	ssyncpa.u1 $0x1  }
0xd1: {  	_ =	sfence.stream.spmem  }
0xd2: {  	s29 =	simm.s32 $0x3;
	[bflag:$0x0] =	sbarrier.arrive $0xFFFF  }
0xd3: {  	s30 =	simm.s32 $0x4;
	[sflag:s29] =	ssyncpa.u1 $0x1  }
0xd4: {  	s31 =	simm.s32 $0x3C;
	s2 =	stileid.u32;
	[sflag:s30] =	ssyncpa.u1 $0x1  }
0xd5: {  	p0 =	sne.s32 s2, $0x0;
	[sflag:s31] =	ssyncpa.u1 $0x1  }
0xd6: {  	s0 =	simm.s32 @p0 $0x1;
	_ =	sfence @p0  }
0xd7: {  	[sflag:s0] =	ssyncpa.u1 @p0 $0x1;
	s0 =	simm.s32 @p0 $0x2  }
0xd8: {  	[sflag:s0] =	ssyncpa.u1 @p0 $0x1  }
0xd9: {  	_ =	strace @p0 $0x90000047  }
0xda: {  	[bflag:$0x2] =	sbarrier.arrive @p0 $0xFFFF  }
0xdb: {  	_ =	shalt @p0  }
.LBB2_11:
0xdc: {  	_ =	sfence.stream.spmem;
	s0 =	simm.s32 $0x5  }
0xdd: {  	s2 =	simm.s32 $0x80;
	s3 =	simm.s32 $0xC0;
	[sflag:s0] =	ssyncpa.u1 $0x0  }
0xde: {  	[tilespmem:s3], [sflag:$0x5] =	stream.linear.gather [spmem:s2], $0x20, $0x38;
	[tilespmem:$0x8DC0] =	vst v63  }
0xdf: {  	s2 =	simm.s32 $0x0;
	s3 =	simm.s32 $0xE0  }
0xe0: {  	[tilespmem:s3], [sflag:$0x5] =	stream.linear.gather [spmem:s2], $0x20, $0x38;
	[tilespmem:$0x8DC0] =	vst v63  }
.Ltmp7:
0xe1: {  	_ = 	snop;
	(pc) =	sbr.rel .LBB2_12-.Ltmp7, $4  }
0xe2: {  	_ =	swait.ge [sflag:s0], $0x40  }
0xe3: {  	[sflag:s0] =	ssyncset.done $0x0  }
0xe4: {  	s31 =	simm.s32 $0x6;
	[sflag:s0] =	ssyncadd.s32 $0xFFFFFFC0  }
0xe5: {  	s4 =	simm.s32 $0x0;
	[sflag:s31] =	ssyncpa.u1 $0x0  }
.LBB2_17:
0xe6: {  	p0 =	sgt.u32 s5, $0xFFF  }
0xe7: {  	s0 =	sshrl.u32 @!p0 s5, $0x3  }
0xe8: {  	s5 =	sand.u32 @!p0 $0x7, s5;
	s6 =	simm.s32 @!p0 $0xB0;
	s0 =	sadd.s32 @!p0 s1, s0  }
0xe9: {  	[tilespmem:s6], [sflag:$0x6] =	stream.linear.gather @!p0 [hbm4b:s0+s5], $0x1, $0x38;
	[tilespmem:$0x8DC0] =	vst v63  }
0xea: {  	s0 =	simm.s32 @!p0 $0x6  }
0xeb: {  	_ =	swait.ge @!p0 [sflag:s0], $0x1  }
0xec: {  	[sflag:s0] =	ssyncset.done @!p0 $0x0  }
0xed: {  	[sflag:s0] =	ssyncadd.s32 @!p0 $0xFFFFFFFF  }
0xee: {  	v2 =	vmov @!p0 s4;
	v1 =	vld.msk @!p0 [tilespmem:$0xB0], $0x1;
	_ =	sdelay $0x3  }
0xef: {  	s0 =	simm.s32 @!p0 $0xE0  }
0xf0: {  	[tilespmem:v2+s0+$0x0], v1 =	vst.idx.ret.add.f32.msk @!p0 $0x1, v1  }
0xf1: {  	[tilespmem:s2+$0xC0] =	vst.msk $0x1, v0  }
0xf2: {  	v0 =	vld.msk [tilespmem:s4+$0xE0], $0x1;
	_ =	sdelay $0x4  }
0xf3: {  	[tilespmem:s2+$0xE0] =	vst.msk $0x1, v0;
	s2 =	sadd.s32 $0x1, s2  }
.LBB2_19:
0xf4: {  	s4 =	sadd.s32 $0x1, s4  }
0xf5: {  	p0 =	sne.s32 s4, $0x20  }
.Ltmp8:
0xf6: {  	_ = 	snop;
	(pc) =	sbr.rel @!p0 .LBB2_20-.Ltmp8, $1  }
0xf7: {  	_ =	sdelay $0x3  }
.LBB2_12:
0xf8: {  	v0 =	vld.msk [tilespmem:s4+$0xC0], $0x1;
	_ =	sdelay $0x4  }
0xf9: {  	(v2sf) =	vpush v0, $0x0;
	_ =	sdelay $0xe  }
0xfa: {  	s5 =	spop (v2sf)  }
0xfb: {  	p0 =	seq.s32 s5, $0xFFFFFFFF  }
.Ltmp9:
0xfc: {  	_ = 	snop;
	(pc) =	sbr.rel @p0 .LBB2_19-.Ltmp9, $1  }
0xfd: {  	_ =	sdelay $0x3  }
0xfe: {  	p0 =	slt.s32 s2, $0x1  }
.Ltmp10:
0xff: {  	_ = 	snop;
	(pc) =	sbr.rel @p0 .LBB2_17-.Ltmp10, $1  }
0x100: {  	_ =	sdelay $0x3  }
0x101: {  	s0 =	simm.s32 $0xC0;
	p0 =	por $0x0, $0x0  }
0x102: {  	v1 =	vld.msk @!p0 [tilespmem:s0+$0x0], $0x1;
	_ =	sdelay $0x4  }
0x103: {  	(v2sf) =	vpush @!p0 v1, $0x0;
	_ =	sdelay $0xd  }
0x104: {  	p2 =	sne.s32 s2, $0x1  }
.Ltmp11:
0x105: {  	s6 =	spop @!p0 (v2sf);
	(pc) =	sbr.rel @!p2 .LBB2_16-.Ltmp11, $4  }
0x106: {  	p1 =	seq.s32 @!p0 s5, s6  }
0x107: {  	s6 =	simm.s32 $0x0;
	p1 =	por !p1, p0  }
0x108: {  	s8 =	simm.s32 $0xFFFFFFFF;
	s6 =	simm.s32 @p1 $0xFFFFFFFF  }
0x109: {  	s7 =	simm.s32 $0x1;
	s6 =	smov.u32 @p0 s8  }
.LBB2_15:
0x10a: {  	s8 =	smov.u32 s6;
	p0 =	sne.s32 s6, $0xFFFFFFFF  }
0x10b: {  	s0 =	sadd.s32 $0x1, s0;
	s6 =	smov.u32 s7;
	s7 =	sadd.s32 $0x1, s7  }
0x10c: {  	p1 =	sne.s32 s2, s7;
	v1 =	vld.msk @!p0 [tilespmem:s0+$0x0], $0x1;
	_ =	sdelay $0x4  }
0x10d: {  	(v2sf) =	vpush @!p0 v1, $0x0;
	_ =	sdelay $0xe  }
.Ltmp12:
0x10e: {  	s9 =	spop @!p0 (v2sf);
	(pc) =	sbr.rel @p1 .LBB2_15-.Ltmp12, $4  }
0x10f: {  	p2 =	seq.s32 @!p0 s5, s9  }
0x110: {  	p2 =	por !p2, p0  }
0x111: {  	s6 =	simm.s32 @p2 $0xFFFFFFFF  }
0x112: {  	s6 =	smov.u32 @p0 s8  }
.LBB2_16:
0x113: {  	p0 =	sne.s32 s6, $0xFFFFFFFF  }
.Ltmp13:
0x114: {  	_ = 	snop;
	(pc) =	sbr.rel @!p0 .LBB2_17-.Ltmp13, $1  }
0x115: {  	_ =	sdelay $0x3  }
0x116: {  	v0 =	vld.msk [tilespmem:s4+$0xE0], $0x1;
	v1 =	vmov s6  }
.Ltmp14:
0x117: {  	_ = 	snop;
	(pc) =	sbr.rel .LBB2_19-.Ltmp14, $2  }
0x118: {  	_ =	sdelay $0x2  }
0x119: {  	[tilespmem:v1+s3+$0x0], v0 =	vst.idx.ret.add.f32.msk $0x1, v0  }
.LBB2_20:
0x11a: {  	p0 =	slt.s32 s2, $0x1  }
.Ltmp15:
0x11b: {  	_ = 	snop;
	(pc) =	sbr.rel @p0 .LBB2_24-.Ltmp15, $3  }
0x11c: {  	_ =	sdelay $0x1  }
0x11d: {  	s0 =	simm.s32 $0x6  }
0x11e: {  	s3 =	simm.s32 $0x0;
	[sflag:s0] =	ssyncpa.u1 $0x1  }
0x11f: {  	s0 =	simm.s32 $0xC0  }
0x120: {  	v0 =	vld.msk [tilespmem:s0+$0x0], $0x1;
	_ =	sdelay $0x4  }
0x121: {  	(v2sf) =	vpush v0, $0x0;
	_ =	sdelay $0xe  }
0x122: {  	s2 =	sadd.s32 $0xFFFFFFFF, s2;
	s4 =	spop (v2sf)  }
0x123: {  	p1 =	sne.s32 s2, $0x0;
	p0 =	sgt.u32 s4, $0xFFF  }
.Ltmp16:
0x124: {  	s5 =	sshrl.u32 @!p0 s4, $0x3;
	(pc) =	sbr.rel @!p1 .LBB2_23-.Ltmp16, $4  }
0x125: {  	s0 =	simm.s32 $0xE0;
	s4 =	sand.u32 @!p0 $0x7, s4;
	s5 =	sadd.s32 @!p0 s1, s5  }
0x126: {  	[hbm4b:s5+s4] =	stream.linear.scatter @!p0 [tilespmem:s0], [sflag:$0x5], $0x1, $0x38;
	[tilespmem:$0x8DC0] =	vst v63  }
0x127: {  	s5 =	simm.s32 $0x0  }
0x128: {  	s4 =	simm.s32 $0xC1;
	s5 =	simm.s32 @!p0 $0x4  }
.LBB2_22:
0x129: {  	v0 =	vld.msk [tilespmem:s4+$0x0], $0x1;
	s2 =	sadd.s32 $0xFFFFFFFF, s2;
	s3 =	sadd.s32 s3, s5  }
0x12a: {  	p0 =	sne.s32 s2, $0x0;
	_ =	sdelay $0x3  }
0x12b: {  	(v2sf) =	vpush v0, $0x0;
	_ =	sdelay $0xe  }
.Ltmp17:
0x12c: {  	s6 =	spop (v2sf);
	(pc) =	sbr.rel @p0 .LBB2_22-.Ltmp17, $4  }
0x12d: {  	s5 =	simm.s32 $0x0;
	p1 =	sgt.u32 s6, $0xFFF  }
0x12e: {  	s0 =	sadd.s32 $0x1, s0;
	s5 =	simm.s32 @!p1 $0x4;
	s7 =	sshrl.u32 @!p1 s6, $0x3  }
0x12f: {  	s4 =	sadd.s32 $0x1, s4;
	s6 =	sand.u32 @!p1 $0x7, s6;
	s7 =	sadd.s32 @!p1 s1, s7  }
0x130: {  	[hbm4b:s7+s6] =	stream.linear.scatter @!p1 [tilespmem:s0], [sflag:$0x5], $0x1, $0x38;
	[tilespmem:$0x8DC0] =	vst v63  }
.LBB2_23:
0x131: {  	s0 =	sadd.s32 s3, s5  }
0x132: {  	s3 =	sshrl.u32 s0, $0x2  }
.LBB2_24:
0x133: {  	s0 =	simm.s32 $0x5  }
0x134: {  	_ =	swait.ge [sflag:s0], s3  }
0x135: {  	s1 =	ssub.s32 $0x0, s3;
	[sflag:s0] =	ssyncset.done $0x0  }
0x136: {  	[sflag:s0] =	ssyncadd.s32 s1  }
0x137: {  	[sflag:s0] =	ssyncpa.u1 $0x1  }
0x138: {  	s29 =	simm.s32 $0x1;
	_ =	sfence  }
0x139: {  	s30 =	simm.s32 $0x2;
	[sflag:s29] =	ssyncpa.u1 $0x1  }
0x13a: {  	[sflag:s30] =	ssyncpa.u1 $0x1  }
0x13b: {  	_ =	strace $0x90000047  }
0x13c: {  	[bflag:$0x2] =	sbarrier.arrive $0xFFFF  }
0x13d: {  	s31 =	rddreg [dreg:$0x2]  }
0x13e: {  	s0 =	sadd.s32 $0x100000, s31  }
0x13f: {  	[sflag:s0] =	ssyncadd.tile.s32 $0x1;
	_ =	shalt  }
.Lfunc_end2:
_tile_overlayer_lowered:
.L_overlay_start_2:
0x140: {  	(tag) =	ssettag $0x2  }
0x141: {  	s0 =	rddreg [dreg:$0x0];
	s2 =	stileid.u32  }
0x142: {  	s1 =	rddreg [dreg:$0x1];
	p0 =	sne.s32 s2, $0x0  }
0x143: {  	s3 =	rddreg [dreg:$0x2];
	[bflag:$0x3] =	sbarrier.arrive $0xFFFF;
	s2 =	simm.s32 @!p0 $0x1C01  }
0x144: {  	[timem:s3], [sflag:s2] =	dma.local @!p0 [hbm:s0], s1  }
0x145: {  	s0 =	simm.s32 @!p0 $0x1  }
0x146: {  	_ =	swait.ge @!p0 [sflag:s0], s1  }
0x147: {  	s1 =	ssub.s32 @!p0 $0x0, s1;
	[sflag:s0] =	ssyncset.done @!p0 $0x0  }
0x148: {  	[sflag:s0] =	ssyncadd.s32 @!p0 s1  }
0x149: {  	[bflag:$0x3] =	sbarrier.arrive $0xFFFF  }
0x14a: {  	_ =	shalt  }

// kernel: scatter_offload_async_start
scs
__scs_entry_jumppad:
0x0: {  	(pc) =	sbr.rel $0x88, $3  }
0x1: {  	(tag) =	ssettag $0x0;
	lr =	simm.s32 $0x1  }
0x2: {  	[smem:$0x3F9B] =	sst lr;
	_ =	strace $0xD0000000  }
0x3: {  	_ = 	snop  }
0x4: {  	_ = 	snop  }
0x5: {  	_ = 	snop  }
0x6: {  	_ = 	snop  }
0x7: {  	_ = 	snop  }
__scs_overlays_trampoline_lowered:
0x8: {  	[smem:$0x3FAA] =	sst s0  }
0x9: {  	[smem:$0x3FAB] =	sst s1  }
0xa: {  	[smem:$0x3FAC] =	sst s2  }
0xb: {  	[smem:$0x3FAD] =	sst s3  }
0xc: {  	[smem:$0x3FAE] =	sst s4  }
0xd: {  	[smem:$0x3FAF] =	sst s5  }
0xe: {  	[smem:$0x3FB0] =	sst s6  }
0xf: {  	[smem:$0x3FB1] =	sst s7  }
0x10: {  	[smem:$0x3FB2] =	sst s8  }
0x11: {  	[smem:$0x3FB3] =	sst s9;
	s0 =	simm.s32 @!p0 $0x0  }
0x12: {  	s1 =	sld [smem:$0x3F99];
	s0 =	simm.s32 @p0 $0x1  }
0x13: {  	[smem:$0x3FB4] =	sst s0;
	s0 =	simm.s32 @!p1 $0x0  }
0x14: {  	s2 =	sld [smem:$0x3F98];
	s0 =	simm.s32 @p1 $0x1  }
0x15: {  	[smem:$0x3FB5] =	sst s0;
	s0 =	simm.s32 @!p2 $0x0  }
0x16: {  	s3 =	sld [smem:$0x3FDB];
	s0 =	simm.s32 @p2 $0x1  }
0x17: {  	s4 =	simm.s32 $0x1BF5;
	[smem:$0x3FB7] =	sst s0  }
0x18: {  	s0 =	sld [smem:$0x3F9A];
	_ =	swait.ge [sflag:s4], $0x0  }
0x19: {  	s7 =	sld [smem:$0x3F9B]  }
0x1a: {  	s8 =	sadd.s32 $0xFFFFE003, lr  }
0x1b: {  	s9 =	sadd.s32 $0xFFFFFEF7, lr;
	s5 =	simm.s32 $0xFFFFFFFF;
	p2 =	slt.u32 s8, $0xFFFFF086  }
0x1c: {  	p1 =	slt.u32 s9, $0xF7A;
	s5 =	simm.s32 @!p2 $0x0  }
0x1d: {  	s5 =	simm.s32 @p1 $0x1;
	p0 =	seq.s32 s7, s2  }
0x1e: {  	s7 =	smul.u32 @!p0 $0xF7A, s2;
	p2 =	seq.s32 @!p0 s5, $0x0  }
0x1f: {  	s9 =	smul.u32 $0xF7A, s1;
	s8 =	simm.s32 @!p0 $0x1BF5;
	p2 =	por !p2, p0  }
0x20: {  	[sflag:s8] =	ssyncset.s32 @!p0 $0xFFFFF086;
	s6 =	sadd.s32 @!p0 s3, s7;
	s7 =	simm.s32 @!p0 $0x108  }
0x21: {  	s3 =	sadd.s32 s3, s9;
	s6 =	sadd.s32 @!p0 $0x88, s6;
	s7 =	simm.s32 @p2 $0x1082  }
0x22: {  	[simem:s7], [sflag:s8] =	dma.local @!p0 [hbm:s6], $0xF7A  }
0x23: {  	s9 =	sor.u32 $0xD0000000, s2;
	s6 =	simm.s32 $0x108;
	_ =	swait.ge @!p0 [sflag:s8], $0x0  }
0x24: {  	s3 =	sadd.s32 $0x88, s3;
	s6 =	simm.s32 @!p1 $0x1082;
	[sflag:s4] =	ssyncset.s32 $0xFFFFF086  }
0x25: {  	[simem:s6], [sflag:s4] =	dma.local [hbm:s3], $0xF7A  }
0x26: {  	[smem:$0x3F9B] =	sst s1;
	(tag) =	ssettag s2;
	_ =	strace s9  }
0x27: {  	s1 =	sld [smem:$0x3FAB]  }
0x28: {  	s2 =	sld [smem:$0x3FAC]  }
0x29: {  	s4 =	sld [smem:$0x3FAE]  }
0x2a: {  	p0 =	seq.s32 s5, $0x0;
	s5 =	sld [smem:$0x3FAF]  }
0x2b: {  	s6 =	sld [smem:$0x3FB0]  }
0x2c: {  	s7 =	sld [smem:$0x3FB1]  }
0x2d: {  	s3 =	simm.s32 $0x108;
	s8 =	sld [smem:$0x3FB2]  }
0x2e: {  	s3 =	simm.s32 @!p0 $0x1082;
	s9 =	sld [smem:$0x3FB3]  }
0x2f: {  	lr =	sadd.s32 s0, s3;
	s0 =	sld [smem:$0x3FAA]  }
0x30: {  	s3 =	sld [smem:$0x3FAD]  }
0x31: {  	[smem:$0x3FB6] =	sst s10  }
0x32: {  	s10 =	sld [smem:$0x3FB4];
	_ =	sdelay $0x3  }
0x33: {  	p0 =	seq.s32 s10, $0x1;
	s10 =	sld [smem:$0x3FB6];
	_ =	sdelay $0x3  }
0x34: {  	[smem:$0x3FB6] =	sst s10  }
0x35: {  	s10 =	sld [smem:$0x3FB5];
	_ =	sdelay $0x3  }
0x36: {  	p1 =	seq.s32 s10, $0x1;
	s10 =	sld [smem:$0x3FB6];
	_ =	sdelay $0x3  }
0x37: {  	[smem:$0x3FB6] =	sst s10  }
0x38: {  	s10 =	sld [smem:$0x3FB7]  }
0x39: {  	_ = 	snop;
	(pc) =	sbr.ind lr, $3  }
0x3a: {  	_ = 	snop  }
0x3b: {  	_ = 	snop  }
0x3c: {  	p2 =	seq.s32 s10, $0x1;
	s10 =	sld [smem:$0x3FB6]  }
0x3d: {  	_ =	shalt  }
0x3e: {  	_ =	shalt  }
0x3f: {  	_ =	shalt  }
0x40: {  	_ =	shalt  }
0x41: {  	_ =	shalt  }
0x42: {  	_ =	shalt  }
0x43: {  	_ =	shalt  }
0x44: {  	_ =	shalt  }
0x45: {  	_ =	shalt  }
0x46: {  	_ =	shalt  }
0x47: {  	_ =	shalt  }
0x48: {  	_ =	shalt  }
0x49: {  	_ =	shalt  }
0x4a: {  	_ =	shalt  }
0x4b: {  	_ =	shalt  }
0x4c: {  	_ =	shalt  }
0x4d: {  	_ =	shalt  }
0x4e: {  	_ =	shalt  }
0x4f: {  	_ =	shalt  }
0x50: {  	_ =	shalt  }
0x51: {  	_ =	shalt  }
0x52: {  	_ =	shalt  }
0x53: {  	_ =	shalt  }
0x54: {  	_ =	shalt  }
0x55: {  	_ =	shalt  }
0x56: {  	_ =	shalt  }
0x57: {  	_ =	shalt  }
0x58: {  	_ =	shalt  }
0x59: {  	_ =	shalt  }
0x5a: {  	_ =	shalt  }
0x5b: {  	_ =	shalt  }
0x5c: {  	_ =	shalt  }
0x5d: {  	_ =	shalt  }
0x5e: {  	_ =	shalt  }
0x5f: {  	_ =	shalt  }
0x60: {  	_ =	shalt  }
0x61: {  	_ =	shalt  }
0x62: {  	_ =	shalt  }
0x63: {  	_ =	shalt  }
0x64: {  	_ =	shalt  }
0x65: {  	_ =	shalt  }
0x66: {  	_ =	shalt  }
0x67: {  	_ =	shalt  }
0x68: {  	_ =	shalt  }
0x69: {  	_ =	shalt  }
0x6a: {  	_ =	shalt  }
0x6b: {  	_ =	shalt  }
0x6c: {  	_ =	shalt  }
0x6d: {  	_ =	shalt  }
0x6e: {  	_ =	shalt  }
0x6f: {  	_ =	shalt  }
0x70: {  	_ =	shalt  }
0x71: {  	_ =	shalt  }
0x72: {  	_ =	shalt  }
0x73: {  	_ =	shalt  }
0x74: {  	_ =	shalt  }
0x75: {  	_ =	shalt  }
0x76: {  	_ =	shalt  }
0x77: {  	_ =	shalt  }
0x78: {  	_ =	shalt  }
0x79: {  	_ =	shalt  }
0x7a: {  	_ =	shalt  }
0x7b: {  	_ =	shalt  }
0x7c: {  	_ =	shalt  }
0x7d: {  	_ =	shalt  }
0x7e: {  	_ =	shalt  }
0x7f: {  	_ =	shalt  }
0x80: {  	_ =	shalt  }
0x81: {  	_ =	shalt  }
0x82: {  	_ =	shalt  }
0x83: {  	_ =	shalt  }
0x84: {  	_ =	shalt  }
0x85: {  	_ =	shalt  }
0x86: {  	_ =	shalt  }
0x87: {  	_ =	shalt  }
.Lfunc_end0:
.L_simem_size_0:
called_computation_lowered:
.L_overlay_start_0:
0x88: {  	s2 =	sld [smem:$0x3FD9]  }
0x89: {  	s3 =	sld [smem:$0x3FFE];
	_ =	sdelay $0x1  }
0x8a: {  	s1 =	srdreg.scid  }
0x8b: {  	s0 =	sand.u32 $0x1, s1  }
0x8c: {  	s17 =	sshll.u32 s0, $0xA;
	s2 =	sadd.s32 s3, s2  }
0x8d: {  	s2 =	sadd.s32 s2, s17  }
0x8e: {  	[smem:$0x3FC2] =	sst s2  }
0x8f: {  	_ = 	snop  }
0x90: {  	s18 =	sld [smem:$0x3FC9];
	(tm) =	ssettm $0x1  }
0x91: {  	s19 =	sld [smem:$0x3FFB];
	_ =	sdelay $0x3  }
0x92: {  	_ =	strace s19  }
0x93: {  	s2 =	sld [smem:$0x3FFC];
	_ =	sdelay $0x3  }
0x94: {  	_ =	strace s2  }
0x95: {  	s2 =	sld [smem:$0x3FFD];
	_ =	sdelay $0x3  }
0x96: {  	_ =	strace s2  }
0x97: {  	_ =	strace $0x8FFFFFFF  }
0x98: {  	s20 =	sld [smem:$0x3FDB];
	_ =	sdelay $0x1  }
0x99: {  	s4 =	simm.s32 $_scs_section_size  }
0x9a: {  	s5 =	simm.s32 $_size__tile_overlayer_lowered;
	s6 =	simm.s32 $_tile_overlayer_lowered  }
0x9b: {  	s7 =	simm.s32 $0x1BFF;
	s21 =	sshll.u32 s6, $0x1;
	s4 =	sadd.s32 s4, s20  }
0x9c: {  	s22 =	simm.s32 $0x0;
	s5 =	sshll.u32 s5, $0x1;
	s6 =	sadd.s32 s21, s4  }
0x9d: {  	[timem:s22], [sflag:s7] =	dma.local [hbm:s6], s5  }
0x9e: {  	_ =	swait.ge [sflag:s7], s5  }
0x9f: {  	s5 =	ssub.s32 $0x0, s5;
	[sflag:s7] =	ssyncset.done $0x0  }
0xa0: {  	[sflag:s7] =	ssyncadd.s32 s5;
	_ =	sdelay $0x1  }
0xa1: {  	s23 =	simm.s32 $0x1B8B  }
0xa2: {  	_ =	swait.ge [sflag:s23], $0x1  }
0xa3: {  	[sflag:s23] =	ssyncset.done $0x0  }
0xa4: {  	[sflag:s23] =	ssyncadd.s32 $0xFFFFFFFF  }
0xa5: {  	s5 =	sld [smem:$0x0]  }
0xa6: {  	s6 =	sand.u32 $0xFFFFFFFE, s1  }
0xa7: {  	p0 =	sne.s32 s1, s6  }
0xa8: {  	s6 =	sshll.u32 @p0 s6, $0xE  }
0xa9: {  	s6 =	sadd.s32 @p0 $0x11B8D, s6;
	s7 =	sshll.u32 @p0 s5, $0x11  }
0xaa: {  	s6 =	sor.u32 @p0 s7, s6  }
0xab: {  	[sflag:s6] =	ssyncadd.remote.s32 @p0 $0x1;
	_ =	sdelay $0x1  }
0xac: {  	s6 =	simm.s32 @p0 $0x1B8D  }
0xad: {  	_ =	swait.eq @p0 [sflag:s6], $0x1  }
0xae: {  	[sflag:s6] =	ssyncadd.s32 @p0 $0xFFFFFFFF  }
0xaf: {  	s7 =	sshll.u32 @!p0 s1, $0xE  }
0xb0: {  	s7 =	sor.u32 @!p0 $0x4000, s7;
	s6 =	simm.s32 @!p0 $0x1B8D  }
0xb1: {  	s8 =	sshll.u32 @!p0 s5, $0x11;
	s7 =	sadd.s32 @!p0 $0x11B8D, s7;
	_ =	swait.eq @!p0 [sflag:s6], $0x1  }
0xb2: {  	[sflag:s6] =	ssyncadd.s32 @!p0 $0xFFFFFFFF;
	s6 =	sor.u32 @!p0 s8, s7  }
0xb3: {  	s25 =	simm.s32 $0x1B8E;
	s24 =	sld [smem:$0x3FFE];
	[sflag:s6] =	ssyncadd.remote.s32 @!p0 $0x1  }
0xb4: {  	s26 =	simm.s32 $execute0_lowered;
	[smem:$0x3FD2] =	sst s25  }
0xb5: {  	s7 =	sshll.u32 s26, $0x1;
	_ =	strace $0x80000049;
	[dreg:$0x1] =	wrdreg $0xFFFFFFFF  }
0xb6: {  	s28 =	simm.s32 $_size_execute0_lowered;
	s4 =	sadd.s32 s4, s7;
	[dreg:$0x0] =	wrdreg $0x0  }
0xb7: {  	s7 =	sshll.u32 s28, $0x1;
	[dreg:$0x2] =	wrdreg s4  }
0xb8: {  	[dreg:$0x3] =	wrdreg s7  }
0xb9: {  	[dreg:$0x4] =	wrdreg $0xC0  }
0xba: {  	_ =	task [dreg:s22], $0x5FFFF  }
0xbb: {  	[dreg:$0x1] =	wrdreg $0xFFFFFFFF  }
0xbc: {  	[dreg:$0x0] =	wrdreg $0x60  }
0xbd: {  	[dreg:$0x2] =	wrdreg s24  }
0xbe: {  	[dreg:$0x3] =	wrdreg s18  }
0xbf: {  	[dreg:$0x4] =	wrdreg s1  }
0xc0: {  	[dreg:$0x5] =	wrdreg s5  }
0xc1: {  	[dreg:$0x6] =	wrdreg $0x9  }
0xc2: {  	_ =	task.clear_ibuf [dreg:s22], $0x7FFFF;
	_ =	strace $0x90000049  }
0xc3: {  	s29 =	simm.s32 $0x9;
	_ =	strace $0x8000004B  }
0xc4: {  	_ =	swait.ge [sflag:s29], $0x1  }
0xc5: {  	[sflag:s29] =	ssyncadd.s32 $0xFFFFFFFF  }
0xc6: {  	_ =	strace $0x9000004B  }
0xc7: {  	_ =	sfence  }
0xc8: {  	s30 =	sld [smem:$0x0];
	_ =	sdelay $0x2  }
0xc9: {  	s31 =	sshll.u32 s1, $0xD;
	s1 =	sshrl.u32 s1, $0x2  }
0xca: {  	s4 =	sand.u32 $0x4000, s31;
	s1 =	sadd.s32 s1, s30  }
0xcb: {  	s0 =	sor.u32 s4, s0;
	s1 =	sshll.u32 s1, $0x11  }
0xcc: {  	s0 =	sor.u32 s1, s0  }
0xcd: {  	s0 =	sadd.s32 $0x8F2B, s0  }
0xce: {  	[sflag:s0] =	ssyncadd.remote.s32 $0x1  }
0xcf: {  	_ =	sfence.sel $0xFFFF  }
0xd0: {  	[dreg:$0x0] =	wrdreg $0xFFFFFFFF;
	(pc) =	sbr.abs _section_cstart, $3  }
0xd1: {  	[dreg:$0x1] =	wrdreg $0xFFFFFFFF  }
0xd2: {  	_ =	task.clear_ibuf [dreg:s22], $0x2FFFF;
	_ =	strace $0x9FFFFFFF  }
0xd3: {  	(tm) =	ssettm $0x7FFFFFFF  }
tec
execute0_lowered:
.L_overlay_start_1:
0x0: {  	(tag) =	ssettag $0x1  }
0x1: {  	s15 =	rddreg [dreg:$0x0]  }
0x2: {  	s9 =	rddreg [dreg:$0x1]  }
0x3: {  	s2 =	rddreg [dreg:$0x2];
	_ =	strace $0x8000004A;
	s0 =	simm.s32 $0x1  }
0x4: {  	v0 =	vimm.s32 $0x0;
	[sflag:s0] =	ssyncpa.u1 $0x0;
	s0 =	simm.s32 $0x108  }
0x5: {  	[tilespmem:s0+$0x70] =	vst v0  }
0x6: {  	[tilespmem:s0+$0x60] =	vst v0  }
0x7: {  	[tilespmem:s0+$0x50] =	vst v0  }
0x8: {  	[tilespmem:s0+$0x40] =	vst v0  }
0x9: {  	[tilespmem:s0+$0x30] =	vst v0  }
0xa: {  	s3 =	simm.s32 $0x40;
	[tilespmem:s0+$0x20] =	vst v0  }
0xb: {  	s1 =	sadd.s32 $0xC800, s15;
	s14 =	sadd.s32 $0x3200, s15;
	s5 =	sand.u32 $0x1, s2;
	[tilespmem:s0+$0x10] =	vst v0  }
.LBB2_1:
0xc: {  	s3 =	sadd.s32 $0x40, s3;
	[tilespmem:s0+$0x0] =	vst v0;
	s0 =	sadd.s32 $0x80, s0  }
0xd: {  	p0 =	slt.u32 s3, $0x3C40;
	[tilespmem:s0+$0x70] =	vst v0  }
0xe: {  	[tilespmem:s0+$0x60] =	vst v0  }
.Ltmp0:
0xf: {  	[tilespmem:s0+$0x50] =	vst v0;
	(pc) =	sbr.rel @p0 .LBB2_1-.Ltmp0, $4  }
0x10: {  	[tilespmem:s0+$0x40] =	vst v0  }
0x11: {  	[tilespmem:s0+$0x30] =	vst v0  }
0x12: {  	[tilespmem:s0+$0x20] =	vst v0  }
0x13: {  	[tilespmem:s0+$0x10] =	vst v0  }
0x14: {  	s6 =	stileid.u32  }
0x15: {  	s2 =	simm.s32 $0x1;
	p0 =	sne.s32 s6, $0x0;
	s3 =	smul.u32 $0xD, s6  }
0x16: {  	s2 =	simm.s32 @!p0 $0x0  }
0x17: {  	s2 =	sadd.s32 s2, s3  }
0x18: {  	p1 =	seq.s32 s6, $0x0;
	s7 =	smul.u32 $0xF0, s2;
	s2 =	simm.s32 $0xD20  }
0x19: {  	s2 =	simm.s32 @!p1 $0xC30  }
0x1a: {  	s2 =	sadd.s32 s2, s7  }
0x1b: {  	s8 =	smin.u32 s2, $0xC350  }
0x1c: {  	s2 =	ssub.s32 s8, s7  }
0x1d: {  	p1 =	sgt.s32 s2, $0x0  }
0x1e: {  	s29 =	simm.s32 $0x2;
	s10 =	simm.s32 $0x9;
	s2 =	simm.s32 @!p1 $0x0  }
0x1f: {  	s4 =	simm.s32 $0xA;
	s11 =	simm.s32 $0xB;
	s28 =	smul.u32 $0x8889, s2  }
0x20: {  	[dreg:$0x5] =	wrdreg s5;
	s31 =	smul.u32 $0x186A, s5;
	s12 =	simm.s32 $0x1  }
0x21: {  	s22 =	simm.s32 $0x0;
	s18 =	simm.s32 $0xC;
	s30 =	sshrl.u32 s28, $0x17  }
0x22: {  	s20 =	simm.s32 $0x0;
	s21 =	simm.s32 $0x0;
	s3 =	smul.u32 $0xF0, s30  }
.Ltmp1:
0x23: {  	[tilespmem:s0+$0x0] =	vst v0;
	v0 =	vimm.s32 $0xFFFFFFFF;
	[sflag:s29] =	ssyncpa.u1 $0x0;
	s16 =	sshll.u32 s6, $0x8;
	(pc) =	sbr.rel .LBB2_3-.Ltmp1, $4  }
0x24: {  	[tilespmem:$0xF208] =	vst v0;
	[sflag:s10] =	ssyncpa.u1 $0x0;
	p1 =	sne.s32 s2, s3;
	s2 =	simm.s32 $0x1  }
0x25: {  	s14 =	sadd.s32 s31, s14;
	[sflag:s4] =	ssyncpa.u1 $0x0;
	s2 =	simm.s32 @!p1 $0x0  }
0x26: {  	s15 =	sadd.s32 s31, s15;
	[sflag:s11] =	ssyncpa.u1 $0x0;
	s13 =	sadd.s32 s30, s2  }
0x27: {  	v0 =	vlaneseq.u32;
	s19 =	smov.u32 s7;
	p1 =	por $0x0, $0x0;
	s17 =	sadd.s32 $0x1, s13  }
.LBB2_18:
0x28: {  	s0 =	sshrl.u32 s31, $0x2  }
.LBB2_20:
0x29: {  	_ =	swait.ge [sflag:s18], s0  }
0x2a: {  	s31 =	ssub.s32 $0x0, s0;
	v1 =	vmov s24;
	vm0 =	veq.s32 v0, $0x0;
	[sflag:s18] =	ssyncset.done $0x0  }
0x2b: {  	vm15 =	veq.s32 v0, $0x2;
	v1 =	vsel vm0, s30, v1;
	[sflag:s18] =	ssyncadd.s32 s31  }
0x2c: {  	v1 =	vsel vm15, s22, v1;
	[sflag:s18] =	ssyncpa.u1 $0x1  }
0x2d: {  	[tilespmem:$0xF208] =	vst v1  }
.LBB2_21:
0x2e: {  	s0 =	sadd.s32 $0xF0, s19  }
0x2f: {  	s2 =	smov.u32 s7;
	p2 =	slt.s32 s0, s8  }
0x30: {  	s2 =	smov.u32 @p2 s0;
	p2 =	sne.s32 s21, s17  }
.Ltmp2:
0x31: {  	_ = 	snop;
	(pc) =	sbr.rel @!p2 .LBB2_22-.Ltmp2, $3  }
0x32: {  	_ =	sdelay $0x1  }
0x33: {  	s22 =	smov.u32 s20;
	s31 =	sadd.s32 $0x1, s21;
	s20 =	smov.u32 s19  }
0x34: {  	p1 =	por !p1, !p1;
	s21 =	smov.u32 s31;
	s19 =	smov.u32 s2  }
.LBB2_3:
0x35: {  	p2 =	sge.u32 s21, s13  }
0x36: {  	s0 =	smulhi.u32 @!p2 $0xAAAAAAAB, s21  }
0x37: {  	s2 =	smov.u32 s19;
	p3 =	sgt.s32 @!p2 s19, $0xC260  }
0x38: {  	s3 =	sshra.s32 @!p2 s19, $0x1F;
	p3 =	por !p3, p2;
	s0 =	sshrl.u32 @!p2 s0, $0x1  }
0x39: {  	s3 =	sand.u32 @!p2 s3, s19;
	s2 =	simm.s32 @p3 $0xC260;
	s0 =	smul.u32 @!p2 $0x3, s0  }
0x3a: {  	s2 =	ssub.s32 @!p2 s2, s3  }
0x3b: {  	s2 =	sadd.s32 @!p2 $0xFFFF3DA0, s2;
	s0 =	ssub.s32 @!p2 s21, s0  }
0x3c: {  	s3 =	sshll.u32 @!p2 s2, $0x2;
	p3 =	sgt.s32 @!p2 s2, $0xEF;
	s0 =	smul.u32 @!p2 $0x3C0, s0  }
0x3d: {  	s4 =	sand.u32 @!p2 $0x7, s19;
	s2 =	ssub.s32 @!p2 $0x3C0, s3;
	p3 =	por !p3, p2  }
0x3e: {  	s3 =	sshrl.u32 @!p2 s19, $0x3;
	s2 =	sshrl.u32 @!p2 s2, $0x2;
	s0 =	sshrl.u32 @!p2 s0, $0x2  }
0x3f: {  	s3 =	sadd.s32 @!p2 s3, s14;
	s2 =	simm.s32 @!p3 $0x0;
	s0 =	sadd.s32 @!p2 $0x10248, s0  }
0x40: {  	[tilespmem:s0], [sflag:$0xA] =	stream.linear.gather @!p2 [hbm4b:s3+s4], s2, $0x38;
	[tilespmem:$0x1F6F8] =	vst v63  }
0x41: {  	s0 =	sadd.s32 $0xFFFFFFFF, s21  }
0x42: {  	p2 =	sge.u32 s0, s13  }
0x43: {  	p3 =	sgt.s32 @!p2 s20, $0xC260  }
0x44: {  	s2 =	smov.u32 s20;
	s3 =	sshra.s32 @!p2 s20, $0x1F;
	p3 =	por !p3, p2  }
0x45: {  	s3 =	sand.u32 @!p2 s3, s20;
	s2 =	simm.s32 @p3 $0xC260  }
0x46: {  	s2 =	ssub.s32 @!p2 s2, s3  }
0x47: {  	s2 =	sadd.s32 @!p2 $0xFFFF3DA0, s2  }
0x48: {  	s4 =	sand.u32 @!p2 $0x1, s0;
	s3 =	sshll.u32 @!p2 s2, $0x2  }
0x49: {  	p3 =	sgt.s32 @!p2 s2, $0xEF;
	s2 =	ssub.s32 @!p2 $0x3C0, s3;
	s3 =	smulhi.u32 @!p2 $0xAAAAAAAB, s0  }
0x4a: {  	s23 =	smul.u32 @!p2 $0x3C0, s4;
	p3 =	por !p3, p2;
	s2 =	sshrl.u32 @!p2 s2, $0x2  }
0x4b: {  	s5 =	simm.s32 @!p2 $0xA;
	s2 =	simm.s32 @!p3 $0x0;
	s3 =	sshrl.u32 @!p2 s3, $0x1  }
0x4c: {  	s23 =	sshrl.u32 @!p2 s23, $0x2;
	_ =	swait.ge @!p2 [sflag:s5], s2;
	s3 =	smul.u32 @!p2 $0x3, s3  }
0x4d: {  	s23 =	sadd.s32 @!p2 $0x10518, s23;
	s24 =	ssub.s32 @!p2 $0x0, s2;
	[sflag:s5] =	ssyncset.done @!p2 $0x0  }
0x4e: {  	[sflag:s5] =	ssyncadd.s32 @!p2 s24;
	s5 =	sshrl.u32 @!p2 s20, $0x3;
	s0 =	ssub.s32 @!p2 s0, s3  }
0x4f: {  	s24 =	sand.u32 @!p2 $0x7, s20;
	s5 =	sadd.s32 @!p2 s5, s15;
	s0 =	smul.u32 @!p2 $0x3C0, s0  }
0x50: {  	[tilespmem:s23], [sflag:$0xB] =	stream.linear.gather @!p2 [hbm4b:s5+s24], s2, $0x38;
	[tilespmem:$0x1F6F8] =	vst v63  }
0x51: {  	s3 =	ssub.s32 @!p2 $0xC350, s20;
	s2 =	smul.u32 @!p2 $0x1E000, s4  }
0x52: {  	p3 =	slt.s32 @!p2 s3, $0xF0  }
0x53: {  	p3 =	por !p3, p2;
	s0 =	sshrl.u32 @!p2 s0, $0x2;
	s2 =	sshrl.u32 @!p2 s2, $0x2  }
0x54: {  	s3 =	simm.s32 @p3 $0xF0;
	s0 =	sadd.s32 @!p2 $0x10248, s0;
	s2 =	sor.u32 @!p2 $0x106F8, s2  }
0x55: {  	[tilespmem:s2], [sflag:$0x9] =	stream.indirect.gather @!p2 [hbm4b:s9+s3], $0x80, s0, s3, $0xb8;
	[tilespmem:$0x1F6F8] =	vst v63  }
0x56: {  	p2 =	slt.u32 s21, $0x2  }
.Ltmp3:
0x57: {  	_ = 	snop;
	(pc) =	sbr.rel @p2 .LBB2_21-.Ltmp3, $1  }
0x58: {  	_ =	sdelay $0x3  }
0x59: {  	p2 =	sgt.s32 s22, $0xC260  }
0x5a: {  	s0 =	smov.u32 s22;
	s2 =	sshra.s32 s22, $0x1F;
	s3 =	ssub.s32 $0xC350, s22  }
0x5b: {  	s0 =	simm.s32 @!p2 $0xC260;
	s2 =	sand.u32 s2, s22;
	p2 =	slt.s32 s3, $0xF0  }
0x5c: {  	s0 =	ssub.s32 s0, s2;
	s3 =	simm.s32 @!p2 $0xF0  }
0x5d: {  	s0 =	sadd.s32 $0xFFFF3DA0, s0;
	s25 =	sshll.u32 s3, $0x7  }
0x5e: {  	s26 =	sshll.u32 s0, $0x2;
	s2 =	sand.u32 $0x3FFFFF80, s25  }
0x5f: {  	p2 =	sgt.s32 s0, $0xEF;
	s29 =	ssub.s32 $0x3C0, s26;
	_ =	swait.ge [sflag:s10], s2  }
0x60: {  	s2 =	ssub.s32 $0x0, s2;
	[sflag:s10] =	ssyncset.done $0x0;
	s0 =	sshrl.u32 s29, $0x2  }
0x61: {  	[sflag:s10] =	ssyncadd.s32 s2;
	s0 =	simm.s32 @p2 $0x0  }
0x62: {  	_ =	swait.ge [sflag:s11], s0  }
0x63: {  	s0 =	ssub.s32 $0x0, s0;
	[sflag:s11] =	ssyncset.done $0x0  }
0x64: {  	[sflag:s11] =	ssyncadd.s32 s0  }
0x65: {  	v1 =	vld [tilespmem:$0xF208];
	_ =	sdelay $0x4  }
0x66: {  	(v2sf) =	vpush v1, $0x0  }
0x67: {  	(v2sf) =	vpush v1, $0x1  }
0x68: {  	(v2sf) =	vpush v1, $0x2;
	_ =	sdelay $0x3  }
0x69: {  	s0 =	sadd.s32 $0xF0, s22  }
0x6a: {  	s2 =	ssub.s32 $0x186A0, s22;
	p2 =	slt.s32 s8, s0  }
0x6b: {  	s0 =	smov.u32 @p2 s8;
	p2 =	sgt.s32 s2, $0x0  }
0x6c: {  	s26 =	ssub.s32 s0, s22;
	s2 =	simm.s32 @!p2 $0x0  }
0x6d: {  	p2 =	slt.s32 s2, s26  }
0x6e: {  	s26 =	smov.u32 @p2 s2  }
0x6f: {  	s25 =	simm.s32 $0x1;
	p2 =	slt.s32 s26, $0x1  }
.Ltmp4:
0x70: {  	s25 =	simm.s32 @!p1 $0x0;
	(pc) =	sbr.rel @p2 .LBB2_8-.Ltmp4, $4  }
0x71: {  	s31 =	smul.u32 $0x3C0, s25  }
0x72: {  	s28 =	spop (v2sf)  }
0x73: {  	s0 =	sshrl.u32 s31, $0x2;
	s30 =	spop (v2sf)  }
0x74: {  	s23 =	sadd.s32 $0x10518, s0;
	s22 =	spop (v2sf)  }
0x75: {  	s0 =	smin.u32 s26, $0x10  }
0x76: {  	v1 =	vmov s0  }
0x77: {  	p3 =	sgt.s32 s26, $0x10;
	vm1 =	vgt.u32 v1, v0  }
.Ltmp5:
0x78: {  	_ = 	snop;
	(pc) =	sbr.rel @!p3 .LBB2_7-.Ltmp5, $2  }
0x79: {  	_ =	sdelay $0x2  }
0x7a: {  	s4 =	simm.s32 $0x10;
	s24 =	sadd.s32 $0xFFFFFFF0, s26;
	s0 =	smov.u32 s23;
	vm0 =	vmmov vm1  }
.LBB2_6:
0x7b: {  	s2 =	smin.u32 s24, $0x10;
	s4 =	sadd.s32 $0x10, s4;
	v1 =	vld.msk [tilespmem:s0+$0x0 ss:$0x1], vm1  }
0x7c: {  	v2 =	vmov s2;
	p3 =	slt.s32 s4, s26  }
0x7d: {  	vm1 =	vgt.u32 v2, v0  }
.Ltmp6:
0x7e: {  	(pc) =	sbr.rel @p3 .LBB2_6-.Ltmp6, $3  }
0x7f: {  	_ =	sdelay $0x1  }
0x80: {  	v1 =	vshll.u32 v1, $0x4  }
0x81: {  	s24 =	sadd.s32 $0xFFFFFFF0, s24;
	[tilespmem:s0+$0x0] =	vst.msk vm0, v1;
	s0 =	sadd.s32 $0x10, s0;
	vm0 =	vmmov vm1  }
.LBB2_7:
0x82: {  	_ =	sdelay $0x4  }
0x83: {  	v1 =	vld.msk [tilespmem:s0+$0x0 ss:$0x1], vm1;
	_ =	sdelay $0x4  }
0x84: {  	v1 =	vshll.u32 v1, $0x4  }
0x85: {  	[tilespmem:s0+$0x0] =	vst.msk vm0, v1  }
.LBB2_8:
0x86: {  	s0 =	sand.u32 $0x1, s21  }
0x87: {  	s0 =	smul.u32 $0xF0, s0  }
0x88: {  	p3 =	sne.s32 s30, $0xFFFFFFFF  }
0x89: {  	v1 =	vld.msk @!p3 [tilespmem:s0+$0x10518], $0x1;
	_ =	sdelay $0x4  }
0x8a: {  	(v2sf) =	vpush @!p3 v1, $0x0;
	_ =	sdelay $0xc  }
.Ltmp7:
0x8b: {  	_ = 	snop;
	(pc) =	sbr.rel @p2 .LBB2_19-.Ltmp7, $4  }
0x8c: {  	_ = 	snop  }
0x8d: {  	s29 =	spop @!p3 (v2sf)  }
0x8e: {  	s22 =	simm.s32 @!p3 $0x0;
	s24 =	smov.u32 s29  }
0x8f: {  	[sflag:s18] =	ssyncpa.u1 $0x0;
	s29 =	smov.u32 @p3 s28;
	s24 =	smov.u32 @p3 s30  }
0x90: {  	v1 =	vld.msk [tilespmem:s23+$0x0], $0x1;
	_ =	sdelay $0x4  }
0x91: {  	(v2sf) =	vpush v1, $0x0;
	_ =	sdelay $0xe  }
0x92: {  	s2 =	smul.u32 $0x1E000, s25;
	s0 =	spop (v2sf)  }
0x93: {  	s26 =	ssub.s32 $0x0, s26;
	p2 =	seq.s32 s29, s0  }
0x94: {  	s30 =	sadd.s32 $0x1, s26;
	s2 =	sshrl.u32 s2, $0x2;
	p3 =	sgt.s32 @!p2 s29, $0x0  }
0x95: {  	s25 =	sor.u32 $0x10738, s2;
	s2 =	smov.u32 s29;
	p3 =	por !p3, p2  }
0x96: {  	s2 =	simm.s32 @p3 $0x0;
	p3 =	seq.s32 s30, $0x0  }
.Ltmp8:
0x97: {  	_ = 	snop;
	(pc) =	sbr.rel @p3 .LBB2_11-.Ltmp8, $4  }
0x98: {  	_ = 	snop  }
0x99: {  	s28 =	simm.s32 $0x0;
	s31 =	sadd.s32 $0x1, s23;
	s2 =	smin.u32 @!p2 s2, $0xFFF0  }
0x9a: {  	s4 =	simm.s32 @!p2 $0x1;
	s5 =	simm.s32 @!p2 $0x7988;
	s3 =	sand.u32 @!p2 $0xFFF8, s2  }
0x9b: {  	s4 =	smov.u32 @p2 s28;
	s2 =	sand.u32 @!p2 $0x7, s2;
	s3 =	sadd.s32 @!p2 s1, s3  }
.LBB2_10:
0x9c: {  	s6 =	smov.u32 s4  }
0x9d: {  	[tilespmem:s5], [sflag:$0x2] =	stream.linear.gather @!p2 [hbm4b:s3+s2], $0x80, $0x38;
	[tilespmem:$0x1F6F8] =	vst v63  }
0x9e: {  	s30 =	sadd.s32 $0x1, s30;
	s2 =	smov.u32 s0;
	v1 =	vld.msk [tilespmem:s31+$0x0], $0x1  }
0x9f: {  	p3 =	seq.s32 s30, $0x0;
	_ =	sdelay $0x3  }
0xa0: {  	(v2sf) =	vpush v1, $0x0;
	_ =	sdelay $0xe  }
0xa1: {  	s0 =	spop (v2sf)  }
0xa2: {  	p2 =	seq.s32 s2, s0  }
0xa3: {  	p4 =	sgt.s32 @!p2 s2, $0x0;
	s3 =	sshll.u32 @!p2 s4, $0x9;
	s4 =	sadd.s32 @!p2 $0x1, s4  }
.Ltmp9:
0xa4: {  	p4 =	por !p4, p2;
	s3 =	sshra.s32 @!p2 s3, $0x2;
	(pc) =	sbr.rel @!p3 .LBB2_10-.Ltmp9, $4  }
0xa5: {  	s4 =	smov.u32 @p2 s6;
	s2 =	simm.s32 @p4 $0x0;
	s5 =	sadd.s32 @!p2 $0x7988, s3  }
0xa6: {  	s2 =	smin.u32 @!p2 s2, $0xFFF0  }
0xa7: {  	s3 =	sand.u32 @!p2 $0xFFF8, s2;
	s2 =	sand.u32 @!p2 $0x7, s2  }
0xa8: {  	s31 =	sadd.s32 $0x1, s31;
	s3 =	sadd.s32 @!p2 s1, s3  }
.LBB2_11:
0xa9: {  	[tilespmem:s5], [sflag:$0x2] =	stream.linear.gather @!p2 [hbm4b:s3+s2], $0x80, $0x38;
	[tilespmem:$0x1F6F8] =	vst v63  }
.Ltmp10:
0xaa: {  	s0 =	sshll.u32 s4, $0x7;
	(pc) =	sbr.rel .LBB2_12-.Ltmp10, $4  }
0xab: {  	s30 =	simm.s32 $0x2;
	s0 =	sand.u32 $0x3FFFFF80, s0  }
0xac: {  	_ =	swait.ge [sflag:s30], s0  }
0xad: {  	s0 =	ssub.s32 $0x0, s0;
	[sflag:s30] =	ssyncset.done $0x0  }
0xae: {  	s31 =	simm.s32 $0x0;
	[sflag:s30] =	ssyncadd.s32 s0  }
.LBB2_13:
0xaf: {  	v1 =	vld [tilespmem:s25+$0xFFFFFFC0];
	_ =	sdelay $0x3  }
0xb0: {  	s0 =	sshra.s32 s0, $0x2  }
0xb1: {  	[tilespmem:s0+$0x108] =	vst.add.f32.msk $0xffff, v1  }
0xb2: {  	v1 =	vld [tilespmem:s25+$0xFFFFFFD0];
	_ =	sdelay $0x4  }
0xb3: {  	[tilespmem:s0+$0x118] =	vst.add.f32.msk $0xffff, v1  }
0xb4: {  	v1 =	vld [tilespmem:s25+$0xFFFFFFE0];
	_ =	sdelay $0x4  }
0xb5: {  	[tilespmem:s0+$0x128] =	vst.add.f32.msk $0xffff, v1  }
0xb6: {  	v1 =	vld [tilespmem:s25+$0xFFFFFFF0];
	_ =	sdelay $0x4  }
0xb7: {  	[tilespmem:s0+$0x138] =	vst.add.f32.msk $0xffff, v1  }
0xb8: {  	v1 =	vld [tilespmem:s25+$0x0];
	_ =	sdelay $0x4  }
0xb9: {  	[tilespmem:s0+$0x148] =	vst.add.f32.msk $0xffff, v1  }
0xba: {  	v1 =	vld [tilespmem:s25+$0x10];
	_ =	sdelay $0x4  }
0xbb: {  	[tilespmem:s0+$0x158] =	vst.add.f32.msk $0xffff, v1  }
0xbc: {  	v1 =	vld [tilespmem:s25+$0x20];
	_ =	sdelay $0x4  }
0xbd: {  	[tilespmem:s0+$0x168] =	vst.add.f32.msk $0xffff, v1  }
0xbe: {  	v1 =	vld [tilespmem:s25+$0x30];
	_ =	sdelay $0x4  }
0xbf: {  	[tilespmem:s0+$0x178] =	vst.add.f32.msk $0xffff, v1  }
.LBB2_17:
0xc0: {  	s26 =	sadd.s32 $0x1, s26  }
0xc1: {  	p2 =	seq.s32 s26, $0x0  }
.Ltmp11:
0xc2: {  	_ = 	snop;
	(pc) =	sbr.rel @p2 .LBB2_18-.Ltmp11, $2  }
0xc3: {  	_ =	sdelay $0x2  }
0xc4: {  	s23 =	sadd.s32 $0x1, s23;
	s25 =	sadd.s32 $0x80, s25;
	s29 =	smov.u32 s30  }
.LBB2_12:
0xc5: {  	v1 =	vld.msk [tilespmem:s23+$0x0], $0x1;
	_ =	sdelay $0x4  }
0xc6: {  	(v2sf) =	vpush v1, $0x0;
	_ =	sdelay $0xe  }
0xc7: {  	s30 =	spop (v2sf)  }
0xc8: {  	p2 =	sne.s32 s29, s30  }
.Ltmp12:
0xc9: {  	_ = 	snop;
	(pc) =	sbr.rel @!p2 .LBB2_13-.Ltmp12, $2  }
0xca: {  	_ =	sdelay $0x2  }
0xcb: {  	s0 =	sshll.u32 s22, $0x9  }
0xcc: {  	p2 =	seq.s32 s29, s24  }
.Ltmp13:
0xcd: {  	_ = 	snop;
	(pc) =	sbr.rel @!p2 .LBB2_15-.Ltmp13, $1  }
0xce: {  	_ =	sdelay $0x3  }
0xcf: {  	s0 =	sshra.s32 s0, $0x2  }
.Ltmp14:
0xd0: {  	s0 =	sadd.s32 $0x108, s0;
	(pc) =	sbr.rel .LBB2_16-.Ltmp14, $4  }
0xd1: {  	[spmem:s16] =	stream.linear.scatter [tilespmem:s0], [sflag:$0x1], $0x80, $0x38;
	[tilespmem:$0x1F6F8] =	vst v63  }
0xd2: {  	_ =	swait.ge [sflag:s12], $0x80  }
0xd3: {  	[sflag:s12] =	ssyncset.done $0x0  }
0xd4: {  	[sflag:s12] =	ssyncadd.s32 $0xFFFFFF80  }
.LBB2_15:
0xd5: {  	s2 =	sshll.u32 s28, $0x9  }
0xd6: {  	s2 =	sshra.s32 s2, $0x2  }
0xd7: {  	v1 =	vld [tilespmem:s2+$0x7988];
	_ =	sdelay $0x3  }
0xd8: {  	s0 =	sshra.s32 s0, $0x2  }
0xd9: {  	[tilespmem:s0+$0x108] =	vst.add.f32.msk $0xffff, v1  }
0xda: {  	v1 =	vld [tilespmem:s2+$0x7998];
	_ =	sdelay $0x4  }
0xdb: {  	[tilespmem:s0+$0x118] =	vst.add.f32.msk $0xffff, v1  }
0xdc: {  	v1 =	vld [tilespmem:s2+$0x79A8];
	_ =	sdelay $0x4  }
0xdd: {  	[tilespmem:s0+$0x128] =	vst.add.f32.msk $0xffff, v1  }
0xde: {  	v1 =	vld [tilespmem:s2+$0x79B8];
	_ =	sdelay $0x4  }
0xdf: {  	[tilespmem:s0+$0x138] =	vst.add.f32.msk $0xffff, v1  }
0xe0: {  	v1 =	vld [tilespmem:s2+$0x79C8];
	_ =	sdelay $0x4  }
0xe1: {  	[tilespmem:s0+$0x148] =	vst.add.f32.msk $0xffff, v1  }
0xe2: {  	v1 =	vld [tilespmem:s2+$0x79D8];
	_ =	sdelay $0x4  }
0xe3: {  	[tilespmem:s0+$0x158] =	vst.add.f32.msk $0xffff, v1  }
0xe4: {  	v1 =	vld [tilespmem:s2+$0x79E8];
	_ =	sdelay $0x4  }
0xe5: {  	[tilespmem:s0+$0x168] =	vst.add.f32.msk $0xffff, v1  }
0xe6: {  	v1 =	vld [tilespmem:s2+$0x79F8];
	_ =	sdelay $0x2  }
0xe7: {  	p2 =	sgt.u32 s29, $0xFFF0  }
0xe8: {  	s2 =	sand.u32 @!p2 $0xFFF8, s29  }
0xe9: {  	s3 =	sadd.s32 $0x108, s0;
	[tilespmem:s0+$0x178] =	vst.add.f32.msk $0xffff, v1;
	s0 =	sadd.s32 @!p2 s1, s2;
	s2 =	sand.u32 @!p2 $0x7, s29  }
0xea: {  	[hbm4b:s0+s2] =	stream.linear.scatter @!p2 [tilespmem:s3], [sflag:$0xC], $0x80, $0x38;
	[tilespmem:$0x1F6F8] =	vst v63  }
0xeb: {  	s0 =	simm.s32 $0x0  }
0xec: {  	s0 =	simm.s32 @!p2 $0x200  }
0xed: {  	s31 =	sadd.s32 s0, s31  }
.LBB2_16:
0xee: {  	s0 =	sadd.s32 $0x1, s22  }
0xef: {  	s2 =	smulhi.u32 $0x88888889, s0;
	_ =	sdelay $0x1  }
0xf0: {  	v1 =	vld [tilespmem:s25+$0xFFFFFFC0];
	s2 =	sshrl.u32 s2, $0x7  }
0xf1: {  	s2 =	smul.u32 $0xF0, s2;
	_ =	sdelay $0x1  }
0xf2: {  	s22 =	ssub.s32 s0, s2  }
0xf3: {  	s0 =	sshll.u32 s22, $0x7  }
0xf4: {  	[tilespmem:s0+$0x108] =	vst v1  }
0xf5: {  	v1 =	vld [tilespmem:s25+$0xFFFFFFD0];
	_ =	sdelay $0x4  }
0xf6: {  	[tilespmem:s0+$0x118] =	vst v1  }
0xf7: {  	v1 =	vld [tilespmem:s25+$0xFFFFFFE0];
	_ =	sdelay $0x4  }
0xf8: {  	[tilespmem:s0+$0x128] =	vst v1  }
0xf9: {  	v1 =	vld [tilespmem:s25+$0xFFFFFFF0];
	_ =	sdelay $0x4  }
0xfa: {  	[tilespmem:s0+$0x138] =	vst v1  }
0xfb: {  	v1 =	vld [tilespmem:s25+$0x0];
	_ =	sdelay $0x4  }
0xfc: {  	[tilespmem:s0+$0x148] =	vst v1  }
0xfd: {  	v1 =	vld [tilespmem:s25+$0x10];
	_ =	sdelay $0x4  }
0xfe: {  	[tilespmem:s0+$0x158] =	vst v1  }
0xff: {  	v1 =	vld [tilespmem:s25+$0x20];
	_ =	sdelay $0x4  }
0x100: {  	[tilespmem:s0+$0x168] =	vst v1  }
0x101: {  	v1 =	vld [tilespmem:s25+$0x30]  }
.Ltmp15:
0x102: {  	_ = 	snop;
	(pc) =	sbr.rel .LBB2_17-.Ltmp15, $2  }
0x103: {  	_ =	sdelay $0x2  }
0x104: {  	s28 =	sadd.s32 $0x1, s28;
	[tilespmem:s0+$0x178] =	vst v1  }
.LBB2_19:
.Ltmp16:
0x105: {  	(pc) =	sbr.rel .LBB2_20-.Ltmp16, $4  }
0x106: {  	_ = 	snop  }
0x107: {  	s0 =	simm.s32 $0x2  }
0x108: {  	_ =	swait.ge [sflag:s0], $0x0  }
0x109: {  	s30 =	smov.u32 s29;
	[sflag:s0] =	ssyncset.done $0x0;
	s0 =	simm.s32 $0x0  }
.LBB2_22:
0x10a: {  	_ =	sfence.sel $0x180000  }
0x10b: {  	s0 =	simm.s32 $0x9;
	[bflag:$0x0] =	sbarrier.arrive $0xFFFF  }
0x10c: {  	s24 =	simm.s32 $0xA;
	[sflag:s0] =	ssyncpa.u1 $0x1  }
0x10d: {  	s25 =	simm.s32 $0xB;
	[sflag:s24] =	ssyncpa.u1 $0x1  }
0x10e: {  	s26 =	simm.s32 $0x2;
	[sflag:s25] =	ssyncpa.u1 $0x1  }
0x10f: {  	[sflag:s26] =	ssyncpa.u1 $0x1  }
0x110: {  	v0 =	vld [tilespmem:$0xF208];
	_ =	sdelay $0x4  }
0x111: {  	(v2sf) =	vpush v0, $0x0  }
0x112: {  	(v2sf) =	vpush v0, $0x1;
	_ =	sdelay $0x1  }
0x113: {  	(v2sf) =	vpush v0, $0x2;
	_ =	sdelay $0xb  }
0x114: {  	s0 =	spop (v2sf)  }
0x115: {  	s2 =	spop (v2sf)  }
0x116: {  	s3 =	smov.u32 s0;
	p1 =	sne.s32 s0, s2  }
0x117: {  	s4 =	spop (v2sf);
	s3 =	simm.s32 @!p1 $0xFFFFFFFF  }
0x118: {  	v2 =	vimm.s32 $0x1;
	v3 =	vlaneseq.u32;
	p1 =	seq.s32 s4, $0xFFFFFFFF;
	v1 =	vmov s3  }
0x119: {  	s16 =	stileid.u32;
	v0 =	vperm.xlane v0, v2;
	p2 =	sne.s32 @!p1 s0, s2;
	v1 =	vperm.xlane v1, v3  }
0x11a: {  	vm0 =	vcmask $0x3F04;
	s6 =	simm.s32 $0xF208;
	s0 =	simm.s32 @!p1 $0x1;
	p2 =	por !p2, p1  }
0x11b: {  	s3 =	sshll.u32 s16, $0x1;
	s2 =	sshll.u32 @!p1 s4, $0x9;
	s0 =	simm.s32 @p2 $0x0;
	v0 =	vsel vm0, v1, v0  }
0x11c: {  	s5 =	sor.u32 $0x1000, s3;
	s2 =	sshra.s32 @!p1 s2, $0x2;
	s0 =	sor.u32 @!p1 s0, s3;
	[tilespmem:$0xF208] =	vst v0  }
0x11d: {  	[spmem:s5] =	stream.linear.scatter [tilespmem:s6], [sflag:$0x1], $0x2, $0x38;
	[tilespmem:$0x1F6F8] =	vst v63  }
0x11e: {  	s2 =	sadd.s32 @!p1 $0x108, s2;
	s0 =	sshll.u32 @!p1 s0, $0x7  }
0x11f: {  	[spmem:s0] =	stream.linear.scatter @!p1 [tilespmem:s2], [sflag:$0x1], $0x80, $0x38;
	[tilespmem:$0x1F6F8] =	vst v63  }
0x120: {  	s0 =	simm.s32 @!p1 $0x82  }
0x121: {  	s28 =	simm.s32 $0x1;
	s0 =	simm.s32 @p1 $0x2  }
0x122: {  	_ =	swait.ge [sflag:s28], s0  }
0x123: {  	s0 =	ssub.s32 $0x0, s0;
	[sflag:s28] =	ssyncset.done $0x0  }
0x124: {  	[sflag:s28] =	ssyncadd.s32 s0  }
.Ltmp17:
0x125: {  	_ =	sfence.stream.spmem;
	(pc) =	sbr.rel @p0 .LBB2_39-.Ltmp17, $4  }
0x126: {  	s29 =	simm.s32 $0x3;
	[bflag:$0x0] =	sbarrier.arrive $0xFFFF  }
0x127: {  	s30 =	simm.s32 $0x4;
	[sflag:s29] =	ssyncpa.u1 $0x1  }
0x128: {  	s31 =	simm.s32 $0x3C;
	[sflag:s30] =	ssyncpa.u1 $0x1  }
0x129: {  	s15 =	rddreg [dreg:$0x5];
	[sflag:s31] =	ssyncpa.u1 $0x1  }
0x12a: {  	_ =	sfence.stream.spmem;
	s0 =	simm.s32 $0x5  }
0x12b: {  	s2 =	simm.s32 $0x1000;
	s3 =	simm.s32 $0xF218;
	[sflag:s0] =	ssyncpa.u1 $0x0  }
0x12c: {  	[tilespmem:s3], [sflag:$0x5] =	stream.linear.gather [spmem:s2], $0x20, $0x38;
	[tilespmem:$0x1F6F8] =	vst v63  }
0x12d: {  	s26 =	simm.s32 $0x0;
	s28 =	simm.s32 $0xF238  }
0x12e: {  	[tilespmem:s28], [sflag:$0x5] =	stream.linear.gather [spmem:s26], $0x1000, $0x38;
	[tilespmem:$0x1F6F8] =	vst v63  }
0x12f: {  	_ =	swait.ge [sflag:s0], $0x1020  }
0x130: {  	[sflag:s0] =	ssyncset.done $0x0  }
0x131: {  	s29 =	simm.s32 $0x0;
	[sflag:s0] =	ssyncadd.s32 $0xFFFFEFE0  }
0x132: {  	v0 =	vld.msk [tilespmem:s29+$0xF218], $0x1;
	_ =	sdelay $0x1  }
0x133: {  	s30 =	simm.s32 $0x1  }
0x134: {  	v1 =	vld.msk [tilespmem:s30+$0xF218], $0x1;
	_ =	sdelay $0x1  }
0x135: {  	(v2sf) =	vpush v0, $0x0;
	_ =	sdelay $0x2  }
0x136: {  	(v2sf) =	vpush v1, $0x0;
	_ =	sdelay $0x2  }
0x137: {  	s31 =	simm.s32 $0x2  }
0x138: {  	v0 =	vld.msk [tilespmem:s31+$0xF218], $0x1;
	_ =	sdelay $0x2  }
0x139: {  	s4 =	simm.s32 $0xFFFFFFFF;
	s5 =	simm.s32 $0xFFFFFFFF;
	s0 =	simm.s32 $0xC  }
.LBB2_24:
0x13a: {  	s2 =	smov.u32 s5;
	s3 =	smov.u32 s4  }
0x13b: {  	s4 =	sshra.s32 s0, $0x2;
	p1 =	sne.s32 s0, $0x7C;
	s0 =	sadd.s32 $0x4, s0;
	(v2sf) =	vpush v0, $0x0  }
0x13c: {  	v0 =	vld.msk [tilespmem:s4+$0xF218], $0x1  }
.Ltmp18:
0x13d: {  	(pc) =	sbr.rel @p1 .LBB2_24-.Ltmp18, $4  }
0x13e: {  	s5 =	spop (v2sf)  }
0x13f: {  	p2 =	sne.s32 s3, $0xFFFFFFFF;
	s4 =	smov.u32 s5  }
0x140: {  	p3 =	seq.s32 s5, $0xFFFFFFFF;
	s4 =	smov.u32 @p2 s3  }
0x141: {  	s5 =	smov.u32 @p3 s2;
	s4 =	smov.u32 @p3 s3  }
0x142: {  	(v2sf) =	vpush v0, $0x0;
	_ =	sdelay $0x8  }
0x143: {  	s0 =	spop (v2sf)  }
0x144: {  	p1 =	sne.s32 s4, $0xFFFFFFFF;
	s2 =	smov.u32 s0  }
0x145: {  	s9 =	simm.s32 $0x6;
	p2 =	seq.s32 s0, $0xFFFFFFFF;
	s2 =	smov.u32 @p1 s4  }
0x146: {  	s6 =	simm.s32 $0x0;
	s2 =	smov.u32 @p2 s4;
	s3 =	spop (v2sf)  }
0x147: {  	s0 =	smov.u32 @p2 s5;
	p1 =	sne.s32 s2, $0xFFFFFFFF;
	s4 =	smov.u32 s3  }
.Ltmp19:
0x148: {  	p2 =	seq.s32 s3, $0xFFFFFFFF;
	s4 =	smov.u32 @p1 s2;
	(pc) =	sbr.rel .LBB2_26-.Ltmp19, $4  }
0x149: {  	s10 =	simm.s32 $0xF188;
	s4 =	smov.u32 @p2 s2;
	s7 =	spop (v2sf)  }
0x14a: {  	s11 =	simm.s32 $0x0;
	p1 =	sne.s32 s4, $0xFFFFFFFF;
	s8 =	smov.u32 s7  }
0x14b: {  	s3 =	smov.u32 @p2 s0;
	p2 =	seq.s32 s7, $0xFFFFFFFF;
	s8 =	smov.u32 @p1 s4  }
0x14c: {  	[sflag:s9] =	ssyncpa.u1 $0x0;
	s7 =	smov.u32 @p2 s3;
	s8 =	smov.u32 @p2 s4  }
.LBB2_32:
0x14d: {  	p1 =	sgt.u32 s12, $0xFFF0  }
0x14e: {  	p2 =	seq.s32 @!p1 s12, s8  }
0x14f: {  	p1 =	por p1, p2  }
0x150: {  	p2 =	sne.s32 @!p1 s12, s7  }
0x151: {  	p1 =	por p1, !p2  }
0x152: {  	s0 =	sshll.u32 @p1 s11, $0x9  }
0x153: {  	s0 =	sand.u32 @!p1 $0xFFF8, s12  }
0x154: {  	s2 =	sand.u32 @!p1 $0x7, s12;
	s0 =	sadd.s32 @!p1 s1, s0  }
0x155: {  	[tilespmem:s10], [sflag:$0x6] =	stream.linear.gather @!p1 [hbm4b:s0+s2], $0x80, $0x38;
	[tilespmem:$0x1F6F8] =	vst v63  }
0x156: {  	_ =	swait.ge @!p1 [sflag:s9], $0x80  }
0x157: {  	[sflag:s9] =	ssyncset.done @!p1 $0x0  }
0x158: {  	[sflag:s9] =	ssyncadd.s32 @!p1 $0xFFFFFF80  }
0x159: {  	v1 =	vld @!p1 [tilespmem:$0xF188];
	_ =	sdelay $0x2  }
0x15a: {  	s0 =	sshll.u32 @!p1 s11, $0x9  }
0x15b: {  	s2 =	sshrl.u32 @!p1 s0, $0x2  }
0x15c: {  	[tilespmem:s2+$0xF238] =	vst.add.f32.msk @!p1 $0xffff, v1  }
0x15d: {  	v1 =	vld @!p1 [tilespmem:$0xF198];
	_ =	sdelay $0x4  }
0x15e: {  	[tilespmem:s2+$0xF248] =	vst.add.f32.msk @!p1 $0xffff, v1  }
0x15f: {  	v1 =	vld @!p1 [tilespmem:$0xF1A8];
	_ =	sdelay $0x4  }
0x160: {  	[tilespmem:s2+$0xF258] =	vst.add.f32.msk @!p1 $0xffff, v1  }
0x161: {  	v1 =	vld @!p1 [tilespmem:$0xF1B8];
	_ =	sdelay $0x4  }
0x162: {  	[tilespmem:s2+$0xF268] =	vst.add.f32.msk @!p1 $0xffff, v1  }
0x163: {  	v1 =	vld @!p1 [tilespmem:$0xF1C8];
	_ =	sdelay $0x4  }
0x164: {  	[tilespmem:s2+$0xF278] =	vst.add.f32.msk @!p1 $0xffff, v1  }
0x165: {  	v1 =	vld @!p1 [tilespmem:$0xF1D8];
	_ =	sdelay $0x4  }
0x166: {  	[tilespmem:s2+$0xF288] =	vst.add.f32.msk @!p1 $0xffff, v1  }
0x167: {  	v1 =	vld @!p1 [tilespmem:$0xF1E8];
	_ =	sdelay $0x4  }
0x168: {  	[tilespmem:s2+$0xF298] =	vst.add.f32.msk @!p1 $0xffff, v1  }
0x169: {  	v1 =	vld @!p1 [tilespmem:$0xF1F8];
	_ =	sdelay $0x4  }
0x16a: {  	[tilespmem:s2+$0xF2A8] =	vst.add.f32.msk @!p1 $0xffff, v1  }
0x16b: {  	s0 =	sshrl.u32 s0, $0x2;
	[tilespmem:s6+$0xF218] =	vst.msk $0x1, v0  }
0x16c: {  	v0 =	vld [tilespmem:s0+$0xF238];
	_ =	sdelay $0x2  }
0x16d: {  	s31 =	sshll.u32 s6, $0x9  }
0x16e: {  	s2 =	sshra.s32 s31, $0x2  }
0x16f: {  	[tilespmem:s2+$0xF238] =	vst v0  }
0x170: {  	v0 =	vld [tilespmem:s0+$0xF248];
	_ =	sdelay $0x4  }
0x171: {  	[tilespmem:s2+$0xF248] =	vst v0  }
0x172: {  	v0 =	vld [tilespmem:s0+$0xF258];
	_ =	sdelay $0x4  }
0x173: {  	[tilespmem:s2+$0xF258] =	vst v0  }
0x174: {  	v0 =	vld [tilespmem:s0+$0xF268];
	_ =	sdelay $0x4  }
0x175: {  	[tilespmem:s2+$0xF268] =	vst v0  }
0x176: {  	v0 =	vld [tilespmem:s0+$0xF278];
	_ =	sdelay $0x4  }
0x177: {  	[tilespmem:s2+$0xF278] =	vst v0  }
0x178: {  	v0 =	vld [tilespmem:s0+$0xF288];
	_ =	sdelay $0x4  }
0x179: {  	[tilespmem:s2+$0xF288] =	vst v0  }
0x17a: {  	v0 =	vld [tilespmem:s0+$0xF298];
	_ =	sdelay $0x4  }
0x17b: {  	[tilespmem:s2+$0xF298] =	vst v0  }
0x17c: {  	v0 =	vld [tilespmem:s0+$0xF2A8];
	_ =	sdelay $0x4  }
0x17d: {  	s6 =	sadd.s32 $0x1, s6;
	[tilespmem:s2+$0xF2A8] =	vst v0  }
.LBB2_33:
0x17e: {  	s11 =	sadd.s32 $0x1, s11  }
0x17f: {  	p1 =	sne.s32 s11, $0x20  }
.Ltmp20:
0x180: {  	_ = 	snop;
	(pc) =	sbr.rel @!p1 .LBB2_34-.Ltmp20, $1  }
0x181: {  	_ =	sdelay $0x3  }
.LBB2_26:
0x182: {  	v0 =	vld.msk [tilespmem:s11+$0xF218], $0x1;
	_ =	sdelay $0x4  }
0x183: {  	(v2sf) =	vpush v0, $0x0;
	_ =	sdelay $0xe  }
0x184: {  	s12 =	spop (v2sf)  }
0x185: {  	p1 =	seq.s32 s12, $0xFFFFFFFF  }
.Ltmp21:
0x186: {  	_ = 	snop;
	(pc) =	sbr.rel @p1 .LBB2_33-.Ltmp21, $1  }
0x187: {  	_ =	sdelay $0x3  }
0x188: {  	p1 =	slt.s32 s6, $0x1  }
.Ltmp22:
0x189: {  	_ = 	snop;
	(pc) =	sbr.rel @p1 .LBB2_32-.Ltmp22, $1  }
0x18a: {  	_ =	sdelay $0x3  }
0x18b: {  	s13 =	simm.s32 $0xF218;
	p1 =	por $0x0, $0x0  }
0x18c: {  	v1 =	vld.msk @!p1 [tilespmem:s13+$0x0], $0x1;
	_ =	sdelay $0x4  }
0x18d: {  	(v2sf) =	vpush @!p1 v1, $0x0;
	_ =	sdelay $0xd  }
0x18e: {  	p3 =	sne.s32 s6, $0x1  }
.Ltmp23:
0x18f: {  	s0 =	spop @!p1 (v2sf);
	(pc) =	sbr.rel @!p3 .LBB2_30-.Ltmp23, $4  }
0x190: {  	p2 =	seq.s32 @!p1 s12, s0  }
0x191: {  	s14 =	simm.s32 $0x0;
	p2 =	por !p2, p1  }
0x192: {  	s2 =	simm.s32 $0xFFFFFFFF;
	s14 =	simm.s32 @p2 $0xFFFFFFFF  }
0x193: {  	s0 =	simm.s32 $0x1;
	s14 =	smov.u32 @p1 s2  }
.LBB2_29:
0x194: {  	s2 =	smov.u32 s14;
	p1 =	sne.s32 s14, $0xFFFFFFFF  }
0x195: {  	s13 =	sadd.s32 $0x1, s13;
	s14 =	smov.u32 s0;
	s0 =	sadd.s32 $0x1, s0  }
0x196: {  	p2 =	sne.s32 s6, s0;
	v1 =	vld.msk @!p1 [tilespmem:s13+$0x0], $0x1;
	_ =	sdelay $0x4  }
0x197: {  	(v2sf) =	vpush @!p1 v1, $0x0;
	_ =	sdelay $0xe  }
.Ltmp24:
0x198: {  	s3 =	spop @!p1 (v2sf);
	(pc) =	sbr.rel @p2 .LBB2_29-.Ltmp24, $4  }
0x199: {  	p3 =	seq.s32 @!p1 s12, s3  }
0x19a: {  	p3 =	por !p3, p1  }
0x19b: {  	s14 =	simm.s32 @p3 $0xFFFFFFFF  }
0x19c: {  	s14 =	smov.u32 @p1 s2  }
.LBB2_30:
0x19d: {  	p1 =	seq.s32 s14, $0xFFFFFFFF  }
.Ltmp25:
0x19e: {  	_ = 	snop;
	(pc) =	sbr.rel @p1 .LBB2_32-.Ltmp25, $1  }
0x19f: {  	_ =	sdelay $0x3  }
0x1a0: {  	s0 =	sshll.u32 s11, $0x7  }
0x1a1: {  	s0 =	sand.u32 $0x3FFFFF80, s0  }
0x1a2: {  	v0 =	vld [tilespmem:s0+$0xF238];
	_ =	sdelay $0x2  }
0x1a3: {  	s2 =	sshll.u32 s14, $0x9  }
0x1a4: {  	s2 =	sshra.s32 s2, $0x2  }
0x1a5: {  	[tilespmem:s2+$0xF238] =	vst.add.f32.msk $0xffff, v0  }
0x1a6: {  	v0 =	vld [tilespmem:s0+$0xF248];
	_ =	sdelay $0x4  }
0x1a7: {  	[tilespmem:s2+$0xF248] =	vst.add.f32.msk $0xffff, v0  }
0x1a8: {  	v0 =	vld [tilespmem:s0+$0xF258];
	_ =	sdelay $0x4  }
0x1a9: {  	[tilespmem:s2+$0xF258] =	vst.add.f32.msk $0xffff, v0  }
0x1aa: {  	v0 =	vld [tilespmem:s0+$0xF268];
	_ =	sdelay $0x4  }
0x1ab: {  	[tilespmem:s2+$0xF268] =	vst.add.f32.msk $0xffff, v0  }
0x1ac: {  	v0 =	vld [tilespmem:s0+$0xF278];
	_ =	sdelay $0x4  }
0x1ad: {  	[tilespmem:s2+$0xF278] =	vst.add.f32.msk $0xffff, v0  }
0x1ae: {  	v0 =	vld [tilespmem:s0+$0xF288];
	_ =	sdelay $0x4  }
0x1af: {  	[tilespmem:s2+$0xF288] =	vst.add.f32.msk $0xffff, v0  }
0x1b0: {  	v0 =	vld [tilespmem:s0+$0xF298];
	_ =	sdelay $0x4  }
0x1b1: {  	[tilespmem:s2+$0xF298] =	vst.add.f32.msk $0xffff, v0  }
0x1b2: {  	v0 =	vld [tilespmem:s0+$0xF2A8]  }
.Ltmp26:
0x1b3: {  	_ = 	snop;
	(pc) =	sbr.rel .LBB2_33-.Ltmp26, $2  }
0x1b4: {  	_ =	sdelay $0x2  }
0x1b5: {  	[tilespmem:s2+$0xF2A8] =	vst.add.f32.msk $0xffff, v0  }
.LBB2_34:
0x1b6: {  	s0 =	simm.s32 $0x6;
	p1 =	seq.s32 s6, $0x0  }
0x1b7: {  	[sflag:s0] =	ssyncpa.u1 $0x1;
	v0 =	vimm.s32 @p1 $0xFFFFFFFF  }
0x1b8: {  	s9 =	sadd.s32 $0xFFFFFFFF, s6;
	[tilespmem:$0x10238] =	vst @p1 v0  }
0x1b9: {  	v0 =	vld.msk @!p1 [tilespmem:s9+$0xF218], $0x1;
	_ =	sdelay $0x1  }
0x1ba: {  	v1 =	vld.msk @!p1 [tilespmem:$0xF218], $0x1;
	_ =	sdelay $0x2  }
0x1bb: {  	p2 =	seq.s32 @!p1 s9, $0x0;
	v0 =	vbroadcast @!p1 v0, $0x0  }
0x1bc: {  	vm0 =	vmmov @!p1 $0x1;
	p2 =	por !p2, p1  }
0x1bd: {  	v1 =	vnsel @!p1 vm0, $0xFFFFFFFF, v1;
	vm0 =	vcmask @!p1 $0x308;
	v0 =	vpsel !p2, $0xFFFFFFFF, v0  }
0x1be: {  	p2 =	sne.s32 @!p1 s8, s7;
	v0 =	vsel @!p1 vm0, v1, v0  }
0x1bf: {  	s0 =	simm.s32 @!p1 $0xF238;
	s2 =	simm.s32 @!p1 $0x0;
	p3 =	por !p2, p1;
	[tilespmem:$0x10238] =	vst @!p1 v0  }
0x1c0: {  	[spmem:s2] =	stream.linear.scatter @!p1 [tilespmem:s0], [sflag:$0x1], $0x80, $0x38;
	[tilespmem:$0x1F6F8] =	vst v63  }
0x1c1: {  	s0 =	sshll.u32 @!p3 s9, $0x9  }
0x1c2: {  	s0 =	sshra.s32 @!p3 s0, $0x2  }
0x1c3: {  	s2 =	simm.s32 @!p3 $0x80;
	s0 =	sadd.s32 @!p3 $0xF238, s0  }
0x1c4: {  	[spmem:s2] =	stream.linear.scatter @!p3 [tilespmem:s0], [sflag:$0x1], $0x80, $0x38;
	[tilespmem:$0x1F6F8] =	vst v63  }
0x1c5: {  	s0 =	simm.s32 @!p3 $0x1  }
0x1c6: {  	_ =	swait.ge @!p3 [sflag:s0], $0x100  }
0x1c7: {  	p1 =	por p2, p1;
	[sflag:s0] =	ssyncset.done @!p3 $0x0  }
0x1c8: {  	[sflag:s0] =	ssyncadd.s32 @!p3 $0xFFFFFF00;
	s0 =	simm.s32 @!p1 $0x1  }
0x1c9: {  	_ =	swait.ge @!p1 [sflag:s0], $0x80  }
0x1ca: {  	s29 =	simm.s32 $0x10238;
	[sflag:s0] =	ssyncset.done @!p1 $0x0  }
0x1cb: {  	s30 =	simm.s32 $0x1000;
	s31 =	simm.s32 $0x1;
	[sflag:s0] =	ssyncadd.s32 @!p1 $0xFFFFFF80  }
0x1cc: {  	[spmem:s30] =	stream.linear.scatter [tilespmem:s29], [sflag:$0x1], $0x10, $0x38;
	[tilespmem:$0x1F6F8] =	vst v63  }
0x1cd: {  	_ =	swait.ge [sflag:s31], $0x10  }
0x1ce: {  	[sflag:s31] =	ssyncset.done $0x0  }
0x1cf: {  	p1 =	seq.s32 s15, $0x0;
	s8 =	rddreg [dreg:$0x2];
	[sflag:s31] =	ssyncadd.s32 $0xFFFFFFF0  }
0x1d0: {  	s2 =	sshll.u32 @p1 s8, $0xE;
	s7 =	rddreg [dreg:$0x3]  }
0x1d1: {  	s0 =	sadd.s32 @p1 $0x15C3C, s2;
	s2 =	sshll.u32 @p1 s7, $0x11  }
0x1d2: {  	_ =	sfence.stream.spmem;
	s0 =	sor.u32 @p1 s2, s0  }
0x1d3: {  	[sflag:s0] =	ssyncadd.remote.s32 @p1 $0x1;
	s0 =	simm.s32 @p1 $0x4  }
0x1d4: {  	s3 =	simm.s32 @!p1 $0x3C;
	s2 =	sand.u32 $0xFFFFFFFE, s8;
	_ =	swait.ge @p1 [sflag:s0], $0x22  }
0x1d5: {  	s4 =	simm.s32 @!p1 $0x0;
	s2 =	sadd.s32 @!p1 $0x4, s2;
	[sflag:s0] =	ssyncset.done @p1 $0x0  }
0x1d6: {  	s5 =	simm.s32 @!p1 $0x100;
	[sflag:s0] =	ssyncadd.s32 @p1 $0xFFFFFFDE;
	s0 =	sshll.u32 @!p1 s2, $0x1A  }
0x1d7: {  	s2 =	sshll.u32 @!p1 s2, $0xD;
	s0 =	sor.u32 @!p1 s0, s7;
	_ =	swait.eq @!p1 [sflag:s3], $0x1  }
0x1d8: {  	s2 =	sor.u32 @!p1 $0x1C04, s2;
	s3 =	simm.s32 @!p1 $0x1C03;
	s0 =	sor.u32 @!p1 $0x80004000, s0  }
0x1d9: {  	[spmem:s5], [sflag:s2] =	dma.general @!p1 [spmem:s4], [sflag:s3], length:$0x20, [dreg:$0x0], stride_count:$0x0, ici_dest:s0, dma_misc:DstOpCode:WRITE  }
0x1da: {  	p2 =	slt.s32 s9, $0x2;
	s4 =	simm.s32 @!p1 $0x200;
	s5 =	simm.s32 @!p1 $0x202  }
0x1db: {  	[spmem:s5], [sflag:s2] =	dma.general @!p1 [spmem:s4], [sflag:s3], length:$0x2, [dreg:$0x0], stride_count:$0x0, ici_dest:s0, dma_misc:DstOpCode:WRITE  }
.Ltmp27:
0x1dc: {  	s0 =	simm.s32 @!p1 $0x3;
	(pc) =	sbr.rel @p2 .LBB2_38-.Ltmp27, $4  }
0x1dd: {  	s2 =	sshll.u32 @!p1 s8, $0xE;
	_ =	swait.ge @!p1 [sflag:s0], $0x22  }
0x1de: {  	s3 =	sshll.u32 @!p1 s7, $0x11;
	s2 =	sadd.s32 @!p1 $0x11C3C, s2;
	[sflag:s0] =	ssyncset.done @!p1 $0x0  }
0x1df: {  	[sflag:s0] =	ssyncadd.s32 @!p1 $0xFFFFFFDE;
	s0 =	sor.u32 @!p1 s3, s2  }
0x1e0: {  	[sflag:s0] =	ssyncadd.remote.s32 @!p1 $0xFFFFFFFF;
	s0 =	simm.s32 $0x0  }
0x1e1: {  	s0 =	simm.s32 $0xF219  }
0x1e2: {  	v0 =	vld.msk [tilespmem:s0+$0x0], $0x1;
	_ =	sdelay $0x4  }
0x1e3: {  	(v2sf) =	vpush v0, $0x0;
	_ =	sdelay $0xb  }
0x1e4: {  	s31 =	sadd.s32 $0xFFFFFFFE, s6  }
0x1e5: {  	s0 =	sadd.s32 $0xFFFFFFFF, s31  }
0x1e6: {  	p2 =	sne.s32 s0, $0x0  }
.Ltmp28:
0x1e7: {  	s2 =	spop (v2sf);
	(pc) =	sbr.rel @!p2 .LBB2_37-.Ltmp28, $4  }
0x1e8: {  	s4 =	simm.s32 $0xF2B8;
	s7 =	simm.s32 $0x0;
	p1 =	sgt.u32 s2, $0xFFF0  }
0x1e9: {  	s5 =	simm.s32 $0x0;
	s6 =	simm.s32 $0xF21A;
	s3 =	sand.u32 @!p1 $0xFFF8, s2  }
0x1ea: {  	s2 =	sand.u32 @!p1 $0x7, s2;
	s7 =	simm.s32 @!p1 $0x200;
	s3 =	sadd.s32 @!p1 s1, s3  }
0x1eb: {  	[hbm4b:s3+s2] =	stream.linear.scatter @!p1 [tilespmem:s4], [sflag:$0x5], $0x80, $0x38;
	[tilespmem:$0x1F6F8] =	vst v63  }
.LBB2_36:
0x1ec: {  	v0 =	vld.msk [tilespmem:s6+$0x0], $0x1;
	s0 =	sadd.s32 $0xFFFFFFFF, s0;
	s5 =	sadd.s32 s5, s7  }
0x1ed: {  	p1 =	sne.s32 s0, $0x0;
	_ =	sdelay $0x3  }
0x1ee: {  	(v2sf) =	vpush v0, $0x0;
	_ =	sdelay $0xe  }
.Ltmp29:
0x1ef: {  	s2 =	spop (v2sf);
	(pc) =	sbr.rel @p1 .LBB2_36-.Ltmp29, $4  }
0x1f0: {  	s7 =	simm.s32 $0x0;
	p2 =	sgt.u32 s2, $0xFFF0  }
0x1f1: {  	s4 =	sadd.s32 $0x80, s4;
	s7 =	simm.s32 @!p2 $0x200;
	s3 =	sand.u32 @!p2 $0xFFF8, s2  }
0x1f2: {  	s6 =	sadd.s32 $0x1, s6;
	s2 =	sand.u32 @!p2 $0x7, s2;
	s3 =	sadd.s32 @!p2 s1, s3  }
0x1f3: {  	[hbm4b:s3+s2] =	stream.linear.scatter @!p2 [tilespmem:s4], [sflag:$0x5], $0x80, $0x38;
	[tilespmem:$0x1F6F8] =	vst v63  }
.LBB2_37:
0x1f4: {  	s0 =	sadd.s32 s5, s7  }
0x1f5: {  	s0 =	sshrl.u32 s0, $0x2  }
.LBB2_38:
0x1f6: {  	s2 =	simm.s32 $0x5  }
0x1f7: {  	_ =	swait.ge [sflag:s2], s0  }
0x1f8: {  	s31 =	ssub.s32 $0x0, s0;
	[sflag:s2] =	ssyncset.done $0x0  }
0x1f9: {  	[sflag:s2] =	ssyncadd.s32 s31  }
0x1fa: {  	[sflag:s2] =	ssyncpa.u1 $0x1  }
.LBB2_39:
0x1fb: {  	s0 =	sor.u32 s15, s16  }
0x1fc: {  	p1 =	sne.s32 s0, $0x0  }
.Ltmp30:
0x1fd: {  	_ = 	snop;
	(pc) =	sbr.rel @p1 .LBB2_54-.Ltmp30, $3  }
0x1fe: {  	_ =	sdelay $0x1  }
0x1ff: {  	[bflag:$0x0] =	sbarrier.arrive $0xFFFF  }
0x200: {  	_ =	sfence  }
0x201: {  	s0 =	simm.s32 $0x7  }
0x202: {  	s2 =	simm.s32 $0x1000;
	s3 =	simm.s32 $0xF218;
	[sflag:s0] =	ssyncpa.u1 $0x0  }
0x203: {  	[tilespmem:s3], [sflag:$0x7] =	stream.linear.gather [spmem:s2], $0x20, $0x38;
	[tilespmem:$0x1F6F8] =	vst v63  }
0x204: {  	s30 =	simm.s32 $0xF238;
	s2 =	simm.s32 $0x0  }
0x205: {  	[tilespmem:s30], [sflag:$0x7] =	stream.linear.gather [spmem:s2], $0x1000, $0x38;
	[tilespmem:$0x1F6F8] =	vst v63  }
.Ltmp31:
0x206: {  	_ = 	snop;
	(pc) =	sbr.rel .LBB2_41-.Ltmp31, $4  }
0x207: {  	_ =	swait.ge [sflag:s0], $0x1020  }
0x208: {  	[sflag:s0] =	ssyncset.done $0x0  }
0x209: {  	s31 =	simm.s32 $0x8;
	[sflag:s0] =	ssyncadd.s32 $0xFFFFEFE0  }
0x20a: {  	s3 =	simm.s32 $0x0;
	[sflag:s31] =	ssyncpa.u1 $0x0  }
.LBB2_47:
0x20b: {  	p1 =	slt.u32 s4, $0xFFF1  }
0x20c: {  	s0 =	sand.u32 @p1 $0xFFF8, s4  }
0x20d: {  	s4 =	sand.u32 @p1 $0x7, s4;
	s5 =	simm.s32 @p1 $0xF188;
	s0 =	sadd.s32 @p1 s1, s0  }
0x20e: {  	[tilespmem:s5], [sflag:$0x8] =	stream.linear.gather @p1 [hbm4b:s0+s4], $0x80, $0x38;
	[tilespmem:$0x1F6F8] =	vst v63  }
0x20f: {  	s0 =	simm.s32 @p1 $0x8  }
0x210: {  	_ =	swait.ge @p1 [sflag:s0], $0x80  }
0x211: {  	[sflag:s0] =	ssyncset.done @p1 $0x0  }
0x212: {  	[sflag:s0] =	ssyncadd.s32 @p1 $0xFFFFFF80  }
0x213: {  	v1 =	vld @p1 [tilespmem:$0xF188];
	_ =	sdelay $0x2  }
0x214: {  	s0 =	sshll.u32 @p1 s3, $0x9  }
0x215: {  	s4 =	sshrl.u32 @p1 s0, $0x2  }
0x216: {  	[tilespmem:s4+$0xF238] =	vst.add.f32.msk @p1 $0xffff, v1  }
0x217: {  	v1 =	vld @p1 [tilespmem:$0xF198];
	_ =	sdelay $0x4  }
0x218: {  	[tilespmem:s4+$0xF248] =	vst.add.f32.msk @p1 $0xffff, v1  }
0x219: {  	v1 =	vld @p1 [tilespmem:$0xF1A8];
	_ =	sdelay $0x4  }
0x21a: {  	[tilespmem:s4+$0xF258] =	vst.add.f32.msk @p1 $0xffff, v1  }
0x21b: {  	v1 =	vld @p1 [tilespmem:$0xF1B8];
	_ =	sdelay $0x4  }
0x21c: {  	[tilespmem:s4+$0xF268] =	vst.add.f32.msk @p1 $0xffff, v1  }
0x21d: {  	v1 =	vld @p1 [tilespmem:$0xF1C8];
	_ =	sdelay $0x4  }
0x21e: {  	[tilespmem:s4+$0xF278] =	vst.add.f32.msk @p1 $0xffff, v1  }
0x21f: {  	v1 =	vld @p1 [tilespmem:$0xF1D8];
	_ =	sdelay $0x4  }
0x220: {  	[tilespmem:s4+$0xF288] =	vst.add.f32.msk @p1 $0xffff, v1  }
0x221: {  	v1 =	vld @p1 [tilespmem:$0xF1E8];
	_ =	sdelay $0x4  }
0x222: {  	[tilespmem:s4+$0xF298] =	vst.add.f32.msk @p1 $0xffff, v1  }
0x223: {  	v1 =	vld @p1 [tilespmem:$0xF1F8];
	_ =	sdelay $0x3  }
0x224: {  	s5 =	sshll.u32 @!p1 s3, $0x9  }
0x225: {  	s5 =	smov.u32 @p1 s0;
	[tilespmem:s4+$0xF2A8] =	vst.add.f32.msk @p1 $0xffff, v1  }
0x226: {  	s0 =	sshrl.u32 s5, $0x2;
	[tilespmem:s2+$0xF218] =	vst.msk $0x1, v0  }
0x227: {  	v0 =	vld [tilespmem:s0+$0xF238];
	_ =	sdelay $0x2  }
0x228: {  	s31 =	sshll.u32 s2, $0x9  }
0x229: {  	s4 =	sshra.s32 s31, $0x2  }
0x22a: {  	[tilespmem:s4+$0xF238] =	vst v0  }
0x22b: {  	v0 =	vld [tilespmem:s0+$0xF248];
	_ =	sdelay $0x4  }
0x22c: {  	[tilespmem:s4+$0xF248] =	vst v0  }
0x22d: {  	v0 =	vld [tilespmem:s0+$0xF258];
	_ =	sdelay $0x4  }
0x22e: {  	[tilespmem:s4+$0xF258] =	vst v0  }
0x22f: {  	v0 =	vld [tilespmem:s0+$0xF268];
	_ =	sdelay $0x4  }
0x230: {  	[tilespmem:s4+$0xF268] =	vst v0  }
0x231: {  	v0 =	vld [tilespmem:s0+$0xF278];
	_ =	sdelay $0x4  }
0x232: {  	[tilespmem:s4+$0xF278] =	vst v0  }
0x233: {  	v0 =	vld [tilespmem:s0+$0xF288];
	_ =	sdelay $0x4  }
0x234: {  	[tilespmem:s4+$0xF288] =	vst v0  }
0x235: {  	v0 =	vld [tilespmem:s0+$0xF298];
	_ =	sdelay $0x4  }
0x236: {  	[tilespmem:s4+$0xF298] =	vst v0  }
0x237: {  	v0 =	vld [tilespmem:s0+$0xF2A8];
	_ =	sdelay $0x4  }
0x238: {  	s2 =	sadd.s32 $0x1, s2;
	[tilespmem:s4+$0xF2A8] =	vst v0  }
.LBB2_48:
0x239: {  	s3 =	sadd.s32 $0x1, s3  }
0x23a: {  	p1 =	sne.s32 s3, $0x20  }
.Ltmp32:
0x23b: {  	_ = 	snop;
	(pc) =	sbr.rel @!p1 .LBB2_49-.Ltmp32, $1  }
0x23c: {  	_ =	sdelay $0x3  }
.LBB2_41:
0x23d: {  	v0 =	vld.msk [tilespmem:s3+$0xF218], $0x1;
	_ =	sdelay $0x4  }
0x23e: {  	(v2sf) =	vpush v0, $0x0;
	_ =	sdelay $0xe  }
0x23f: {  	s4 =	spop (v2sf)  }
0x240: {  	p1 =	seq.s32 s4, $0xFFFFFFFF  }
.Ltmp33:
0x241: {  	_ = 	snop;
	(pc) =	sbr.rel @p1 .LBB2_48-.Ltmp33, $1  }
0x242: {  	_ =	sdelay $0x3  }
0x243: {  	p1 =	slt.s32 s2, $0x1  }
.Ltmp34:
0x244: {  	_ = 	snop;
	(pc) =	sbr.rel @p1 .LBB2_47-.Ltmp34, $1  }
0x245: {  	_ =	sdelay $0x3  }
0x246: {  	s5 =	simm.s32 $0xF218;
	p1 =	por $0x0, $0x0  }
0x247: {  	v1 =	vld.msk @!p1 [tilespmem:s5+$0x0], $0x1;
	_ =	sdelay $0x4  }
0x248: {  	(v2sf) =	vpush @!p1 v1, $0x0;
	_ =	sdelay $0xd  }
0x249: {  	p3 =	sne.s32 s2, $0x1  }
.Ltmp35:
0x24a: {  	s0 =	spop @!p1 (v2sf);
	(pc) =	sbr.rel @!p3 .LBB2_45-.Ltmp35, $4  }
0x24b: {  	p2 =	seq.s32 @!p1 s4, s0  }
0x24c: {  	s6 =	simm.s32 $0x0;
	p2 =	por !p2, p1  }
0x24d: {  	s7 =	simm.s32 $0xFFFFFFFF;
	s6 =	simm.s32 @p2 $0xFFFFFFFF  }
0x24e: {  	s0 =	simm.s32 $0x1;
	s6 =	smov.u32 @p1 s7  }
.LBB2_44:
0x24f: {  	s7 =	smov.u32 s6;
	p1 =	sne.s32 s6, $0xFFFFFFFF  }
0x250: {  	s5 =	sadd.s32 $0x1, s5;
	s6 =	smov.u32 s0;
	s0 =	sadd.s32 $0x1, s0  }
0x251: {  	p2 =	sne.s32 s2, s0;
	v1 =	vld.msk @!p1 [tilespmem:s5+$0x0], $0x1;
	_ =	sdelay $0x4  }
0x252: {  	(v2sf) =	vpush @!p1 v1, $0x0;
	_ =	sdelay $0xe  }
.Ltmp36:
0x253: {  	s8 =	spop @!p1 (v2sf);
	(pc) =	sbr.rel @p2 .LBB2_44-.Ltmp36, $4  }
0x254: {  	p3 =	seq.s32 @!p1 s4, s8  }
0x255: {  	p3 =	por !p3, p1  }
0x256: {  	s6 =	simm.s32 @p3 $0xFFFFFFFF  }
0x257: {  	s6 =	smov.u32 @p1 s7  }
.LBB2_45:
0x258: {  	p1 =	seq.s32 s6, $0xFFFFFFFF  }
.Ltmp37:
0x259: {  	_ = 	snop;
	(pc) =	sbr.rel @p1 .LBB2_47-.Ltmp37, $1  }
0x25a: {  	_ =	sdelay $0x3  }
0x25b: {  	s0 =	sshll.u32 s3, $0x7  }
0x25c: {  	s0 =	sand.u32 $0x3FFFFF80, s0  }
0x25d: {  	v0 =	vld [tilespmem:s0+$0xF238];
	_ =	sdelay $0x2  }
0x25e: {  	s4 =	sshll.u32 s6, $0x9  }
0x25f: {  	s4 =	sshra.s32 s4, $0x2  }
0x260: {  	[tilespmem:s4+$0xF238] =	vst.add.f32.msk $0xffff, v0  }
0x261: {  	v0 =	vld [tilespmem:s0+$0xF248];
	_ =	sdelay $0x4  }
0x262: {  	[tilespmem:s4+$0xF248] =	vst.add.f32.msk $0xffff, v0  }
0x263: {  	v0 =	vld [tilespmem:s0+$0xF258];
	_ =	sdelay $0x4  }
0x264: {  	[tilespmem:s4+$0xF258] =	vst.add.f32.msk $0xffff, v0  }
0x265: {  	v0 =	vld [tilespmem:s0+$0xF268];
	_ =	sdelay $0x4  }
0x266: {  	[tilespmem:s4+$0xF268] =	vst.add.f32.msk $0xffff, v0  }
0x267: {  	v0 =	vld [tilespmem:s0+$0xF278];
	_ =	sdelay $0x4  }
0x268: {  	[tilespmem:s4+$0xF278] =	vst.add.f32.msk $0xffff, v0  }
0x269: {  	v0 =	vld [tilespmem:s0+$0xF288];
	_ =	sdelay $0x4  }
0x26a: {  	[tilespmem:s4+$0xF288] =	vst.add.f32.msk $0xffff, v0  }
0x26b: {  	v0 =	vld [tilespmem:s0+$0xF298];
	_ =	sdelay $0x4  }
0x26c: {  	[tilespmem:s4+$0xF298] =	vst.add.f32.msk $0xffff, v0  }
0x26d: {  	v0 =	vld [tilespmem:s0+$0xF2A8]  }
.Ltmp38:
0x26e: {  	_ = 	snop;
	(pc) =	sbr.rel .LBB2_48-.Ltmp38, $2  }
0x26f: {  	_ =	sdelay $0x2  }
0x270: {  	[tilespmem:s4+$0xF2A8] =	vst.add.f32.msk $0xffff, v0  }
.LBB2_49:
0x271: {  	p1 =	slt.s32 s2, $0x1  }
.Ltmp39:
0x272: {  	_ = 	snop;
	(pc) =	sbr.rel @p1 .LBB2_53-.Ltmp39, $3  }
0x273: {  	_ =	sdelay $0x1  }
0x274: {  	s0 =	simm.s32 $0x8  }
0x275: {  	s3 =	simm.s32 $0x0;
	[sflag:s0] =	ssyncpa.u1 $0x1  }
0x276: {  	s0 =	simm.s32 $0xF218  }
0x277: {  	v0 =	vld.msk [tilespmem:s0+$0x0], $0x1;
	_ =	sdelay $0x4  }
0x278: {  	(v2sf) =	vpush v0, $0x0;
	_ =	sdelay $0xe  }
0x279: {  	s0 =	sadd.s32 $0xFFFFFFFF, s2;
	s5 =	spop (v2sf)  }
0x27a: {  	p2 =	sne.s32 s0, $0x0;
	p1 =	sgt.u32 s5, $0xFFF0  }
.Ltmp40:
0x27b: {  	s6 =	sand.u32 @!p1 $0xFFF8, s5;
	(pc) =	sbr.rel @!p2 .LBB2_52-.Ltmp40, $4  }
0x27c: {  	s4 =	simm.s32 $0xF238;
	s5 =	sand.u32 @!p1 $0x7, s5;
	s2 =	sadd.s32 @!p1 s1, s6  }
0x27d: {  	[hbm4b:s2+s5] =	stream.linear.scatter @!p1 [tilespmem:s4], [sflag:$0x7], $0x80, $0x38;
	[tilespmem:$0x1F6F8] =	vst v63  }
0x27e: {  	s5 =	simm.s32 $0x0  }
0x27f: {  	s2 =	simm.s32 $0xF219;
	s5 =	simm.s32 @!p1 $0x200  }
.LBB2_51:
0x280: {  	v0 =	vld.msk [tilespmem:s2+$0x0], $0x1;
	s0 =	sadd.s32 $0xFFFFFFFF, s0;
	s3 =	sadd.s32 s3, s5  }
0x281: {  	p1 =	sne.s32 s0, $0x0;
	_ =	sdelay $0x3  }
0x282: {  	(v2sf) =	vpush v0, $0x0;
	_ =	sdelay $0xe  }
.Ltmp41:
0x283: {  	s6 =	spop (v2sf);
	(pc) =	sbr.rel @p1 .LBB2_51-.Ltmp41, $4  }
0x284: {  	s5 =	simm.s32 $0x0;
	p2 =	sgt.u32 s6, $0xFFF0  }
0x285: {  	s4 =	sadd.s32 $0x80, s4;
	s5 =	simm.s32 @!p2 $0x200;
	s7 =	sand.u32 @!p2 $0xFFF8, s6  }
0x286: {  	s2 =	sadd.s32 $0x1, s2;
	s6 =	sand.u32 @!p2 $0x7, s6;
	s7 =	sadd.s32 @!p2 s1, s7  }
0x287: {  	[hbm4b:s7+s6] =	stream.linear.scatter @!p2 [tilespmem:s4], [sflag:$0x7], $0x80, $0x38;
	[tilespmem:$0x1F6F8] =	vst v63  }
.LBB2_52:
0x288: {  	s0 =	sadd.s32 s3, s5  }
0x289: {  	s3 =	sshrl.u32 s0, $0x2  }
.LBB2_53:
0x28a: {  	s0 =	simm.s32 $0x7  }
0x28b: {  	_ =	swait.ge [sflag:s0], s3  }
0x28c: {  	s1 =	ssub.s32 $0x0, s3;
	[sflag:s0] =	ssyncset.done $0x0  }
0x28d: {  	[sflag:s0] =	ssyncadd.s32 s1  }
0x28e: {  	[sflag:s0] =	ssyncpa.u1 $0x1  }
.LBB2_54:
0x28f: {  	_ =	sfence;
	s0 =	simm.s32 $0x1  }
0x290: {  	[sflag:s0] =	ssyncpa.u1 $0x1  }
0x291: {  	_ =	strace $0x9000004A  }
0x292: {  	[bflag:$0x2] =	sbarrier.arrive $0xFFFF  }
0x293: {  	s0 =	rddreg [dreg:$0x4]  }
0x294: {  	s0 =	sadd.s32 @!p0 $0x100000, s0  }
0x295: {  	[sflag:s0] =	ssyncadd.tile.s32 @!p0 $0x1;
	_ =	shalt  }
.Lfunc_end2:
_tile_overlayer_lowered:
.L_overlay_start_2:
0x296: {  	(tag) =	ssettag $0x2  }
0x297: {  	s0 =	rddreg [dreg:$0x0];
	s2 =	stileid.u32  }
0x298: {  	s1 =	rddreg [dreg:$0x1];
	p0 =	sne.s32 s2, $0x0  }
0x299: {  	s3 =	rddreg [dreg:$0x2];
	[bflag:$0x3] =	sbarrier.arrive $0xFFFF;
	s2 =	simm.s32 @!p0 $0x1C01  }
0x29a: {  	[timem:s3], [sflag:s2] =	dma.local @!p0 [hbm:s0], s1  }
0x29b: {  	s0 =	simm.s32 @!p0 $0x1  }
0x29c: {  	_ =	swait.ge @!p0 [sflag:s0], s1  }
0x29d: {  	s1 =	ssub.s32 @!p0 $0x0, s1;
	[sflag:s0] =	ssyncset.done @!p0 $0x0  }
0x29e: {  	[sflag:s0] =	ssyncadd.s32 @!p0 s1  }
0x29f: {  	[bflag:$0x3] =	sbarrier.arrive $0xFFFF  }
0x2a0: {  	_ =	shalt  }

</sc_bundles>
